<compile_context>
chip_gen: v7x
topology: tpu7x:2x2x1
jax: 0.10.2.dev20260603
libtpu: 0.0.44.dev20260713+nightly
codegen_flags: <defaults>
</compile_context>

<pallas_src>
import functools

import jax
import jax.numpy as jnp
from jax import lax
from jax.experimental import pallas as pl
from jax.experimental.pallas import tpu as pltpu
from jax.experimental.pallas import tpu_sc as plsc

_NC = 2
_NS = 16


@functools.lru_cache(maxsize=None)
def _make_seg_sum(N, E, D):
    NW = _NC * _NS
    e_per_w = E // NW
    K = 40
    niter = e_per_w // K
    assert e_per_w % K == 0
    stride = ((N // _NS) // 8) * 8
    wsize = N - (_NS - 1) * stride
    assert wsize % 8 == 0 and wsize >= stride and E % NW == 0

    mesh = plsc.VectorSubcoreMesh(core_axis_name="c", subcore_axis_name="s")

    nbuf = 7
    look = 6
    assert niter >= 2 * nbuf
    scratch_types = [pltpu.VMEM((e_per_w,), jnp.int32),
                     pltpu.VMEM_SHARED((N, D), jnp.float32)]
    scratch_types += [pltpu.VMEM((K,), jnp.int32) for _ in range(nbuf)]
    scratch_types += [pltpu.VMEM((K, D), jnp.float32) for _ in range(nbuf)]
    scratch_types += [pltpu.SemaphoreType.DMA for _ in range(3 * nbuf + 1)]

    @functools.partial(
        pl.kernel,
        out_type=jax.ShapeDtypeStruct((_NC * N, D), jnp.float32),
        mesh=mesh,
        scratch_types=scratch_types,
    )
    def seg(src_hbm, dst_hbm, h_hbm, zero_hbm, out_hbm, src_all, acc, *rest):
        dstv = rest[:nbuf]
        rows = rest[nbuf:2 * nbuf]
        gsem = rest[2 * nbuf:3 * nbuf]
        dsem = rest[3 * nbuf:4 * nbuf]
        ssem = rest[4 * nbuf:5 * nbuf]
        isem = rest[5 * nbuf]
        cid = lax.axis_index("c")
        sid = lax.axis_index("s")
        wid = cid * _NS + sid
        e_base = wid * e_per_w

        rs = pl.ds(sid * stride, wsize)

        @pl.when(cid == 0)
        def _():
            pltpu.async_copy(h_hbm.at[rs], acc.at[rs], isem)

        @pl.when(cid > 0)
        def _():
            pltpu.async_copy(zero_hbm.at[rs], acc.at[rs], isem)

        pltpu.sync_copy(src_hbm.at[pl.ds(e_base, e_per_w)], src_all)

        def fire(i, b):
            pltpu.async_copy(dst_hbm.at[pl.ds(e_base + i * K, K)], dstv[b], dsem[b])
            pltpu.async_copy(h_hbm.at[src_all.at[pl.ds(i * K, K)]], rows[b], gsem[b])

        def wait_scatter(b):
            pltpu.make_async_copy(rows[b], acc.at[dstv[b]], ssem[b]).wait()

        for c in range(look):
            fire(c, c)

        pltpu.make_async_copy(zero_hbm.at[rs], acc.at[rs], isem).wait()
        plsc.subcore_barrier()

        def step(ii, b):
            nb = (b + look) % nbuf

            @pl.when(ii >= nbuf - look)
            def _():
                wait_scatter(nb)

            @pl.when(ii + look < niter)
            def _():
                fire(ii + look, nb)

            pltpu.make_async_copy(h_hbm.at[src_all.at[pl.ds(ii * K, K)]],
                                  rows[b], gsem[b]).wait()
            pltpu.make_async_copy(dst_hbm.at[pl.ds(e_base, K)], dstv[b],
                                  dsem[b]).wait()
            pltpu.async_copy(rows[b], acc.at[dstv[b]], ssem[b])

        main = niter - (niter % nbuf)

        @pl.loop(0, main, step=nbuf)
        def _(i):
            for b in range(nbuf):
                step(i + b, b)

        for c in range(main, niter):
            step(c, c % nbuf)

        for c in range(niter - (nbuf - look), niter):
            wait_scatter(c % nbuf)

        plsc.subcore_barrier()
        pltpu.sync_copy(acc.at[rs], out_hbm.at[pl.ds(cid * N + sid * stride, wsize)])

    return seg


@functools.lru_cache(maxsize=None)
def _make_mlp(N, D):
    def body(agg_ref, w1_ref, b1_ref, w2_ref, b2_ref, g_ref, be_ref,
             out_ref, mean_ref):
        z = agg_ref[:N, :] + agg_ref[N:, :]
        y = lax.dot_general(z, w1_ref[...], (((1,), (1,)), ((), ())),
                            precision=lax.Precision.DEFAULT,
                            preferred_element_type=jnp.float32) + b1_ref[...]
        mu = jnp.mean(y, axis=0, keepdims=True)
        var = jnp.mean((y - mu) * (y - mu), axis=0, keepdims=True)
        r = (y - mu) * lax.rsqrt(var + 1e-5) * g_ref[...] + be_ref[...]
        r = jnp.maximum(r, 0.0)
        o = lax.dot_general(r, w2_ref[...], (((1,), (1,)), ((), ())),
                            precision=lax.Precision.DEFAULT,
                            preferred_element_type=jnp.float32) + b2_ref[...]
        out_ref[...] = o
        mean_ref[...] = jnp.mean(o, axis=0, keepdims=True)

    return pl.pallas_call(
        body,
        out_shape=(jax.ShapeDtypeStruct((N, D), jnp.float32),
                   jax.ShapeDtypeStruct((1, D), jnp.float32)),
    )


def kernel(x, edge_index, W1, b1, W2, b2, gamma, beta):
    N, D = x.shape
    E = edge_index.shape[1]
    L = W1.shape[0]
    src = edge_index[0]
    dst = edge_index[1]
    zeros = jnp.zeros((N, D), jnp.float32)
    seg = _make_seg_sum(N, E, D)
    mlp = _make_mlp(N, D)

    h = x
    means = []
    for l in range(L):
        agg2 = seg(src, dst, h, zeros)
        h, m = mlp(agg2, W1[l], b1[l].reshape(1, D), W2[l], b2[l].reshape(1, D),
                   gamma[l].reshape(1, D), beta[l].reshape(1, D))
        means.append(m.reshape(D))
    return (means[-1], means[-2])

# --- scband reference (transcript-rebuilt; emitter-appended) ---
"""Pipeline reference for scband-gcn-39883066310757 (READ-ONLY COPY).

The authoritative reference and input builder live on the scoring server;
editing this copy changes nothing except your own understanding.
"""

import jax, jax.numpy as jnp
import numpy as np

N = 10000
E = 320000
D = 128
L = 4


def setup_inputs(seed: int = 0) -> dict:
    key = jax.random.key(seed)
    ks = jax.random.split(key, 8)
    x = jax.random.normal(ks[0], (N, D), dtype=jnp.float32)
    edge_index = jax.random.randint(ks[1], (2, E), 0, N, dtype=jnp.int32)
    scale = 1.0 / np.sqrt(D)
    # Stacked per-layer MLP params (all layers are D->D->D since in=hidden=out=128)
    W1 = jax.random.normal(ks[2], (L, D, D), dtype=jnp.float32) * scale
    b1 = jnp.zeros((L, D), dtype=jnp.float32)
    W2 = jax.random.normal(ks[3], (L, D, D), dtype=jnp.float32) * scale
    b2 = jnp.zeros((L, D), dtype=jnp.float32)
    gamma = jnp.ones((L, D), dtype=jnp.float32)
    beta = jnp.zeros((L, D), dtype=jnp.float32)
    return {"x": x, "edge_index": edge_index, "W1": W1, "b1": b1, "W2": W2, "b2": b2, "gamma": gamma, "beta": beta}


def _mlp(h, W1, b1, W2, b2, g, be):
    # Linear -> BatchNorm1d (training-mode batch stats) -> ReLU -> Linear
    h = h @ W1.T + b1
    mu = h.mean(axis=0)
    var = h.var(axis=0)  # biased variance, matches torch BN normalization
    h = (h - mu) / jnp.sqrt(var + 1e-5) * g + be
    h = jax.nn.relu(h)
    return h @ W2.T + b2


def reference(x, edge_index, W1, b1, W2, b2, gamma, beta):
    src = edge_index[0]
    dst = edge_index[1]
    h = x
    outs = []
    for l in range(L):
        # GINConv, aggregator 'sum', eps=0: h' = MLP(h + sum_{j in N(i)} h_j)
        agg = jax.ops.segment_sum(h[src], dst, num_segments=N)
        h = _mlp(h + agg, W1[l], b1[l], W2[l], b2[l], gamma[l], beta[l])
        outs.append(h)
    # dgl.mean_nodes over the single graph, for final and penultimate layers
    return (outs[-1].mean(axis=0), outs[-2].mean(axis=0))

if __name__ == "__main__":
    import jax
    _d = setup_inputs()
    print(jax.jit(kernel)(*tuple(_d.values())))

</pallas_src>

<mosaic_0001>
#map = affine_map<(d0, d1) -> (0)>
#map1 = affine_map<(d0, d1) -> (0, 0)>
module attributes {stable_mosaic.version = 14 : i64} {
  func.func @seg(%arg0: i32, %arg1: i32, %arg2: memref<320000xi32, #tpu.memory_space<hbm>>, %arg3: memref<320000xi32, #tpu.memory_space<hbm>>, %arg4: memref<10000x128xf32, #tpu.memory_space<hbm>>, %arg5: memref<10000x128xf32, #tpu.memory_space<hbm>>, %arg6: memref<20000x128xf32, #tpu.memory_space<hbm>>, %arg7: memref<10000xi32, #tpu.memory_space<vmem>>, %arg8: memref<10000x128xf32, #tpu.memory_space<vmem_shared>>, %arg9: memref<40xi32, #tpu.memory_space<vmem>>, %arg10: memref<40xi32, #tpu.memory_space<vmem>>, %arg11: memref<40xi32, #tpu.memory_space<vmem>>, %arg12: memref<40xi32, #tpu.memory_space<vmem>>, %arg13: memref<40xi32, #tpu.memory_space<vmem>>, %arg14: memref<40xi32, #tpu.memory_space<vmem>>, %arg15: memref<40xi32, #tpu.memory_space<vmem>>, %arg16: memref<40x128xf32, #tpu.memory_space<vmem>>, %arg17: memref<40x128xf32, #tpu.memory_space<vmem>>, %arg18: memref<40x128xf32, #tpu.memory_space<vmem>>, %arg19: memref<40x128xf32, #tpu.memory_space<vmem>>, %arg20: memref<40x128xf32, #tpu.memory_space<vmem>>, %arg21: memref<40x128xf32, #tpu.memory_space<vmem>>, %arg22: memref<40x128xf32, #tpu.memory_space<vmem>>, %arg23: memref<!tpu.dma_semaphore, #tpu.memory_space<semaphore_mem>>, %arg24: memref<!tpu.dma_semaphore, #tpu.memory_space<semaphore_mem>>, %arg25: memref<!tpu.dma_semaphore, #tpu.memory_space<semaphore_mem>>, %arg26: memref<!tpu.dma_semaphore, #tpu.memory_space<semaphore_mem>>, %arg27: memref<!tpu.dma_semaphore, #tpu.memory_space<semaphore_mem>>, %arg28: memref<!tpu.dma_semaphore, #tpu.memory_space<semaphore_mem>>, %arg29: memref<!tpu.dma_semaphore, #tpu.memory_space<semaphore_mem>>, %arg30: memref<!tpu.dma_semaphore, #tpu.memory_space<semaphore_mem>>, %arg31: memref<!tpu.dma_semaphore, #tpu.memory_space<semaphore_mem>>, %arg32: memref<!tpu.dma_semaphore, #tpu.memory_space<semaphore_mem>>, %arg33: memref<!tpu.dma_semaphore, #tpu.memory_space<semaphore_mem>>, %arg34: memref<!tpu.dma_semaphore, #tpu.memory_space<semaphore_mem>>, %arg35: memref<!tpu.dma_semaphore, #tpu.memory_space<semaphore_mem>>, %arg36: memref<!tpu.dma_semaphore, #tpu.memory_space<semaphore_mem>>, %arg37: memref<!tpu.dma_semaphore, #tpu.memory_space<semaphore_mem>>, %arg38: memref<!tpu.dma_semaphore, #tpu.memory_space<semaphore_mem>>, %arg39: memref<!tpu.dma_semaphore, #tpu.memory_space<semaphore_mem>>, %arg40: memref<!tpu.dma_semaphore, #tpu.memory_space<semaphore_mem>>, %arg41: memref<!tpu.dma_semaphore, #tpu.memory_space<semaphore_mem>>, %arg42: memref<!tpu.dma_semaphore, #tpu.memory_space<semaphore_mem>>, %arg43: memref<!tpu.dma_semaphore, #tpu.memory_space<semaphore_mem>>, %arg44: memref<!tpu.dma_semaphore, #tpu.memory_space<semaphore_mem>>) attributes {dimension_semantics = [#tpu.dimension_semantics<core_parallel>, #tpu.dimension_semantics<subcore_parallel>], iteration_bounds = array<i64: 2, 16>, scalar_prefetch = 0 : i64, scratch_operands = 38 : i64, tpu.core_type = #tpu.core_type<sc_vector_subcore>, window_params = [{transform_indices = #map}, {transform_indices = #map}, {transform_indices = #map1}, {transform_indices = #map1}, {transform_indices = #map1}]} {
    %mul3A = arith.constant 16 : i32
    %mul3A_0 = arith.muli %arg0, %mul3A : i32
    %add3A = arith.addi %mul3A_0, %arg1 : i32
    %mul3A_1 = arith.constant 10000 : i32
    %mul3A_2 = arith.muli %add3A, %mul3A_1 : i32
    %mul3A_3 = arith.constant 624 : i32
    %mul3A_4 = arith.muli %arg1, %mul3A_3 : i32
    %eq3A = arith.constant 0 : i32
    %eq3A_5 = arith.cmpi eq, %arg0, %eq3A : i32
    %convert_element_type3A = arith.extui %eq3A_5 : i1 to i32
    %cond3A = arith.constant 0 : i32
    %cond3A_6 = arith.cmpi ne, %convert_element_type3A, %cond3A : i32
    scf.if %cond3A_6 {
      %dma_start3A_145 = arith.constant 0 : i32
      %dma_start3A_146 = tpu.memref_slice %arg8[%mul3A_4, %dma_start3A_145] : memref<10000x128xf32, #tpu.memory_space<vmem_shared>> -> memref<640x128xf32, #tpu.memory_space<vmem_shared>>
      %dma_start3A_147 = arith.constant 0 : i32
      %dma_start3A_148 = tpu.memref_slice %arg4[%mul3A_4, %dma_start3A_147] : memref<10000x128xf32, #tpu.memory_space<hbm>> -> memref<640x128xf32, #tpu.memory_space<hbm>>
      tpu.enqueue_dma source(%dma_start3A_148 : memref<640x128xf32, #tpu.memory_space<hbm>>) target(%dma_start3A_146 : memref<640x128xf32, #tpu.memory_space<vmem_shared>>) target_semaphore(%arg44 : memref<!tpu.dma_semaphore, #tpu.memory_space<semaphore_mem>>)
    } else {
    }
    %gt3A = arith.constant 0 : i32
    %gt3A_7 = arith.cmpi sgt, %arg0, %gt3A : i32
    %convert_element_type3A_8 = arith.extui %gt3A_7 : i1 to i32
    %cond3A_9 = arith.constant 0 : i32
    %cond3A_10 = arith.cmpi ne, %convert_element_type3A_8, %cond3A_9 : i32
    scf.if %cond3A_10 {
      %dma_start3A_145 = arith.constant 0 : i32
      %dma_start3A_146 = tpu.memref_slice %arg8[%mul3A_4, %dma_start3A_145] : memref<10000x128xf32, #tpu.memory_space<vmem_shared>> -> memref<640x128xf32, #tpu.memory_space<vmem_shared>>
      %dma_start3A_147 = arith.constant 0 : i32
      %dma_start3A_148 = tpu.memref_slice %arg5[%mul3A_4, %dma_start3A_147] : memref<10000x128xf32, #tpu.memory_space<hbm>> -> memref<640x128xf32, #tpu.memory_space<hbm>>
      tpu.enqueue_dma source(%dma_start3A_148 : memref<640x128xf32, #tpu.memory_space<hbm>>) target(%dma_start3A_146 : memref<640x128xf32, #tpu.memory_space<vmem_shared>>) target_semaphore(%arg44 : memref<!tpu.dma_semaphore, #tpu.memory_space<semaphore_mem>>)
    } else {
    }
    "tpu.region"() ({
      %run_scoped3A = tpu.sem_alloc : memref<!tpu.dma_semaphore, #tpu.memory_space<semaphore_mem>>
      %dma_start3A_145 = tpu.memref_slice %arg2[%mul3A_2] : memref<320000xi32, #tpu.memory_space<hbm>> -> memref<10000xi32, #tpu.memory_space<hbm>>
      %dma_start3A_146 = tpu.memref_slice %arg2[%mul3A_2] : memref<320000xi32, #tpu.memory_space<hbm>> -> memref<10000xi32, #tpu.memory_space<hbm>>
      tpu.enqueue_dma source(%dma_start3A_146 : memref<10000xi32, #tpu.memory_space<hbm>>) target(%arg7 : memref<10000xi32, #tpu.memory_space<vmem>>) target_semaphore(%run_scoped3A : memref<!tpu.dma_semaphore, #tpu.memory_space<semaphore_mem>>)
      %dma_wait3A_147 = tpu.memref_slice %arg2[%mul3A_2] : memref<320000xi32, #tpu.memory_space<hbm>> -> memref<10000xi32, #tpu.memory_space<hbm>>
      %dma_wait3A_148 = tpu.memref_slice %arg2[%mul3A_2] : memref<320000xi32, #tpu.memory_space<hbm>> -> memref<10000xi32, #tpu.memory_space<hbm>>
      tpu.wait_dma2 semaphore(%run_scoped3A : memref<!tpu.dma_semaphore, #tpu.memory_space<semaphore_mem>>) src(%dma_wait3A_148 : memref<10000xi32, #tpu.memory_space<hbm>>) dst(%arg7 : memref<10000xi32, #tpu.memory_space<vmem>>)
      tpu.yield
    }) : () -> ()
    %add3A_11 = arith.constant 0 : i32
    %add3A_12 = arith.addi %mul3A_2, %add3A_11 : i32
    %dma_start3A = tpu.memref_slice %arg3[%add3A_12] : memref<320000xi32, #tpu.memory_space<hbm>> -> memref<40xi32, #tpu.memory_space<hbm>>
    %dma_start3A_13 = tpu.memref_slice %arg3[%add3A_12] : memref<320000xi32, #tpu.memory_space<hbm>> -> memref<40xi32, #tpu.memory_space<hbm>>
    tpu.enqueue_dma source(%dma_start3A_13 : memref<40xi32, #tpu.memory_space<hbm>>) target(%arg9 : memref<40xi32, #tpu.memory_space<vmem>>) target_semaphore(%arg30 : memref<!tpu.dma_semaphore, #tpu.memory_space<semaphore_mem>>)
    %dma_start3A_14 = arith.constant 0 : i32
    %dma_start3A_15 = tpu.memref_slice %arg7[%dma_start3A_14] : memref<10000xi32, #tpu.memory_space<vmem>> -> memref<40xi32, #tpu.memory_space<vmem>>
    %dma_start3A_16 = arith.constant 0 : i32
    %dma_start3A_17 = arith.constant 0 : i32
    %dma_start3A_18 = tpu.memref_slice %arg4[%dma_start3A_16, %dma_start3A_17] : memref<10000x128xf32, #tpu.memory_space<hbm>> -> memref<10000x128xf32, #tpu.memory_space<hbm>>
    tpu.enqueue_indirect_dma source(%dma_start3A_18 : memref<10000x128xf32, #tpu.memory_space<hbm>>) target(%arg16 : memref<40x128xf32, #tpu.memory_space<vmem>>) offsets(%dma_start3A_15 : memref<40xi32, #tpu.memory_space<vmem>>) semaphore(%arg23 : memref<!tpu.dma_semaphore, #tpu.memory_space<semaphore_mem>>)
    %add3A_19 = arith.constant 40 : i32
    %add3A_20 = arith.addi %mul3A_2, %add3A_19 : i32
    %dma_start3A_21 = tpu.memref_slice %arg3[%add3A_20] : memref<320000xi32, #tpu.memory_space<hbm>> -> memref<40xi32, #tpu.memory_space<hbm>>
    %dma_start3A_22 = tpu.memref_slice %arg3[%add3A_20] : memref<320000xi32, #tpu.memory_space<hbm>> -> memref<40xi32, #tpu.memory_space<hbm>>
    tpu.enqueue_dma source(%dma_start3A_22 : memref<40xi32, #tpu.memory_space<hbm>>) target(%arg10 : memref<40xi32, #tpu.memory_space<vmem>>) target_semaphore(%arg31 : memref<!tpu.dma_semaphore, #tpu.memory_space<semaphore_mem>>)
    %dma_start3A_23 = arith.constant 40 : i32
    %dma_start3A_24 = tpu.memref_slice %arg7[%dma_start3A_23] : memref<10000xi32, #tpu.memory_space<vmem>> -> memref<40xi32, #tpu.memory_space<vmem>>
    %dma_start3A_25 = arith.constant 0 : i32
    %dma_start3A_26 = arith.constant 0 : i32
    %dma_start3A_27 = tpu.memref_slice %arg4[%dma_start3A_25, %dma_start3A_26] : memref<10000x128xf32, #tpu.memory_space<hbm>> -> memref<10000x128xf32, #tpu.memory_space<hbm>>
    tpu.enqueue_indirect_dma source(%dma_start3A_27 : memref<10000x128xf32, #tpu.memory_space<hbm>>) target(%arg17 : memref<40x128xf32, #tpu.memory_space<vmem>>) offsets(%dma_start3A_24 : memref<40xi32, #tpu.memory_space<vmem>>) semaphore(%arg24 : memref<!tpu.dma_semaphore, #tpu.memory_space<semaphore_mem>>)
    %add3A_28 = arith.constant 80 : i32
    %add3A_29 = arith.addi %mul3A_2, %add3A_28 : i32
    %dma_start3A_30 = tpu.memref_slice %arg3[%add3A_29] : memref<320000xi32, #tpu.memory_space<hbm>> -> memref<40xi32, #tpu.memory_space<hbm>>
    %dma_start3A_31 = tpu.memref_slice %arg3[%add3A_29] : memref<320000xi32, #tpu.memory_space<hbm>> -> memref<40xi32, #tpu.memory_space<hbm>>
    tpu.enqueue_dma source(%dma_start3A_31 : memref<40xi32, #tpu.memory_space<hbm>>) target(%arg11 : memref<40xi32, #tpu.memory_space<vmem>>) target_semaphore(%arg32 : memref<!tpu.dma_semaphore, #tpu.memory_space<semaphore_mem>>)
    %dma_start3A_32 = arith.constant 80 : i32
    %dma_start3A_33 = tpu.memref_slice %arg7[%dma_start3A_32] : memref<10000xi32, #tpu.memory_space<vmem>> -> memref<40xi32, #tpu.memory_space<vmem>>
    %dma_start3A_34 = arith.constant 0 : i32
    %dma_start3A_35 = arith.constant 0 : i32
    %dma_start3A_36 = tpu.memref_slice %arg4[%dma_start3A_34, %dma_start3A_35] : memref<10000x128xf32, #tpu.memory_space<hbm>> -> memref<10000x128xf32, #tpu.memory_space<hbm>>
    tpu.enqueue_indirect_dma source(%dma_start3A_36 : memref<10000x128xf32, #tpu.memory_space<hbm>>) target(%arg18 : memref<40x128xf32, #tpu.memory_space<vmem>>) offsets(%dma_start3A_33 : memref<40xi32, #tpu.memory_space<vmem>>) semaphore(%arg25 : memref<!tpu.dma_semaphore, #tpu.memory_space<semaphore_mem>>)
    %add3A_37 = arith.constant 120 : i32
    %add3A_38 = arith.addi %mul3A_2, %add3A_37 : i32
    %dma_start3A_39 = tpu.memref_slice %arg3[%add3A_38] : memref<320000xi32, #tpu.memory_space<hbm>> -> memref<40xi32, #tpu.memory_space<hbm>>
    %dma_start3A_40 = tpu.memref_slice %arg3[%add3A_38] : memref<320000xi32, #tpu.memory_space<hbm>> -> memref<40xi32, #tpu.memory_space<hbm>>
    tpu.enqueue_dma source(%dma_start3A_40 : memref<40xi32, #tpu.memory_space<hbm>>) target(%arg12 : memref<40xi32, #tpu.memory_space<vmem>>) target_semaphore(%arg33 : memref<!tpu.dma_semaphore, #tpu.memory_space<semaphore_mem>>)
    %dma_start3A_41 = arith.constant 120 : i32
    %dma_start3A_42 = tpu.memref_slice %arg7[%dma_start3A_41] : memref<10000xi32, #tpu.memory_space<vmem>> -> memref<40xi32, #tpu.memory_space<vmem>>
    %dma_start3A_43 = arith.constant 0 : i32
    %dma_start3A_44 = arith.constant 0 : i32
    %dma_start3A_45 = tpu.memref_slice %arg4[%dma_start3A_43, %dma_start3A_44] : memref<10000x128xf32, #tpu.memory_space<hbm>> -> memref<10000x128xf32, #tpu.memory_space<hbm>>
    tpu.enqueue_indirect_dma source(%dma_start3A_45 : memref<10000x128xf32, #tpu.memory_space<hbm>>) target(%arg19 : memref<40x128xf32, #tpu.memory_space<vmem>>) offsets(%dma_start3A_42 : memref<40xi32, #tpu.memory_space<vmem>>) semaphore(%arg26 : memref<!tpu.dma_semaphore, #tpu.memory_space<semaphore_mem>>)
    %add3A_46 = arith.constant 160 : i32
    %add3A_47 = arith.addi %mul3A_2, %add3A_46 : i32
    %dma_start3A_48 = tpu.memref_slice %arg3[%add3A_47] : memref<320000xi32, #tpu.memory_space<hbm>> -> memref<40xi32, #tpu.memory_space<hbm>>
    %dma_start3A_49 = tpu.memref_slice %arg3[%add3A_47] : memref<320000xi32, #tpu.memory_space<hbm>> -> memref<40xi32, #tpu.memory_space<hbm>>
    tpu.enqueue_dma source(%dma_start3A_49 : memref<40xi32, #tpu.memory_space<hbm>>) target(%arg13 : memref<40xi32, #tpu.memory_space<vmem>>) target_semaphore(%arg34 : memref<!tpu.dma_semaphore, #tpu.memory_space<semaphore_mem>>)
    %dma_start3A_50 = arith.constant 160 : i32
    %dma_start3A_51 = tpu.memref_slice %arg7[%dma_start3A_50] : memref<10000xi32, #tpu.memory_space<vmem>> -> memref<40xi32, #tpu.memory_space<vmem>>
    %dma_start3A_52 = arith.constant 0 : i32
    %dma_start3A_53 = arith.constant 0 : i32
    %dma_start3A_54 = tpu.memref_slice %arg4[%dma_start3A_52, %dma_start3A_53] : memref<10000x128xf32, #tpu.memory_space<hbm>> -> memref<10000x128xf32, #tpu.memory_space<hbm>>
    tpu.enqueue_indirect_dma source(%dma_start3A_54 : memref<10000x128xf32, #tpu.memory_space<hbm>>) target(%arg20 : memref<40x128xf32, #tpu.memory_space<vmem>>) offsets(%dma_start3A_51 : memref<40xi32, #tpu.memory_space<vmem>>) semaphore(%arg27 : memref<!tpu.dma_semaphore, #tpu.memory_space<semaphore_mem>>)
    %add3A_55 = arith.constant 200 : i32
    %add3A_56 = arith.addi %mul3A_2, %add3A_55 : i32
    %dma_start3A_57 = tpu.memref_slice %arg3[%add3A_56] : memref<320000xi32, #tpu.memory_space<hbm>> -> memref<40xi32, #tpu.memory_space<hbm>>
    %dma_start3A_58 = tpu.memref_slice %arg3[%add3A_56] : memref<320000xi32, #tpu.memory_space<hbm>> -> memref<40xi32, #tpu.memory_space<hbm>>
    tpu.enqueue_dma source(%dma_start3A_58 : memref<40xi32, #tpu.memory_space<hbm>>) target(%arg14 : memref<40xi32, #tpu.memory_space<vmem>>) target_semaphore(%arg35 : memref<!tpu.dma_semaphore, #tpu.memory_space<semaphore_mem>>)
    %dma_start3A_59 = arith.constant 200 : i32
    %dma_start3A_60 = tpu.memref_slice %arg7[%dma_start3A_59] : memref<10000xi32, #tpu.memory_space<vmem>> -> memref<40xi32, #tpu.memory_space<vmem>>
    %dma_start3A_61 = arith.constant 0 : i32
    %dma_start3A_62 = arith.constant 0 : i32
    %dma_start3A_63 = tpu.memref_slice %arg4[%dma_start3A_61, %dma_start3A_62] : memref<10000x128xf32, #tpu.memory_space<hbm>> -> memref<10000x128xf32, #tpu.memory_space<hbm>>
    tpu.enqueue_indirect_dma source(%dma_start3A_63 : memref<10000x128xf32, #tpu.memory_space<hbm>>) target(%arg21 : memref<40x128xf32, #tpu.memory_space<vmem>>) offsets(%dma_start3A_60 : memref<40xi32, #tpu.memory_space<vmem>>) semaphore(%arg28 : memref<!tpu.dma_semaphore, #tpu.memory_space<semaphore_mem>>)
    %dma_wait3A = arith.constant 0 : i32
    %dma_wait3A_64 = tpu.memref_slice %arg8[%mul3A_4, %dma_wait3A] : memref<10000x128xf32, #tpu.memory_space<vmem_shared>> -> memref<640x128xf32, #tpu.memory_space<vmem_shared>>
    %dma_wait3A_65 = arith.constant 0 : i32
    %dma_wait3A_66 = tpu.memref_slice %arg5[%mul3A_4, %dma_wait3A_65] : memref<10000x128xf32, #tpu.memory_space<hbm>> -> memref<640x128xf32, #tpu.memory_space<hbm>>
    tpu.wait_dma2 semaphore(%arg44 : memref<!tpu.dma_semaphore, #tpu.memory_space<semaphore_mem>>) src(%dma_wait3A_66 : memref<640x128xf32, #tpu.memory_space<hbm>>) dst(%dma_wait3A_64 : memref<640x128xf32, #tpu.memory_space<vmem_shared>>)
    %barrier3A = arith.constant 0 : index
    tpu.barrier barrier_id(%barrier3A)
    %scan3A = arith.constant 0 : i32
    %scan3A_67 = arith.constant 35 : i32
    %scan3A_68 = arith.addi %scan3A, %scan3A_67 : i32
    %scan3A_69 = arith.constant 1 : i32
    scf.for %scan3A_145 = %scan3A to %scan3A_68 step %scan3A_69  : i32 {
      %mul3A_146 = arith.constant 7 : i32
      %mul3A_147 = arith.muli %scan3A_145, %mul3A_146 : i32
      %add3A_148 = arith.constant 0 : i32
      %add3A_149 = arith.addi %add3A_148, %mul3A_147 : i32
      %add3A_150 = arith.constant 0 : i32
      %add3A_151 = arith.addi %add3A_149, %add3A_150 : i32
      %ge3A = arith.constant 1 : i32
      %ge3A_152 = arith.cmpi sge, %add3A_151, %ge3A : i32
      %convert_element_type3A_153 = arith.extui %ge3A_152 : i1 to i32
      %cond3A_154 = arith.constant 0 : i32
      %cond3A_155 = arith.cmpi ne, %convert_element_type3A_153, %cond3A_154 : i32
      scf.if %cond3A_155 {
        %dma_wait3A_323 = arith.constant 0 : i32
        %dma_wait3A_324 = arith.constant 0 : i32
        %dma_wait3A_325 = tpu.memref_slice %arg8[%dma_wait3A_323, %dma_wait3A_324] : memref<10000x128xf32, #tpu.memory_space<vmem_shared>> -> memref<10000x128xf32, #tpu.memory_space<vmem_shared>>
        tpu.wait_indirect_dma semaphore(%arg43 : memref<!tpu.dma_semaphore, #tpu.memory_space<semaphore_mem>>) src(%arg22 : memref<40x128xf32, #tpu.memory_space<vmem>>) dst(%dma_wait3A_325 : memref<10000x128xf32, #tpu.memory_space<vmem_shared>>)
      } else {
      }
      %add3A_156 = arith.constant 6 : i32
      %add3A_157 = arith.addi %add3A_151, %add3A_156 : i32
      %lt3A = arith.constant 250 : i32
      %lt3A_158 = arith.cmpi slt, %add3A_157, %lt3A : i32
      %convert_element_type3A_159 = arith.extui %lt3A_158 : i1 to i32
      %cond3A_160 = arith.constant 0 : i32
      %cond3A_161 = arith.cmpi ne, %convert_element_type3A_159, %cond3A_160 : i32
      scf.if %cond3A_161 {
        %add3A_323 = arith.constant 6 : i32
        %add3A_324 = arith.addi %add3A_151, %add3A_323 : i32
        %mul3A_325 = arith.constant 40 : i32
        %mul3A_326 = arith.muli %add3A_324, %mul3A_325 : i32
        %add3A_327 = arith.addi %mul3A_2, %mul3A_326 : i32
        %dma_start3A_328 = tpu.memref_slice %arg3[%add3A_327] : memref<320000xi32, #tpu.memory_space<hbm>> -> memref<40xi32, #tpu.memory_space<hbm>>
        %dma_start3A_329 = tpu.memref_slice %arg3[%add3A_327] : memref<320000xi32, #tpu.memory_space<hbm>> -> memref<40xi32, #tpu.memory_space<hbm>>
        tpu.enqueue_dma source(%dma_start3A_329 : memref<40xi32, #tpu.memory_space<hbm>>) target(%arg15 : memref<40xi32, #tpu.memory_space<vmem>>) target_semaphore(%arg36 : memref<!tpu.dma_semaphore, #tpu.memory_space<semaphore_mem>>)
        %mul3A_330 = arith.constant 40 : i32
        %mul3A_331 = arith.muli %add3A_324, %mul3A_330 : i32
        %dma_start3A_332 = tpu.memref_slice %arg7[%mul3A_331] : memref<10000xi32, #tpu.memory_space<vmem>> -> memref<40xi32, #tpu.memory_space<vmem>>
        %dma_start3A_333 = arith.constant 0 : i32
        %dma_start3A_334 = arith.constant 0 : i32
        %dma_start3A_335 = tpu.memref_slice %arg4[%dma_start3A_333, %dma_start3A_334] : memref<10000x128xf32, #tpu.memory_space<hbm>> -> memref<10000x128xf32, #tpu.memory_space<hbm>>
        tpu.enqueue_indirect_dma source(%dma_start3A_335 : memref<10000x128xf32, #tpu.memory_space<hbm>>) target(%arg22 : memref<40x128xf32, #tpu.memory_space<vmem>>) offsets(%dma_start3A_332 : memref<40xi32, #tpu.memory_space<vmem>>) semaphore(%arg29 : memref<!tpu.dma_semaphore, #tpu.memory_space<semaphore_mem>>)
      } else {
      }
      %mul3A_162 = arith.constant 40 : i32
      %mul3A_163 = arith.muli %add3A_151, %mul3A_162 : i32
      %dma_wait3A_164 = tpu.memref_slice %arg7[%mul3A_163] : memref<10000xi32, #tpu.memory_space<vmem>> -> memref<40xi32, #tpu.memory_space<vmem>>
      %dma_wait3A_165 = arith.constant 0 : i32
      %dma_wait3A_166 = arith.constant 0 : i32
      %dma_wait3A_167 = tpu.memref_slice %arg4[%dma_wait3A_165, %dma_wait3A_166] : memref<10000x128xf32, #tpu.memory_space<hbm>> -> memref<10000x128xf32, #tpu.memory_space<hbm>>
      tpu.wait_indirect_dma semaphore(%arg23 : memref<!tpu.dma_semaphore, #tpu.memory_space<semaphore_mem>>) src(%dma_wait3A_167 : memref<10000x128xf32, #tpu.memory_space<hbm>>) dst(%arg16 : memref<40x128xf32, #tpu.memory_space<vmem>>)
      %dma_wait3A_168 = tpu.memref_slice %arg3[%mul3A_2] : memref<320000xi32, #tpu.memory_space<hbm>> -> memref<40xi32, #tpu.memory_space<hbm>>
      %dma_wait3A_169 = tpu.memref_slice %arg3[%mul3A_2] : memref<320000xi32, #tpu.memory_space<hbm>> -> memref<40xi32, #tpu.memory_space<hbm>>
      tpu.wait_dma2 semaphore(%arg30 : memref<!tpu.dma_semaphore, #tpu.memory_space<semaphore_mem>>) src(%dma_wait3A_169 : memref<40xi32, #tpu.memory_space<hbm>>) dst(%arg9 : memref<40xi32, #tpu.memory_space<vmem>>)
      %dma_start3A_170 = arith.constant 0 : i32
      %dma_start3A_171 = arith.constant 0 : i32
      %dma_start3A_172 = tpu.memref_slice %arg8[%dma_start3A_170, %dma_start3A_171] : memref<10000x128xf32, #tpu.memory_space<vmem_shared>> -> memref<10000x128xf32, #tpu.memory_space<vmem_shared>>
      tpu.enqueue_indirect_dma source(%arg16 : memref<40x128xf32, #tpu.memory_space<vmem>>) target(%dma_start3A_172 : memref<10000x128xf32, #tpu.memory_space<vmem_shared>>) offsets(%arg9 : memref<40xi32, #tpu.memory_space<vmem>>) semaphore(%arg37 : memref<!tpu.dma_semaphore, #tpu.memory_space<semaphore_mem>>)
      %add3A_173 = arith.constant 1 : i32
      %add3A_174 = arith.addi %add3A_149, %add3A_173 : i32
      %ge3A_175 = arith.constant 1 : i32
      %ge3A_176 = arith.cmpi sge, %add3A_174, %ge3A_175 : i32
      %convert_element_type3A_177 = arith.extui %ge3A_176 : i1 to i32
      %cond3A_178 = arith.constant 0 : i32
      %cond3A_179 = arith.cmpi ne, %convert_element_type3A_177, %cond3A_178 : i32
      scf.if %cond3A_179 {
        %dma_wait3A_323 = arith.constant 0 : i32
        %dma_wait3A_324 = arith.constant 0 : i32
        %dma_wait3A_325 = tpu.memref_slice %arg8[%dma_wait3A_323, %dma_wait3A_324] : memref<10000x128xf32, #tpu.memory_space<vmem_shared>> -> memref<10000x128xf32, #tpu.memory_space<vmem_shared>>
        tpu.wait_indirect_dma semaphore(%arg37 : memref<!tpu.dma_semaphore, #tpu.memory_space<semaphore_mem>>) src(%arg16 : memref<40x128xf32, #tpu.memory_space<vmem>>) dst(%dma_wait3A_325 : memref<10000x128xf32, #tpu.memory_space<vmem_shared>>)
      } else {
      }
      %add3A_180 = arith.constant 6 : i32
      %add3A_181 = arith.addi %add3A_174, %add3A_180 : i32
      %lt3A_182 = arith.constant 250 : i32
      %lt3A_183 = arith.cmpi slt, %add3A_181, %lt3A_182 : i32
      %convert_element_type3A_184 = arith.extui %lt3A_183 : i1 to i32
      %cond3A_185 = arith.constant 0 : i32
      %cond3A_186 = arith.cmpi ne, %convert_element_type3A_184, %cond3A_185 : i32
      scf.if %cond3A_186 {
        %add3A_323 = arith.constant 6 : i32
        %add3A_324 = arith.addi %add3A_174, %add3A_323 : i32
        %mul3A_325 = arith.constant 40 : i32
        %mul3A_326 = arith.muli %add3A_324, %mul3A_325 : i32
        %add3A_327 = arith.addi %mul3A_2, %mul3A_326 : i32
        %dma_start3A_328 = tpu.memref_slice %arg3[%add3A_327] : memref<320000xi32, #tpu.memory_space<hbm>> -> memref<40xi32, #tpu.memory_space<hbm>>
        %dma_start3A_329 = tpu.memref_slice %arg3[%add3A_327] : memref<320000xi32, #tpu.memory_space<hbm>> -> memref<40xi32, #tpu.memory_space<hbm>>
        tpu.enqueue_dma source(%dma_start3A_329 : memref<40xi32, #tpu.memory_space<hbm>>) target(%arg9 : memref<40xi32, #tpu.memory_space<vmem>>) target_semaphore(%arg30 : memref<!tpu.dma_semaphore, #tpu.memory_space<semaphore_mem>>)
        %mul3A_330 = arith.constant 40 : i32
        %mul3A_331 = arith.muli %add3A_324, %mul3A_330 : i32
        %dma_start3A_332 = tpu.memref_slice %arg7[%mul3A_331] : memref<10000xi32, #tpu.memory_space<vmem>> -> memref<40xi32, #tpu.memory_space<vmem>>
        %dma_start3A_333 = arith.constant 0 : i32
        %dma_start3A_334 = arith.constant 0 : i32
        %dma_start3A_335 = tpu.memref_slice %arg4[%dma_start3A_333, %dma_start3A_334] : memref<10000x128xf32, #tpu.memory_space<hbm>> -> memref<10000x128xf32, #tpu.memory_space<hbm>>
        tpu.enqueue_indirect_dma source(%dma_start3A_335 : memref<10000x128xf32, #tpu.memory_space<hbm>>) target(%arg16 : memref<40x128xf32, #tpu.memory_space<vmem>>) offsets(%dma_start3A_332 : memref<40xi32, #tpu.memory_space<vmem>>) semaphore(%arg23 : memref<!tpu.dma_semaphore, #tpu.memory_space<semaphore_mem>>)
      } else {
      }
      %mul3A_187 = arith.constant 40 : i32
      %mul3A_188 = arith.muli %add3A_174, %mul3A_187 : i32
      %dma_wait3A_189 = tpu.memref_slice %arg7[%mul3A_188] : memref<10000xi32, #tpu.memory_space<vmem>> -> memref<40xi32, #tpu.memory_space<vmem>>
      %dma_wait3A_190 = arith.constant 0 : i32
      %dma_wait3A_191 = arith.constant 0 : i32
      %dma_wait3A_192 = tpu.memref_slice %arg4[%dma_wait3A_190, %dma_wait3A_191] : memref<10000x128xf32, #tpu.memory_space<hbm>> -> memref<10000x128xf32, #tpu.memory_space<hbm>>
      tpu.wait_indirect_dma semaphore(%arg24 : memref<!tpu.dma_semaphore, #tpu.memory_space<semaphore_mem>>) src(%dma_wait3A_192 : memref<10000x128xf32, #tpu.memory_space<hbm>>) dst(%arg17 : memref<40x128xf32, #tpu.memory_space<vmem>>)
      %dma_wait3A_193 = tpu.memref_slice %arg3[%mul3A_2] : memref<320000xi32, #tpu.memory_space<hbm>> -> memref<40xi32, #tpu.memory_space<hbm>>
      %dma_wait3A_194 = tpu.memref_slice %arg3[%mul3A_2] : memref<320000xi32, #tpu.memory_space<hbm>> -> memref<40xi32, #tpu.memory_space<hbm>>
      tpu.wait_dma2 semaphore(%arg31 : memref<!tpu.dma_semaphore, #tpu.memory_space<semaphore_mem>>) src(%dma_wait3A_194 : memref<40xi32, #tpu.memory_space<hbm>>) dst(%arg10 : memref<40xi32, #tpu.memory_space<vmem>>)
      %dma_start3A_195 = arith.constant 0 : i32
      %dma_start3A_196 = arith.constant 0 : i32
      %dma_start3A_197 = tpu.memref_slice %arg8[%dma_start3A_195, %dma_start3A_196] : memref<10000x128xf32, #tpu.memory_space<vmem_shared>> -> memref<10000x128xf32, #tpu.memory_space<vmem_shared>>
      tpu.enqueue_indirect_dma source(%arg17 : memref<40x128xf32, #tpu.memory_space<vmem>>) target(%dma_start3A_197 : memref<10000x128xf32, #tpu.memory_space<vmem_shared>>) offsets(%arg10 : memref<40xi32, #tpu.memory_space<vmem>>) semaphore(%arg38 : memref<!tpu.dma_semaphore, #tpu.memory_space<semaphore_mem>>)
      %add3A_198 = arith.constant 2 : i32
      %add3A_199 = arith.addi %add3A_149, %add3A_198 : i32
      %ge3A_200 = arith.constant 1 : i32
      %ge3A_201 = arith.cmpi sge, %add3A_199, %ge3A_200 : i32
      %convert_element_type3A_202 = arith.extui %ge3A_201 : i1 to i32
      %cond3A_203 = arith.constant 0 : i32
      %cond3A_204 = arith.cmpi ne, %convert_element_type3A_202, %cond3A_203 : i32
      scf.if %cond3A_204 {
        %dma_wait3A_323 = arith.constant 0 : i32
        %dma_wait3A_324 = arith.constant 0 : i32
        %dma_wait3A_325 = tpu.memref_slice %arg8[%dma_wait3A_323, %dma_wait3A_324] : memref<10000x128xf32, #tpu.memory_space<vmem_shared>> -> memref<10000x128xf32, #tpu.memory_space<vmem_shared>>
        tpu.wait_indirect_dma semaphore(%arg38 : memref<!tpu.dma_semaphore, #tpu.memory_space<semaphore_mem>>) src(%arg17 : memref<40x128xf32, #tpu.memory_space<vmem>>) dst(%dma_wait3A_325 : memref<10000x128xf32, #tpu.memory_space<vmem_shared>>)
      } else {
      }
      %add3A_205 = arith.constant 6 : i32
      %add3A_206 = arith.addi %add3A_199, %add3A_205 : i32
      %lt3A_207 = arith.constant 250 : i32
      %lt3A_208 = arith.cmpi slt, %add3A_206, %lt3A_207 : i32
      %convert_element_type3A_209 = arith.extui %lt3A_208 : i1 to i32
      %cond3A_210 = arith.constant 0 : i32
      %cond3A_211 = arith.cmpi ne, %convert_element_type3A_209, %cond3A_210 : i32
      scf.if %cond3A_211 {
        %add3A_323 = arith.constant 6 : i32
        %add3A_324 = arith.addi %add3A_199, %add3A_323 : i32
        %mul3A_325 = arith.constant 40 : i32
        %mul3A_326 = arith.muli %add3A_324, %mul3A_325 : i32
        %add3A_327 = arith.addi %mul3A_2, %mul3A_326 : i32
        %dma_start3A_328 = tpu.memref_slice %arg3[%add3A_327] : memref<320000xi32, #tpu.memory_space<hbm>> -> memref<40xi32, #tpu.memory_space<hbm>>
        %dma_start3A_329 = tpu.memref_slice %arg3[%add3A_327] : memref<320000xi32, #tpu.memory_space<hbm>> -> memref<40xi32, #tpu.memory_space<hbm>>
        tpu.enqueue_dma source(%dma_start3A_329 : memref<40xi32, #tpu.memory_space<hbm>>) target(%arg10 : memref<40xi32, #tpu.memory_space<vmem>>) target_semaphore(%arg31 : memref<!tpu.dma_semaphore, #tpu.memory_space<semaphore_mem>>)
        %mul3A_330 = arith.constant 40 : i32
        %mul3A_331 = arith.muli %add3A_324, %mul3A_330 : i32
        %dma_start3A_332 = tpu.memref_slice %arg7[%mul3A_331] : memref<10000xi32, #tpu.memory_space<vmem>> -> memref<40xi32, #tpu.memory_space<vmem>>
        %dma_start3A_333 = arith.constant 0 : i32
        %dma_start3A_334 = arith.constant 0 : i32
        %dma_start3A_335 = tpu.memref_slice %arg4[%dma_start3A_333, %dma_start3A_334] : memref<10000x128xf32, #tpu.memory_space<hbm>> -> memref<10000x128xf32, #tpu.memory_space<hbm>>
        tpu.enqueue_indirect_dma source(%dma_start3A_335 : memref<10000x128xf32, #tpu.memory_space<hbm>>) target(%arg17 : memref<40x128xf32, #tpu.memory_space<vmem>>) offsets(%dma_start3A_332 : memref<40xi32, #tpu.memory_space<vmem>>) semaphore(%arg24 : memref<!tpu.dma_semaphore, #tpu.memory_space<semaphore_mem>>)
      } else {
      }
      %mul3A_212 = arith.constant 40 : i32
      %mul3A_213 = arith.muli %add3A_199, %mul3A_212 : i32
      %dma_wait3A_214 = tpu.memref_slice %arg7[%mul3A_213] : memref<10000xi32, #tpu.memory_space<vmem>> -> memref<40xi32, #tpu.memory_space<vmem>>
      %dma_wait3A_215 = arith.constant 0 : i32
      %dma_wait3A_216 = arith.constant 0 : i32
      %dma_wait3A_217 = tpu.memref_slice %arg4[%dma_wait3A_215, %dma_wait3A_216] : memref<10000x128xf32, #tpu.memory_space<hbm>> -> memref<10000x128xf32, #tpu.memory_space<hbm>>
      tpu.wait_indirect_dma semaphore(%arg25 : memref<!tpu.dma_semaphore, #tpu.memory_space<semaphore_mem>>) src(%dma_wait3A_217 : memref<10000x128xf32, #tpu.memory_space<hbm>>) dst(%arg18 : memref<40x128xf32, #tpu.memory_space<vmem>>)
      %dma_wait3A_218 = tpu.memref_slice %arg3[%mul3A_2] : memref<320000xi32, #tpu.memory_space<hbm>> -> memref<40xi32, #tpu.memory_space<hbm>>
      %dma_wait3A_219 = tpu.memref_slice %arg3[%mul3A_2] : memref<320000xi32, #tpu.memory_space<hbm>> -> memref<40xi32, #tpu.memory_space<hbm>>
      tpu.wait_dma2 semaphore(%arg32 : memref<!tpu.dma_semaphore, #tpu.memory_space<semaphore_mem>>) src(%dma_wait3A_219 : memref<40xi32, #tpu.memory_space<hbm>>) dst(%arg11 : memref<40xi32, #tpu.memory_space<vmem>>)
      %dma_start3A_220 = arith.constant 0 : i32
      %dma_start3A_221 = arith.constant 0 : i32
      %dma_start3A_222 = tpu.memref_slice %arg8[%dma_start3A_220, %dma_start3A_221] : memref<10000x128xf32, #tpu.memory_space<vmem_shared>> -> memref<10000x128xf32, #tpu.memory_space<vmem_shared>>
      tpu.enqueue_indirect_dma source(%arg18 : memref<40x128xf32, #tpu.memory_space<vmem>>) target(%dma_start3A_222 : memref<10000x128xf32, #tpu.memory_space<vmem_shared>>) offsets(%arg11 : memref<40xi32, #tpu.memory_space<vmem>>) semaphore(%arg39 : memref<!tpu.dma_semaphore, #tpu.memory_space<semaphore_mem>>)
      %add3A_223 = arith.constant 3 : i32
      %add3A_224 = arith.addi %add3A_149, %add3A_223 : i32
      %ge3A_225 = arith.constant 1 : i32
      %ge3A_226 = arith.cmpi sge, %add3A_224, %ge3A_225 : i32
      %convert_element_type3A_227 = arith.extui %ge3A_226 : i1 to i32
      %cond3A_228 = arith.constant 0 : i32
      %cond3A_229 = arith.cmpi ne, %convert_element_type3A_227, %cond3A_228 : i32
      scf.if %cond3A_229 {
        %dma_wait3A_323 = arith.constant 0 : i32
        %dma_wait3A_324 = arith.constant 0 : i32
        %dma_wait3A_325 = tpu.memref_slice %arg8[%dma_wait3A_323, %dma_wait3A_324] : memref<10000x128xf32, #tpu.memory_space<vmem_shared>> -> memref<10000x128xf32, #tpu.memory_space<vmem_shared>>
        tpu.wait_indirect_dma semaphore(%arg39 : memref<!tpu.dma_semaphore, #tpu.memory_space<semaphore_mem>>) src(%arg18 : memref<40x128xf32, #tpu.memory_space<vmem>>) dst(%dma_wait3A_325 : memref<10000x128xf32, #tpu.memory_space<vmem_shared>>)
      } else {
      }
      %add3A_230 = arith.constant 6 : i32
      %add3A_231 = arith.addi %add3A_224, %add3A_230 : i32
      %lt3A_232 = arith.constant 250 : i32
      %lt3A_233 = arith.cmpi slt, %add3A_231, %lt3A_232 : i32
      %convert_element_type3A_234 = arith.extui %lt3A_233 : i1 to i32
      %cond3A_235 = arith.constant 0 : i32
      %cond3A_236 = arith.cmpi ne, %convert_element_type3A_234, %cond3A_235 : i32
      scf.if %cond3A_236 {
        %add3A_323 = arith.constant 6 : i32
        %add3A_324 = arith.addi %add3A_224, %add3A_323 : i32
        %mul3A_325 = arith.constant 40 : i32
        %mul3A_326 = arith.muli %add3A_324, %mul3A_325 : i32
        %add3A_327 = arith.addi %mul3A_2, %mul3A_326 : i32
        %dma_start3A_328 = tpu.memref_slice %arg3[%add3A_327] : memref<320000xi32, #tpu.memory_space<hbm>> -> memref<40xi32, #tpu.memory_space<hbm>>
        %dma_start3A_329 = tpu.memref_slice %arg3[%add3A_327] : memref<320000xi32, #tpu.memory_space<hbm>> -> memref<40xi32, #tpu.memory_space<hbm>>
        tpu.enqueue_dma source(%dma_start3A_329 : memref<40xi32, #tpu.memory_space<hbm>>) target(%arg11 : memref<40xi32, #tpu.memory_space<vmem>>) target_semaphore(%arg32 : memref<!tpu.dma_semaphore, #tpu.memory_space<semaphore_mem>>)
        %mul3A_330 = arith.constant 40 : i32
        %mul3A_331 = arith.muli %add3A_324, %mul3A_330 : i32
        %dma_start3A_332 = tpu.memref_slice %arg7[%mul3A_331] : memref<10000xi32, #tpu.memory_space<vmem>> -> memref<40xi32, #tpu.memory_space<vmem>>
        %dma_start3A_333 = arith.constant 0 : i32
        %dma_start3A_334 = arith.constant 0 : i32
        %dma_start3A_335 = tpu.memref_slice %arg4[%dma_start3A_333, %dma_start3A_334] : memref<10000x128xf32, #tpu.memory_space<hbm>> -> memref<10000x128xf32, #tpu.memory_space<hbm>>
        tpu.enqueue_indirect_dma source(%dma_start3A_335 : memref<10000x128xf32, #tpu.memory_space<hbm>>) target(%arg18 : memref<40x128xf32, #tpu.memory_space<vmem>>) offsets(%dma_start3A_332 : memref<40xi32, #tpu.memory_space<vmem>>) semaphore(%arg25 : memref<!tpu.dma_semaphore, #tpu.memory_space<semaphore_mem>>)
      } else {
      }
      %mul3A_237 = arith.constant 40 : i32
      %mul3A_238 = arith.muli %add3A_224, %mul3A_237 : i32
      %dma_wait3A_239 = tpu.memref_slice %arg7[%mul3A_238] : memref<10000xi32, #tpu.memory_space<vmem>> -> memref<40xi32, #tpu.memory_space<vmem>>
      %dma_wait3A_240 = arith.constant 0 : i32
      %dma_wait3A_241 = arith.constant 0 : i32
      %dma_wait3A_242 = tpu.memref_slice %arg4[%dma_wait3A_240, %dma_wait3A_241] : memref<10000x128xf32, #tpu.memory_space<hbm>> -> memref<10000x128xf32, #tpu.memory_space<hbm>>
      tpu.wait_indirect_dma semaphore(%arg26 : memref<!tpu.dma_semaphore, #tpu.memory_space<semaphore_mem>>) src(%dma_wait3A_242 : memref<10000x128xf32, #tpu.memory_space<hbm>>) dst(%arg19 : memref<40x128xf32, #tpu.memory_space<vmem>>)
      %dma_wait3A_243 = tpu.memref_slice %arg3[%mul3A_2] : memref<320000xi32, #tpu.memory_space<hbm>> -> memref<40xi32, #tpu.memory_space<hbm>>
      %dma_wait3A_244 = tpu.memref_slice %arg3[%mul3A_2] : memref<320000xi32, #tpu.memory_space<hbm>> -> memref<40xi32, #tpu.memory_space<hbm>>
      tpu.wait_dma2 semaphore(%arg33 : memref<!tpu.dma_semaphore, #tpu.memory_space<semaphore_mem>>) src(%dma_wait3A_244 : memref<40xi32, #tpu.memory_space<hbm>>) dst(%arg12 : memref<40xi32, #tpu.memory_space<vmem>>)
      %dma_start3A_245 = arith.constant 0 : i32
      %dma_start3A_246 = arith.constant 0 : i32
      %dma_start3A_247 = tpu.memref_slice %arg8[%dma_start3A_245, %dma_start3A_246] : memref<10000x128xf32, #tpu.memory_space<vmem_shared>> -> memref<10000x128xf32, #tpu.memory_space<vmem_shared>>
      tpu.enqueue_indirect_dma source(%arg19 : memref<40x128xf32, #tpu.memory_space<vmem>>) target(%dma_start3A_247 : memref<10000x128xf32, #tpu.memory_space<vmem_shared>>) offsets(%arg12 : memref<40xi32, #tpu.memory_space<vmem>>) semaphore(%arg40 : memref<!tpu.dma_semaphore, #tpu.memory_space<semaphore_mem>>)
      %add3A_248 = arith.constant 4 : i32
      %add3A_249 = arith.addi %add3A_149, %add3A_248 : i32
      %ge3A_250 = arith.constant 1 : i32
      %ge3A_251 = arith.cmpi sge, %add3A_249, %ge3A_250 : i32
      %convert_element_type3A_252 = arith.extui %ge3A_251 : i1 to i32
      %cond3A_253 = arith.constant 0 : i32
      %cond3A_254 = arith.cmpi ne, %convert_element_type3A_252, %cond3A_253 : i32
      scf.if %cond3A_254 {
        %dma_wait3A_323 = arith.constant 0 : i32
        %dma_wait3A_324 = arith.constant 0 : i32
        %dma_wait3A_325 = tpu.memref_slice %arg8[%dma_wait3A_323, %dma_wait3A_324] : memref<10000x128xf32, #tpu.memory_space<vmem_shared>> -> memref<10000x128xf32, #tpu.memory_space<vmem_shared>>
        tpu.wait_indirect_dma semaphore(%arg40 : memref<!tpu.dma_semaphore, #tpu.memory_space<semaphore_mem>>) src(%arg19 : memref<40x128xf32, #tpu.memory_space<vmem>>) dst(%dma_wait3A_325 : memref<10000x128xf32, #tpu.memory_space<vmem_shared>>)
      } else {
      }
      %add3A_255 = arith.constant 6 : i32
      %add3A_256 = arith.addi %add3A_249, %add3A_255 : i32
      %lt3A_257 = arith.constant 250 : i32
      %lt3A_258 = arith.cmpi slt, %add3A_256, %lt3A_257 : i32
      %convert_element_type3A_259 = arith.extui %lt3A_258 : i1 to i32
      %cond3A_260 = arith.constant 0 : i32
      %cond3A_261 = arith.cmpi ne, %convert_element_type3A_259, %cond3A_260 : i32
      scf.if %cond3A_261 {
        %add3A_323 = arith.constant 6 : i32
        %add3A_324 = arith.addi %add3A_249, %add3A_323 : i32
        %mul3A_325 = arith.constant 40 : i32
        %mul3A_326 = arith.muli %add3A_324, %mul3A_325 : i32
        %add3A_327 = arith.addi %mul3A_2, %mul3A_326 : i32
        %dma_start3A_328 = tpu.memref_slice %arg3[%add3A_327] : memref<320000xi32, #tpu.memory_space<hbm>> -> memref<40xi32, #tpu.memory_space<hbm>>
        %dma_start3A_329 = tpu.memref_slice %arg3[%add3A_327] : memref<320000xi32, #tpu.memory_space<hbm>> -> memref<40xi32, #tpu.memory_space<hbm>>
        tpu.enqueue_dma source(%dma_start3A_329 : memref<40xi32, #tpu.memory_space<hbm>>) target(%arg12 : memref<40xi32, #tpu.memory_space<vmem>>) target_semaphore(%arg33 : memref<!tpu.dma_semaphore, #tpu.memory_space<semaphore_mem>>)
        %mul3A_330 = arith.constant 40 : i32
        %mul3A_331 = arith.muli %add3A_324, %mul3A_330 : i32
        %dma_start3A_332 = tpu.memref_slice %arg7[%mul3A_331] : memref<10000xi32, #tpu.memory_space<vmem>> -> memref<40xi32, #tpu.memory_space<vmem>>
        %dma_start3A_333 = arith.constant 0 : i32
        %dma_start3A_334 = arith.constant 0 : i32
        %dma_start3A_335 = tpu.memref_slice %arg4[%dma_start3A_333, %dma_start3A_334] : memref<10000x128xf32, #tpu.memory_space<hbm>> -> memref<10000x128xf32, #tpu.memory_space<hbm>>
        tpu.enqueue_indirect_dma source(%dma_start3A_335 : memref<10000x128xf32, #tpu.memory_space<hbm>>) target(%arg19 : memref<40x128xf32, #tpu.memory_space<vmem>>) offsets(%dma_start3A_332 : memref<40xi32, #tpu.memory_space<vmem>>) semaphore(%arg26 : memref<!tpu.dma_semaphore, #tpu.memory_space<semaphore_mem>>)
      } else {
      }
      %mul3A_262 = arith.constant 40 : i32
      %mul3A_263 = arith.muli %add3A_249, %mul3A_262 : i32
      %dma_wait3A_264 = tpu.memref_slice %arg7[%mul3A_263] : memref<10000xi32, #tpu.memory_space<vmem>> -> memref<40xi32, #tpu.memory_space<vmem>>
      %dma_wait3A_265 = arith.constant 0 : i32
      %dma_wait3A_266 = arith.constant 0 : i32
      %dma_wait3A_267 = tpu.memref_slice %arg4[%dma_wait3A_265, %dma_wait3A_266] : memref<10000x128xf32, #tpu.memory_space<hbm>> -> memref<10000x128xf32, #tpu.memory_space<hbm>>
      tpu.wait_indirect_dma semaphore(%arg27 : memref<!tpu.dma_semaphore, #tpu.memory_space<semaphore_mem>>) src(%dma_wait3A_267 : memref<10000x128xf32, #tpu.memory_space<hbm>>) dst(%arg20 : memref<40x128xf32, #tpu.memory_space<vmem>>)
      %dma_wait3A_268 = tpu.memref_slice %arg3[%mul3A_2] : memref<320000xi32, #tpu.memory_space<hbm>> -> memref<40xi32, #tpu.memory_space<hbm>>
      %dma_wait3A_269 = tpu.memref_slice %arg3[%mul3A_2] : memref<320000xi32, #tpu.memory_space<hbm>> -> memref<40xi32, #tpu.memory_space<hbm>>
      tpu.wait_dma2 semaphore(%arg34 : memref<!tpu.dma_semaphore, #tpu.memory_space<semaphore_mem>>) src(%dma_wait3A_269 : memref<40xi32, #tpu.memory_space<hbm>>) dst(%arg13 : memref<40xi32, #tpu.memory_space<vmem>>)
      %dma_start3A_270 = arith.constant 0 : i32
      %dma_start3A_271 = arith.constant 0 : i32
      %dma_start3A_272 = tpu.memref_slice %arg8[%dma_start3A_270, %dma_start3A_271] : memref<10000x128xf32, #tpu.memory_space<vmem_shared>> -> memref<10000x128xf32, #tpu.memory_space<vmem_shared>>
      tpu.enqueue_indirect_dma source(%arg20 : memref<40x128xf32, #tpu.memory_space<vmem>>) target(%dma_start3A_272 : memref<10000x128xf32, #tpu.memory_space<vmem_shared>>) offsets(%arg13 : memref<40xi32, #tpu.memory_space<vmem>>) semaphore(%arg41 : memref<!tpu.dma_semaphore, #tpu.memory_space<semaphore_mem>>)
      %add3A_273 = arith.constant 5 : i32
      %add3A_274 = arith.addi %add3A_149, %add3A_273 : i32
      %ge3A_275 = arith.constant 1 : i32
      %ge3A_276 = arith.cmpi sge, %add3A_274, %ge3A_275 : i32
      %convert_element_type3A_277 = arith.extui %ge3A_276 : i1 to i32
      %cond3A_278 = arith.constant 0 : i32
      %cond3A_279 = arith.cmpi ne, %convert_element_type3A_277, %cond3A_278 : i32
      scf.if %cond3A_279 {
        %dma_wait3A_323 = arith.constant 0 : i32
        %dma_wait3A_324 = arith.constant 0 : i32
        %dma_wait3A_325 = tpu.memref_slice %arg8[%dma_wait3A_323, %dma_wait3A_324] : memref<10000x128xf32, #tpu.memory_space<vmem_shared>> -> memref<10000x128xf32, #tpu.memory_space<vmem_shared>>
        tpu.wait_indirect_dma semaphore(%arg41 : memref<!tpu.dma_semaphore, #tpu.memory_space<semaphore_mem>>) src(%arg20 : memref<40x128xf32, #tpu.memory_space<vmem>>) dst(%dma_wait3A_325 : memref<10000x128xf32, #tpu.memory_space<vmem_shared>>)
      } else {
      }
      %add3A_280 = arith.constant 6 : i32
      %add3A_281 = arith.addi %add3A_274, %add3A_280 : i32
      %lt3A_282 = arith.constant 250 : i32
      %lt3A_283 = arith.cmpi slt, %add3A_281, %lt3A_282 : i32
      %convert_element_type3A_284 = arith.extui %lt3A_283 : i1 to i32
      %cond3A_285 = arith.constant 0 : i32
      %cond3A_286 = arith.cmpi ne, %convert_element_type3A_284, %cond3A_285 : i32
      scf.if %cond3A_286 {
        %add3A_323 = arith.constant 6 : i32
        %add3A_324 = arith.addi %add3A_274, %add3A_323 : i32
        %mul3A_325 = arith.constant 40 : i32
        %mul3A_326 = arith.muli %add3A_324, %mul3A_325 : i32
        %add3A_327 = arith.addi %mul3A_2, %mul3A_326 : i32
        %dma_start3A_328 = tpu.memref_slice %arg3[%add3A_327] : memref<320000xi32, #tpu.memory_space<hbm>> -> memref<40xi32, #tpu.memory_space<hbm>>
        %dma_start3A_329 = tpu.memref_slice %arg3[%add3A_327] : memref<320000xi32, #tpu.memory_space<hbm>> -> memref<40xi32, #tpu.memory_space<hbm>>
        tpu.enqueue_dma source(%dma_start3A_329 : memref<40xi32, #tpu.memory_space<hbm>>) target(%arg13 : memref<40xi32, #tpu.memory_space<vmem>>) target_semaphore(%arg34 : memref<!tpu.dma_semaphore, #tpu.memory_space<semaphore_mem>>)
        %mul3A_330 = arith.constant 40 : i32
        %mul3A_331 = arith.muli %add3A_324, %mul3A_330 : i32
        %dma_start3A_332 = tpu.memref_slice %arg7[%mul3A_331] : memref<10000xi32, #tpu.memory_space<vmem>> -> memref<40xi32, #tpu.memory_space<vmem>>
        %dma_start3A_333 = arith.constant 0 : i32
        %dma_start3A_334 = arith.constant 0 : i32
        %dma_start3A_335 = tpu.memref_slice %arg4[%dma_start3A_333, %dma_start3A_334] : memref<10000x128xf32, #tpu.memory_space<hbm>> -> memref<10000x128xf32, #tpu.memory_space<hbm>>
        tpu.enqueue_indirect_dma source(%dma_start3A_335 : memref<10000x128xf32, #tpu.memory_space<hbm>>) target(%arg20 : memref<40x128xf32, #tpu.memory_space<vmem>>) offsets(%dma_start3A_332 : memref<40xi32, #tpu.memory_space<vmem>>) semaphore(%arg27 : memref<!tpu.dma_semaphore, #tpu.memory_space<semaphore_mem>>)
      } else {
      }
      %mul3A_287 = arith.constant 40 : i32
      %mul3A_288 = arith.muli %add3A_274, %mul3A_287 : i32
      %dma_wait3A_289 = tpu.memref_slice %arg7[%mul3A_288] : memref<10000xi32, #tpu.memory_space<vmem>> -> memref<40xi32, #tpu.memory_space<vmem>>
      %dma_wait3A_290 = arith.constant 0 : i32
      %dma_wait3A_291 = arith.constant 0 : i32
      %dma_wait3A_292 = tpu.memref_slice %arg4[%dma_wait3A_290, %dma_wait3A_291] : memref<10000x128xf32, #tpu.memory_space<hbm>> -> memref<10000x128xf32, #tpu.memory_space<hbm>>
      tpu.wait_indirect_dma semaphore(%arg28 : memref<!tpu.dma_semaphore, #tpu.memory_space<semaphore_mem>>) src(%dma_wait3A_292 : memref<10000x128xf32, #tpu.memory_space<hbm>>) dst(%arg21 : memref<40x128xf32, #tpu.memory_space<vmem>>)
      %dma_wait3A_293 = tpu.memref_slice %arg3[%mul3A_2] : memref<320000xi32, #tpu.memory_space<hbm>> -> memref<40xi32, #tpu.memory_space<hbm>>
      %dma_wait3A_294 = tpu.memref_slice %arg3[%mul3A_2] : memref<320000xi32, #tpu.memory_space<hbm>> -> memref<40xi32, #tpu.memory_space<hbm>>
      tpu.wait_dma2 semaphore(%arg35 : memref<!tpu.dma_semaphore, #tpu.memory_space<semaphore_mem>>) src(%dma_wait3A_294 : memref<40xi32, #tpu.memory_space<hbm>>) dst(%arg14 : memref<40xi32, #tpu.memory_space<vmem>>)
      %dma_start3A_295 = arith.constant 0 : i32
      %dma_start3A_296 = arith.constant 0 : i32
      %dma_start3A_297 = tpu.memref_slice %arg8[%dma_start3A_295, %dma_start3A_296] : memref<10000x128xf32, #tpu.memory_space<vmem_shared>> -> memref<10000x128xf32, #tpu.memory_space<vmem_shared>>
      tpu.enqueue_indirect_dma source(%arg21 : memref<40x128xf32, #tpu.memory_space<vmem>>) target(%dma_start3A_297 : memref<10000x128xf32, #tpu.memory_space<vmem_shared>>) offsets(%arg14 : memref<40xi32, #tpu.memory_space<vmem>>) semaphore(%arg42 : memref<!tpu.dma_semaphore, #tpu.memory_space<semaphore_mem>>)
      %add3A_298 = arith.constant 6 : i32
      %add3A_299 = arith.addi %add3A_149, %add3A_298 : i32
      %ge3A_300 = arith.constant 1 : i32
      %ge3A_301 = arith.cmpi sge, %add3A_299, %ge3A_300 : i32
      %convert_element_type3A_302 = arith.extui %ge3A_301 : i1 to i32
      %cond3A_303 = arith.constant 0 : i32
      %cond3A_304 = arith.cmpi ne, %convert_element_type3A_302, %cond3A_303 : i32
      scf.if %cond3A_304 {
        %dma_wait3A_323 = arith.constant 0 : i32
        %dma_wait3A_324 = arith.constant 0 : i32
        %dma_wait3A_325 = tpu.memref_slice %arg8[%dma_wait3A_323, %dma_wait3A_324] : memref<10000x128xf32, #tpu.memory_space<vmem_shared>> -> memref<10000x128xf32, #tpu.memory_space<vmem_shared>>
        tpu.wait_indirect_dma semaphore(%arg42 : memref<!tpu.dma_semaphore, #tpu.memory_space<semaphore_mem>>) src(%arg21 : memref<40x128xf32, #tpu.memory_space<vmem>>) dst(%dma_wait3A_325 : memref<10000x128xf32, #tpu.memory_space<vmem_shared>>)
      } else {
      }
      %add3A_305 = arith.constant 6 : i32
      %add3A_306 = arith.addi %add3A_299, %add3A_305 : i32
      %lt3A_307 = arith.constant 250 : i32
      %lt3A_308 = arith.cmpi slt, %add3A_306, %lt3A_307 : i32
      %convert_element_type3A_309 = arith.extui %lt3A_308 : i1 to i32
      %cond3A_310 = arith.constant 0 : i32
      %cond3A_311 = arith.cmpi ne, %convert_element_type3A_309, %cond3A_310 : i32
      scf.if %cond3A_311 {
        %add3A_323 = arith.constant 6 : i32
        %add3A_324 = arith.addi %add3A_299, %add3A_323 : i32
        %mul3A_325 = arith.constant 40 : i32
        %mul3A_326 = arith.muli %add3A_324, %mul3A_325 : i32
        %add3A_327 = arith.addi %mul3A_2, %mul3A_326 : i32
        %dma_start3A_328 = tpu.memref_slice %arg3[%add3A_327] : memref<320000xi32, #tpu.memory_space<hbm>> -> memref<40xi32, #tpu.memory_space<hbm>>
        %dma_start3A_329 = tpu.memref_slice %arg3[%add3A_327] : memref<320000xi32, #tpu.memory_space<hbm>> -> memref<40xi32, #tpu.memory_space<hbm>>
        tpu.enqueue_dma source(%dma_start3A_329 : memref<40xi32, #tpu.memory_space<hbm>>) target(%arg14 : memref<40xi32, #tpu.memory_space<vmem>>) target_semaphore(%arg35 : memref<!tpu.dma_semaphore, #tpu.memory_space<semaphore_mem>>)
        %mul3A_330 = arith.constant 40 : i32
        %mul3A_331 = arith.muli %add3A_324, %mul3A_330 : i32
        %dma_start3A_332 = tpu.memref_slice %arg7[%mul3A_331] : memref<10000xi32, #tpu.memory_space<vmem>> -> memref<40xi32, #tpu.memory_space<vmem>>
        %dma_start3A_333 = arith.constant 0 : i32
        %dma_start3A_334 = arith.constant 0 : i32
        %dma_start3A_335 = tpu.memref_slice %arg4[%dma_start3A_333, %dma_start3A_334] : memref<10000x128xf32, #tpu.memory_space<hbm>> -> memref<10000x128xf32, #tpu.memory_space<hbm>>
        tpu.enqueue_indirect_dma source(%dma_start3A_335 : memref<10000x128xf32, #tpu.memory_space<hbm>>) target(%arg21 : memref<40x128xf32, #tpu.memory_space<vmem>>) offsets(%dma_start3A_332 : memref<40xi32, #tpu.memory_space<vmem>>) semaphore(%arg28 : memref<!tpu.dma_semaphore, #tpu.memory_space<semaphore_mem>>)
      } else {
      }
      %mul3A_312 = arith.constant 40 : i32
      %mul3A_313 = arith.muli %add3A_299, %mul3A_312 : i32
      %dma_wait3A_314 = tpu.memref_slice %arg7[%mul3A_313] : memref<10000xi32, #tpu.memory_space<vmem>> -> memref<40xi32, #tpu.memory_space<vmem>>
      %dma_wait3A_315 = arith.constant 0 : i32
      %dma_wait3A_316 = arith.constant 0 : i32
      %dma_wait3A_317 = tpu.memref_slice %arg4[%dma_wait3A_315, %dma_wait3A_316] : memref<10000x128xf32, #tpu.memory_space<hbm>> -> memref<10000x128xf32, #tpu.memory_space<hbm>>
      tpu.wait_indirect_dma semaphore(%arg29 : memref<!tpu.dma_semaphore, #tpu.memory_space<semaphore_mem>>) src(%dma_wait3A_317 : memref<10000x128xf32, #tpu.memory_space<hbm>>) dst(%arg22 : memref<40x128xf32, #tpu.memory_space<vmem>>)
      %dma_wait3A_318 = tpu.memref_slice %arg3[%mul3A_2] : memref<320000xi32, #tpu.memory_space<hbm>> -> memref<40xi32, #tpu.memory_space<hbm>>
      %dma_wait3A_319 = tpu.memref_slice %arg3[%mul3A_2] : memref<320000xi32, #tpu.memory_space<hbm>> -> memref<40xi32, #tpu.memory_space<hbm>>
      tpu.wait_dma2 semaphore(%arg36 : memref<!tpu.dma_semaphore, #tpu.memory_space<semaphore_mem>>) src(%dma_wait3A_319 : memref<40xi32, #tpu.memory_space<hbm>>) dst(%arg15 : memref<40xi32, #tpu.memory_space<vmem>>)
      %dma_start3A_320 = arith.constant 0 : i32
      %dma_start3A_321 = arith.constant 0 : i32
      %dma_start3A_322 = tpu.memref_slice %arg8[%dma_start3A_320, %dma_start3A_321] : memref<10000x128xf32, #tpu.memory_space<vmem_shared>> -> memref<10000x128xf32, #tpu.memory_space<vmem_shared>>
      tpu.enqueue_indirect_dma source(%arg22 : memref<40x128xf32, #tpu.memory_space<vmem>>) target(%dma_start3A_322 : memref<10000x128xf32, #tpu.memory_space<vmem_shared>>) offsets(%arg15 : memref<40xi32, #tpu.memory_space<vmem>>) semaphore(%arg43 : memref<!tpu.dma_semaphore, #tpu.memory_space<semaphore_mem>>)
    }
    %scan3A_70 = arith.constant 35 : i32
    %dma_wait3A_71 = arith.constant 0 : i32
    %dma_wait3A_72 = arith.constant 0 : i32
    %dma_wait3A_73 = tpu.memref_slice %arg8[%dma_wait3A_71, %dma_wait3A_72] : memref<10000x128xf32, #tpu.memory_space<vmem_shared>> -> memref<10000x128xf32, #tpu.memory_space<vmem_shared>>
    tpu.wait_indirect_dma semaphore(%arg43 : memref<!tpu.dma_semaphore, #tpu.memory_space<semaphore_mem>>) src(%arg22 : memref<40x128xf32, #tpu.memory_space<vmem>>) dst(%dma_wait3A_73 : memref<10000x128xf32, #tpu.memory_space<vmem_shared>>)
    %dma_wait3A_74 = arith.constant 9800 : i32
    %dma_wait3A_75 = tpu.memref_slice %arg7[%dma_wait3A_74] : memref<10000xi32, #tpu.memory_space<vmem>> -> memref<40xi32, #tpu.memory_space<vmem>>
    %dma_wait3A_76 = arith.constant 0 : i32
    %dma_wait3A_77 = arith.constant 0 : i32
    %dma_wait3A_78 = tpu.memref_slice %arg4[%dma_wait3A_76, %dma_wait3A_77] : memref<10000x128xf32, #tpu.memory_space<hbm>> -> memref<10000x128xf32, #tpu.memory_space<hbm>>
    tpu.wait_indirect_dma semaphore(%arg23 : memref<!tpu.dma_semaphore, #tpu.memory_space<semaphore_mem>>) src(%dma_wait3A_78 : memref<10000x128xf32, #tpu.memory_space<hbm>>) dst(%arg16 : memref<40x128xf32, #tpu.memory_space<vmem>>)
    %dma_wait3A_79 = tpu.memref_slice %arg3[%mul3A_2] : memref<320000xi32, #tpu.memory_space<hbm>> -> memref<40xi32, #tpu.memory_space<hbm>>
    %dma_wait3A_80 = tpu.memref_slice %arg3[%mul3A_2] : memref<320000xi32, #tpu.memory_space<hbm>> -> memref<40xi32, #tpu.memory_space<hbm>>
    tpu.wait_dma2 semaphore(%arg30 : memref<!tpu.dma_semaphore, #tpu.memory_space<semaphore_mem>>) src(%dma_wait3A_80 : memref<40xi32, #tpu.memory_space<hbm>>) dst(%arg9 : memref<40xi32, #tpu.memory_space<vmem>>)
    %dma_start3A_81 = arith.constant 0 : i32
    %dma_start3A_82 = arith.constant 0 : i32
    %dma_start3A_83 = tpu.memref_slice %arg8[%dma_start3A_81, %dma_start3A_82] : memref<10000x128xf32, #tpu.memory_space<vmem_shared>> -> memref<10000x128xf32, #tpu.memory_space<vmem_shared>>
    tpu.enqueue_indirect_dma source(%arg16 : memref<40x128xf32, #tpu.memory_space<vmem>>) target(%dma_start3A_83 : memref<10000x128xf32, #tpu.memory_space<vmem_shared>>) offsets(%arg9 : memref<40xi32, #tpu.memory_space<vmem>>) semaphore(%arg37 : memref<!tpu.dma_semaphore, #tpu.memory_space<semaphore_mem>>)
    %dma_wait3A_84 = arith.constant 0 : i32
    %dma_wait3A_85 = arith.constant 0 : i32
    %dma_wait3A_86 = tpu.memref_slice %arg8[%dma_wait3A_84, %dma_wait3A_85] : memref<10000x128xf32, #tpu.memory_space<vmem_shared>> -> memref<10000x128xf32, #tpu.memory_space<vmem_shared>>
    tpu.wait_indirect_dma semaphore(%arg37 : memref<!tpu.dma_semaphore, #tpu.memory_space<semaphore_mem>>) src(%arg16 : memref<40x128xf32, #tpu.memory_space<vmem>>) dst(%dma_wait3A_86 : memref<10000x128xf32, #tpu.memory_space<vmem_shared>>)
    %dma_wait3A_87 = arith.constant 9840 : i32
    %dma_wait3A_88 = tpu.memref_slice %arg7[%dma_wait3A_87] : memref<10000xi32, #tpu.memory_space<vmem>> -> memref<40xi32, #tpu.memory_space<vmem>>
    %dma_wait3A_89 = arith.constant 0 : i32
    %dma_wait3A_90 = arith.constant 0 : i32
    %dma_wait3A_91 = tpu.memref_slice %arg4[%dma_wait3A_89, %dma_wait3A_90] : memref<10000x128xf32, #tpu.memory_space<hbm>> -> memref<10000x128xf32, #tpu.memory_space<hbm>>
    tpu.wait_indirect_dma semaphore(%arg24 : memref<!tpu.dma_semaphore, #tpu.memory_space<semaphore_mem>>) src(%dma_wait3A_91 : memref<10000x128xf32, #tpu.memory_space<hbm>>) dst(%arg17 : memref<40x128xf32, #tpu.memory_space<vmem>>)
    %dma_wait3A_92 = tpu.memref_slice %arg3[%mul3A_2] : memref<320000xi32, #tpu.memory_space<hbm>> -> memref<40xi32, #tpu.memory_space<hbm>>
    %dma_wait3A_93 = tpu.memref_slice %arg3[%mul3A_2] : memref<320000xi32, #tpu.memory_space<hbm>> -> memref<40xi32, #tpu.memory_space<hbm>>
    tpu.wait_dma2 semaphore(%arg31 : memref<!tpu.dma_semaphore, #tpu.memory_space<semaphore_mem>>) src(%dma_wait3A_93 : memref<40xi32, #tpu.memory_space<hbm>>) dst(%arg10 : memref<40xi32, #tpu.memory_space<vmem>>)
    %dma_start3A_94 = arith.constant 0 : i32
    %dma_start3A_95 = arith.constant 0 : i32
    %dma_start3A_96 = tpu.memref_slice %arg8[%dma_start3A_94, %dma_start3A_95] : memref<10000x128xf32, #tpu.memory_space<vmem_shared>> -> memref<10000x128xf32, #tpu.memory_space<vmem_shared>>
    tpu.enqueue_indirect_dma source(%arg17 : memref<40x128xf32, #tpu.memory_space<vmem>>) target(%dma_start3A_96 : memref<10000x128xf32, #tpu.memory_space<vmem_shared>>) offsets(%arg10 : memref<40xi32, #tpu.memory_space<vmem>>) semaphore(%arg38 : memref<!tpu.dma_semaphore, #tpu.memory_space<semaphore_mem>>)
    %dma_wait3A_97 = arith.constant 0 : i32
    %dma_wait3A_98 = arith.constant 0 : i32
    %dma_wait3A_99 = tpu.memref_slice %arg8[%dma_wait3A_97, %dma_wait3A_98] : memref<10000x128xf32, #tpu.memory_space<vmem_shared>> -> memref<10000x128xf32, #tpu.memory_space<vmem_shared>>
    tpu.wait_indirect_dma semaphore(%arg38 : memref<!tpu.dma_semaphore, #tpu.memory_space<semaphore_mem>>) src(%arg17 : memref<40x128xf32, #tpu.memory_space<vmem>>) dst(%dma_wait3A_99 : memref<10000x128xf32, #tpu.memory_space<vmem_shared>>)
    %dma_wait3A_100 = arith.constant 9880 : i32
    %dma_wait3A_101 = tpu.memref_slice %arg7[%dma_wait3A_100] : memref<10000xi32, #tpu.memory_space<vmem>> -> memref<40xi32, #tpu.memory_space<vmem>>
    %dma_wait3A_102 = arith.constant 0 : i32
    %dma_wait3A_103 = arith.constant 0 : i32
    %dma_wait3A_104 = tpu.memref_slice %arg4[%dma_wait3A_102, %dma_wait3A_103] : memref<10000x128xf32, #tpu.memory_space<hbm>> -> memref<10000x128xf32, #tpu.memory_space<hbm>>
    tpu.wait_indirect_dma semaphore(%arg25 : memref<!tpu.dma_semaphore, #tpu.memory_space<semaphore_mem>>) src(%dma_wait3A_104 : memref<10000x128xf32, #tpu.memory_space<hbm>>) dst(%arg18 : memref<40x128xf32, #tpu.memory_space<vmem>>)
    %dma_wait3A_105 = tpu.memref_slice %arg3[%mul3A_2] : memref<320000xi32, #tpu.memory_space<hbm>> -> memref<40xi32, #tpu.memory_space<hbm>>
    %dma_wait3A_106 = tpu.memref_slice %arg3[%mul3A_2] : memref<320000xi32, #tpu.memory_space<hbm>> -> memref<40xi32, #tpu.memory_space<hbm>>
    tpu.wait_dma2 semaphore(%arg32 : memref<!tpu.dma_semaphore, #tpu.memory_space<semaphore_mem>>) src(%dma_wait3A_106 : memref<40xi32, #tpu.memory_space<hbm>>) dst(%arg11 : memref<40xi32, #tpu.memory_space<vmem>>)
    %dma_start3A_107 = arith.constant 0 : i32
    %dma_start3A_108 = arith.constant 0 : i32
    %dma_start3A_109 = tpu.memref_slice %arg8[%dma_start3A_107, %dma_start3A_108] : memref<10000x128xf32, #tpu.memory_space<vmem_shared>> -> memref<10000x128xf32, #tpu.memory_space<vmem_shared>>
    tpu.enqueue_indirect_dma source(%arg18 : memref<40x128xf32, #tpu.memory_space<vmem>>) target(%dma_start3A_109 : memref<10000x128xf32, #tpu.memory_space<vmem_shared>>) offsets(%arg11 : memref<40xi32, #tpu.memory_space<vmem>>) semaphore(%arg39 : memref<!tpu.dma_semaphore, #tpu.memory_space<semaphore_mem>>)
    %dma_wait3A_110 = arith.constant 0 : i32
    %dma_wait3A_111 = arith.constant 0 : i32
    %dma_wait3A_112 = tpu.memref_slice %arg8[%dma_wait3A_110, %dma_wait3A_111] : memref<10000x128xf32, #tpu.memory_space<vmem_shared>> -> memref<10000x128xf32, #tpu.memory_space<vmem_shared>>
    tpu.wait_indirect_dma semaphore(%arg39 : memref<!tpu.dma_semaphore, #tpu.memory_space<semaphore_mem>>) src(%arg18 : memref<40x128xf32, #tpu.memory_space<vmem>>) dst(%dma_wait3A_112 : memref<10000x128xf32, #tpu.memory_space<vmem_shared>>)
    %dma_wait3A_113 = arith.constant 9920 : i32
    %dma_wait3A_114 = tpu.memref_slice %arg7[%dma_wait3A_113] : memref<10000xi32, #tpu.memory_space<vmem>> -> memref<40xi32, #tpu.memory_space<vmem>>
    %dma_wait3A_115 = arith.constant 0 : i32
    %dma_wait3A_116 = arith.constant 0 : i32
    %dma_wait3A_117 = tpu.memref_slice %arg4[%dma_wait3A_115, %dma_wait3A_116] : memref<10000x128xf32, #tpu.memory_space<hbm>> -> memref<10000x128xf32, #tpu.memory_space<hbm>>
    tpu.wait_indirect_dma semaphore(%arg26 : memref<!tpu.dma_semaphore, #tpu.memory_space<semaphore_mem>>) src(%dma_wait3A_117 : memref<10000x128xf32, #tpu.memory_space<hbm>>) dst(%arg19 : memref<40x128xf32, #tpu.memory_space<vmem>>)
    %dma_wait3A_118 = tpu.memref_slice %arg3[%mul3A_2] : memref<320000xi32, #tpu.memory_space<hbm>> -> memref<40xi32, #tpu.memory_space<hbm>>
    %dma_wait3A_119 = tpu.memref_slice %arg3[%mul3A_2] : memref<320000xi32, #tpu.memory_space<hbm>> -> memref<40xi32, #tpu.memory_space<hbm>>
    tpu.wait_dma2 semaphore(%arg33 : memref<!tpu.dma_semaphore, #tpu.memory_space<semaphore_mem>>) src(%dma_wait3A_119 : memref<40xi32, #tpu.memory_space<hbm>>) dst(%arg12 : memref<40xi32, #tpu.memory_space<vmem>>)
    %dma_start3A_120 = arith.constant 0 : i32
    %dma_start3A_121 = arith.constant 0 : i32
    %dma_start3A_122 = tpu.memref_slice %arg8[%dma_start3A_120, %dma_start3A_121] : memref<10000x128xf32, #tpu.memory_space<vmem_shared>> -> memref<10000x128xf32, #tpu.memory_space<vmem_shared>>
    tpu.enqueue_indirect_dma source(%arg19 : memref<40x128xf32, #tpu.memory_space<vmem>>) target(%dma_start3A_122 : memref<10000x128xf32, #tpu.memory_space<vmem_shared>>) offsets(%arg12 : memref<40xi32, #tpu.memory_space<vmem>>) semaphore(%arg40 : memref<!tpu.dma_semaphore, #tpu.memory_space<semaphore_mem>>)
    %dma_wait3A_123 = arith.constant 0 : i32
    %dma_wait3A_124 = arith.constant 0 : i32
    %dma_wait3A_125 = tpu.memref_slice %arg8[%dma_wait3A_123, %dma_wait3A_124] : memref<10000x128xf32, #tpu.memory_space<vmem_shared>> -> memref<10000x128xf32, #tpu.memory_space<vmem_shared>>
    tpu.wait_indirect_dma semaphore(%arg40 : memref<!tpu.dma_semaphore, #tpu.memory_space<semaphore_mem>>) src(%arg19 : memref<40x128xf32, #tpu.memory_space<vmem>>) dst(%dma_wait3A_125 : memref<10000x128xf32, #tpu.memory_space<vmem_shared>>)
    %dma_wait3A_126 = arith.constant 9960 : i32
    %dma_wait3A_127 = tpu.memref_slice %arg7[%dma_wait3A_126] : memref<10000xi32, #tpu.memory_space<vmem>> -> memref<40xi32, #tpu.memory_space<vmem>>
    %dma_wait3A_128 = arith.constant 0 : i32
    %dma_wait3A_129 = arith.constant 0 : i32
    %dma_wait3A_130 = tpu.memref_slice %arg4[%dma_wait3A_128, %dma_wait3A_129] : memref<10000x128xf32, #tpu.memory_space<hbm>> -> memref<10000x128xf32, #tpu.memory_space<hbm>>
    tpu.wait_indirect_dma semaphore(%arg27 : memref<!tpu.dma_semaphore, #tpu.memory_space<semaphore_mem>>) src(%dma_wait3A_130 : memref<10000x128xf32, #tpu.memory_space<hbm>>) dst(%arg20 : memref<40x128xf32, #tpu.memory_space<vmem>>)
    %dma_wait3A_131 = tpu.memref_slice %arg3[%mul3A_2] : memref<320000xi32, #tpu.memory_space<hbm>> -> memref<40xi32, #tpu.memory_space<hbm>>
    %dma_wait3A_132 = tpu.memref_slice %arg3[%mul3A_2] : memref<320000xi32, #tpu.memory_space<hbm>> -> memref<40xi32, #tpu.memory_space<hbm>>
    tpu.wait_dma2 semaphore(%arg34 : memref<!tpu.dma_semaphore, #tpu.memory_space<semaphore_mem>>) src(%dma_wait3A_132 : memref<40xi32, #tpu.memory_space<hbm>>) dst(%arg13 : memref<40xi32, #tpu.memory_space<vmem>>)
    %dma_start3A_133 = arith.constant 0 : i32
    %dma_start3A_134 = arith.constant 0 : i32
    %dma_start3A_135 = tpu.memref_slice %arg8[%dma_start3A_133, %dma_start3A_134] : memref<10000x128xf32, #tpu.memory_space<vmem_shared>> -> memref<10000x128xf32, #tpu.memory_space<vmem_shared>>
    tpu.enqueue_indirect_dma source(%arg20 : memref<40x128xf32, #tpu.memory_space<vmem>>) target(%dma_start3A_135 : memref<10000x128xf32, #tpu.memory_space<vmem_shared>>) offsets(%arg13 : memref<40xi32, #tpu.memory_space<vmem>>) semaphore(%arg41 : memref<!tpu.dma_semaphore, #tpu.memory_space<semaphore_mem>>)
    %dma_wait3A_136 = arith.constant 0 : i32
    %dma_wait3A_137 = arith.constant 0 : i32
    %dma_wait3A_138 = tpu.memref_slice %arg8[%dma_wait3A_136, %dma_wait3A_137] : memref<10000x128xf32, #tpu.memory_space<vmem_shared>> -> memref<10000x128xf32, #tpu.memory_space<vmem_shared>>
    tpu.wait_indirect_dma semaphore(%arg41 : memref<!tpu.dma_semaphore, #tpu.memory_space<semaphore_mem>>) src(%arg20 : memref<40x128xf32, #tpu.memory_space<vmem>>) dst(%dma_wait3A_138 : memref<10000x128xf32, #tpu.memory_space<vmem_shared>>)
    %barrier3A_139 = arith.constant 0 : index
    tpu.barrier barrier_id(%barrier3A_139)
    %mul3A_140 = arith.constant 10000 : i32
    %mul3A_141 = arith.muli %arg0, %mul3A_140 : i32
    %mul3A_142 = arith.constant 624 : i32
    %mul3A_143 = arith.muli %arg1, %mul3A_142 : i32
    %add3A_144 = arith.addi %mul3A_141, %mul3A_143 : i32
    "tpu.region"() ({
      %run_scoped3A = tpu.sem_alloc : memref<!tpu.dma_semaphore, #tpu.memory_space<semaphore_mem>>
      %dma_start3A_145 = arith.constant 0 : i32
      %dma_start3A_146 = tpu.memref_slice %arg6[%add3A_144, %dma_start3A_145] : memref<20000x128xf32, #tpu.memory_space<hbm>> -> memref<640x128xf32, #tpu.memory_space<hbm>>
      %dma_start3A_147 = arith.constant 0 : i32
      %dma_start3A_148 = tpu.memref_slice %arg8[%mul3A_4, %dma_start3A_147] : memref<10000x128xf32, #tpu.memory_space<vmem_shared>> -> memref<640x128xf32, #tpu.memory_space<vmem_shared>>
      tpu.enqueue_dma source(%dma_start3A_148 : memref<640x128xf32, #tpu.memory_space<vmem_shared>>) target(%dma_start3A_146 : memref<640x128xf32, #tpu.memory_space<hbm>>) target_semaphore(%run_scoped3A : memref<!tpu.dma_semaphore, #tpu.memory_space<semaphore_mem>>)
      %dma_wait3A_149 = arith.constant 0 : i32
      %dma_wait3A_150 = tpu.memref_slice %arg6[%add3A_144, %dma_wait3A_149] : memref<20000x128xf32, #tpu.memory_space<hbm>> -> memref<640x128xf32, #tpu.memory_space<hbm>>
      %dma_wait3A_151 = arith.constant 0 : i32
      %dma_wait3A_152 = tpu.memref_slice %arg8[%mul3A_4, %dma_wait3A_151] : memref<10000x128xf32, #tpu.memory_space<vmem_shared>> -> memref<640x128xf32, #tpu.memory_space<vmem_shared>>
      tpu.wait_dma2 semaphore(%run_scoped3A : memref<!tpu.dma_semaphore, #tpu.memory_space<semaphore_mem>>) src(%dma_wait3A_152 : memref<640x128xf32, #tpu.memory_space<vmem_shared>>) dst(%dma_wait3A_150 : memref<640x128xf32, #tpu.memory_space<hbm>>)
      tpu.yield
    }) : () -> ()
    return
  }
}

#map = affine_map<(d0, d1) -> (0)>
#map1 = affine_map<(d0, d1) -> (0, 0)>
module attributes {stable_mosaic.version = 14 : i64} {
  func.func @seg(%arg0: i32, %arg1: i32, %arg2: memref<320000xi32, #tpu.memory_space<hbm>>, %arg3: memref<320000xi32, #tpu.memory_space<hbm>>, %arg4: memref<10000x128xf32, #tpu.memory_space<hbm>>, %arg5: memref<10000x128xf32, #tpu.memory_space<hbm>>, %arg6: memref<20000x128xf32, #tpu.memory_space<hbm>>, %arg7: memref<10000xi32, #tpu.memory_space<vmem>>, %arg8: memref<10000x128xf32, #tpu.memory_space<vmem_shared>>, %arg9: memref<40xi32, #tpu.memory_space<vmem>>, %arg10: memref<40xi32, #tpu.memory_space<vmem>>, %arg11: memref<40xi32, #tpu.memory_space<vmem>>, %arg12: memref<40xi32, #tpu.memory_space<vmem>>, %arg13: memref<40xi32, #tpu.memory_space<vmem>>, %arg14: memref<40xi32, #tpu.memory_space<vmem>>, %arg15: memref<40xi32, #tpu.memory_space<vmem>>, %arg16: memref<40x128xf32, #tpu.memory_space<vmem>>, %arg17: memref<40x128xf32, #tpu.memory_space<vmem>>, %arg18: memref<40x128xf32, #tpu.memory_space<vmem>>, %arg19: memref<40x128xf32, #tpu.memory_space<vmem>>, %arg20: memref<40x128xf32, #tpu.memory_space<vmem>>, %arg21: memref<40x128xf32, #tpu.memory_space<vmem>>, %arg22: memref<40x128xf32, #tpu.memory_space<vmem>>, %arg23: memref<!tpu.dma_semaphore, #tpu.memory_space<semaphore_mem>>, %arg24: memref<!tpu.dma_semaphore, #tpu.memory_space<semaphore_mem>>, %arg25: memref<!tpu.dma_semaphore, #tpu.memory_space<semaphore_mem>>, %arg26: memref<!tpu.dma_semaphore, #tpu.memory_space<semaphore_mem>>, %arg27: memref<!tpu.dma_semaphore, #tpu.memory_space<semaphore_mem>>, %arg28: memref<!tpu.dma_semaphore, #tpu.memory_space<semaphore_mem>>, %arg29: memref<!tpu.dma_semaphore, #tpu.memory_space<semaphore_mem>>, %arg30: memref<!tpu.dma_semaphore, #tpu.memory_space<semaphore_mem>>, %arg31: memref<!tpu.dma_semaphore, #tpu.memory_space<semaphore_mem>>, %arg32: memref<!tpu.dma_semaphore, #tpu.memory_space<semaphore_mem>>, %arg33: memref<!tpu.dma_semaphore, #tpu.memory_space<semaphore_mem>>, %arg34: memref<!tpu.dma_semaphore, #tpu.memory_space<semaphore_mem>>, %arg35: memref<!tpu.dma_semaphore, #tpu.memory_space<semaphore_mem>>, %arg36: memref<!tpu.dma_semaphore, #tpu.memory_space<semaphore_mem>>, %arg37: memref<!tpu.dma_semaphore, #tpu.memory_space<semaphore_mem>>, %arg38: memref<!tpu.dma_semaphore, #tpu.memory_space<semaphore_mem>>, %arg39: memref<!tpu.dma_semaphore, #tpu.memory_space<semaphore_mem>>, %arg40: memref<!tpu.dma_semaphore, #tpu.memory_space<semaphore_mem>>, %arg41: memref<!tpu.dma_semaphore, #tpu.memory_space<semaphore_mem>>, %arg42: memref<!tpu.dma_semaphore, #tpu.memory_space<semaphore_mem>>, %arg43: memref<!tpu.dma_semaphore, #tpu.memory_space<semaphore_mem>>, %arg44: memref<!tpu.dma_semaphore, #tpu.memory_space<semaphore_mem>>) attributes {dimension_semantics = [#tpu.dimension_semantics<core_parallel>, #tpu.dimension_semantics<subcore_parallel>], iteration_bounds = array<i64: 2, 16>, scalar_prefetch = 0 : i64, scratch_operands = 38 : i64, tpu.core_type = #tpu.core_type<sc_vector_subcore>, window_params = [{transform_indices = #map}, {transform_indices = #map}, {transform_indices = #map1}, {transform_indices = #map1}, {transform_indices = #map1}]} {
    %mul3A = arith.constant 16 : i32
    %mul3A_0 = arith.muli %arg0, %mul3A : i32
    %add3A = arith.addi %mul3A_0, %arg1 : i32
    %mul3A_1 = arith.constant 10000 : i32
    %mul3A_2 = arith.muli %add3A, %mul3A_1 : i32
    %mul3A_3 = arith.constant 624 : i32
    %mul3A_4 = arith.muli %arg1, %mul3A_3 : i32
    %eq3A = arith.constant 0 : i32
    %eq3A_5 = arith.cmpi eq, %arg0, %eq3A : i32
    %convert_element_type3A = arith.extui %eq3A_5 : i1 to i32
    %cond3A = arith.constant 0 : i32
    %cond3A_6 = arith.cmpi ne, %convert_element_type3A, %cond3A : i32
    scf.if %cond3A_6 {
      %dma_start3A_145 = arith.constant 0 : i32
      %dma_start3A_146 = tpu.memref_slice %arg8[%mul3A_4, %dma_start3A_145] : memref<10000x128xf32, #tpu.memory_space<vmem_shared>> -> memref<640x128xf32, #tpu.memory_space<vmem_shared>>
      %dma_start3A_147 = arith.constant 0 : i32
      %dma_start3A_148 = tpu.memref_slice %arg4[%mul3A_4, %dma_start3A_147] : memref<10000x128xf32, #tpu.memory_space<hbm>> -> memref<640x128xf32, #tpu.memory_space<hbm>>
      tpu.enqueue_dma source(%dma_start3A_148 : memref<640x128xf32, #tpu.memory_space<hbm>>) target(%dma_start3A_146 : memref<640x128xf32, #tpu.memory_space<vmem_shared>>) target_semaphore(%arg44 : memref<!tpu.dma_semaphore, #tpu.memory_space<semaphore_mem>>)
    } else {
    }
    %gt3A = arith.constant 0 : i32
    %gt3A_7 = arith.cmpi sgt, %arg0, %gt3A : i32
    %convert_element_type3A_8 = arith.extui %gt3A_7 : i1 to i32
    %cond3A_9 = arith.constant 0 : i32
    %cond3A_10 = arith.cmpi ne, %convert_element_type3A_8, %cond3A_9 : i32
    scf.if %cond3A_10 {
      %dma_start3A_145 = arith.constant 0 : i32
      %dma_start3A_146 = tpu.memref_slice %arg8[%mul3A_4, %dma_start3A_145] : memref<10000x128xf32, #tpu.memory_space<vmem_shared>> -> memref<640x128xf32, #tpu.memory_space<vmem_shared>>
      %dma_start3A_147 = arith.constant 0 : i32
      %dma_start3A_148 = tpu.memref_slice %arg5[%mul3A_4, %dma_start3A_147] : memref<10000x128xf32, #tpu.memory_space<hbm>> -> memref<640x128xf32, #tpu.memory_space<hbm>>
      tpu.enqueue_dma source(%dma_start3A_148 : memref<640x128xf32, #tpu.memory_space<hbm>>) target(%dma_start3A_146 : memref<640x128xf32, #tpu.memory_space<vmem_shared>>) target_semaphore(%arg44 : memref<!tpu.dma_semaphore, #tpu.memory_space<semaphore_mem>>)
    } else {
    }
    "tpu.region"() ({
      %run_scoped3A = tpu.sem_alloc : memref<!tpu.dma_semaphore, #tpu.memory_space<semaphore_mem>>
      %dma_start3A_145 = tpu.memref_slice %arg2[%mul3A_2] : memref<320000xi32, #tpu.memory_space<hbm>> -> memref<10000xi32, #tpu.memory_space<hbm>>
      %dma_start3A_146 = tpu.memref_slice %arg2[%mul3A_2] : memref<320000xi32, #tpu.memory_space<hbm>> -> memref<10000xi32, #tpu.memory_space<hbm>>
      tpu.enqueue_dma source(%dma_start3A_146 : memref<10000xi32, #tpu.memory_space<hbm>>) target(%arg7 : memref<10000xi32, #tpu.memory_space<vmem>>) target_semaphore(%run_scoped3A : memref<!tpu.dma_semaphore, #tpu.memory_space<semaphore_mem>>)
      %dma_wait3A_147 = tpu.memref_slice %arg2[%mul3A_2] : memref<320000xi32, #tpu.memory_space<hbm>> -> memref<10000xi32, #tpu.memory_space<hbm>>
      %dma_wait3A_148 = tpu.memref_slice %arg2[%mul3A_2] : memref<320000xi32, #tpu.memory_space<hbm>> -> memref<10000xi32, #tpu.memory_space<hbm>>
      tpu.wait_dma2 semaphore(%run_scoped3A : memref<!tpu.dma_semaphore, #tpu.memory_space<semaphore_mem>>) src(%dma_wait3A_148 : memref<10000xi32, #tpu.memory_space<hbm>>) dst(%arg7 : memref<10000xi32, #tpu.memory_space<vmem>>)
      tpu.yield
    }) : () -> ()
    %add3A_11 = arith.constant 0 : i32
    %add3A_12 = arith.addi %mul3A_2, %add3A_11 : i32
    %dma_start3A = tpu.memref_slice %arg3[%add3A_12] : memref<320000xi32, #tpu.memory_space<hbm>> -> memref<40xi32, #tpu.memory_space<hbm>>
    %dma_start3A_13 = tpu.memref_slice %arg3[%add3A_12] : memref<320000xi32, #tpu.memory_space<hbm>> -> memref<40xi32, #tpu.memory_space<hbm>>
    tpu.enqueue_dma source(%dma_start3A_13 : memref<40xi32, #tpu.memory_space<hbm>>) target(%arg9 : memref<40xi32, #tpu.memory_space<vmem>>) target_semaphore(%arg30 : memref<!tpu.dma_semaphore, #tpu.memory_space<semaphore_mem>>)
    %dma_start3A_14 = arith.constant 0 : i32
    %dma_start3A_15 = tpu.memref_slice %arg7[%dma_start3A_14] : memref<10000xi32, #tpu.memory_space<vmem>> -> memref<40xi32, #tpu.memory_space<vmem>>
    %dma_start3A_16 = arith.constant 0 : i32
    %dma_start3A_17 = arith.constant 0 : i32
    %dma_start3A_18 = tpu.memref_slice %arg4[%dma_start3A_16, %dma_start3A_17] : memref<10000x128xf32, #tpu.memory_space<hbm>> -> memref<10000x128xf32, #tpu.memory_space<hbm>>
    tpu.enqueue_indirect_dma source(%dma_start3A_18 : memref<10000x128xf32, #tpu.memory_space<hbm>>) target(%arg16 : memref<40x128xf32, #tpu.memory_space<vmem>>) offsets(%dma_start3A_15 : memref<40xi32, #tpu.memory_space<vmem>>) semaphore(%arg23 : memref<!tpu.dma_semaphore, #tpu.memory_space<semaphore_mem>>)
    %add3A_19 = arith.constant 40 : i32
    %add3A_20 = arith.addi %mul3A_2, %add3A_19 : i32
    %dma_start3A_21 = tpu.memref_slice %arg3[%add3A_20] : memref<320000xi32, #tpu.memory_space<hbm>> -> memref<40xi32, #tpu.memory_space<hbm>>
    %dma_start3A_22 = tpu.memref_slice %arg3[%add3A_20] : memref<320000xi32, #tpu.memory_space<hbm>> -> memref<40xi32, #tpu.memory_space<hbm>>
    tpu.enqueue_dma source(%dma_start3A_22 : memref<40xi32, #tpu.memory_space<hbm>>) target(%arg10 : memref<40xi32, #tpu.memory_space<vmem>>) target_semaphore(%arg31 : memref<!tpu.dma_semaphore, #tpu.memory_space<semaphore_mem>>)
    %dma_start3A_23 = arith.constant 40 : i32
    %dma_start3A_24 = tpu.memref_slice %arg7[%dma_start3A_23] : memref<10000xi32, #tpu.memory_space<vmem>> -> memref<40xi32, #tpu.memory_space<vmem>>
    %dma_start3A_25 = arith.constant 0 : i32
    %dma_start3A_26 = arith.constant 0 : i32
    %dma_start3A_27 = tpu.memref_slice %arg4[%dma_start3A_25, %dma_start3A_26] : memref<10000x128xf32, #tpu.memory_space<hbm>> -> memref<10000x128xf32, #tpu.memory_space<hbm>>
    tpu.enqueue_indirect_dma source(%dma_start3A_27 : memref<10000x128xf32, #tpu.memory_space<hbm>>) target(%arg17 : memref<40x128xf32, #tpu.memory_space<vmem>>) offsets(%dma_start3A_24 : memref<40xi32, #tpu.memory_space<vmem>>) semaphore(%arg24 : memref<!tpu.dma_semaphore, #tpu.memory_space<semaphore_mem>>)
    %add3A_28 = arith.constant 80 : i32
    %add3A_29 = arith.addi %mul3A_2, %add3A_28 : i32
    %dma_start3A_30 = tpu.memref_slice %arg3[%add3A_29] : memref<320000xi32, #tpu.memory_space<hbm>> -> memref<40xi32, #tpu.memory_space<hbm>>
    %dma_start3A_31 = tpu.memref_slice %arg3[%add3A_29] : memref<320000xi32, #tpu.memory_space<hbm>> -> memref<40xi32, #tpu.memory_space<hbm>>
    tpu.enqueue_dma source(%dma_start3A_31 : memref<40xi32, #tpu.memory_space<hbm>>) target(%arg11 : memref<40xi32, #tpu.memory_space<vmem>>) target_semaphore(%arg32 : memref<!tpu.dma_semaphore, #tpu.memory_space<semaphore_mem>>)
    %dma_start3A_32 = arith.constant 80 : i32
    %dma_start3A_33 = tpu.memref_slice %arg7[%dma_start3A_32] : memref<10000xi32, #tpu.memory_space<vmem>> -> memref<40xi32, #tpu.memory_space<vmem>>
    %dma_start3A_34 = arith.constant 0 : i32
    %dma_start3A_35 = arith.constant 0 : i32
    %dma_start3A_36 = tpu.memref_slice %arg4[%dma_start3A_34, %dma_start3A_35] : memref<10000x128xf32, #tpu.memory_space<hbm>> -> memref<10000x128xf32, #tpu.memory_space<hbm>>
    tpu.enqueue_indirect_dma source(%dma_start3A_36 : memref<10000x128xf32, #tpu.memory_space<hbm>>) target(%arg18 : memref<40x128xf32, #tpu.memory_space<vmem>>) offsets(%dma_start3A_33 : memref<40xi32, #tpu.memory_space<vmem>>) semaphore(%arg25 : memref<!tpu.dma_semaphore, #tpu.memory_space<semaphore_mem>>)
    %add3A_37 = arith.constant 120 : i32
    %add3A_38 = arith.addi %mul3A_2, %add3A_37 : i32
    %dma_start3A_39 = tpu.memref_slice %arg3[%add3A_38] : memref<320000xi32, #tpu.memory_space<hbm>> -> memref<40xi32, #tpu.memory_space<hbm>>
    %dma_start3A_40 = tpu.memref_slice %arg3[%add3A_38] : memref<320000xi32, #tpu.memory_space<hbm>> -> memref<40xi32, #tpu.memory_space<hbm>>
    tpu.enqueue_dma source(%dma_start3A_40 : memref<40xi32, #tpu.memory_space<hbm>>) target(%arg12 : memref<40xi32, #tpu.memory_space<vmem>>) target_semaphore(%arg33 : memref<!tpu.dma_semaphore, #tpu.memory_space<semaphore_mem>>)
    %dma_start3A_41 = arith.constant 120 : i32
    %dma_start3A_42 = tpu.memref_slice %arg7[%dma_start3A_41] : memref<10000xi32, #tpu.memory_space<vmem>> -> memref<40xi32, #tpu.memory_space<vmem>>
    %dma_start3A_43 = arith.constant 0 : i32
    %dma_start3A_44 = arith.constant 0 : i32
    %dma_start3A_45 = tpu.memref_slice %arg4[%dma_start3A_43, %dma_start3A_44] : memref<10000x128xf32, #tpu.memory_space<hbm>> -> memref<10000x128xf32, #tpu.memory_space<hbm>>
    tpu.enqueue_indirect_dma source(%dma_start3A_45 : memref<10000x128xf32, #tpu.memory_space<hbm>>) target(%arg19 : memref<40x128xf32, #tpu.memory_space<vmem>>) offsets(%dma_start3A_42 : memref<40xi32, #tpu.memory_space<vmem>>) semaphore(%arg26 : memref<!tpu.dma_semaphore, #tpu.memory_space<semaphore_mem>>)
    %add3A_46 = arith.constant 160 : i32
    %add3A_47 = arith.addi %mul3A_2, %add3A_46 : i32
    %dma_start3A_48 = tpu.memref_slice %arg3[%add3A_47] : memref<320000xi32, #tpu.memory_space<hbm>> -> memref<40xi32, #tpu.memory_space<hbm>>
    %dma_start3A_49 = tpu.memref_slice %arg3[%add3A_47] : memref<320000xi32, #tpu.memory_space<hbm>> -> memref<40xi32, #tpu.memory_space<hbm>>
    tpu.enqueue_dma source(%dma_start3A_49 : memref<40xi32, #tpu.memory_space<hbm>>) target(%arg13 : memref<40xi32, #tpu.memory_space<vmem>>) target_semaphore(%arg34 : memref<!tpu.dma_semaphore, #tpu.memory_space<semaphore_mem>>)
    %dma_start3A_50 = arith.constant 160 : i32
    %dma_start3A_51 = tpu.memref_slice %arg7[%dma_start3A_50] : memref<10000xi32, #tpu.memory_space<vmem>> -> memref<40xi32, #tpu.memory_space<vmem>>
    %dma_start3A_52 = arith.constant 0 : i32
    %dma_start3A_53 = arith.constant 0 : i32
    %dma_start3A_54 = tpu.memref_slice %arg4[%dma_start3A_52, %dma_start3A_53] : memref<10000x128xf32, #tpu.memory_space<hbm>> -> memref<10000x128xf32, #tpu.memory_space<hbm>>
    tpu.enqueue_indirect_dma source(%dma_start3A_54 : memref<10000x128xf32, #tpu.memory_space<hbm>>) target(%arg20 : memref<40x128xf32, #tpu.memory_space<vmem>>) offsets(%dma_start3A_51 : memref<40xi32, #tpu.memory_space<vmem>>) semaphore(%arg27 : memref<!tpu.dma_semaphore, #tpu.memory_space<semaphore_mem>>)
    %add3A_55 = arith.constant 200 : i32
    %add3A_56 = arith.addi %mul3A_2, %add3A_55 : i32
    %dma_start3A_57 = tpu.memref_slice %arg3[%add3A_56] : memref<320000xi32, #tpu.memory_space<hbm>> -> memref<40xi32, #tpu.memory_space<hbm>>
    %dma_start3A_58 = tpu.memref_slice %arg3[%add3A_56] : memref<320000xi32, #tpu.memory_space<hbm>> -> memref<40xi32, #tpu.memory_space<hbm>>
    tpu.enqueue_dma source(%dma_start3A_58 : memref<40xi32, #tpu.memory_space<hbm>>) target(%arg14 : memref<40xi32, #tpu.memory_space<vmem>>) target_semaphore(%arg35 : memref<!tpu.dma_semaphore, #tpu.memory_space<semaphore_mem>>)
    %dma_start3A_59 = arith.constant 200 : i32
    %dma_start3A_60 = tpu.memref_slice %arg7[%dma_start3A_59] : memref<10000xi32, #tpu.memory_space<vmem>> -> memref<40xi32, #tpu.memory_space<vmem>>
    %dma_start3A_61 = arith.constant 0 : i32
    %dma_start3A_62 = arith.constant 0 : i32
    %dma_start3A_63 = tpu.memref_slice %arg4[%dma_start3A_61, %dma_start3A_62] : memref<10000x128xf32, #tpu.memory_space<hbm>> -> memref<10000x128xf32, #tpu.memory_space<hbm>>
    tpu.enqueue_indirect_dma source(%dma_start3A_63 : memref<10000x128xf32, #tpu.memory_space<hbm>>) target(%arg21 : memref<40x128xf32, #tpu.memory_space<vmem>>) offsets(%dma_start3A_60 : memref<40xi32, #tpu.memory_space<vmem>>) semaphore(%arg28 : memref<!tpu.dma_semaphore, #tpu.memory_space<semaphore_mem>>)
    %dma_wait3A = arith.constant 0 : i32
    %dma_wait3A_64 = tpu.memref_slice %arg8[%mul3A_4, %dma_wait3A] : memref<10000x128xf32, #tpu.memory_space<vmem_shared>> -> memref<640x128xf32, #tpu.memory_space<vmem_shared>>
    %dma_wait3A_65 = arith.constant 0 : i32
    %dma_wait3A_66 = tpu.memref_slice %arg5[%mul3A_4, %dma_wait3A_65] : memref<10000x128xf32, #tpu.memory_space<hbm>> -> memref<640x128xf32, #tpu.memory_space<hbm>>
    tpu.wait_dma2 semaphore(%arg44 : memref<!tpu.dma_semaphore, #tpu.memory_space<semaphore_mem>>) src(%dma_wait3A_66 : memref<640x128xf32, #tpu.memory_space<hbm>>) dst(%dma_wait3A_64 : memref<640x128xf32, #tpu.memory_space<vmem_shared>>)
    %barrier3A = arith.constant 0 : index
    tpu.barrier barrier_id(%barrier3A)
    %scan3A = arith.constant 0 : i32
    %scan3A_67 = arith.constant 35 : i32
    %scan3A_68 = arith.addi %scan3A, %scan3A_67 : i32
    %scan3A_69 = arith.constant 1 : i32
    scf.for %scan3A_145 = %scan3A to %scan3A_68 step %scan3A_69  : i32 {
      %mul3A_146 = arith.constant 7 : i32
      %mul3A_147 = arith.muli %scan3A_145, %mul3A_146 : i32
      %add3A_148 = arith.constant 0 : i32
      %add3A_149 = arith.addi %add3A_148, %mul3A_147 : i32
      %add3A_150 = arith.constant 0 : i32
      %add3A_151 = arith.addi %add3A_149, %add3A_150 : i32
      %ge3A = arith.constant 1 : i32
      %ge3A_152 = arith.cmpi sge, %add3A_151, %ge3A : i32
      %convert_element_type3A_153 = arith.extui %ge3A_152 : i1 to i32
      %cond3A_154 = arith.constant 0 : i32
      %cond3A_155 = arith.cmpi ne, %convert_element_type3A_153, %cond3A_154 : i32
      scf.if %cond3A_155 {
        %dma_wait3A_323 = arith.constant 0 : i32
        %dma_wait3A_324 = arith.constant 0 : i32
        %dma_wait3A_325 = tpu.memref_slice %arg8[%dma_wait3A_323, %dma_wait3A_324] : memref<10000x128xf32, #tpu.memory_space<vmem_shared>> -> memref<10000x128xf32, #tpu.memory_space<vmem_shared>>
        tpu.wait_indirect_dma semaphore(%arg43 : memref<!tpu.dma_semaphore, #tpu.memory_space<semaphore_mem>>) src(%arg22 : memref<40x128xf32, #tpu.memory_space<vmem>>) dst(%dma_wait3A_325 : memref<10000x128xf32, #tpu.memory_space<vmem_shared>>)
      } else {
      }
      %add3A_156 = arith.constant 6 : i32
      %add3A_157 = arith.addi %add3A_151, %add3A_156 : i32
      %lt3A = arith.constant 250 : i32
      %lt3A_158 = arith.cmpi slt, %add3A_157, %lt3A : i32
      %convert_element_type3A_159 = arith.extui %lt3A_158 : i1 to i32
      %cond3A_160 = arith.constant 0 : i32
      %cond3A_161 = arith.cmpi ne, %convert_element_type3A_159, %cond3A_160 : i32
      scf.if %cond3A_161 {
        %add3A_323 = arith.constant 6 : i32
        %add3A_324 = arith.addi %add3A_151, %add3A_323 : i32
        %mul3A_325 = arith.constant 40 : i32
        %mul3A_326 = arith.muli %add3A_324, %mul3A_325 : i32
        %add3A_327 = arith.addi %mul3A_2, %mul3A_326 : i32
        %dma_start3A_328 = tpu.memref_slice %arg3[%add3A_327] : memref<320000xi32, #tpu.memory_space<hbm>> -> memref<40xi32, #tpu.memory_space<hbm>>
        %dma_start3A_329 = tpu.memref_slice %arg3[%add3A_327] : memref<320000xi32, #tpu.memory_space<hbm>> -> memref<40xi32, #tpu.memory_space<hbm>>
        tpu.enqueue_dma source(%dma_start3A_329 : memref<40xi32, #tpu.memory_space<hbm>>) target(%arg15 : memref<40xi32, #tpu.memory_space<vmem>>) target_semaphore(%arg36 : memref<!tpu.dma_semaphore, #tpu.memory_space<semaphore_mem>>)
        %mul3A_330 = arith.constant 40 : i32
        %mul3A_331 = arith.muli %add3A_324, %mul3A_330 : i32
        %dma_start3A_332 = tpu.memref_slice %arg7[%mul3A_331] : memref<10000xi32, #tpu.memory_space<vmem>> -> memref<40xi32, #tpu.memory_space<vmem>>
        %dma_start3A_333 = arith.constant 0 : i32
        %dma_start3A_334 = arith.constant 0 : i32
        %dma_start3A_335 = tpu.memref_slice %arg4[%dma_start3A_333, %dma_start3A_334] : memref<10000x128xf32, #tpu.memory_space<hbm>> -> memref<10000x128xf32, #tpu.memory_space<hbm>>
        tpu.enqueue_indirect_dma source(%dma_start3A_335 : memref<10000x128xf32, #tpu.memory_space<hbm>>) target(%arg22 : memref<40x128xf32, #tpu.memory_space<vmem>>) offsets(%dma_start3A_332 : memref<40xi32, #tpu.memory_space<vmem>>) semaphore(%arg29 : memref<!tpu.dma_semaphore, #tpu.memory_space<semaphore_mem>>)
      } else {
      }
      %mul3A_162 = arith.constant 40 : i32
      %mul3A_163 = arith.muli %add3A_151, %mul3A_162 : i32
      %dma_wait3A_164 = tpu.memref_slice %arg7[%mul3A_163] : memref<10000xi32, #tpu.memory_space<vmem>> -> memref<40xi32, #tpu.memory_space<vmem>>
      %dma_wait3A_165 = arith.constant 0 : i32
      %dma_wait3A_166 = arith.constant 0 : i32
      %dma_wait3A_167 = tpu.memref_slice %arg4[%dma_wait3A_165, %dma_wait3A_166] : memref<10000x128xf32, #tpu.memory_space<hbm>> -> memref<10000x128xf32, #tpu.memory_space<hbm>>
      tpu.wait_indirect_dma semaphore(%arg23 : memref<!tpu.dma_semaphore, #tpu.memory_space<semaphore_mem>>) src(%dma_wait3A_167 : memref<10000x128xf32, #tpu.memory_space<hbm>>) dst(%arg16 : memref<40x128xf32, #tpu.memory_space<vmem>>)
      %dma_wait3A_168 = tpu.memref_slice %arg3[%mul3A_2] : memref<320000xi32, #tpu.memory_space<hbm>> -> memref<40xi32, #tpu.memory_space<hbm>>
      %dma_wait3A_169 = tpu.memref_slice %arg3[%mul3A_2] : memref<320000xi32, #tpu.memory_space<hbm>> -> memref<40xi32, #tpu.memory_space<hbm>>
      tpu.wait_dma2 semaphore(%arg30 : memref<!tpu.dma_semaphore, #tpu.memory_space<semaphore_mem>>) src(%dma_wait3A_169 : memref<40xi32, #tpu.memory_space<hbm>>) dst(%arg9 : memref<40xi32, #tpu.memory_space<vmem>>)
      %dma_start3A_170 = arith.constant 0 : i32
      %dma_start3A_171 = arith.constant 0 : i32
      %dma_start3A_172 = tpu.memref_slice %arg8[%dma_start3A_170, %dma_start3A_171] : memref<10000x128xf32, #tpu.memory_space<vmem_shared>> -> memref<10000x128xf32, #tpu.memory_space<vmem_shared>>
      tpu.enqueue_indirect_dma source(%arg16 : memref<40x128xf32, #tpu.memory_space<vmem>>) target(%dma_start3A_172 : memref<10000x128xf32, #tpu.memory_space<vmem_shared>>) offsets(%arg9 : memref<40xi32, #tpu.memory_space<vmem>>) semaphore(%arg37 : memref<!tpu.dma_semaphore, #tpu.memory_space<semaphore_mem>>)
      %add3A_173 = arith.constant 1 : i32
      %add3A_174 = arith.addi %add3A_149, %add3A_173 : i32
      %ge3A_175 = arith.constant 1 : i32
      %ge3A_176 = arith.cmpi sge, %add3A_174, %ge3A_175 : i32
      %convert_element_type3A_177 = arith.extui %ge3A_176 : i1 to i32
      %cond3A_178 = arith.constant 0 : i32
      %cond3A_179 = arith.cmpi ne, %convert_element_type3A_177, %cond3A_178 : i32
      scf.if %cond3A_179 {
        %dma_wait3A_323 = arith.constant 0 : i32
        %dma_wait3A_324 = arith.constant 0 : i32
        %dma_wait3A_325 = tpu.memref_slice %arg8[%dma_wait3A_323, %dma_wait3A_324] : memref<10000x128xf32, #tpu.memory_space<vmem_shared>> -> memref<10000x128xf32, #tpu.memory_space<vmem_shared>>
        tpu.wait_indirect_dma semaphore(%arg37 : memref<!tpu.dma_semaphore, #tpu.memory_space<semaphore_mem>>) src(%arg16 : memref<40x128xf32, #tpu.memory_space<vmem>>) dst(%dma_wait3A_325 : memref<10000x128xf32, #tpu.memory_space<vmem_shared>>)
      } else {
      }
      %add3A_180 = arith.constant 6 : i32
      %add3A_181 = arith.addi %add3A_174, %add3A_180 : i32
      %lt3A_182 = arith.constant 250 : i32
      %lt3A_183 = arith.cmpi slt, %add3A_181, %lt3A_182 : i32
      %convert_element_type3A_184 = arith.extui %lt3A_183 : i1 to i32
      %cond3A_185 = arith.constant 0 : i32
      %cond3A_186 = arith.cmpi ne, %convert_element_type3A_184, %cond3A_185 : i32
      scf.if %cond3A_186 {
        %add3A_323 = arith.constant 6 : i32
        %add3A_324 = arith.addi %add3A_174, %add3A_323 : i32
        %mul3A_325 = arith.constant 40 : i32
        %mul3A_326 = arith.muli %add3A_324, %mul3A_325 : i32
        %add3A_327 = arith.addi %mul3A_2, %mul3A_326 : i32
        %dma_start3A_328 = tpu.memref_slice %arg3[%add3A_327] : memref<320000xi32, #tpu.memory_space<hbm>> -> memref<40xi32, #tpu.memory_space<hbm>>
        %dma_start3A_329 = tpu.memref_slice %arg3[%add3A_327] : memref<320000xi32, #tpu.memory_space<hbm>> -> memref<40xi32, #tpu.memory_space<hbm>>
        tpu.enqueue_dma source(%dma_start3A_329 : memref<40xi32, #tpu.memory_space<hbm>>) target(%arg9 : memref<40xi32, #tpu.memory_space<vmem>>) target_semaphore(%arg30 : memref<!tpu.dma_semaphore, #tpu.memory_space<semaphore_mem>>)
        %mul3A_330 = arith.constant 40 : i32
        %mul3A_331 = arith.muli %add3A_324, %mul3A_330 : i32
        %dma_start3A_332 = tpu.memref_slice %arg7[%mul3A_331] : memref<10000xi32, #tpu.memory_space<vmem>> -> memref<40xi32, #tpu.memory_space<vmem>>
        %dma_start3A_333 = arith.constant 0 : i32
        %dma_start3A_334 = arith.constant 0 : i32
        %dma_start3A_335 = tpu.memref_slice %arg4[%dma_start3A_333, %dma_start3A_334] : memref<10000x128xf32, #tpu.memory_space<hbm>> -> memref<10000x128xf32, #tpu.memory_space<hbm>>
        tpu.enqueue_indirect_dma source(%dma_start3A_335 : memref<10000x128xf32, #tpu.memory_space<hbm>>) target(%arg16 : memref<40x128xf32, #tpu.memory_space<vmem>>) offsets(%dma_start3A_332 : memref<40xi32, #tpu.memory_space<vmem>>) semaphore(%arg23 : memref<!tpu.dma_semaphore, #tpu.memory_space<semaphore_mem>>)
      } else {
      }
      %mul3A_187 = arith.constant 40 : i32
      %mul3A_188 = arith.muli %add3A_174, %mul3A_187 : i32
      %dma_wait3A_189 = tpu.memref_slice %arg7[%mul3A_188] : memref<10000xi32, #tpu.memory_space<vmem>> -> memref<40xi32, #tpu.memory_space<vmem>>
      %dma_wait3A_190 = arith.constant 0 : i32
      %dma_wait3A_191 = arith.constant 0 : i32
      %dma_wait3A_192 = tpu.memref_slice %arg4[%dma_wait3A_190, %dma_wait3A_191] : memref<10000x128xf32, #tpu.memory_space<hbm>> -> memref<10000x128xf32, #tpu.memory_space<hbm>>
      tpu.wait_indirect_dma semaphore(%arg24 : memref<!tpu.dma_semaphore, #tpu.memory_space<semaphore_mem>>) src(%dma_wait3A_192 : memref<10000x128xf32, #tpu.memory_space<hbm>>) dst(%arg17 : memref<40x128xf32, #tpu.memory_space<vmem>>)
      %dma_wait3A_193 = tpu.memref_slice %arg3[%mul3A_2] : memref<320000xi32, #tpu.memory_space<hbm>> -> memref<40xi32, #tpu.memory_space<hbm>>
      %dma_wait3A_194 = tpu.memref_slice %arg3[%mul3A_2] : memref<320000xi32, #tpu.memory_space<hbm>> -> memref<40xi32, #tpu.memory_space<hbm>>
      tpu.wait_dma2 semaphore(%arg31 : memref<!tpu.dma_semaphore, #tpu.memory_space<semaphore_mem>>) src(%dma_wait3A_194 : memref<40xi32, #tpu.memory_space<hbm>>) dst(%arg10 : memref<40xi32, #tpu.memory_space<vmem>>)
      %dma_start3A_195 = arith.constant 0 : i32
      %dma_start3A_196 = arith.constant 0 : i32
      %dma_start3A_197 = tpu.memref_slice %arg8[%dma_start3A_195, %dma_start3A_196] : memref<10000x128xf32, #tpu.memory_space<vmem_shared>> -> memref<10000x128xf32, #tpu.memory_space<vmem_shared>>
      tpu.enqueue_indirect_dma source(%arg17 : memref<40x128xf32, #tpu.memory_space<vmem>>) target(%dma_start3A_197 : memref<10000x128xf32, #tpu.memory_space<vmem_shared>>) offsets(%arg10 : memref<40xi32, #tpu.memory_space<vmem>>) semaphore(%arg38 : memref<!tpu.dma_semaphore, #tpu.memory_space<semaphore_mem>>)
      %add3A_198 = arith.constant 2 : i32
      %add3A_199 = arith.addi %add3A_149, %add3A_198 : i32
      %ge3A_200 = arith.constant 1 : i32
      %ge3A_201 = arith.cmpi sge, %add3A_199, %ge3A_200 : i32
      %convert_element_type3A_202 = arith.extui %ge3A_201 : i1 to i32
      %cond3A_203 = arith.constant 0 : i32
      %cond3A_204 = arith.cmpi ne, %convert_element_type3A_202, %cond3A_203 : i32
      scf.if %cond3A_204 {
        %dma_wait3A_323 = arith.constant 0 : i32
        %dma_wait3A_324 = arith.constant 0 : i32
        %dma_wait3A_325 = tpu.memref_slice %arg8[%dma_wait3A_323, %dma_wait3A_324] : memref<10000x128xf32, #tpu.memory_space<vmem_shared>> -> memref<10000x128xf32, #tpu.memory_space<vmem_shared>>
        tpu.wait_indirect_dma semaphore(%arg38 : memref<!tpu.dma_semaphore, #tpu.memory_space<semaphore_mem>>) src(%arg17 : memref<40x128xf32, #tpu.memory_space<vmem>>) dst(%dma_wait3A_325 : memref<10000x128xf32, #tpu.memory_space<vmem_shared>>)
      } else {
      }
      %add3A_205 = arith.constant 6 : i32
      %add3A_206 = arith.addi %add3A_199, %add3A_205 : i32
      %lt3A_207 = arith.constant 250 : i32
      %lt3A_208 = arith.cmpi slt, %add3A_206, %lt3A_207 : i32
      %convert_element_type3A_209 = arith.extui %lt3A_208 : i1 to i32
      %cond3A_210 = arith.constant 0 : i32
      %cond3A_211 = arith.cmpi ne, %convert_element_type3A_209, %cond3A_210 : i32
      scf.if %cond3A_211 {
        %add3A_323 = arith.constant 6 : i32
        %add3A_324 = arith.addi %add3A_199, %add3A_323 : i32
        %mul3A_325 = arith.constant 40 : i32
        %mul3A_326 = arith.muli %add3A_324, %mul3A_325 : i32
        %add3A_327 = arith.addi %mul3A_2, %mul3A_326 : i32
        %dma_start3A_328 = tpu.memref_slice %arg3[%add3A_327] : memref<320000xi32, #tpu.memory_space<hbm>> -> memref<40xi32, #tpu.memory_space<hbm>>
        %dma_start3A_329 = tpu.memref_slice %arg3[%add3A_327] : memref<320000xi32, #tpu.memory_space<hbm>> -> memref<40xi32, #tpu.memory_space<hbm>>
        tpu.enqueue_dma source(%dma_start3A_329 : memref<40xi32, #tpu.memory_space<hbm>>) target(%arg10 : memref<40xi32, #tpu.memory_space<vmem>>) target_semaphore(%arg31 : memref<!tpu.dma_semaphore, #tpu.memory_space<semaphore_mem>>)
        %mul3A_330 = arith.constant 40 : i32
        %mul3A_331 = arith.muli %add3A_324, %mul3A_330 : i32
        %dma_start3A_332 = tpu.memref_slice %arg7[%mul3A_331] : memref<10000xi32, #tpu.memory_space<vmem>> -> memref<40xi32, #tpu.memory_space<vmem>>
        %dma_start3A_333 = arith.constant 0 : i32
        %dma_start3A_334 = arith.constant 0 : i32
        %dma_start3A_335 = tpu.memref_slice %arg4[%dma_start3A_333, %dma_start3A_334] : memref<10000x128xf32, #tpu.memory_space<hbm>> -> memref<10000x128xf32, #tpu.memory_space<hbm>>
        tpu.enqueue_indirect_dma source(%dma_start3A_335 : memref<10000x128xf32, #tpu.memory_space<hbm>>) target(%arg17 : memref<40x128xf32, #tpu.memory_space<vmem>>) offsets(%dma_start3A_332 : memref<40xi32, #tpu.memory_space<vmem>>) semaphore(%arg24 : memref<!tpu.dma_semaphore, #tpu.memory_space<semaphore_mem>>)
      } else {
      }
      %mul3A_212 = arith.constant 40 : i32
      %mul3A_213 = arith.muli %add3A_199, %mul3A_212 : i32
      %dma_wait3A_214 = tpu.memref_slice %arg7[%mul3A_213] : memref<10000xi32, #tpu.memory_space<vmem>> -> memref<40xi32, #tpu.memory_space<vmem>>
      %dma_wait3A_215 = arith.constant 0 : i32
      %dma_wait3A_216 = arith.constant 0 : i32
      %dma_wait3A_217 = tpu.memref_slice %arg4[%dma_wait3A_215, %dma_wait3A_216] : memref<10000x128xf32, #tpu.memory_space<hbm>> -> memref<10000x128xf32, #tpu.memory_space<hbm>>
      tpu.wait_indirect_dma semaphore(%arg25 : memref<!tpu.dma_semaphore, #tpu.memory_space<semaphore_mem>>) src(%dma_wait3A_217 : memref<10000x128xf32, #tpu.memory_space<hbm>>) dst(%arg18 : memref<40x128xf32, #tpu.memory_space<vmem>>)
      %dma_wait3A_218 = tpu.memref_slice %arg3[%mul3A_2] : memref<320000xi32, #tpu.memory_space<hbm>> -> memref<40xi32, #tpu.memory_space<hbm>>
      %dma_wait3A_219 = tpu.memref_slice %arg3[%mul3A_2] : memref<320000xi32, #tpu.memory_space<hbm>> -> memref<40xi32, #tpu.memory_space<hbm>>
      tpu.wait_dma2 semaphore(%arg32 : memref<!tpu.dma_semaphore, #tpu.memory_space<semaphore_mem>>) src(%dma_wait3A_219 : memref<40xi32, #tpu.memory_space<hbm>>) dst(%arg11 : memref<40xi32, #tpu.memory_space<vmem>>)
      %dma_start3A_220 = arith.constant 0 : i32
      %dma_start3A_221 = arith.constant 0 : i32
      %dma_start3A_222 = tpu.memref_slice %arg8[%dma_start3A_220, %dma_start3A_221] : memref<10000x128xf32, #tpu.memory_space<vmem_shared>> -> memref<10000x128xf32, #tpu.memory_space<vmem_shared>>
      tpu.enqueue_indirect_dma source(%arg18 : memref<40x128xf32, #tpu.memory_space<vmem>>) target(%dma_start3A_222 : memref<10000x128xf32, #tpu.memory_space<vmem_shared>>) offsets(%arg11 : memref<40xi32, #tpu.memory_space<vmem>>) semaphore(%arg39 : memref<!tpu.dma_semaphore, #tpu.memory_space<semaphore_mem>>)
      %add3A_223 = arith.constant 3 : i32
      %add3A_224 = arith.addi %add3A_149, %add3A_223 : i32
      %ge3A_225 = arith.constant 1 : i32
      %ge3A_226 = arith.cmpi sge, %add3A_224, %ge3A_225 : i32
      %convert_element_type3A_227 = arith.extui %ge3A_226 : i1 to i32
      %cond3A_228 = arith.constant 0 : i32
      %cond3A_229 = arith.cmpi ne, %convert_element_type3A_227, %cond3A_228 : i32
      scf.if %cond3A_229 {
        %dma_wait3A_323 = arith.constant 0 : i32
        %dma_wait3A_324 = arith.constant 0 : i32
        %dma_wait3A_325 = tpu.memref_slice %arg8[%dma_wait3A_323, %dma_wait3A_324] : memref<10000x128xf32, #tpu.memory_space<vmem_shared>> -> memref<10000x128xf32, #tpu.memory_space<vmem_shared>>
        tpu.wait_indirect_dma semaphore(%arg39 : memref<!tpu.dma_semaphore, #tpu.memory_space<semaphore_mem>>) src(%arg18 : memref<40x128xf32, #tpu.memory_space<vmem>>) dst(%dma_wait3A_325 : memref<10000x128xf32, #tpu.memory_space<vmem_shared>>)
      } else {
      }
      %add3A_230 = arith.constant 6 : i32
      %add3A_231 = arith.addi %add3A_224, %add3A_230 : i32
      %lt3A_232 = arith.constant 250 : i32
      %lt3A_233 = arith.cmpi slt, %add3A_231, %lt3A_232 : i32
      %convert_element_type3A_234 = arith.extui %lt3A_233 : i1 to i32
      %cond3A_235 = arith.constant 0 : i32
      %cond3A_236 = arith.cmpi ne, %convert_element_type3A_234, %cond3A_235 : i32
      scf.if %cond3A_236 {
        %add3A_323 = arith.constant 6 : i32
        %add3A_324 = arith.addi %add3A_224, %add3A_323 : i32
        %mul3A_325 = arith.constant 40 : i32
        %mul3A_326 = arith.muli %add3A_324, %mul3A_325 : i32
        %add3A_327 = arith.addi %mul3A_2, %mul3A_326 : i32
        %dma_start3A_328 = tpu.memref_slice %arg3[%add3A_327] : memref<320000xi32, #tpu.memory_space<hbm>> -> memref<40xi32, #tpu.memory_space<hbm>>
        %dma_start3A_329 = tpu.memref_slice %arg3[%add3A_327] : memref<320000xi32, #tpu.memory_space<hbm>> -> memref<40xi32, #tpu.memory_space<hbm>>
        tpu.enqueue_dma source(%dma_start3A_329 : memref<40xi32, #tpu.memory_space<hbm>>) target(%arg11 : memref<40xi32, #tpu.memory_space<vmem>>) target_semaphore(%arg32 : memref<!tpu.dma_semaphore, #tpu.memory_space<semaphore_mem>>)
        %mul3A_330 = arith.constant 40 : i32
        %mul3A_331 = arith.muli %add3A_324, %mul3A_330 : i32
        %dma_start3A_332 = tpu.memref_slice %arg7[%mul3A_331] : memref<10000xi32, #tpu.memory_space<vmem>> -> memref<40xi32, #tpu.memory_space<vmem>>
        %dma_start3A_333 = arith.constant 0 : i32
        %dma_start3A_334 = arith.constant 0 : i32
        %dma_start3A_335 = tpu.memref_slice %arg4[%dma_start3A_333, %dma_start3A_334] : memref<10000x128xf32, #tpu.memory_space<hbm>> -> memref<10000x128xf32, #tpu.memory_space<hbm>>
        tpu.enqueue_indirect_dma source(%dma_start3A_335 : memref<10000x128xf32, #tpu.memory_space<hbm>>) target(%arg18 : memref<40x128xf32, #tpu.memory_space<vmem>>) offsets(%dma_start3A_332 : memref<40xi32, #tpu.memory_space<vmem>>) semaphore(%arg25 : memref<!tpu.dma_semaphore, #tpu.memory_space<semaphore_mem>>)
      } else {
      }
      %mul3A_237 = arith.constant 40 : i32
      %mul3A_238 = arith.muli %add3A_224, %mul3A_237 : i32
      %dma_wait3A_239 = tpu.memref_slice %arg7[%mul3A_238] : memref<10000xi32, #tpu.memory_space<vmem>> -> memref<40xi32, #tpu.memory_space<vmem>>
      %dma_wait3A_240 = arith.constant 0 : i32
      %dma_wait3A_241 = arith.constant 0 : i32
      %dma_wait3A_242 = tpu.memref_slice %arg4[%dma_wait3A_240, %dma_wait3A_241] : memref<10000x128xf32, #tpu.memory_space<hbm>> -> memref<10000x128xf32, #tpu.memory_space<hbm>>
      tpu.wait_indirect_dma semaphore(%arg26 : memref<!tpu.dma_semaphore, #tpu.memory_space<semaphore_mem>>) src(%dma_wait3A_242 : memref<10000x128xf32, #tpu.memory_space<hbm>>) dst(%arg19 : memref<40x128xf32, #tpu.memory_space<vmem>>)
      %dma_wait3A_243 = tpu.memref_slice %arg3[%mul3A_2] : memref<320000xi32, #tpu.memory_space<hbm>> -> memref<40xi32, #tpu.memory_space<hbm>>
      %dma_wait3A_244 = tpu.memref_slice %arg3[%mul3A_2] : memref<320000xi32, #tpu.memory_space<hbm>> -> memref<40xi32, #tpu.memory_space<hbm>>
      tpu.wait_dma2 semaphore(%arg33 : memref<!tpu.dma_semaphore, #tpu.memory_space<semaphore_mem>>) src(%dma_wait3A_244 : memref<40xi32, #tpu.memory_space<hbm>>) dst(%arg12 : memref<40xi32, #tpu.memory_space<vmem>>)
      %dma_start3A_245 = arith.constant 0 : i32
      %dma_start3A_246 = arith.constant 0 : i32
      %dma_start3A_247 = tpu.memref_slice %arg8[%dma_start3A_245, %dma_start3A_246] : memref<10000x128xf32, #tpu.memory_space<vmem_shared>> -> memref<10000x128xf32, #tpu.memory_space<vmem_shared>>
      tpu.enqueue_indirect_dma source(%arg19 : memref<40x128xf32, #tpu.memory_space<vmem>>) target(%dma_start3A_247 : memref<10000x128xf32, #tpu.memory_space<vmem_shared>>) offsets(%arg12 : memref<40xi32, #tpu.memory_space<vmem>>) semaphore(%arg40 : memref<!tpu.dma_semaphore, #tpu.memory_space<semaphore_mem>>)
      %add3A_248 = arith.constant 4 : i32
      %add3A_249 = arith.addi %add3A_149, %add3A_248 : i32
      %ge3A_250 = arith.constant 1 : i32
      %ge3A_251 = arith.cmpi sge, %add3A_249, %ge3A_250 : i32
      %convert_element_type3A_252 = arith.extui %ge3A_251 : i1 to i32
      %cond3A_253 = arith.constant 0 : i32
      %cond3A_254 = arith.cmpi ne, %convert_element_type3A_252, %cond3A_253 : i32
      scf.if %cond3A_254 {
        %dma_wait3A_323 = arith.constant 0 : i32
        %dma_wait3A_324 = arith.constant 0 : i32
        %dma_wait3A_325 = tpu.memref_slice %arg8[%dma_wait3A_323, %dma_wait3A_324] : memref<10000x128xf32, #tpu.memory_space<vmem_shared>> -> memref<10000x128xf32, #tpu.memory_space<vmem_shared>>
        tpu.wait_indirect_dma semaphore(%arg40 : memref<!tpu.dma_semaphore, #tpu.memory_space<semaphore_mem>>) src(%arg19 : memref<40x128xf32, #tpu.memory_space<vmem>>) dst(%dma_wait3A_325 : memref<10000x128xf32, #tpu.memory_space<vmem_shared>>)
      } else {
      }
      %add3A_255 = arith.constant 6 : i32
      %add3A_256 = arith.addi %add3A_249, %add3A_255 : i32
      %lt3A_257 = arith.constant 250 : i32
      %lt3A_258 = arith.cmpi slt, %add3A_256, %lt3A_257 : i32
      %convert_element_type3A_259 = arith.extui %lt3A_258 : i1 to i32
      %cond3A_260 = arith.constant 0 : i32
      %cond3A_261 = arith.cmpi ne, %convert_element_type3A_259, %cond3A_260 : i32
      scf.if %cond3A_261 {
        %add3A_323 = arith.constant 6 : i32
        %add3A_324 = arith.addi %add3A_249, %add3A_323 : i32
        %mul3A_325 = arith.constant 40 : i32
        %mul3A_326 = arith.muli %add3A_324, %mul3A_325 : i32
        %add3A_327 = arith.addi %mul3A_2, %mul3A_326 : i32
        %dma_start3A_328 = tpu.memref_slice %arg3[%add3A_327] : memref<320000xi32, #tpu.memory_space<hbm>> -> memref<40xi32, #tpu.memory_space<hbm>>
        %dma_start3A_329 = tpu.memref_slice %arg3[%add3A_327] : memref<320000xi32, #tpu.memory_space<hbm>> -> memref<40xi32, #tpu.memory_space<hbm>>
        tpu.enqueue_dma source(%dma_start3A_329 : memref<40xi32, #tpu.memory_space<hbm>>) target(%arg12 : memref<40xi32, #tpu.memory_space<vmem>>) target_semaphore(%arg33 : memref<!tpu.dma_semaphore, #tpu.memory_space<semaphore_mem>>)
        %mul3A_330 = arith.constant 40 : i32
        %mul3A_331 = arith.muli %add3A_324, %mul3A_330 : i32
        %dma_start3A_332 = tpu.memref_slice %arg7[%mul3A_331] : memref<10000xi32, #tpu.memory_space<vmem>> -> memref<40xi32, #tpu.memory_space<vmem>>
        %dma_start3A_333 = arith.constant 0 : i32
        %dma_start3A_334 = arith.constant 0 : i32
        %dma_start3A_335 = tpu.memref_slice %arg4[%dma_start3A_333, %dma_start3A_334] : memref<10000x128xf32, #tpu.memory_space<hbm>> -> memref<10000x128xf32, #tpu.memory_space<hbm>>
        tpu.enqueue_indirect_dma source(%dma_start3A_335 : memref<10000x128xf32, #tpu.memory_space<hbm>>) target(%arg19 : memref<40x128xf32, #tpu.memory_space<vmem>>) offsets(%dma_start3A_332 : memref<40xi32, #tpu.memory_space<vmem>>) semaphore(%arg26 : memref<!tpu.dma_semaphore, #tpu.memory_space<semaphore_mem>>)
      } else {
      }
      %mul3A_262 = arith.constant 40 : i32
      %mul3A_263 = arith.muli %add3A_249, %mul3A_262 : i32
      %dma_wait3A_264 = tpu.memref_slice %arg7[%mul3A_263] : memref<10000xi32, #tpu.memory_space<vmem>> -> memref<40xi32, #tpu.memory_space<vmem>>
      %dma_wait3A_265 = arith.constant 0 : i32
      %dma_wait3A_266 = arith.constant 0 : i32
      %dma_wait3A_267 = tpu.memref_slice %arg4[%dma_wait3A_265, %dma_wait3A_266] : memref<10000x128xf32, #tpu.memory_space<hbm>> -> memref<10000x128xf32, #tpu.memory_space<hbm>>
      tpu.wait_indirect_dma semaphore(%arg27 : memref<!tpu.dma_semaphore, #tpu.memory_space<semaphore_mem>>) src(%dma_wait3A_267 : memref<10000x128xf32, #tpu.memory_space<hbm>>) dst(%arg20 : memref<40x128xf32, #tpu.memory_space<vmem>>)
      %dma_wait3A_268 = tpu.memref_slice %arg3[%mul3A_2] : memref<320000xi32, #tpu.memory_space<hbm>> -> memref<40xi32, #tpu.memory_space<hbm>>
      %dma_wait3A_269 = tpu.memref_slice %arg3[%mul3A_2] : memref<320000xi32, #tpu.memory_space<hbm>> -> memref<40xi32, #tpu.memory_space<hbm>>
      tpu.wait_dma2 semaphore(%arg34 : memref<!tpu.dma_semaphore, #tpu.memory_space<semaphore_mem>>) src(%dma_wait3A_269 : memref<40xi32, #tpu.memory_space<hbm>>) dst(%arg13 : memref<40xi32, #tpu.memory_space<vmem>>)
      %dma_start3A_270 = arith.constant 0 : i32
      %dma_start3A_271 = arith.constant 0 : i32
      %dma_start3A_272 = tpu.memref_slice %arg8[%dma_start3A_270, %dma_start3A_271] : memref<10000x128xf32, #tpu.memory_space<vmem_shared>> -> memref<10000x128xf32, #tpu.memory_space<vmem_shared>>
      tpu.enqueue_indirect_dma source(%arg20 : memref<40x128xf32, #tpu.memory_space<vmem>>) target(%dma_start3A_272 : memref<10000x128xf32, #tpu.memory_space<vmem_shared>>) offsets(%arg13 : memref<40xi32, #tpu.memory_space<vmem>>) semaphore(%arg41 : memref<!tpu.dma_semaphore, #tpu.memory_space<semaphore_mem>>)
      %add3A_273 = arith.constant 5 : i32
      %add3A_274 = arith.addi %add3A_149, %add3A_273 : i32
      %ge3A_275 = arith.constant 1 : i32
      %ge3A_276 = arith.cmpi sge, %add3A_274, %ge3A_275 : i32
      %convert_element_type3A_277 = arith.extui %ge3A_276 : i1 to i32
      %cond3A_278 = arith.constant 0 : i32
      %cond3A_279 = arith.cmpi ne, %convert_element_type3A_277, %cond3A_278 : i32
      scf.if %cond3A_279 {
        %dma_wait3A_323 = arith.constant 0 : i32
        %dma_wait3A_324 = arith.constant 0 : i32
        %dma_wait3A_325 = tpu.memref_slice %arg8[%dma_wait3A_323, %dma_wait3A_324] : memref<10000x128xf32, #tpu.memory_space<vmem_shared>> -> memref<10000x128xf32, #tpu.memory_space<vmem_shared>>
        tpu.wait_indirect_dma semaphore(%arg41 : memref<!tpu.dma_semaphore, #tpu.memory_space<semaphore_mem>>) src(%arg20 : memref<40x128xf32, #tpu.memory_space<vmem>>) dst(%dma_wait3A_325 : memref<10000x128xf32, #tpu.memory_space<vmem_shared>>)
      } else {
      }
      %add3A_280 = arith.constant 6 : i32
      %add3A_281 = arith.addi %add3A_274, %add3A_280 : i32
      %lt3A_282 = arith.constant 250 : i32
      %lt3A_283 = arith.cmpi slt, %add3A_281, %lt3A_282 : i32
      %convert_element_type3A_284 = arith.extui %lt3A_283 : i1 to i32
      %cond3A_285 = arith.constant 0 : i32
      %cond3A_286 = arith.cmpi ne, %convert_element_type3A_284, %cond3A_285 : i32
      scf.if %cond3A_286 {
        %add3A_323 = arith.constant 6 : i32
        %add3A_324 = arith.addi %add3A_274, %add3A_323 : i32
        %mul3A_325 = arith.constant 40 : i32
        %mul3A_326 = arith.muli %add3A_324, %mul3A_325 : i32
        %add3A_327 = arith.addi %mul3A_2, %mul3A_326 : i32
        %dma_start3A_328 = tpu.memref_slice %arg3[%add3A_327] : memref<320000xi32, #tpu.memory_space<hbm>> -> memref<40xi32, #tpu.memory_space<hbm>>
        %dma_start3A_329 = tpu.memref_slice %arg3[%add3A_327] : memref<320000xi32, #tpu.memory_space<hbm>> -> memref<40xi32, #tpu.memory_space<hbm>>
        tpu.enqueue_dma source(%dma_start3A_329 : memref<40xi32, #tpu.memory_space<hbm>>) target(%arg13 : memref<40xi32, #tpu.memory_space<vmem>>) target_semaphore(%arg34 : memref<!tpu.dma_semaphore, #tpu.memory_space<semaphore_mem>>)
        %mul3A_330 = arith.constant 40 : i32
        %mul3A_331 = arith.muli %add3A_324, %mul3A_330 : i32
        %dma_start3A_332 = tpu.memref_slice %arg7[%mul3A_331] : memref<10000xi32, #tpu.memory_space<vmem>> -> memref<40xi32, #tpu.memory_space<vmem>>
        %dma_start3A_333 = arith.constant 0 : i32
        %dma_start3A_334 = arith.constant 0 : i32
        %dma_start3A_335 = tpu.memref_slice %arg4[%dma_start3A_333, %dma_start3A_334] : memref<10000x128xf32, #tpu.memory_space<hbm>> -> memref<10000x128xf32, #tpu.memory_space<hbm>>
        tpu.enqueue_indirect_dma source(%dma_start3A_335 : memref<10000x128xf32, #tpu.memory_space<hbm>>) target(%arg20 : memref<40x128xf32, #tpu.memory_space<vmem>>) offsets(%dma_start3A_332 : memref<40xi32, #tpu.memory_space<vmem>>) semaphore(%arg27 : memref<!tpu.dma_semaphore, #tpu.memory_space<semaphore_mem>>)
      } else {
      }
      %mul3A_287 = arith.constant 40 : i32
      %mul3A_288 = arith.muli %add3A_274, %mul3A_287 : i32
      %dma_wait3A_289 = tpu.memref_slice %arg7[%mul3A_288] : memref<10000xi32, #tpu.memory_space<vmem>> -> memref<40xi32, #tpu.memory_space<vmem>>
      %dma_wait3A_290 = arith.constant 0 : i32
      %dma_wait3A_291 = arith.constant 0 : i32
      %dma_wait3A_292 = tpu.memref_slice %arg4[%dma_wait3A_290, %dma_wait3A_291] : memref<10000x128xf32, #tpu.memory_space<hbm>> -> memref<10000x128xf32, #tpu.memory_space<hbm>>
      tpu.wait_indirect_dma semaphore(%arg28 : memref<!tpu.dma_semaphore, #tpu.memory_space<semaphore_mem>>) src(%dma_wait3A_292 : memref<10000x128xf32, #tpu.memory_space<hbm>>) dst(%arg21 : memref<40x128xf32, #tpu.memory_space<vmem>>)
      %dma_wait3A_293 = tpu.memref_slice %arg3[%mul3A_2] : memref<320000xi32, #tpu.memory_space<hbm>> -> memref<40xi32, #tpu.memory_space<hbm>>
      %dma_wait3A_294 = tpu.memref_slice %arg3[%mul3A_2] : memref<320000xi32, #tpu.memory_space<hbm>> -> memref<40xi32, #tpu.memory_space<hbm>>
      tpu.wait_dma2 semaphore(%arg35 : memref<!tpu.dma_semaphore, #tpu.memory_space<semaphore_mem>>) src(%dma_wait3A_294 : memref<40xi32, #tpu.memory_space<hbm>>) dst(%arg14 : memref<40xi32, #tpu.memory_space<vmem>>)
      %dma_start3A_295 = arith.constant 0 : i32
      %dma_start3A_296 = arith.constant 0 : i32
      %dma_start3A_297 = tpu.memref_slice %arg8[%dma_start3A_295, %dma_start3A_296] : memref<10000x128xf32, #tpu.memory_space<vmem_shared>> -> memref<10000x128xf32, #tpu.memory_space<vmem_shared>>
      tpu.enqueue_indirect_dma source(%arg21 : memref<40x128xf32, #tpu.memory_space<vmem>>) target(%dma_start3A_297 : memref<10000x128xf32, #tpu.memory_space<vmem_shared>>) offsets(%arg14 : memref<40xi32, #tpu.memory_space<vmem>>) semaphore(%arg42 : memref<!tpu.dma_semaphore, #tpu.memory_space<semaphore_mem>>)
      %add3A_298 = arith.constant 6 : i32
      %add3A_299 = arith.addi %add3A_149, %add3A_298 : i32
      %ge3A_300 = arith.constant 1 : i32
      %ge3A_301 = arith.cmpi sge, %add3A_299, %ge3A_300 : i32
      %convert_element_type3A_302 = arith.extui %ge3A_301 : i1 to i32
      %cond3A_303 = arith.constant 0 : i32
      %cond3A_304 = arith.cmpi ne, %convert_element_type3A_302, %cond3A_303 : i32
      scf.if %cond3A_304 {
        %dma_wait3A_323 = arith.constant 0 : i32
        %dma_wait3A_324 = arith.constant 0 : i32
        %dma_wait3A_325 = tpu.memref_slice %arg8[%dma_wait3A_323, %dma_wait3A_324] : memref<10000x128xf32, #tpu.memory_space<vmem_shared>> -> memref<10000x128xf32, #tpu.memory_space<vmem_shared>>
        tpu.wait_indirect_dma semaphore(%arg42 : memref<!tpu.dma_semaphore, #tpu.memory_space<semaphore_mem>>) src(%arg21 : memref<40x128xf32, #tpu.memory_space<vmem>>) dst(%dma_wait3A_325 : memref<10000x128xf32, #tpu.memory_space<vmem_shared>>)
      } else {
      }
      %add3A_305 = arith.constant 6 : i32
      %add3A_306 = arith.addi %add3A_299, %add3A_305 : i32
      %lt3A_307 = arith.constant 250 : i32
      %lt3A_308 = arith.cmpi slt, %add3A_306, %lt3A_307 : i32
      %convert_element_type3A_309 = arith.extui %lt3A_308 : i1 to i32
      %cond3A_310 = arith.constant 0 : i32
      %cond3A_311 = arith.cmpi ne, %convert_element_type3A_309, %cond3A_310 : i32
      scf.if %cond3A_311 {
        %add3A_323 = arith.constant 6 : i32
        %add3A_324 = arith.addi %add3A_299, %add3A_323 : i32
        %mul3A_325 = arith.constant 40 : i32
        %mul3A_326 = arith.muli %add3A_324, %mul3A_325 : i32
        %add3A_327 = arith.addi %mul3A_2, %mul3A_326 : i32
        %dma_start3A_328 = tpu.memref_slice %arg3[%add3A_327] : memref<320000xi32, #tpu.memory_space<hbm>> -> memref<40xi32, #tpu.memory_space<hbm>>
        %dma_start3A_329 = tpu.memref_slice %arg3[%add3A_327] : memref<320000xi32, #tpu.memory_space<hbm>> -> memref<40xi32, #tpu.memory_space<hbm>>
        tpu.enqueue_dma source(%dma_start3A_329 : memref<40xi32, #tpu.memory_space<hbm>>) target(%arg14 : memref<40xi32, #tpu.memory_space<vmem>>) target_semaphore(%arg35 : memref<!tpu.dma_semaphore, #tpu.memory_space<semaphore_mem>>)
        %mul3A_330 = arith.constant 40 : i32
        %mul3A_331 = arith.muli %add3A_324, %mul3A_330 : i32
        %dma_start3A_332 = tpu.memref_slice %arg7[%mul3A_331] : memref<10000xi32, #tpu.memory_space<vmem>> -> memref<40xi32, #tpu.memory_space<vmem>>
        %dma_start3A_333 = arith.constant 0 : i32
        %dma_start3A_334 = arith.constant 0 : i32
        %dma_start3A_335 = tpu.memref_slice %arg4[%dma_start3A_333, %dma_start3A_334] : memref<10000x128xf32, #tpu.memory_space<hbm>> -> memref<10000x128xf32, #tpu.memory_space<hbm>>
        tpu.enqueue_indirect_dma source(%dma_start3A_335 : memref<10000x128xf32, #tpu.memory_space<hbm>>) target(%arg21 : memref<40x128xf32, #tpu.memory_space<vmem>>) offsets(%dma_start3A_332 : memref<40xi32, #tpu.memory_space<vmem>>) semaphore(%arg28 : memref<!tpu.dma_semaphore, #tpu.memory_space<semaphore_mem>>)
      } else {
      }
      %mul3A_312 = arith.constant 40 : i32
      %mul3A_313 = arith.muli %add3A_299, %mul3A_312 : i32
      %dma_wait3A_314 = tpu.memref_slice %arg7[%mul3A_313] : memref<10000xi32, #tpu.memory_space<vmem>> -> memref<40xi32, #tpu.memory_space<vmem>>
      %dma_wait3A_315 = arith.constant 0 : i32
      %dma_wait3A_316 = arith.constant 0 : i32
      %dma_wait3A_317 = tpu.memref_slice %arg4[%dma_wait3A_315, %dma_wait3A_316] : memref<10000x128xf32, #tpu.memory_space<hbm>> -> memref<10000x128xf32, #tpu.memory_space<hbm>>
      tpu.wait_indirect_dma semaphore(%arg29 : memref<!tpu.dma_semaphore, #tpu.memory_space<semaphore_mem>>) src(%dma_wait3A_317 : memref<10000x128xf32, #tpu.memory_space<hbm>>) dst(%arg22 : memref<40x128xf32, #tpu.memory_space<vmem>>)
      %dma_wait3A_318 = tpu.memref_slice %arg3[%mul3A_2] : memref<320000xi32, #tpu.memory_space<hbm>> -> memref<40xi32, #tpu.memory_space<hbm>>
      %dma_wait3A_319 = tpu.memref_slice %arg3[%mul3A_2] : memref<320000xi32, #tpu.memory_space<hbm>> -> memref<40xi32, #tpu.memory_space<hbm>>
      tpu.wait_dma2 semaphore(%arg36 : memref<!tpu.dma_semaphore, #tpu.memory_space<semaphore_mem>>) src(%dma_wait3A_319 : memref<40xi32, #tpu.memory_space<hbm>>) dst(%arg15 : memref<40xi32, #tpu.memory_space<vmem>>)
      %dma_start3A_320 = arith.constant 0 : i32
      %dma_start3A_321 = arith.constant 0 : i32
      %dma_start3A_322 = tpu.memref_slice %arg8[%dma_start3A_320, %dma_start3A_321] : memref<10000x128xf32, #tpu.memory_space<vmem_shared>> -> memref<10000x128xf32, #tpu.memory_space<vmem_shared>>
      tpu.enqueue_indirect_dma source(%arg22 : memref<40x128xf32, #tpu.memory_space<vmem>>) target(%dma_start3A_322 : memref<10000x128xf32, #tpu.memory_space<vmem_shared>>) offsets(%arg15 : memref<40xi32, #tpu.memory_space<vmem>>) semaphore(%arg43 : memref<!tpu.dma_semaphore, #tpu.memory_space<semaphore_mem>>)
    }
    %scan3A_70 = arith.constant 35 : i32
    %dma_wait3A_71 = arith.constant 0 : i32
    %dma_wait3A_72 = arith.constant 0 : i32
    %dma_wait3A_73 = tpu.memref_slice %arg8[%dma_wait3A_71, %dma_wait3A_72] : memref<10000x128xf32, #tpu.memory_space<vmem_shared>> -> memref<10000x128xf32, #tpu.memory_space<vmem_shared>>
    tpu.wait_indirect_dma semaphore(%arg43 : memref<!tpu.dma_semaphore, #tpu.memory_space<semaphore_mem>>) src(%arg22 : memref<40x128xf32, #tpu.memory_space<vmem>>) dst(%dma_wait3A_73 : memref<10000x128xf32, #tpu.memory_space<vmem_shared>>)
    %dma_wait3A_74 = arith.constant 9800 : i32
    %dma_wait3A_75 = tpu.memref_slice %arg7[%dma_wait3A_74] : memref<10000xi32, #tpu.memory_space<vmem>> -> memref<40xi32, #tpu.memory_space<vmem>>
    %dma_wait3A_76 = arith.constant 0 : i32
    %dma_wait3A_77 = arith.constant 0 : i32
    %dma_wait3A_78 = tpu.memref_slice %arg4[%dma_wait3A_76, %dma_wait3A_77] : memref<10000x128xf32, #tpu.memory_space<hbm>> -> memref<10000x128xf32, #tpu.memory_space<hbm>>
    tpu.wait_indirect_dma semaphore(%arg23 : memref<!tpu.dma_semaphore, #tpu.memory_space<semaphore_mem>>) src(%dma_wait3A_78 : memref<10000x128xf32, #tpu.memory_space<hbm>>) dst(%arg16 : memref<40x128xf32, #tpu.memory_space<vmem>>)
    %dma_wait3A_79 = tpu.memref_slice %arg3[%mul3A_2] : memref<320000xi32, #tpu.memory_space<hbm>> -> memref<40xi32, #tpu.memory_space<hbm>>
    %dma_wait3A_80 = tpu.memref_slice %arg3[%mul3A_2] : memref<320000xi32, #tpu.memory_space<hbm>> -> memref<40xi32, #tpu.memory_space<hbm>>
    tpu.wait_dma2 semaphore(%arg30 : memref<!tpu.dma_semaphore, #tpu.memory_space<semaphore_mem>>) src(%dma_wait3A_80 : memref<40xi32, #tpu.memory_space<hbm>>) dst(%arg9 : memref<40xi32, #tpu.memory_space<vmem>>)
    %dma_start3A_81 = arith.constant 0 : i32
    %dma_start3A_82 = arith.constant 0 : i32
    %dma_start3A_83 = tpu.memref_slice %arg8[%dma_start3A_81, %dma_start3A_82] : memref<10000x128xf32, #tpu.memory_space<vmem_shared>> -> memref<10000x128xf32, #tpu.memory_space<vmem_shared>>
    tpu.enqueue_indirect_dma source(%arg16 : memref<40x128xf32, #tpu.memory_space<vmem>>) target(%dma_start3A_83 : memref<10000x128xf32, #tpu.memory_space<vmem_shared>>) offsets(%arg9 : memref<40xi32, #tpu.memory_space<vmem>>) semaphore(%arg37 : memref<!tpu.dma_semaphore, #tpu.memory_space<semaphore_mem>>)
    %dma_wait3A_84 = arith.constant 0 : i32
    %dma_wait3A_85 = arith.constant 0 : i32
    %dma_wait3A_86 = tpu.memref_slice %arg8[%dma_wait3A_84, %dma_wait3A_85] : memref<10000x128xf32, #tpu.memory_space<vmem_shared>> -> memref<10000x128xf32, #tpu.memory_space<vmem_shared>>
    tpu.wait_indirect_dma semaphore(%arg37 : memref<!tpu.dma_semaphore, #tpu.memory_space<semaphore_mem>>) src(%arg16 : memref<40x128xf32, #tpu.memory_space<vmem>>) dst(%dma_wait3A_86 : memref<10000x128xf32, #tpu.memory_space<vmem_shared>>)
    %dma_wait3A_87 = arith.constant 9840 : i32
    %dma_wait3A_88 = tpu.memref_slice %arg7[%dma_wait3A_87] : memref<10000xi32, #tpu.memory_space<vmem>> -> memref<40xi32, #tpu.memory_space<vmem>>
    %dma_wait3A_89 = arith.constant 0 : i32
    %dma_wait3A_90 = arith.constant 0 : i32
    %dma_wait3A_91 = tpu.memref_slice %arg4[%dma_wait3A_89, %dma_wait3A_90] : memref<10000x128xf32, #tpu.memory_space<hbm>> -> memref<10000x128xf32, #tpu.memory_space<hbm>>
    tpu.wait_indirect_dma semaphore(%arg24 : memref<!tpu.dma_semaphore, #tpu.memory_space<semaphore_mem>>) src(%dma_wait3A_91 : memref<10000x128xf32, #tpu.memory_space<hbm>>) dst(%arg17 : memref<40x128xf32, #tpu.memory_space<vmem>>)
    %dma_wait3A_92 = tpu.memref_slice %arg3[%mul3A_2] : memref<320000xi32, #tpu.memory_space<hbm>> -> memref<40xi32, #tpu.memory_space<hbm>>
    %dma_wait3A_93 = tpu.memref_slice %arg3[%mul3A_2] : memref<320000xi32, #tpu.memory_space<hbm>> -> memref<40xi32, #tpu.memory_space<hbm>>
    tpu.wait_dma2 semaphore(%arg31 : memref<!tpu.dma_semaphore, #tpu.memory_space<semaphore_mem>>) src(%dma_wait3A_93 : memref<40xi32, #tpu.memory_space<hbm>>) dst(%arg10 : memref<40xi32, #tpu.memory_space<vmem>>)
    %dma_start3A_94 = arith.constant 0 : i32
    %dma_start3A_95 = arith.constant 0 : i32
    %dma_start3A_96 = tpu.memref_slice %arg8[%dma_start3A_94, %dma_start3A_95] : memref<10000x128xf32, #tpu.memory_space<vmem_shared>> -> memref<10000x128xf32, #tpu.memory_space<vmem_shared>>
    tpu.enqueue_indirect_dma source(%arg17 : memref<40x128xf32, #tpu.memory_space<vmem>>) target(%dma_start3A_96 : memref<10000x128xf32, #tpu.memory_space<vmem_shared>>) offsets(%arg10 : memref<40xi32, #tpu.memory_space<vmem>>) semaphore(%arg38 : memref<!tpu.dma_semaphore, #tpu.memory_space<semaphore_mem>>)
    %dma_wait3A_97 = arith.constant 0 : i32
    %dma_wait3A_98 = arith.constant 0 : i32
    %dma_wait3A_99 = tpu.memref_slice %arg8[%dma_wait3A_97, %dma_wait3A_98] : memref<10000x128xf32, #tpu.memory_space<vmem_shared>> -> memref<10000x128xf32, #tpu.memory_space<vmem_shared>>
    tpu.wait_indirect_dma semaphore(%arg38 : memref<!tpu.dma_semaphore, #tpu.memory_space<semaphore_mem>>) src(%arg17 : memref<40x128xf32, #tpu.memory_space<vmem>>) dst(%dma_wait3A_99 : memref<10000x128xf32, #tpu.memory_space<vmem_shared>>)
    %dma_wait3A_100 = arith.constant 9880 : i32
    %dma_wait3A_101 = tpu.memref_slice %arg7[%dma_wait3A_100] : memref<10000xi32, #tpu.memory_space<vmem>> -> memref<40xi32, #tpu.memory_space<vmem>>
    %dma_wait3A_102 = arith.constant 0 : i32
    %dma_wait3A_103 = arith.constant 0 : i32
    %dma_wait3A_104 = tpu.memref_slice %arg4[%dma_wait3A_102, %dma_wait3A_103] : memref<10000x128xf32, #tpu.memory_space<hbm>> -> memref<10000x128xf32, #tpu.memory_space<hbm>>
    tpu.wait_indirect_dma semaphore(%arg25 : memref<!tpu.dma_semaphore, #tpu.memory_space<semaphore_mem>>) src(%dma_wait3A_104 : memref<10000x128xf32, #tpu.memory_space<hbm>>) dst(%arg18 : memref<40x128xf32, #tpu.memory_space<vmem>>)
    %dma_wait3A_105 = tpu.memref_slice %arg3[%mul3A_2] : memref<320000xi32, #tpu.memory_space<hbm>> -> memref<40xi32, #tpu.memory_space<hbm>>
    %dma_wait3A_106 = tpu.memref_slice %arg3[%mul3A_2] : memref<320000xi32, #tpu.memory_space<hbm>> -> memref<40xi32, #tpu.memory_space<hbm>>
    tpu.wait_dma2 semaphore(%arg32 : memref<!tpu.dma_semaphore, #tpu.memory_space<semaphore_mem>>) src(%dma_wait3A_106 : memref<40xi32, #tpu.memory_space<hbm>>) dst(%arg11 : memref<40xi32, #tpu.memory_space<vmem>>)
    %dma_start3A_107 = arith.constant 0 : i32
    %dma_start3A_108 = arith.constant 0 : i32
    %dma_start3A_109 = tpu.memref_slice %arg8[%dma_start3A_107, %dma_start3A_108] : memref<10000x128xf32, #tpu.memory_space<vmem_shared>> -> memref<10000x128xf32, #tpu.memory_space<vmem_shared>>
    tpu.enqueue_indirect_dma source(%arg18 : memref<40x128xf32, #tpu.memory_space<vmem>>) target(%dma_start3A_109 : memref<10000x128xf32, #tpu.memory_space<vmem_shared>>) offsets(%arg11 : memref<40xi32, #tpu.memory_space<vmem>>) semaphore(%arg39 : memref<!tpu.dma_semaphore, #tpu.memory_space<semaphore_mem>>)
    %dma_wait3A_110 = arith.constant 0 : i32
    %dma_wait3A_111 = arith.constant 0 : i32
    %dma_wait3A_112 = tpu.memref_slice %arg8[%dma_wait3A_110, %dma_wait3A_111] : memref<10000x128xf32, #tpu.memory_space<vmem_shared>> -> memref<10000x128xf32, #tpu.memory_space<vmem_shared>>
    tpu.wait_indirect_dma semaphore(%arg39 : memref<!tpu.dma_semaphore, #tpu.memory_space<semaphore_mem>>) src(%arg18 : memref<40x128xf32, #tpu.memory_space<vmem>>) dst(%dma_wait3A_112 : memref<10000x128xf32, #tpu.memory_space<vmem_shared>>)
    %dma_wait3A_113 = arith.constant 9920 : i32
    %dma_wait3A_114 = tpu.memref_slice %arg7[%dma_wait3A_113] : memref<10000xi32, #tpu.memory_space<vmem>> -> memref<40xi32, #tpu.memory_space<vmem>>
    %dma_wait3A_115 = arith.constant 0 : i32
    %dma_wait3A_116 = arith.constant 0 : i32
    %dma_wait3A_117 = tpu.memref_slice %arg4[%dma_wait3A_115, %dma_wait3A_116] : memref<10000x128xf32, #tpu.memory_space<hbm>> -> memref<10000x128xf32, #tpu.memory_space<hbm>>
    tpu.wait_indirect_dma semaphore(%arg26 : memref<!tpu.dma_semaphore, #tpu.memory_space<semaphore_mem>>) src(%dma_wait3A_117 : memref<10000x128xf32, #tpu.memory_space<hbm>>) dst(%arg19 : memref<40x128xf32, #tpu.memory_space<vmem>>)
    %dma_wait3A_118 = tpu.memref_slice %arg3[%mul3A_2] : memref<320000xi32, #tpu.memory_space<hbm>> -> memref<40xi32, #tpu.memory_space<hbm>>
    %dma_wait3A_119 = tpu.memref_slice %arg3[%mul3A_2] : memref<320000xi32, #tpu.memory_space<hbm>> -> memref<40xi32, #tpu.memory_space<hbm>>
    tpu.wait_dma2 semaphore(%arg33 : memref<!tpu.dma_semaphore, #tpu.memory_space<semaphore_mem>>) src(%dma_wait3A_119 : memref<40xi32, #tpu.memory_space<hbm>>) dst(%arg12 : memref<40xi32, #tpu.memory_space<vmem>>)
    %dma_start3A_120 = arith.constant 0 : i32
    %dma_start3A_121 = arith.constant 0 : i32
    %dma_start3A_122 = tpu.memref_slice %arg8[%dma_start3A_120, %dma_start3A_121] : memref<10000x128xf32, #tpu.memory_space<vmem_shared>> -> memref<10000x128xf32, #tpu.memory_space<vmem_shared>>
    tpu.enqueue_indirect_dma source(%arg19 : memref<40x128xf32, #tpu.memory_space<vmem>>) target(%dma_start3A_122 : memref<10000x128xf32, #tpu.memory_space<vmem_shared>>) offsets(%arg12 : memref<40xi32, #tpu.memory_space<vmem>>) semaphore(%arg40 : memref<!tpu.dma_semaphore, #tpu.memory_space<semaphore_mem>>)
    %dma_wait3A_123 = arith.constant 0 : i32
    %dma_wait3A_124 = arith.constant 0 : i32
    %dma_wait3A_125 = tpu.memref_slice %arg8[%dma_wait3A_123, %dma_wait3A_124] : memref<10000x128xf32, #tpu.memory_space<vmem_shared>> -> memref<10000x128xf32, #tpu.memory_space<vmem_shared>>
    tpu.wait_indirect_dma semaphore(%arg40 : memref<!tpu.dma_semaphore, #tpu.memory_space<semaphore_mem>>) src(%arg19 : memref<40x128xf32, #tpu.memory_space<vmem>>) dst(%dma_wait3A_125 : memref<10000x128xf32, #tpu.memory_space<vmem_shared>>)
    %dma_wait3A_126 = arith.constant 9960 : i32
    %dma_wait3A_127 = tpu.memref_slice %arg7[%dma_wait3A_126] : memref<10000xi32, #tpu.memory_space<vmem>> -> memref<40xi32, #tpu.memory_space<vmem>>
    %dma_wait3A_128 = arith.constant 0 : i32
    %dma_wait3A_129 = arith.constant 0 : i32
    %dma_wait3A_130 = tpu.memref_slice %arg4[%dma_wait3A_128, %dma_wait3A_129] : memref<10000x128xf32, #tpu.memory_space<hbm>> -> memref<10000x128xf32, #tpu.memory_space<hbm>>
    tpu.wait_indirect_dma semaphore(%arg27 : memref<!tpu.dma_semaphore, #tpu.memory_space<semaphore_mem>>) src(%dma_wait3A_130 : memref<10000x128xf32, #tpu.memory_space<hbm>>) dst(%arg20 : memref<40x128xf32, #tpu.memory_space<vmem>>)
    %dma_wait3A_131 = tpu.memref_slice %arg3[%mul3A_2] : memref<320000xi32, #tpu.memory_space<hbm>> -> memref<40xi32, #tpu.memory_space<hbm>>
    %dma_wait3A_132 = tpu.memref_slice %arg3[%mul3A_2] : memref<320000xi32, #tpu.memory_space<hbm>> -> memref<40xi32, #tpu.memory_space<hbm>>
    tpu.wait_dma2 semaphore(%arg34 : memref<!tpu.dma_semaphore, #tpu.memory_space<semaphore_mem>>) src(%dma_wait3A_132 : memref<40xi32, #tpu.memory_space<hbm>>) dst(%arg13 : memref<40xi32, #tpu.memory_space<vmem>>)
    %dma_start3A_133 = arith.constant 0 : i32
    %dma_start3A_134 = arith.constant 0 : i32
    %dma_start3A_135 = tpu.memref_slice %arg8[%dma_start3A_133, %dma_start3A_134] : memref<10000x128xf32, #tpu.memory_space<vmem_shared>> -> memref<10000x128xf32, #tpu.memory_space<vmem_shared>>
    tpu.enqueue_indirect_dma source(%arg20 : memref<40x128xf32, #tpu.memory_space<vmem>>) target(%dma_start3A_135 : memref<10000x128xf32, #tpu.memory_space<vmem_shared>>) offsets(%arg13 : memref<40xi32, #tpu.memory_space<vmem>>) semaphore(%arg41 : memref<!tpu.dma_semaphore, #tpu.memory_space<semaphore_mem>>)
    %dma_wait3A_136 = arith.constant 0 : i32
    %dma_wait3A_137 = arith.constant 0 : i32
    %dma_wait3A_138 = tpu.memref_slice %arg8[%dma_wait3A_136, %dma_wait3A_137] : memref<10000x128xf32, #tpu.memory_space<vmem_shared>> -> memref<10000x128xf32, #tpu.memory_space<vmem_shared>>
    tpu.wait_indirect_dma semaphore(%arg41 : memref<!tpu.dma_semaphore, #tpu.memory_space<semaphore_mem>>) src(%arg20 : memref<40x128xf32, #tpu.memory_space<vmem>>) dst(%dma_wait3A_138 : memref<10000x128xf32, #tpu.memory_space<vmem_shared>>)
    %barrier3A_139 = arith.constant 0 : index
    tpu.barrier barrier_id(%barrier3A_139)
    %mul3A_140 = arith.constant 10000 : i32
    %mul3A_141 = arith.muli %arg0, %mul3A_140 : i32
    %mul3A_142 = arith.constant 624 : i32
    %mul3A_143 = arith.muli %arg1, %mul3A_142 : i32
    %add3A_144 = arith.addi %mul3A_141, %mul3A_143 : i32
    "tpu.region"() ({
      %run_scoped3A = tpu.sem_alloc : memref<!tpu.dma_semaphore, #tpu.memory_space<semaphore_mem>>
      %dma_start3A_145 = arith.constant 0 : i32
      %dma_start3A_146 = tpu.memref_slice %arg6[%add3A_144, %dma_start3A_145] : memref<20000x128xf32, #tpu.memory_space<hbm>> -> memref<640x128xf32, #tpu.memory_space<hbm>>
      %dma_start3A_147 = arith.constant 0 : i32
      %dma_start3A_148 = tpu.memref_slice %arg8[%mul3A_4, %dma_start3A_147] : memref<10000x128xf32, #tpu.memory_space<vmem_shared>> -> memref<640x128xf32, #tpu.memory_space<vmem_shared>>
      tpu.enqueue_dma source(%dma_start3A_148 : memref<640x128xf32, #tpu.memory_space<vmem_shared>>) target(%dma_start3A_146 : memref<640x128xf32, #tpu.memory_space<hbm>>) target_semaphore(%run_scoped3A : memref<!tpu.dma_semaphore, #tpu.memory_space<semaphore_mem>>)
      %dma_wait3A_149 = arith.constant 0 : i32
      %dma_wait3A_150 = tpu.memref_slice %arg6[%add3A_144, %dma_wait3A_149] : memref<20000x128xf32, #tpu.memory_space<hbm>> -> memref<640x128xf32, #tpu.memory_space<hbm>>
      %dma_wait3A_151 = arith.constant 0 : i32
      %dma_wait3A_152 = tpu.memref_slice %arg8[%mul3A_4, %dma_wait3A_151] : memref<10000x128xf32, #tpu.memory_space<vmem_shared>> -> memref<640x128xf32, #tpu.memory_space<vmem_shared>>
      tpu.wait_dma2 semaphore(%run_scoped3A : memref<!tpu.dma_semaphore, #tpu.memory_space<semaphore_mem>>) src(%dma_wait3A_152 : memref<640x128xf32, #tpu.memory_space<vmem_shared>>) dst(%dma_wait3A_150 : memref<640x128xf32, #tpu.memory_space<hbm>>)
      tpu.yield
    }) : () -> ()
    return
  }
}

#map = affine_map<(d0, d1) -> (0)>
#map1 = affine_map<(d0, d1) -> (0, 0)>
module attributes {stable_mosaic.version = 14 : i64} {
  func.func @seg(%arg0: i32, %arg1: i32, %arg2: memref<320000xi32, #tpu.memory_space<hbm>>, %arg3: memref<320000xi32, #tpu.memory_space<hbm>>, %arg4: memref<10000x128xf32, #tpu.memory_space<hbm>>, %arg5: memref<10000x128xf32, #tpu.memory_space<hbm>>, %arg6: memref<20000x128xf32, #tpu.memory_space<hbm>>, %arg7: memref<10000xi32, #tpu.memory_space<vmem>>, %arg8: memref<10000x128xf32, #tpu.memory_space<vmem_shared>>, %arg9: memref<40xi32, #tpu.memory_space<vmem>>, %arg10: memref<40xi32, #tpu.memory_space<vmem>>, %arg11: memref<40xi32, #tpu.memory_space<vmem>>, %arg12: memref<40xi32, #tpu.memory_space<vmem>>, %arg13: memref<40xi32, #tpu.memory_space<vmem>>, %arg14: memref<40xi32, #tpu.memory_space<vmem>>, %arg15: memref<40xi32, #tpu.memory_space<vmem>>, %arg16: memref<40x128xf32, #tpu.memory_space<vmem>>, %arg17: memref<40x128xf32, #tpu.memory_space<vmem>>, %arg18: memref<40x128xf32, #tpu.memory_space<vmem>>, %arg19: memref<40x128xf32, #tpu.memory_space<vmem>>, %arg20: memref<40x128xf32, #tpu.memory_space<vmem>>, %arg21: memref<40x128xf32, #tpu.memory_space<vmem>>, %arg22: memref<40x128xf32, #tpu.memory_space<vmem>>, %arg23: memref<!tpu.dma_semaphore, #tpu.memory_space<semaphore_mem>>, %arg24: memref<!tpu.dma_semaphore, #tpu.memory_space<semaphore_mem>>, %arg25: memref<!tpu.dma_semaphore, #tpu.memory_space<semaphore_mem>>, %arg26: memref<!tpu.dma_semaphore, #tpu.memory_space<semaphore_mem>>, %arg27: memref<!tpu.dma_semaphore, #tpu.memory_space<semaphore_mem>>, %arg28: memref<!tpu.dma_semaphore, #tpu.memory_space<semaphore_mem>>, %arg29: memref<!tpu.dma_semaphore, #tpu.memory_space<semaphore_mem>>, %arg30: memref<!tpu.dma_semaphore, #tpu.memory_space<semaphore_mem>>, %arg31: memref<!tpu.dma_semaphore, #tpu.memory_space<semaphore_mem>>, %arg32: memref<!tpu.dma_semaphore, #tpu.memory_space<semaphore_mem>>, %arg33: memref<!tpu.dma_semaphore, #tpu.memory_space<semaphore_mem>>, %arg34: memref<!tpu.dma_semaphore, #tpu.memory_space<semaphore_mem>>, %arg35: memref<!tpu.dma_semaphore, #tpu.memory_space<semaphore_mem>>, %arg36: memref<!tpu.dma_semaphore, #tpu.memory_space<semaphore_mem>>, %arg37: memref<!tpu.dma_semaphore, #tpu.memory_space<semaphore_mem>>, %arg38: memref<!tpu.dma_semaphore, #tpu.memory_space<semaphore_mem>>, %arg39: memref<!tpu.dma_semaphore, #tpu.memory_space<semaphore_mem>>, %arg40: memref<!tpu.dma_semaphore, #tpu.memory_space<semaphore_mem>>, %arg41: memref<!tpu.dma_semaphore, #tpu.memory_space<semaphore_mem>>, %arg42: memref<!tpu.dma_semaphore, #tpu.memory_space<semaphore_mem>>, %arg43: memref<!tpu.dma_semaphore, #tpu.memory_space<semaphore_mem>>, %arg44: memref<!tpu.dma_semaphore, #tpu.memory_space<semaphore_mem>>) attributes {dimension_semantics = [#tpu.dimension_semantics<core_parallel>, #tpu.dimension_semantics<subcore_parallel>], iteration_bounds = array<i64: 2, 16>, scalar_prefetch = 0 : i64, scratch_operands = 38 : i64, tpu.core_type = #tpu.core_type<sc_vector_subcore>, window_params = [{transform_indices = #map}, {transform_indices = #map}, {transform_indices = #map1}, {transform_indices = #map1}, {transform_indices = #map1}]} {
    %mul3A = arith.constant 16 : i32
    %mul3A_0 = arith.muli %arg0, %mul3A : i32
    %add3A = arith.addi %mul3A_0, %arg1 : i32
    %mul3A_1 = arith.constant 10000 : i32
    %mul3A_2 = arith.muli %add3A, %mul3A_1 : i32
    %mul3A_3 = arith.constant 624 : i32
    %mul3A_4 = arith.muli %arg1, %mul3A_3 : i32
    %eq3A = arith.constant 0 : i32
    %eq3A_5 = arith.cmpi eq, %arg0, %eq3A : i32
    %convert_element_type3A = arith.extui %eq3A_5 : i1 to i32
    %cond3A = arith.constant 0 : i32
    %cond3A_6 = arith.cmpi ne, %convert_element_type3A, %cond3A : i32
    scf.if %cond3A_6 {
      %dma_start3A_145 = arith.constant 0 : i32
      %dma_start3A_146 = tpu.memref_slice %arg8[%mul3A_4, %dma_start3A_145] : memref<10000x128xf32, #tpu.memory_space<vmem_shared>> -> memref<640x128xf32, #tpu.memory_space<vmem_shared>>
      %dma_start3A_147 = arith.constant 0 : i32
      %dma_start3A_148 = tpu.memref_slice %arg4[%mul3A_4, %dma_start3A_147] : memref<10000x128xf32, #tpu.memory_space<hbm>> -> memref<640x128xf32, #tpu.memory_space<hbm>>
      tpu.enqueue_dma source(%dma_start3A_148 : memref<640x128xf32, #tpu.memory_space<hbm>>) target(%dma_start3A_146 : memref<640x128xf32, #tpu.memory_space<vmem_shared>>) target_semaphore(%arg44 : memref<!tpu.dma_semaphore, #tpu.memory_space<semaphore_mem>>)
    } else {
    }
    %gt3A = arith.constant 0 : i32
    %gt3A_7 = arith.cmpi sgt, %arg0, %gt3A : i32
    %convert_element_type3A_8 = arith.extui %gt3A_7 : i1 to i32
    %cond3A_9 = arith.constant 0 : i32
    %cond3A_10 = arith.cmpi ne, %convert_element_type3A_8, %cond3A_9 : i32
    scf.if %cond3A_10 {
      %dma_start3A_145 = arith.constant 0 : i32
      %dma_start3A_146 = tpu.memref_slice %arg8[%mul3A_4, %dma_start3A_145] : memref<10000x128xf32, #tpu.memory_space<vmem_shared>> -> memref<640x128xf32, #tpu.memory_space<vmem_shared>>
      %dma_start3A_147 = arith.constant 0 : i32
      %dma_start3A_148 = tpu.memref_slice %arg5[%mul3A_4, %dma_start3A_147] : memref<10000x128xf32, #tpu.memory_space<hbm>> -> memref<640x128xf32, #tpu.memory_space<hbm>>
      tpu.enqueue_dma source(%dma_start3A_148 : memref<640x128xf32, #tpu.memory_space<hbm>>) target(%dma_start3A_146 : memref<640x128xf32, #tpu.memory_space<vmem_shared>>) target_semaphore(%arg44 : memref<!tpu.dma_semaphore, #tpu.memory_space<semaphore_mem>>)
    } else {
    }
    "tpu.region"() ({
      %run_scoped3A = tpu.sem_alloc : memref<!tpu.dma_semaphore, #tpu.memory_space<semaphore_mem>>
      %dma_start3A_145 = tpu.memref_slice %arg2[%mul3A_2] : memref<320000xi32, #tpu.memory_space<hbm>> -> memref<10000xi32, #tpu.memory_space<hbm>>
      %dma_start3A_146 = tpu.memref_slice %arg2[%mul3A_2] : memref<320000xi32, #tpu.memory_space<hbm>> -> memref<10000xi32, #tpu.memory_space<hbm>>
      tpu.enqueue_dma source(%dma_start3A_146 : memref<10000xi32, #tpu.memory_space<hbm>>) target(%arg7 : memref<10000xi32, #tpu.memory_space<vmem>>) target_semaphore(%run_scoped3A : memref<!tpu.dma_semaphore, #tpu.memory_space<semaphore_mem>>)
      %dma_wait3A_147 = tpu.memref_slice %arg2[%mul3A_2] : memref<320000xi32, #tpu.memory_space<hbm>> -> memref<10000xi32, #tpu.memory_space<hbm>>
      %dma_wait3A_148 = tpu.memref_slice %arg2[%mul3A_2] : memref<320000xi32, #tpu.memory_space<hbm>> -> memref<10000xi32, #tpu.memory_space<hbm>>
      tpu.wait_dma2 semaphore(%run_scoped3A : memref<!tpu.dma_semaphore, #tpu.memory_space<semaphore_mem>>) src(%dma_wait3A_148 : memref<10000xi32, #tpu.memory_space<hbm>>) dst(%arg7 : memref<10000xi32, #tpu.memory_space<vmem>>)
      tpu.yield
    }) : () -> ()
    %add3A_11 = arith.constant 0 : i32
    %add3A_12 = arith.addi %mul3A_2, %add3A_11 : i32
    %dma_start3A = tpu.memref_slice %arg3[%add3A_12] : memref<320000xi32, #tpu.memory_space<hbm>> -> memref<40xi32, #tpu.memory_space<hbm>>
    %dma_start3A_13 = tpu.memref_slice %arg3[%add3A_12] : memref<320000xi32, #tpu.memory_space<hbm>> -> memref<40xi32, #tpu.memory_space<hbm>>
    tpu.enqueue_dma source(%dma_start3A_13 : memref<40xi32, #tpu.memory_space<hbm>>) target(%arg9 : memref<40xi32, #tpu.memory_space<vmem>>) target_semaphore(%arg30 : memref<!tpu.dma_semaphore, #tpu.memory_space<semaphore_mem>>)
    %dma_start3A_14 = arith.constant 0 : i32
    %dma_start3A_15 = tpu.memref_slice %arg7[%dma_start3A_14] : memref<10000xi32, #tpu.memory_space<vmem>> -> memref<40xi32, #tpu.memory_space<vmem>>
    %dma_start3A_16 = arith.constant 0 : i32
    %dma_start3A_17 = arith.constant 0 : i32
    %dma_start3A_18 = tpu.memref_slice %arg4[%dma_start3A_16, %dma_start3A_17] : memref<10000x128xf32, #tpu.memory_space<hbm>> -> memref<10000x128xf32, #tpu.memory_space<hbm>>
    tpu.enqueue_indirect_dma source(%dma_start3A_18 : memref<10000x128xf32, #tpu.memory_space<hbm>>) target(%arg16 : memref<40x128xf32, #tpu.memory_space<vmem>>) offsets(%dma_start3A_15 : memref<40xi32, #tpu.memory_space<vmem>>) semaphore(%arg23 : memref<!tpu.dma_semaphore, #tpu.memory_space<semaphore_mem>>)
    %add3A_19 = arith.constant 40 : i32
    %add3A_20 = arith.addi %mul3A_2, %add3A_19 : i32
    %dma_start3A_21 = tpu.memref_slice %arg3[%add3A_20] : memref<320000xi32, #tpu.memory_space<hbm>> -> memref<40xi32, #tpu.memory_space<hbm>>
    %dma_start3A_22 = tpu.memref_slice %arg3[%add3A_20] : memref<320000xi32, #tpu.memory_space<hbm>> -> memref<40xi32, #tpu.memory_space<hbm>>
    tpu.enqueue_dma source(%dma_start3A_22 : memref<40xi32, #tpu.memory_space<hbm>>) target(%arg10 : memref<40xi32, #tpu.memory_space<vmem>>) target_semaphore(%arg31 : memref<!tpu.dma_semaphore, #tpu.memory_space<semaphore_mem>>)
    %dma_start3A_23 = arith.constant 40 : i32
    %dma_start3A_24 = tpu.memref_slice %arg7[%dma_start3A_23] : memref<10000xi32, #tpu.memory_space<vmem>> -> memref<40xi32, #tpu.memory_space<vmem>>
    %dma_start3A_25 = arith.constant 0 : i32
    %dma_start3A_26 = arith.constant 0 : i32
    %dma_start3A_27 = tpu.memref_slice %arg4[%dma_start3A_25, %dma_start3A_26] : memref<10000x128xf32, #tpu.memory_space<hbm>> -> memref<10000x128xf32, #tpu.memory_space<hbm>>
    tpu.enqueue_indirect_dma source(%dma_start3A_27 : memref<10000x128xf32, #tpu.memory_space<hbm>>) target(%arg17 : memref<40x128xf32, #tpu.memory_space<vmem>>) offsets(%dma_start3A_24 : memref<40xi32, #tpu.memory_space<vmem>>) semaphore(%arg24 : memref<!tpu.dma_semaphore, #tpu.memory_space<semaphore_mem>>)
    %add3A_28 = arith.constant 80 : i32
    %add3A_29 = arith.addi %mul3A_2, %add3A_28 : i32
    %dma_start3A_30 = tpu.memref_slice %arg3[%add3A_29] : memref<320000xi32, #tpu.memory_space<hbm>> -> memref<40xi32, #tpu.memory_space<hbm>>
    %dma_start3A_31 = tpu.memref_slice %arg3[%add3A_29] : memref<320000xi32, #tpu.memory_space<hbm>> -> memref<40xi32, #tpu.memory_space<hbm>>
    tpu.enqueue_dma source(%dma_start3A_31 : memref<40xi32, #tpu.memory_space<hbm>>) target(%arg11 : memref<40xi32, #tpu.memory_space<vmem>>) target_semaphore(%arg32 : memref<!tpu.dma_semaphore, #tpu.memory_space<semaphore_mem>>)
    %dma_start3A_32 = arith.constant 80 : i32
    %dma_start3A_33 = tpu.memref_slice %arg7[%dma_start3A_32] : memref<10000xi32, #tpu.memory_space<vmem>> -> memref<40xi32, #tpu.memory_space<vmem>>
    %dma_start3A_34 = arith.constant 0 : i32
    %dma_start3A_35 = arith.constant 0 : i32
    %dma_start3A_36 = tpu.memref_slice %arg4[%dma_start3A_34, %dma_start3A_35] : memref<10000x128xf32, #tpu.memory_space<hbm>> -> memref<10000x128xf32, #tpu.memory_space<hbm>>
    tpu.enqueue_indirect_dma source(%dma_start3A_36 : memref<10000x128xf32, #tpu.memory_space<hbm>>) target(%arg18 : memref<40x128xf32, #tpu.memory_space<vmem>>) offsets(%dma_start3A_33 : memref<40xi32, #tpu.memory_space<vmem>>) semaphore(%arg25 : memref<!tpu.dma_semaphore, #tpu.memory_space<semaphore_mem>>)
    %add3A_37 = arith.constant 120 : i32
    %add3A_38 = arith.addi %mul3A_2, %add3A_37 : i32
    %dma_start3A_39 = tpu.memref_slice %arg3[%add3A_38] : memref<320000xi32, #tpu.memory_space<hbm>> -> memref<40xi32, #tpu.memory_space<hbm>>
    %dma_start3A_40 = tpu.memref_slice %arg3[%add3A_38] : memref<320000xi32, #tpu.memory_space<hbm>> -> memref<40xi32, #tpu.memory_space<hbm>>
    tpu.enqueue_dma source(%dma_start3A_40 : memref<40xi32, #tpu.memory_space<hbm>>) target(%arg12 : memref<40xi32, #tpu.memory_space<vmem>>) target_semaphore(%arg33 : memref<!tpu.dma_semaphore, #tpu.memory_space<semaphore_mem>>)
    %dma_start3A_41 = arith.constant 120 : i32
    %dma_start3A_42 = tpu.memref_slice %arg7[%dma_start3A_41] : memref<10000xi32, #tpu.memory_space<vmem>> -> memref<40xi32, #tpu.memory_space<vmem>>
    %dma_start3A_43 = arith.constant 0 : i32
    %dma_start3A_44 = arith.constant 0 : i32
    %dma_start3A_45 = tpu.memref_slice %arg4[%dma_start3A_43, %dma_start3A_44] : memref<10000x128xf32, #tpu.memory_space<hbm>> -> memref<10000x128xf32, #tpu.memory_space<hbm>>
    tpu.enqueue_indirect_dma source(%dma_start3A_45 : memref<10000x128xf32, #tpu.memory_space<hbm>>) target(%arg19 : memref<40x128xf32, #tpu.memory_space<vmem>>) offsets(%dma_start3A_42 : memref<40xi32, #tpu.memory_space<vmem>>) semaphore(%arg26 : memref<!tpu.dma_semaphore, #tpu.memory_space<semaphore_mem>>)
    %add3A_46 = arith.constant 160 : i32
    %add3A_47 = arith.addi %mul3A_2, %add3A_46 : i32
    %dma_start3A_48 = tpu.memref_slice %arg3[%add3A_47] : memref<320000xi32, #tpu.memory_space<hbm>> -> memref<40xi32, #tpu.memory_space<hbm>>
    %dma_start3A_49 = tpu.memref_slice %arg3[%add3A_47] : memref<320000xi32, #tpu.memory_space<hbm>> -> memref<40xi32, #tpu.memory_space<hbm>>
    tpu.enqueue_dma source(%dma_start3A_49 : memref<40xi32, #tpu.memory_space<hbm>>) target(%arg13 : memref<40xi32, #tpu.memory_space<vmem>>) target_semaphore(%arg34 : memref<!tpu.dma_semaphore, #tpu.memory_space<semaphore_mem>>)
    %dma_start3A_50 = arith.constant 160 : i32
    %dma_start3A_51 = tpu.memref_slice %arg7[%dma_start3A_50] : memref<10000xi32, #tpu.memory_space<vmem>> -> memref<40xi32, #tpu.memory_space<vmem>>
    %dma_start3A_52 = arith.constant 0 : i32
    %dma_start3A_53 = arith.constant 0 : i32
    %dma_start3A_54 = tpu.memref_slice %arg4[%dma_start3A_52, %dma_start3A_53] : memref<10000x128xf32, #tpu.memory_space<hbm>> -> memref<10000x128xf32, #tpu.memory_space<hbm>>
    tpu.enqueue_indirect_dma source(%dma_start3A_54 : memref<10000x128xf32, #tpu.memory_space<hbm>>) target(%arg20 : memref<40x128xf32, #tpu.memory_space<vmem>>) offsets(%dma_start3A_51 : memref<40xi32, #tpu.memory_space<vmem>>) semaphore(%arg27 : memref<!tpu.dma_semaphore, #tpu.memory_space<semaphore_mem>>)
    %add3A_55 = arith.constant 200 : i32
    %add3A_56 = arith.addi %mul3A_2, %add3A_55 : i32
    %dma_start3A_57 = tpu.memref_slice %arg3[%add3A_56] : memref<320000xi32, #tpu.memory_space<hbm>> -> memref<40xi32, #tpu.memory_space<hbm>>
    %dma_start3A_58 = tpu.memref_slice %arg3[%add3A_56] : memref<320000xi32, #tpu.memory_space<hbm>> -> memref<40xi32, #tpu.memory_space<hbm>>
    tpu.enqueue_dma source(%dma_start3A_58 : memref<40xi32, #tpu.memory_space<hbm>>) target(%arg14 : memref<40xi32, #tpu.memory_space<vmem>>) target_semaphore(%arg35 : memref<!tpu.dma_semaphore, #tpu.memory_space<semaphore_mem>>)
    %dma_start3A_59 = arith.constant 200 : i32
    %dma_start3A_60 = tpu.memref_slice %arg7[%dma_start3A_59] : memref<10000xi32, #tpu.memory_space<vmem>> -> memref<40xi32, #tpu.memory_space<vmem>>
    %dma_start3A_61 = arith.constant 0 : i32
    %dma_start3A_62 = arith.constant 0 : i32
    %dma_start3A_63 = tpu.memref_slice %arg4[%dma_start3A_61, %dma_start3A_62] : memref<10000x128xf32, #tpu.memory_space<hbm>> -> memref<10000x128xf32, #tpu.memory_space<hbm>>
    tpu.enqueue_indirect_dma source(%dma_start3A_63 : memref<10000x128xf32, #tpu.memory_space<hbm>>) target(%arg21 : memref<40x128xf32, #tpu.memory_space<vmem>>) offsets(%dma_start3A_60 : memref<40xi32, #tpu.memory_space<vmem>>) semaphore(%arg28 : memref<!tpu.dma_semaphore, #tpu.memory_space<semaphore_mem>>)
    %dma_wait3A = arith.constant 0 : i32
    %dma_wait3A_64 = tpu.memref_slice %arg8[%mul3A_4, %dma_wait3A] : memref<10000x128xf32, #tpu.memory_space<vmem_shared>> -> memref<640x128xf32, #tpu.memory_space<vmem_shared>>
    %dma_wait3A_65 = arith.constant 0 : i32
    %dma_wait3A_66 = tpu.memref_slice %arg5[%mul3A_4, %dma_wait3A_65] : memref<10000x128xf32, #tpu.memory_space<hbm>> -> memref<640x128xf32, #tpu.memory_space<hbm>>
    tpu.wait_dma2 semaphore(%arg44 : memref<!tpu.dma_semaphore, #tpu.memory_space<semaphore_mem>>) src(%dma_wait3A_66 : memref<640x128xf32, #tpu.memory_space<hbm>>) dst(%dma_wait3A_64 : memref<640x128xf32, #tpu.memory_space<vmem_shared>>)
    %barrier3A = arith.constant 0 : index
    tpu.barrier barrier_id(%barrier3A)
    %scan3A = arith.constant 0 : i32
    %scan3A_67 = arith.constant 35 : i32
    %scan3A_68 = arith.addi %scan3A, %scan3A_67 : i32
    %scan3A_69 = arith.constant 1 : i32
    scf.for %scan3A_145 = %scan3A to %scan3A_68 step %scan3A_69  : i32 {
      %mul3A_146 = arith.constant 7 : i32
      %mul3A_147 = arith.muli %scan3A_145, %mul3A_146 : i32
      %add3A_148 = arith.constant 0 : i32
      %add3A_149 = arith.addi %add3A_148, %mul3A_147 : i32
      %add3A_150 = arith.constant 0 : i32
      %add3A_151 = arith.addi %add3A_149, %add3A_150 : i32
      %ge3A = arith.constant 1 : i32
      %ge3A_152 = arith.cmpi sge, %add3A_151, %ge3A : i32
      %convert_element_type3A_153 = arith.extui %ge3A_152 : i1 to i32
      %cond3A_154 = arith.constant 0 : i32
      %cond3A_155 = arith.cmpi ne, %convert_element_type3A_153, %cond3A_154 : i32
      scf.if %cond3A_155 {
        %dma_wait3A_323 = arith.constant 0 : i32
        %dma_wait3A_324 = arith.constant 0 : i32
        %dma_wait3A_325 = tpu.memref_slice %arg8[%dma_wait3A_323, %dma_wait3A_324] : memref<10000x128xf32, #tpu.memory_space<vmem_shared>> -> memref<10000x128xf32, #tpu.memory_space<vmem_shared>>
        tpu.wait_indirect_dma semaphore(%arg43 : memref<!tpu.dma_semaphore, #tpu.memory_space<semaphore_mem>>) src(%arg22 : memref<40x128xf32, #tpu.memory_space<vmem>>) dst(%dma_wait3A_325 : memref<10000x128xf32, #tpu.memory_space<vmem_shared>>)
      } else {
      }
      %add3A_156 = arith.constant 6 : i32
      %add3A_157 = arith.addi %add3A_151, %add3A_156 : i32
      %lt3A = arith.constant 250 : i32
      %lt3A_158 = arith.cmpi slt, %add3A_157, %lt3A : i32
      %convert_element_type3A_159 = arith.extui %lt3A_158 : i1 to i32
      %cond3A_160 = arith.constant 0 : i32
      %cond3A_161 = arith.cmpi ne, %convert_element_type3A_159, %cond3A_160 : i32
      scf.if %cond3A_161 {
        %add3A_323 = arith.constant 6 : i32
        %add3A_324 = arith.addi %add3A_151, %add3A_323 : i32
        %mul3A_325 = arith.constant 40 : i32
        %mul3A_326 = arith.muli %add3A_324, %mul3A_325 : i32
        %add3A_327 = arith.addi %mul3A_2, %mul3A_326 : i32
        %dma_start3A_328 = tpu.memref_slice %arg3[%add3A_327] : memref<320000xi32, #tpu.memory_space<hbm>> -> memref<40xi32, #tpu.memory_space<hbm>>
        %dma_start3A_329 = tpu.memref_slice %arg3[%add3A_327] : memref<320000xi32, #tpu.memory_space<hbm>> -> memref<40xi32, #tpu.memory_space<hbm>>
        tpu.enqueue_dma source(%dma_start3A_329 : memref<40xi32, #tpu.memory_space<hbm>>) target(%arg15 : memref<40xi32, #tpu.memory_space<vmem>>) target_semaphore(%arg36 : memref<!tpu.dma_semaphore, #tpu.memory_space<semaphore_mem>>)
        %mul3A_330 = arith.constant 40 : i32
        %mul3A_331 = arith.muli %add3A_324, %mul3A_330 : i32
        %dma_start3A_332 = tpu.memref_slice %arg7[%mul3A_331] : memref<10000xi32, #tpu.memory_space<vmem>> -> memref<40xi32, #tpu.memory_space<vmem>>
        %dma_start3A_333 = arith.constant 0 : i32
        %dma_start3A_334 = arith.constant 0 : i32
        %dma_start3A_335 = tpu.memref_slice %arg4[%dma_start3A_333, %dma_start3A_334] : memref<10000x128xf32, #tpu.memory_space<hbm>> -> memref<10000x128xf32, #tpu.memory_space<hbm>>
        tpu.enqueue_indirect_dma source(%dma_start3A_335 : memref<10000x128xf32, #tpu.memory_space<hbm>>) target(%arg22 : memref<40x128xf32, #tpu.memory_space<vmem>>) offsets(%dma_start3A_332 : memref<40xi32, #tpu.memory_space<vmem>>) semaphore(%arg29 : memref<!tpu.dma_semaphore, #tpu.memory_space<semaphore_mem>>)
      } else {
      }
      %mul3A_162 = arith.constant 40 : i32
      %mul3A_163 = arith.muli %add3A_151, %mul3A_162 : i32
      %dma_wait3A_164 = tpu.memref_slice %arg7[%mul3A_163] : memref<10000xi32, #tpu.memory_space<vmem>> -> memref<40xi32, #tpu.memory_space<vmem>>
      %dma_wait3A_165 = arith.constant 0 : i32
      %dma_wait3A_166 = arith.constant 0 : i32
      %dma_wait3A_167 = tpu.memref_slice %arg4[%dma_wait3A_165, %dma_wait3A_166] : memref<10000x128xf32, #tpu.memory_space<hbm>> -> memref<10000x128xf32, #tpu.memory_space<hbm>>
      tpu.wait_indirect_dma semaphore(%arg23 : memref<!tpu.dma_semaphore, #tpu.memory_space<semaphore_mem>>) src(%dma_wait3A_167 : memref<10000x128xf32, #tpu.memory_space<hbm>>) dst(%arg16 : memref<40x128xf32, #tpu.memory_space<vmem>>)
      %dma_wait3A_168 = tpu.memref_slice %arg3[%mul3A_2] : memref<320000xi32, #tpu.memory_space<hbm>> -> memref<40xi32, #tpu.memory_space<hbm>>
      %dma_wait3A_169 = tpu.memref_slice %arg3[%mul3A_2] : memref<320000xi32, #tpu.memory_space<hbm>> -> memref<40xi32, #tpu.memory_space<hbm>>
      tpu.wait_dma2 semaphore(%arg30 : memref<!tpu.dma_semaphore, #tpu.memory_space<semaphore_mem>>) src(%dma_wait3A_169 : memref<40xi32, #tpu.memory_space<hbm>>) dst(%arg9 : memref<40xi32, #tpu.memory_space<vmem>>)
      %dma_start3A_170 = arith.constant 0 : i32
      %dma_start3A_171 = arith.constant 0 : i32
      %dma_start3A_172 = tpu.memref_slice %arg8[%dma_start3A_170, %dma_start3A_171] : memref<10000x128xf32, #tpu.memory_space<vmem_shared>> -> memref<10000x128xf32, #tpu.memory_space<vmem_shared>>
      tpu.enqueue_indirect_dma source(%arg16 : memref<40x128xf32, #tpu.memory_space<vmem>>) target(%dma_start3A_172 : memref<10000x128xf32, #tpu.memory_space<vmem_shared>>) offsets(%arg9 : memref<40xi32, #tpu.memory_space<vmem>>) semaphore(%arg37 : memref<!tpu.dma_semaphore, #tpu.memory_space<semaphore_mem>>)
      %add3A_173 = arith.constant 1 : i32
      %add3A_174 = arith.addi %add3A_149, %add3A_173 : i32
      %ge3A_175 = arith.constant 1 : i32
      %ge3A_176 = arith.cmpi sge, %add3A_174, %ge3A_175 : i32
      %convert_element_type3A_177 = arith.extui %ge3A_176 : i1 to i32
      %cond3A_178 = arith.constant 0 : i32
      %cond3A_179 = arith.cmpi ne, %convert_element_type3A_177, %cond3A_178 : i32
      scf.if %cond3A_179 {
        %dma_wait3A_323 = arith.constant 0 : i32
        %dma_wait3A_324 = arith.constant 0 : i32
        %dma_wait3A_325 = tpu.memref_slice %arg8[%dma_wait3A_323, %dma_wait3A_324] : memref<10000x128xf32, #tpu.memory_space<vmem_shared>> -> memref<10000x128xf32, #tpu.memory_space<vmem_shared>>
        tpu.wait_indirect_dma semaphore(%arg37 : memref<!tpu.dma_semaphore, #tpu.memory_space<semaphore_mem>>) src(%arg16 : memref<40x128xf32, #tpu.memory_space<vmem>>) dst(%dma_wait3A_325 : memref<10000x128xf32, #tpu.memory_space<vmem_shared>>)
      } else {
      }
      %add3A_180 = arith.constant 6 : i32
      %add3A_181 = arith.addi %add3A_174, %add3A_180 : i32
      %lt3A_182 = arith.constant 250 : i32
      %lt3A_183 = arith.cmpi slt, %add3A_181, %lt3A_182 : i32
      %convert_element_type3A_184 = arith.extui %lt3A_183 : i1 to i32
      %cond3A_185 = arith.constant 0 : i32
      %cond3A_186 = arith.cmpi ne, %convert_element_type3A_184, %cond3A_185 : i32
      scf.if %cond3A_186 {
        %add3A_323 = arith.constant 6 : i32
        %add3A_324 = arith.addi %add3A_174, %add3A_323 : i32
        %mul3A_325 = arith.constant 40 : i32
        %mul3A_326 = arith.muli %add3A_324, %mul3A_325 : i32
        %add3A_327 = arith.addi %mul3A_2, %mul3A_326 : i32
        %dma_start3A_328 = tpu.memref_slice %arg3[%add3A_327] : memref<320000xi32, #tpu.memory_space<hbm>> -> memref<40xi32, #tpu.memory_space<hbm>>
        %dma_start3A_329 = tpu.memref_slice %arg3[%add3A_327] : memref<320000xi32, #tpu.memory_space<hbm>> -> memref<40xi32, #tpu.memory_space<hbm>>
        tpu.enqueue_dma source(%dma_start3A_329 : memref<40xi32, #tpu.memory_space<hbm>>) target(%arg9 : memref<40xi32, #tpu.memory_space<vmem>>) target_semaphore(%arg30 : memref<!tpu.dma_semaphore, #tpu.memory_space<semaphore_mem>>)
        %mul3A_330 = arith.constant 40 : i32
        %mul3A_331 = arith.muli %add3A_324, %mul3A_330 : i32
        %dma_start3A_332 = tpu.memref_slice %arg7[%mul3A_331] : memref<10000xi32, #tpu.memory_space<vmem>> -> memref<40xi32, #tpu.memory_space<vmem>>
        %dma_start3A_333 = arith.constant 0 : i32
        %dma_start3A_334 = arith.constant 0 : i32
        %dma_start3A_335 = tpu.memref_slice %arg4[%dma_start3A_333, %dma_start3A_334] : memref<10000x128xf32, #tpu.memory_space<hbm>> -> memref<10000x128xf32, #tpu.memory_space<hbm>>
        tpu.enqueue_indirect_dma source(%dma_start3A_335 : memref<10000x128xf32, #tpu.memory_space<hbm>>) target(%arg16 : memref<40x128xf32, #tpu.memory_space<vmem>>) offsets(%dma_start3A_332 : memref<40xi32, #tpu.memory_space<vmem>>) semaphore(%arg23 : memref<!tpu.dma_semaphore, #tpu.memory_space<semaphore_mem>>)
      } else {
      }
      %mul3A_187 = arith.constant 40 : i32
      %mul3A_188 = arith.muli %add3A_174, %mul3A_187 : i32
      %dma_wait3A_189 = tpu.memref_slice %arg7[%mul3A_188] : memref<10000xi32, #tpu.memory_space<vmem>> -> memref<40xi32, #tpu.memory_space<vmem>>
      %dma_wait3A_190 = arith.constant 0 : i32
      %dma_wait3A_191 = arith.constant 0 : i32
      %dma_wait3A_192 = tpu.memref_slice %arg4[%dma_wait3A_190, %dma_wait3A_191] : memref<10000x128xf32, #tpu.memory_space<hbm>> -> memref<10000x128xf32, #tpu.memory_space<hbm>>
      tpu.wait_indirect_dma semaphore(%arg24 : memref<!tpu.dma_semaphore, #tpu.memory_space<semaphore_mem>>) src(%dma_wait3A_192 : memref<10000x128xf32, #tpu.memory_space<hbm>>) dst(%arg17 : memref<40x128xf32, #tpu.memory_space<vmem>>)
      %dma_wait3A_193 = tpu.memref_slice %arg3[%mul3A_2] : memref<320000xi32, #tpu.memory_space<hbm>> -> memref<40xi32, #tpu.memory_space<hbm>>
      %dma_wait3A_194 = tpu.memref_slice %arg3[%mul3A_2] : memref<320000xi32, #tpu.memory_space<hbm>> -> memref<40xi32, #tpu.memory_space<hbm>>
      tpu.wait_dma2 semaphore(%arg31 : memref<!tpu.dma_semaphore, #tpu.memory_space<semaphore_mem>>) src(%dma_wait3A_194 : memref<40xi32, #tpu.memory_space<hbm>>) dst(%arg10 : memref<40xi32, #tpu.memory_space<vmem>>)
      %dma_start3A_195 = arith.constant 0 : i32
      %dma_start3A_196 = arith.constant 0 : i32
      %dma_start3A_197 = tpu.memref_slice %arg8[%dma_start3A_195, %dma_start3A_196] : memref<10000x128xf32, #tpu.memory_space<vmem_shared>> -> memref<10000x128xf32, #tpu.memory_space<vmem_shared>>
      tpu.enqueue_indirect_dma source(%arg17 : memref<40x128xf32, #tpu.memory_space<vmem>>) target(%dma_start3A_197 : memref<10000x128xf32, #tpu.memory_space<vmem_shared>>) offsets(%arg10 : memref<40xi32, #tpu.memory_space<vmem>>) semaphore(%arg38 : memref<!tpu.dma_semaphore, #tpu.memory_space<semaphore_mem>>)
      %add3A_198 = arith.constant 2 : i32
      %add3A_199 = arith.addi %add3A_149, %add3A_198 : i32
      %ge3A_200 = arith.constant 1 : i32
      %ge3A_201 = arith.cmpi sge, %add3A_199, %ge3A_200 : i32
      %convert_element_type3A_202 = arith.extui %ge3A_201 : i1 to i32
      %cond3A_203 = arith.constant 0 : i32
      %cond3A_204 = arith.cmpi ne, %convert_element_type3A_202, %cond3A_203 : i32
      scf.if %cond3A_204 {
        %dma_wait3A_323 = arith.constant 0 : i32
        %dma_wait3A_324 = arith.constant 0 : i32
        %dma_wait3A_325 = tpu.memref_slice %arg8[%dma_wait3A_323, %dma_wait3A_324] : memref<10000x128xf32, #tpu.memory_space<vmem_shared>> -> memref<10000x128xf32, #tpu.memory_space<vmem_shared>>
        tpu.wait_indirect_dma semaphore(%arg38 : memref<!tpu.dma_semaphore, #tpu.memory_space<semaphore_mem>>) src(%arg17 : memref<40x128xf32, #tpu.memory_space<vmem>>) dst(%dma_wait3A_325 : memref<10000x128xf32, #tpu.memory_space<vmem_shared>>)
      } else {
      }
      %add3A_205 = arith.constant 6 : i32
      %add3A_206 = arith.addi %add3A_199, %add3A_205 : i32
      %lt3A_207 = arith.constant 250 : i32
      %lt3A_208 = arith.cmpi slt, %add3A_206, %lt3A_207 : i32
      %convert_element_type3A_209 = arith.extui %lt3A_208 : i1 to i32
      %cond3A_210 = arith.constant 0 : i32
      %cond3A_211 = arith.cmpi ne, %convert_element_type3A_209, %cond3A_210 : i32
      scf.if %cond3A_211 {
        %add3A_323 = arith.constant 6 : i32
        %add3A_324 = arith.addi %add3A_199, %add3A_323 : i32
        %mul3A_325 = arith.constant 40 : i32
        %mul3A_326 = arith.muli %add3A_324, %mul3A_325 : i32
        %add3A_327 = arith.addi %mul3A_2, %mul3A_326 : i32
        %dma_start3A_328 = tpu.memref_slice %arg3[%add3A_327] : memref<320000xi32, #tpu.memory_space<hbm>> -> memref<40xi32, #tpu.memory_space<hbm>>
        %dma_start3A_329 = tpu.memref_slice %arg3[%add3A_327] : memref<320000xi32, #tpu.memory_space<hbm>> -> memref<40xi32, #tpu.memory_space<hbm>>
        tpu.enqueue_dma source(%dma_start3A_329 : memref<40xi32, #tpu.memory_space<hbm>>) target(%arg10 : memref<40xi32, #tpu.memory_space<vmem>>) target_semaphore(%arg31 : memref<!tpu.dma_semaphore, #tpu.memory_space<semaphore_mem>>)
        %mul3A_330 = arith.constant 40 : i32
        %mul3A_331 = arith.muli %add3A_324, %mul3A_330 : i32
        %dma_start3A_332 = tpu.memref_slice %arg7[%mul3A_331] : memref<10000xi32, #tpu.memory_space<vmem>> -> memref<40xi32, #tpu.memory_space<vmem>>
        %dma_start3A_333 = arith.constant 0 : i32
        %dma_start3A_334 = arith.constant 0 : i32
        %dma_start3A_335 = tpu.memref_slice %arg4[%dma_start3A_333, %dma_start3A_334] : memref<10000x128xf32, #tpu.memory_space<hbm>> -> memref<10000x128xf32, #tpu.memory_space<hbm>>
        tpu.enqueue_indirect_dma source(%dma_start3A_335 : memref<10000x128xf32, #tpu.memory_space<hbm>>) target(%arg17 : memref<40x128xf32, #tpu.memory_space<vmem>>) offsets(%dma_start3A_332 : memref<40xi32, #tpu.memory_space<vmem>>) semaphore(%arg24 : memref<!tpu.dma_semaphore, #tpu.memory_space<semaphore_mem>>)
      } else {
      }
      %mul3A_212 = arith.constant 40 : i32
      %mul3A_213 = arith.muli %add3A_199, %mul3A_212 : i32
      %dma_wait3A_214 = tpu.memref_slice %arg7[%mul3A_213] : memref<10000xi32, #tpu.memory_space<vmem>> -> memref<40xi32, #tpu.memory_space<vmem>>
      %dma_wait3A_215 = arith.constant 0 : i32
      %dma_wait3A_216 = arith.constant 0 : i32
      %dma_wait3A_217 = tpu.memref_slice %arg4[%dma_wait3A_215, %dma_wait3A_216] : memref<10000x128xf32, #tpu.memory_space<hbm>> -> memref<10000x128xf32, #tpu.memory_space<hbm>>
      tpu.wait_indirect_dma semaphore(%arg25 : memref<!tpu.dma_semaphore, #tpu.memory_space<semaphore_mem>>) src(%dma_wait3A_217 : memref<10000x128xf32, #tpu.memory_space<hbm>>) dst(%arg18 : memref<40x128xf32, #tpu.memory_space<vmem>>)
      %dma_wait3A_218 = tpu.memref_slice %arg3[%mul3A_2] : memref<320000xi32, #tpu.memory_space<hbm>> -> memref<40xi32, #tpu.memory_space<hbm>>
      %dma_wait3A_219 = tpu.memref_slice %arg3[%mul3A_2] : memref<320000xi32, #tpu.memory_space<hbm>> -> memref<40xi32, #tpu.memory_space<hbm>>
      tpu.wait_dma2 semaphore(%arg32 : memref<!tpu.dma_semaphore, #tpu.memory_space<semaphore_mem>>) src(%dma_wait3A_219 : memref<40xi32, #tpu.memory_space<hbm>>) dst(%arg11 : memref<40xi32, #tpu.memory_space<vmem>>)
      %dma_start3A_220 = arith.constant 0 : i32
      %dma_start3A_221 = arith.constant 0 : i32
      %dma_start3A_222 = tpu.memref_slice %arg8[%dma_start3A_220, %dma_start3A_221] : memref<10000x128xf32, #tpu.memory_space<vmem_shared>> -> memref<10000x128xf32, #tpu.memory_space<vmem_shared>>
      tpu.enqueue_indirect_dma source(%arg18 : memref<40x128xf32, #tpu.memory_space<vmem>>) target(%dma_start3A_222 : memref<10000x128xf32, #tpu.memory_space<vmem_shared>>) offsets(%arg11 : memref<40xi32, #tpu.memory_space<vmem>>) semaphore(%arg39 : memref<!tpu.dma_semaphore, #tpu.memory_space<semaphore_mem>>)
      %add3A_223 = arith.constant 3 : i32
      %add3A_224 = arith.addi %add3A_149, %add3A_223 : i32
      %ge3A_225 = arith.constant 1 : i32
      %ge3A_226 = arith.cmpi sge, %add3A_224, %ge3A_225 : i32
      %convert_element_type3A_227 = arith.extui %ge3A_226 : i1 to i32
      %cond3A_228 = arith.constant 0 : i32
      %cond3A_229 = arith.cmpi ne, %convert_element_type3A_227, %cond3A_228 : i32
      scf.if %cond3A_229 {
        %dma_wait3A_323 = arith.constant 0 : i32
        %dma_wait3A_324 = arith.constant 0 : i32
        %dma_wait3A_325 = tpu.memref_slice %arg8[%dma_wait3A_323, %dma_wait3A_324] : memref<10000x128xf32, #tpu.memory_space<vmem_shared>> -> memref<10000x128xf32, #tpu.memory_space<vmem_shared>>
        tpu.wait_indirect_dma semaphore(%arg39 : memref<!tpu.dma_semaphore, #tpu.memory_space<semaphore_mem>>) src(%arg18 : memref<40x128xf32, #tpu.memory_space<vmem>>) dst(%dma_wait3A_325 : memref<10000x128xf32, #tpu.memory_space<vmem_shared>>)
      } else {
      }
      %add3A_230 = arith.constant 6 : i32
      %add3A_231 = arith.addi %add3A_224, %add3A_230 : i32
      %lt3A_232 = arith.constant 250 : i32
      %lt3A_233 = arith.cmpi slt, %add3A_231, %lt3A_232 : i32
      %convert_element_type3A_234 = arith.extui %lt3A_233 : i1 to i32
      %cond3A_235 = arith.constant 0 : i32
      %cond3A_236 = arith.cmpi ne, %convert_element_type3A_234, %cond3A_235 : i32
      scf.if %cond3A_236 {
        %add3A_323 = arith.constant 6 : i32
        %add3A_324 = arith.addi %add3A_224, %add3A_323 : i32
        %mul3A_325 = arith.constant 40 : i32
        %mul3A_326 = arith.muli %add3A_324, %mul3A_325 : i32
        %add3A_327 = arith.addi %mul3A_2, %mul3A_326 : i32
        %dma_start3A_328 = tpu.memref_slice %arg3[%add3A_327] : memref<320000xi32, #tpu.memory_space<hbm>> -> memref<40xi32, #tpu.memory_space<hbm>>
        %dma_start3A_329 = tpu.memref_slice %arg3[%add3A_327] : memref<320000xi32, #tpu.memory_space<hbm>> -> memref<40xi32, #tpu.memory_space<hbm>>
        tpu.enqueue_dma source(%dma_start3A_329 : memref<40xi32, #tpu.memory_space<hbm>>) target(%arg11 : memref<40xi32, #tpu.memory_space<vmem>>) target_semaphore(%arg32 : memref<!tpu.dma_semaphore, #tpu.memory_space<semaphore_mem>>)
        %mul3A_330 = arith.constant 40 : i32
        %mul3A_331 = arith.muli %add3A_324, %mul3A_330 : i32
        %dma_start3A_332 = tpu.memref_slice %arg7[%mul3A_331] : memref<10000xi32, #tpu.memory_space<vmem>> -> memref<40xi32, #tpu.memory_space<vmem>>
        %dma_start3A_333 = arith.constant 0 : i32
        %dma_start3A_334 = arith.constant 0 : i32
        %dma_start3A_335 = tpu.memref_slice %arg4[%dma_start3A_333, %dma_start3A_334] : memref<10000x128xf32, #tpu.memory_space<hbm>> -> memref<10000x128xf32, #tpu.memory_space<hbm>>
        tpu.enqueue_indirect_dma source(%dma_start3A_335 : memref<10000x128xf32, #tpu.memory_space<hbm>>) target(%arg18 : memref<40x128xf32, #tpu.memory_space<vmem>>) offsets(%dma_start3A_332 : memref<40xi32, #tpu.memory_space<vmem>>) semaphore(%arg25 : memref<!tpu.dma_semaphore, #tpu.memory_space<semaphore_mem>>)
      } else {
      }
      %mul3A_237 = arith.constant 40 : i32
      %mul3A_238 = arith.muli %add3A_224, %mul3A_237 : i32
      %dma_wait3A_239 = tpu.memref_slice %arg7[%mul3A_238] : memref<10000xi32, #tpu.memory_space<vmem>> -> memref<40xi32, #tpu.memory_space<vmem>>
      %dma_wait3A_240 = arith.constant 0 : i32
      %dma_wait3A_241 = arith.constant 0 : i32
      %dma_wait3A_242 = tpu.memref_slice %arg4[%dma_wait3A_240, %dma_wait3A_241] : memref<10000x128xf32, #tpu.memory_space<hbm>> -> memref<10000x128xf32, #tpu.memory_space<hbm>>
      tpu.wait_indirect_dma semaphore(%arg26 : memref<!tpu.dma_semaphore, #tpu.memory_space<semaphore_mem>>) src(%dma_wait3A_242 : memref<10000x128xf32, #tpu.memory_space<hbm>>) dst(%arg19 : memref<40x128xf32, #tpu.memory_space<vmem>>)
      %dma_wait3A_243 = tpu.memref_slice %arg3[%mul3A_2] : memref<320000xi32, #tpu.memory_space<hbm>> -> memref<40xi32, #tpu.memory_space<hbm>>
      %dma_wait3A_244 = tpu.memref_slice %arg3[%mul3A_2] : memref<320000xi32, #tpu.memory_space<hbm>> -> memref<40xi32, #tpu.memory_space<hbm>>
      tpu.wait_dma2 semaphore(%arg33 : memref<!tpu.dma_semaphore, #tpu.memory_space<semaphore_mem>>) src(%dma_wait3A_244 : memref<40xi32, #tpu.memory_space<hbm>>) dst(%arg12 : memref<40xi32, #tpu.memory_space<vmem>>)
      %dma_start3A_245 = arith.constant 0 : i32
      %dma_start3A_246 = arith.constant 0 : i32
      %dma_start3A_247 = tpu.memref_slice %arg8[%dma_start3A_245, %dma_start3A_246] : memref<10000x128xf32, #tpu.memory_space<vmem_shared>> -> memref<10000x128xf32, #tpu.memory_space<vmem_shared>>
      tpu.enqueue_indirect_dma source(%arg19 : memref<40x128xf32, #tpu.memory_space<vmem>>) target(%dma_start3A_247 : memref<10000x128xf32, #tpu.memory_space<vmem_shared>>) offsets(%arg12 : memref<40xi32, #tpu.memory_space<vmem>>) semaphore(%arg40 : memref<!tpu.dma_semaphore, #tpu.memory_space<semaphore_mem>>)
      %add3A_248 = arith.constant 4 : i32
      %add3A_249 = arith.addi %add3A_149, %add3A_248 : i32
      %ge3A_250 = arith.constant 1 : i32
      %ge3A_251 = arith.cmpi sge, %add3A_249, %ge3A_250 : i32
      %convert_element_type3A_252 = arith.extui %ge3A_251 : i1 to i32
      %cond3A_253 = arith.constant 0 : i32
      %cond3A_254 = arith.cmpi ne, %convert_element_type3A_252, %cond3A_253 : i32
      scf.if %cond3A_254 {
        %dma_wait3A_323 = arith.constant 0 : i32
        %dma_wait3A_324 = arith.constant 0 : i32
        %dma_wait3A_325 = tpu.memref_slice %arg8[%dma_wait3A_323, %dma_wait3A_324] : memref<10000x128xf32, #tpu.memory_space<vmem_shared>> -> memref<10000x128xf32, #tpu.memory_space<vmem_shared>>
        tpu.wait_indirect_dma semaphore(%arg40 : memref<!tpu.dma_semaphore, #tpu.memory_space<semaphore_mem>>) src(%arg19 : memref<40x128xf32, #tpu.memory_space<vmem>>) dst(%dma_wait3A_325 : memref<10000x128xf32, #tpu.memory_space<vmem_shared>>)
      } else {
      }
      %add3A_255 = arith.constant 6 : i32
      %add3A_256 = arith.addi %add3A_249, %add3A_255 : i32
      %lt3A_257 = arith.constant 250 : i32
      %lt3A_258 = arith.cmpi slt, %add3A_256, %lt3A_257 : i32
      %convert_element_type3A_259 = arith.extui %lt3A_258 : i1 to i32
      %cond3A_260 = arith.constant 0 : i32
      %cond3A_261 = arith.cmpi ne, %convert_element_type3A_259, %cond3A_260 : i32
      scf.if %cond3A_261 {
        %add3A_323 = arith.constant 6 : i32
        %add3A_324 = arith.addi %add3A_249, %add3A_323 : i32
        %mul3A_325 = arith.constant 40 : i32
        %mul3A_326 = arith.muli %add3A_324, %mul3A_325 : i32
        %add3A_327 = arith.addi %mul3A_2, %mul3A_326 : i32
        %dma_start3A_328 = tpu.memref_slice %arg3[%add3A_327] : memref<320000xi32, #tpu.memory_space<hbm>> -> memref<40xi32, #tpu.memory_space<hbm>>
        %dma_start3A_329 = tpu.memref_slice %arg3[%add3A_327] : memref<320000xi32, #tpu.memory_space<hbm>> -> memref<40xi32, #tpu.memory_space<hbm>>
        tpu.enqueue_dma source(%dma_start3A_329 : memref<40xi32, #tpu.memory_space<hbm>>) target(%arg12 : memref<40xi32, #tpu.memory_space<vmem>>) target_semaphore(%arg33 : memref<!tpu.dma_semaphore, #tpu.memory_space<semaphore_mem>>)
        %mul3A_330 = arith.constant 40 : i32
        %mul3A_331 = arith.muli %add3A_324, %mul3A_330 : i32
        %dma_start3A_332 = tpu.memref_slice %arg7[%mul3A_331] : memref<10000xi32, #tpu.memory_space<vmem>> -> memref<40xi32, #tpu.memory_space<vmem>>
        %dma_start3A_333 = arith.constant 0 : i32
        %dma_start3A_334 = arith.constant 0 : i32
        %dma_start3A_335 = tpu.memref_slice %arg4[%dma_start3A_333, %dma_start3A_334] : memref<10000x128xf32, #tpu.memory_space<hbm>> -> memref<10000x128xf32, #tpu.memory_space<hbm>>
        tpu.enqueue_indirect_dma source(%dma_start3A_335 : memref<10000x128xf32, #tpu.memory_space<hbm>>) target(%arg19 : memref<40x128xf32, #tpu.memory_space<vmem>>) offsets(%dma_start3A_332 : memref<40xi32, #tpu.memory_space<vmem>>) semaphore(%arg26 : memref<!tpu.dma_semaphore, #tpu.memory_space<semaphore_mem>>)
      } else {
      }
      %mul3A_262 = arith.constant 40 : i32
      %mul3A_263 = arith.muli %add3A_249, %mul3A_262 : i32
      %dma_wait3A_264 = tpu.memref_slice %arg7[%mul3A_263] : memref<10000xi32, #tpu.memory_space<vmem>> -> memref<40xi32, #tpu.memory_space<vmem>>
      %dma_wait3A_265 = arith.constant 0 : i32
      %dma_wait3A_266 = arith.constant 0 : i32
      %dma_wait3A_267 = tpu.memref_slice %arg4[%dma_wait3A_265, %dma_wait3A_266] : memref<10000x128xf32, #tpu.memory_space<hbm>> -> memref<10000x128xf32, #tpu.memory_space<hbm>>
      tpu.wait_indirect_dma semaphore(%arg27 : memref<!tpu.dma_semaphore, #tpu.memory_space<semaphore_mem>>) src(%dma_wait3A_267 : memref<10000x128xf32, #tpu.memory_space<hbm>>) dst(%arg20 : memref<40x128xf32, #tpu.memory_space<vmem>>)
      %dma_wait3A_268 = tpu.memref_slice %arg3[%mul3A_2] : memref<320000xi32, #tpu.memory_space<hbm>> -> memref<40xi32, #tpu.memory_space<hbm>>
      %dma_wait3A_269 = tpu.memref_slice %arg3[%mul3A_2] : memref<320000xi32, #tpu.memory_space<hbm>> -> memref<40xi32, #tpu.memory_space<hbm>>
      tpu.wait_dma2 semaphore(%arg34 : memref<!tpu.dma_semaphore, #tpu.memory_space<semaphore_mem>>) src(%dma_wait3A_269 : memref<40xi32, #tpu.memory_space<hbm>>) dst(%arg13 : memref<40xi32, #tpu.memory_space<vmem>>)
      %dma_start3A_270 = arith.constant 0 : i32
      %dma_start3A_271 = arith.constant 0 : i32
      %dma_start3A_272 = tpu.memref_slice %arg8[%dma_start3A_270, %dma_start3A_271] : memref<10000x128xf32, #tpu.memory_space<vmem_shared>> -> memref<10000x128xf32, #tpu.memory_space<vmem_shared>>
      tpu.enqueue_indirect_dma source(%arg20 : memref<40x128xf32, #tpu.memory_space<vmem>>) target(%dma_start3A_272 : memref<10000x128xf32, #tpu.memory_space<vmem_shared>>) offsets(%arg13 : memref<40xi32, #tpu.memory_space<vmem>>) semaphore(%arg41 : memref<!tpu.dma_semaphore, #tpu.memory_space<semaphore_mem>>)
      %add3A_273 = arith.constant 5 : i32
      %add3A_274 = arith.addi %add3A_149, %add3A_273 : i32
      %ge3A_275 = arith.constant 1 : i32
      %ge3A_276 = arith.cmpi sge, %add3A_274, %ge3A_275 : i32
      %convert_element_type3A_277 = arith.extui %ge3A_276 : i1 to i32
      %cond3A_278 = arith.constant 0 : i32
      %cond3A_279 = arith.cmpi ne, %convert_element_type3A_277, %cond3A_278 : i32
      scf.if %cond3A_279 {
        %dma_wait3A_323 = arith.constant 0 : i32
        %dma_wait3A_324 = arith.constant 0 : i32
        %dma_wait3A_325 = tpu.memref_slice %arg8[%dma_wait3A_323, %dma_wait3A_324] : memref<10000x128xf32, #tpu.memory_space<vmem_shared>> -> memref<10000x128xf32, #tpu.memory_space<vmem_shared>>
        tpu.wait_indirect_dma semaphore(%arg41 : memref<!tpu.dma_semaphore, #tpu.memory_space<semaphore_mem>>) src(%arg20 : memref<40x128xf32, #tpu.memory_space<vmem>>) dst(%dma_wait3A_325 : memref<10000x128xf32, #tpu.memory_space<vmem_shared>>)
      } else {
      }
      %add3A_280 = arith.constant 6 : i32
      %add3A_281 = arith.addi %add3A_274, %add3A_280 : i32
      %lt3A_282 = arith.constant 250 : i32
      %lt3A_283 = arith.cmpi slt, %add3A_281, %lt3A_282 : i32
      %convert_element_type3A_284 = arith.extui %lt3A_283 : i1 to i32
      %cond3A_285 = arith.constant 0 : i32
      %cond3A_286 = arith.cmpi ne, %convert_element_type3A_284, %cond3A_285 : i32
      scf.if %cond3A_286 {
        %add3A_323 = arith.constant 6 : i32
        %add3A_324 = arith.addi %add3A_274, %add3A_323 : i32
        %mul3A_325 = arith.constant 40 : i32
        %mul3A_326 = arith.muli %add3A_324, %mul3A_325 : i32
        %add3A_327 = arith.addi %mul3A_2, %mul3A_326 : i32
        %dma_start3A_328 = tpu.memref_slice %arg3[%add3A_327] : memref<320000xi32, #tpu.memory_space<hbm>> -> memref<40xi32, #tpu.memory_space<hbm>>
        %dma_start3A_329 = tpu.memref_slice %arg3[%add3A_327] : memref<320000xi32, #tpu.memory_space<hbm>> -> memref<40xi32, #tpu.memory_space<hbm>>
        tpu.enqueue_dma source(%dma_start3A_329 : memref<40xi32, #tpu.memory_space<hbm>>) target(%arg13 : memref<40xi32, #tpu.memory_space<vmem>>) target_semaphore(%arg34 : memref<!tpu.dma_semaphore, #tpu.memory_space<semaphore_mem>>)
        %mul3A_330 = arith.constant 40 : i32
        %mul3A_331 = arith.muli %add3A_324, %mul3A_330 : i32
        %dma_start3A_332 = tpu.memref_slice %arg7[%mul3A_331] : memref<10000xi32, #tpu.memory_space<vmem>> -> memref<40xi32, #tpu.memory_space<vmem>>
        %dma_start3A_333 = arith.constant 0 : i32
        %dma_start3A_334 = arith.constant 0 : i32
        %dma_start3A_335 = tpu.memref_slice %arg4[%dma_start3A_333, %dma_start3A_334] : memref<10000x128xf32, #tpu.memory_space<hbm>> -> memref<10000x128xf32, #tpu.memory_space<hbm>>
        tpu.enqueue_indirect_dma source(%dma_start3A_335 : memref<10000x128xf32, #tpu.memory_space<hbm>>) target(%arg20 : memref<40x128xf32, #tpu.memory_space<vmem>>) offsets(%dma_start3A_332 : memref<40xi32, #tpu.memory_space<vmem>>) semaphore(%arg27 : memref<!tpu.dma_semaphore, #tpu.memory_space<semaphore_mem>>)
      } else {
      }
      %mul3A_287 = arith.constant 40 : i32
      %mul3A_288 = arith.muli %add3A_274, %mul3A_287 : i32
      %dma_wait3A_289 = tpu.memref_slice %arg7[%mul3A_288] : memref<10000xi32, #tpu.memory_space<vmem>> -> memref<40xi32, #tpu.memory_space<vmem>>
      %dma_wait3A_290 = arith.constant 0 : i32
      %dma_wait3A_291 = arith.constant 0 : i32
      %dma_wait3A_292 = tpu.memref_slice %arg4[%dma_wait3A_290, %dma_wait3A_291] : memref<10000x128xf32, #tpu.memory_space<hbm>> -> memref<10000x128xf32, #tpu.memory_space<hbm>>
      tpu.wait_indirect_dma semaphore(%arg28 : memref<!tpu.dma_semaphore, #tpu.memory_space<semaphore_mem>>) src(%dma_wait3A_292 : memref<10000x128xf32, #tpu.memory_space<hbm>>) dst(%arg21 : memref<40x128xf32, #tpu.memory_space<vmem>>)
      %dma_wait3A_293 = tpu.memref_slice %arg3[%mul3A_2] : memref<320000xi32, #tpu.memory_space<hbm>> -> memref<40xi32, #tpu.memory_space<hbm>>
      %dma_wait3A_294 = tpu.memref_slice %arg3[%mul3A_2] : memref<320000xi32, #tpu.memory_space<hbm>> -> memref<40xi32, #tpu.memory_space<hbm>>
      tpu.wait_dma2 semaphore(%arg35 : memref<!tpu.dma_semaphore, #tpu.memory_space<semaphore_mem>>) src(%dma_wait3A_294 : memref<40xi32, #tpu.memory_space<hbm>>) dst(%arg14 : memref<40xi32, #tpu.memory_space<vmem>>)
      %dma_start3A_295 = arith.constant 0 : i32
      %dma_start3A_296 = arith.constant 0 : i32
      %dma_start3A_297 = tpu.memref_slice %arg8[%dma_start3A_295, %dma_start3A_296] : memref<10000x128xf32, #tpu.memory_space<vmem_shared>> -> memref<10000x128xf32, #tpu.memory_space<vmem_shared>>
      tpu.enqueue_indirect_dma source(%arg21 : memref<40x128xf32, #tpu.memory_space<vmem>>) target(%dma_start3A_297 : memref<10000x128xf32, #tpu.memory_space<vmem_shared>>) offsets(%arg14 : memref<40xi32, #tpu.memory_space<vmem>>) semaphore(%arg42 : memref<!tpu.dma_semaphore, #tpu.memory_space<semaphore_mem>>)
      %add3A_298 = arith.constant 6 : i32
      %add3A_299 = arith.addi %add3A_149, %add3A_298 : i32
      %ge3A_300 = arith.constant 1 : i32
      %ge3A_301 = arith.cmpi sge, %add3A_299, %ge3A_300 : i32
      %convert_element_type3A_302 = arith.extui %ge3A_301 : i1 to i32
      %cond3A_303 = arith.constant 0 : i32
      %cond3A_304 = arith.cmpi ne, %convert_element_type3A_302, %cond3A_303 : i32
      scf.if %cond3A_304 {
        %dma_wait3A_323 = arith.constant 0 : i32
        %dma_wait3A_324 = arith.constant 0 : i32
        %dma_wait3A_325 = tpu.memref_slice %arg8[%dma_wait3A_323, %dma_wait3A_324] : memref<10000x128xf32, #tpu.memory_space<vmem_shared>> -> memref<10000x128xf32, #tpu.memory_space<vmem_shared>>
        tpu.wait_indirect_dma semaphore(%arg42 : memref<!tpu.dma_semaphore, #tpu.memory_space<semaphore_mem>>) src(%arg21 : memref<40x128xf32, #tpu.memory_space<vmem>>) dst(%dma_wait3A_325 : memref<10000x128xf32, #tpu.memory_space<vmem_shared>>)
      } else {
      }
      %add3A_305 = arith.constant 6 : i32
      %add3A_306 = arith.addi %add3A_299, %add3A_305 : i32
      %lt3A_307 = arith.constant 250 : i32
      %lt3A_308 = arith.cmpi slt, %add3A_306, %lt3A_307 : i32
      %convert_element_type3A_309 = arith.extui %lt3A_308 : i1 to i32
      %cond3A_310 = arith.constant 0 : i32
      %cond3A_311 = arith.cmpi ne, %convert_element_type3A_309, %cond3A_310 : i32
      scf.if %cond3A_311 {
        %add3A_323 = arith.constant 6 : i32
        %add3A_324 = arith.addi %add3A_299, %add3A_323 : i32
        %mul3A_325 = arith.constant 40 : i32
        %mul3A_326 = arith.muli %add3A_324, %mul3A_325 : i32
        %add3A_327 = arith.addi %mul3A_2, %mul3A_326 : i32
        %dma_start3A_328 = tpu.memref_slice %arg3[%add3A_327] : memref<320000xi32, #tpu.memory_space<hbm>> -> memref<40xi32, #tpu.memory_space<hbm>>
        %dma_start3A_329 = tpu.memref_slice %arg3[%add3A_327] : memref<320000xi32, #tpu.memory_space<hbm>> -> memref<40xi32, #tpu.memory_space<hbm>>
        tpu.enqueue_dma source(%dma_start3A_329 : memref<40xi32, #tpu.memory_space<hbm>>) target(%arg14 : memref<40xi32, #tpu.memory_space<vmem>>) target_semaphore(%arg35 : memref<!tpu.dma_semaphore, #tpu.memory_space<semaphore_mem>>)
        %mul3A_330 = arith.constant 40 : i32
        %mul3A_331 = arith.muli %add3A_324, %mul3A_330 : i32
        %dma_start3A_332 = tpu.memref_slice %arg7[%mul3A_331] : memref<10000xi32, #tpu.memory_space<vmem>> -> memref<40xi32, #tpu.memory_space<vmem>>
        %dma_start3A_333 = arith.constant 0 : i32
        %dma_start3A_334 = arith.constant 0 : i32
        %dma_start3A_335 = tpu.memref_slice %arg4[%dma_start3A_333, %dma_start3A_334] : memref<10000x128xf32, #tpu.memory_space<hbm>> -> memref<10000x128xf32, #tpu.memory_space<hbm>>
        tpu.enqueue_indirect_dma source(%dma_start3A_335 : memref<10000x128xf32, #tpu.memory_space<hbm>>) target(%arg21 : memref<40x128xf32, #tpu.memory_space<vmem>>) offsets(%dma_start3A_332 : memref<40xi32, #tpu.memory_space<vmem>>) semaphore(%arg28 : memref<!tpu.dma_semaphore, #tpu.memory_space<semaphore_mem>>)
      } else {
      }
      %mul3A_312 = arith.constant 40 : i32
      %mul3A_313 = arith.muli %add3A_299, %mul3A_312 : i32
      %dma_wait3A_314 = tpu.memref_slice %arg7[%mul3A_313] : memref<10000xi32, #tpu.memory_space<vmem>> -> memref<40xi32, #tpu.memory_space<vmem>>
      %dma_wait3A_315 = arith.constant 0 : i32
      %dma_wait3A_316 = arith.constant 0 : i32
      %dma_wait3A_317 = tpu.memref_slice %arg4[%dma_wait3A_315, %dma_wait3A_316] : memref<10000x128xf32, #tpu.memory_space<hbm>> -> memref<10000x128xf32, #tpu.memory_space<hbm>>
      tpu.wait_indirect_dma semaphore(%arg29 : memref<!tpu.dma_semaphore, #tpu.memory_space<semaphore_mem>>) src(%dma_wait3A_317 : memref<10000x128xf32, #tpu.memory_space<hbm>>) dst(%arg22 : memref<40x128xf32, #tpu.memory_space<vmem>>)
      %dma_wait3A_318 = tpu.memref_slice %arg3[%mul3A_2] : memref<320000xi32, #tpu.memory_space<hbm>> -> memref<40xi32, #tpu.memory_space<hbm>>
      %dma_wait3A_319 = tpu.memref_slice %arg3[%mul3A_2] : memref<320000xi32, #tpu.memory_space<hbm>> -> memref<40xi32, #tpu.memory_space<hbm>>
      tpu.wait_dma2 semaphore(%arg36 : memref<!tpu.dma_semaphore, #tpu.memory_space<semaphore_mem>>) src(%dma_wait3A_319 : memref<40xi32, #tpu.memory_space<hbm>>) dst(%arg15 : memref<40xi32, #tpu.memory_space<vmem>>)
      %dma_start3A_320 = arith.constant 0 : i32
      %dma_start3A_321 = arith.constant 0 : i32
      %dma_start3A_322 = tpu.memref_slice %arg8[%dma_start3A_320, %dma_start3A_321] : memref<10000x128xf32, #tpu.memory_space<vmem_shared>> -> memref<10000x128xf32, #tpu.memory_space<vmem_shared>>
      tpu.enqueue_indirect_dma source(%arg22 : memref<40x128xf32, #tpu.memory_space<vmem>>) target(%dma_start3A_322 : memref<10000x128xf32, #tpu.memory_space<vmem_shared>>) offsets(%arg15 : memref<40xi32, #tpu.memory_space<vmem>>) semaphore(%arg43 : memref<!tpu.dma_semaphore, #tpu.memory_space<semaphore_mem>>)
    }
    %scan3A_70 = arith.constant 35 : i32
    %dma_wait3A_71 = arith.constant 0 : i32
    %dma_wait3A_72 = arith.constant 0 : i32
    %dma_wait3A_73 = tpu.memref_slice %arg8[%dma_wait3A_71, %dma_wait3A_72] : memref<10000x128xf32, #tpu.memory_space<vmem_shared>> -> memref<10000x128xf32, #tpu.memory_space<vmem_shared>>
    tpu.wait_indirect_dma semaphore(%arg43 : memref<!tpu.dma_semaphore, #tpu.memory_space<semaphore_mem>>) src(%arg22 : memref<40x128xf32, #tpu.memory_space<vmem>>) dst(%dma_wait3A_73 : memref<10000x128xf32, #tpu.memory_space<vmem_shared>>)
    %dma_wait3A_74 = arith.constant 9800 : i32
    %dma_wait3A_75 = tpu.memref_slice %arg7[%dma_wait3A_74] : memref<10000xi32, #tpu.memory_space<vmem>> -> memref<40xi32, #tpu.memory_space<vmem>>
    %dma_wait3A_76 = arith.constant 0 : i32
    %dma_wait3A_77 = arith.constant 0 : i32
    %dma_wait3A_78 = tpu.memref_slice %arg4[%dma_wait3A_76, %dma_wait3A_77] : memref<10000x128xf32, #tpu.memory_space<hbm>> -> memref<10000x128xf32, #tpu.memory_space<hbm>>
    tpu.wait_indirect_dma semaphore(%arg23 : memref<!tpu.dma_semaphore, #tpu.memory_space<semaphore_mem>>) src(%dma_wait3A_78 : memref<10000x128xf32, #tpu.memory_space<hbm>>) dst(%arg16 : memref<40x128xf32, #tpu.memory_space<vmem>>)
    %dma_wait3A_79 = tpu.memref_slice %arg3[%mul3A_2] : memref<320000xi32, #tpu.memory_space<hbm>> -> memref<40xi32, #tpu.memory_space<hbm>>
    %dma_wait3A_80 = tpu.memref_slice %arg3[%mul3A_2] : memref<320000xi32, #tpu.memory_space<hbm>> -> memref<40xi32, #tpu.memory_space<hbm>>
    tpu.wait_dma2 semaphore(%arg30 : memref<!tpu.dma_semaphore, #tpu.memory_space<semaphore_mem>>) src(%dma_wait3A_80 : memref<40xi32, #tpu.memory_space<hbm>>) dst(%arg9 : memref<40xi32, #tpu.memory_space<vmem>>)
    %dma_start3A_81 = arith.constant 0 : i32
    %dma_start3A_82 = arith.constant 0 : i32
    %dma_start3A_83 = tpu.memref_slice %arg8[%dma_start3A_81, %dma_start3A_82] : memref<10000x128xf32, #tpu.memory_space<vmem_shared>> -> memref<10000x128xf32, #tpu.memory_space<vmem_shared>>
    tpu.enqueue_indirect_dma source(%arg16 : memref<40x128xf32, #tpu.memory_space<vmem>>) target(%dma_start3A_83 : memref<10000x128xf32, #tpu.memory_space<vmem_shared>>) offsets(%arg9 : memref<40xi32, #tpu.memory_space<vmem>>) semaphore(%arg37 : memref<!tpu.dma_semaphore, #tpu.memory_space<semaphore_mem>>)
    %dma_wait3A_84 = arith.constant 0 : i32
    %dma_wait3A_85 = arith.constant 0 : i32
    %dma_wait3A_86 = tpu.memref_slice %arg8[%dma_wait3A_84, %dma_wait3A_85] : memref<10000x128xf32, #tpu.memory_space<vmem_shared>> -> memref<10000x128xf32, #tpu.memory_space<vmem_shared>>
    tpu.wait_indirect_dma semaphore(%arg37 : memref<!tpu.dma_semaphore, #tpu.memory_space<semaphore_mem>>) src(%arg16 : memref<40x128xf32, #tpu.memory_space<vmem>>) dst(%dma_wait3A_86 : memref<10000x128xf32, #tpu.memory_space<vmem_shared>>)
    %dma_wait3A_87 = arith.constant 9840 : i32
    %dma_wait3A_88 = tpu.memref_slice %arg7[%dma_wait3A_87] : memref<10000xi32, #tpu.memory_space<vmem>> -> memref<40xi32, #tpu.memory_space<vmem>>
    %dma_wait3A_89 = arith.constant 0 : i32
    %dma_wait3A_90 = arith.constant 0 : i32
    %dma_wait3A_91 = tpu.memref_slice %arg4[%dma_wait3A_89, %dma_wait3A_90] : memref<10000x128xf32, #tpu.memory_space<hbm>> -> memref<10000x128xf32, #tpu.memory_space<hbm>>
    tpu.wait_indirect_dma semaphore(%arg24 : memref<!tpu.dma_semaphore, #tpu.memory_space<semaphore_mem>>) src(%dma_wait3A_91 : memref<10000x128xf32, #tpu.memory_space<hbm>>) dst(%arg17 : memref<40x128xf32, #tpu.memory_space<vmem>>)
    %dma_wait3A_92 = tpu.memref_slice %arg3[%mul3A_2] : memref<320000xi32, #tpu.memory_space<hbm>> -> memref<40xi32, #tpu.memory_space<hbm>>
    %dma_wait3A_93 = tpu.memref_slice %arg3[%mul3A_2] : memref<320000xi32, #tpu.memory_space<hbm>> -> memref<40xi32, #tpu.memory_space<hbm>>
    tpu.wait_dma2 semaphore(%arg31 : memref<!tpu.dma_semaphore, #tpu.memory_space<semaphore_mem>>) src(%dma_wait3A_93 : memref<40xi32, #tpu.memory_space<hbm>>) dst(%arg10 : memref<40xi32, #tpu.memory_space<vmem>>)
    %dma_start3A_94 = arith.constant 0 : i32
    %dma_start3A_95 = arith.constant 0 : i32
    %dma_start3A_96 = tpu.memref_slice %arg8[%dma_start3A_94, %dma_start3A_95] : memref<10000x128xf32, #tpu.memory_space<vmem_shared>> -> memref<10000x128xf32, #tpu.memory_space<vmem_shared>>
    tpu.enqueue_indirect_dma source(%arg17 : memref<40x128xf32, #tpu.memory_space<vmem>>) target(%dma_start3A_96 : memref<10000x128xf32, #tpu.memory_space<vmem_shared>>) offsets(%arg10 : memref<40xi32, #tpu.memory_space<vmem>>) semaphore(%arg38 : memref<!tpu.dma_semaphore, #tpu.memory_space<semaphore_mem>>)
    %dma_wait3A_97 = arith.constant 0 : i32
    %dma_wait3A_98 = arith.constant 0 : i32
    %dma_wait3A_99 = tpu.memref_slice %arg8[%dma_wait3A_97, %dma_wait3A_98] : memref<10000x128xf32, #tpu.memory_space<vmem_shared>> -> memref<10000x128xf32, #tpu.memory_space<vmem_shared>>
    tpu.wait_indirect_dma semaphore(%arg38 : memref<!tpu.dma_semaphore, #tpu.memory_space<semaphore_mem>>) src(%arg17 : memref<40x128xf32, #tpu.memory_space<vmem>>) dst(%dma_wait3A_99 : memref<10000x128xf32, #tpu.memory_space<vmem_shared>>)
    %dma_wait3A_100 = arith.constant 9880 : i32
    %dma_wait3A_101 = tpu.memref_slice %arg7[%dma_wait3A_100] : memref<10000xi32, #tpu.memory_space<vmem>> -> memref<40xi32, #tpu.memory_space<vmem>>
    %dma_wait3A_102 = arith.constant 0 : i32
    %dma_wait3A_103 = arith.constant 0 : i32
    %dma_wait3A_104 = tpu.memref_slice %arg4[%dma_wait3A_102, %dma_wait3A_103] : memref<10000x128xf32, #tpu.memory_space<hbm>> -> memref<10000x128xf32, #tpu.memory_space<hbm>>
    tpu.wait_indirect_dma semaphore(%arg25 : memref<!tpu.dma_semaphore, #tpu.memory_space<semaphore_mem>>) src(%dma_wait3A_104 : memref<10000x128xf32, #tpu.memory_space<hbm>>) dst(%arg18 : memref<40x128xf32, #tpu.memory_space<vmem>>)
    %dma_wait3A_105 = tpu.memref_slice %arg3[%mul3A_2] : memref<320000xi32, #tpu.memory_space<hbm>> -> memref<40xi32, #tpu.memory_space<hbm>>
    %dma_wait3A_106 = tpu.memref_slice %arg3[%mul3A_2] : memref<320000xi32, #tpu.memory_space<hbm>> -> memref<40xi32, #tpu.memory_space<hbm>>
    tpu.wait_dma2 semaphore(%arg32 : memref<!tpu.dma_semaphore, #tpu.memory_space<semaphore_mem>>) src(%dma_wait3A_106 : memref<40xi32, #tpu.memory_space<hbm>>) dst(%arg11 : memref<40xi32, #tpu.memory_space<vmem>>)
    %dma_start3A_107 = arith.constant 0 : i32
    %dma_start3A_108 = arith.constant 0 : i32
    %dma_start3A_109 = tpu.memref_slice %arg8[%dma_start3A_107, %dma_start3A_108] : memref<10000x128xf32, #tpu.memory_space<vmem_shared>> -> memref<10000x128xf32, #tpu.memory_space<vmem_shared>>
    tpu.enqueue_indirect_dma source(%arg18 : memref<40x128xf32, #tpu.memory_space<vmem>>) target(%dma_start3A_109 : memref<10000x128xf32, #tpu.memory_space<vmem_shared>>) offsets(%arg11 : memref<40xi32, #tpu.memory_space<vmem>>) semaphore(%arg39 : memref<!tpu.dma_semaphore, #tpu.memory_space<semaphore_mem>>)
    %dma_wait3A_110 = arith.constant 0 : i32
    %dma_wait3A_111 = arith.constant 0 : i32
    %dma_wait3A_112 = tpu.memref_slice %arg8[%dma_wait3A_110, %dma_wait3A_111] : memref<10000x128xf32, #tpu.memory_space<vmem_shared>> -> memref<10000x128xf32, #tpu.memory_space<vmem_shared>>
    tpu.wait_indirect_dma semaphore(%arg39 : memref<!tpu.dma_semaphore, #tpu.memory_space<semaphore_mem>>) src(%arg18 : memref<40x128xf32, #tpu.memory_space<vmem>>) dst(%dma_wait3A_112 : memref<10000x128xf32, #tpu.memory_space<vmem_shared>>)
    %dma_wait3A_113 = arith.constant 9920 : i32
    %dma_wait3A_114 = tpu.memref_slice %arg7[%dma_wait3A_113] : memref<10000xi32, #tpu.memory_space<vmem>> -> memref<40xi32, #tpu.memory_space<vmem>>
    %dma_wait3A_115 = arith.constant 0 : i32
    %dma_wait3A_116 = arith.constant 0 : i32
    %dma_wait3A_117 = tpu.memref_slice %arg4[%dma_wait3A_115, %dma_wait3A_116] : memref<10000x128xf32, #tpu.memory_space<hbm>> -> memref<10000x128xf32, #tpu.memory_space<hbm>>
    tpu.wait_indirect_dma semaphore(%arg26 : memref<!tpu.dma_semaphore, #tpu.memory_space<semaphore_mem>>) src(%dma_wait3A_117 : memref<10000x128xf32, #tpu.memory_space<hbm>>) dst(%arg19 : memref<40x128xf32, #tpu.memory_space<vmem>>)
    %dma_wait3A_118 = tpu.memref_slice %arg3[%mul3A_2] : memref<320000xi32, #tpu.memory_space<hbm>> -> memref<40xi32, #tpu.memory_space<hbm>>
    %dma_wait3A_119 = tpu.memref_slice %arg3[%mul3A_2] : memref<320000xi32, #tpu.memory_space<hbm>> -> memref<40xi32, #tpu.memory_space<hbm>>
    tpu.wait_dma2 semaphore(%arg33 : memref<!tpu.dma_semaphore, #tpu.memory_space<semaphore_mem>>) src(%dma_wait3A_119 : memref<40xi32, #tpu.memory_space<hbm>>) dst(%arg12 : memref<40xi32, #tpu.memory_space<vmem>>)
    %dma_start3A_120 = arith.constant 0 : i32
    %dma_start3A_121 = arith.constant 0 : i32
    %dma_start3A_122 = tpu.memref_slice %arg8[%dma_start3A_120, %dma_start3A_121] : memref<10000x128xf32, #tpu.memory_space<vmem_shared>> -> memref<10000x128xf32, #tpu.memory_space<vmem_shared>>
    tpu.enqueue_indirect_dma source(%arg19 : memref<40x128xf32, #tpu.memory_space<vmem>>) target(%dma_start3A_122 : memref<10000x128xf32, #tpu.memory_space<vmem_shared>>) offsets(%arg12 : memref<40xi32, #tpu.memory_space<vmem>>) semaphore(%arg40 : memref<!tpu.dma_semaphore, #tpu.memory_space<semaphore_mem>>)
    %dma_wait3A_123 = arith.constant 0 : i32
    %dma_wait3A_124 = arith.constant 0 : i32
    %dma_wait3A_125 = tpu.memref_slice %arg8[%dma_wait3A_123, %dma_wait3A_124] : memref<10000x128xf32, #tpu.memory_space<vmem_shared>> -> memref<10000x128xf32, #tpu.memory_space<vmem_shared>>
    tpu.wait_indirect_dma semaphore(%arg40 : memref<!tpu.dma_semaphore, #tpu.memory_space<semaphore_mem>>) src(%arg19 : memref<40x128xf32, #tpu.memory_space<vmem>>) dst(%dma_wait3A_125 : memref<10000x128xf32, #tpu.memory_space<vmem_shared>>)
    %dma_wait3A_126 = arith.constant 9960 : i32
    %dma_wait3A_127 = tpu.memref_slice %arg7[%dma_wait3A_126] : memref<10000xi32, #tpu.memory_space<vmem>> -> memref<40xi32, #tpu.memory_space<vmem>>
    %dma_wait3A_128 = arith.constant 0 : i32
    %dma_wait3A_129 = arith.constant 0 : i32
    %dma_wait3A_130 = tpu.memref_slice %arg4[%dma_wait3A_128, %dma_wait3A_129] : memref<10000x128xf32, #tpu.memory_space<hbm>> -> memref<10000x128xf32, #tpu.memory_space<hbm>>
    tpu.wait_indirect_dma semaphore(%arg27 : memref<!tpu.dma_semaphore, #tpu.memory_space<semaphore_mem>>) src(%dma_wait3A_130 : memref<10000x128xf32, #tpu.memory_space<hbm>>) dst(%arg20 : memref<40x128xf32, #tpu.memory_space<vmem>>)
    %dma_wait3A_131 = tpu.memref_slice %arg3[%mul3A_2] : memref<320000xi32, #tpu.memory_space<hbm>> -> memref<40xi32, #tpu.memory_space<hbm>>
    %dma_wait3A_132 = tpu.memref_slice %arg3[%mul3A_2] : memref<320000xi32, #tpu.memory_space<hbm>> -> memref<40xi32, #tpu.memory_space<hbm>>
    tpu.wait_dma2 semaphore(%arg34 : memref<!tpu.dma_semaphore, #tpu.memory_space<semaphore_mem>>) src(%dma_wait3A_132 : memref<40xi32, #tpu.memory_space<hbm>>) dst(%arg13 : memref<40xi32, #tpu.memory_space<vmem>>)
    %dma_start3A_133 = arith.constant 0 : i32
    %dma_start3A_134 = arith.constant 0 : i32
    %dma_start3A_135 = tpu.memref_slice %arg8[%dma_start3A_133, %dma_start3A_134] : memref<10000x128xf32, #tpu.memory_space<vmem_shared>> -> memref<10000x128xf32, #tpu.memory_space<vmem_shared>>
    tpu.enqueue_indirect_dma source(%arg20 : memref<40x128xf32, #tpu.memory_space<vmem>>) target(%dma_start3A_135 : memref<10000x128xf32, #tpu.memory_space<vmem_shared>>) offsets(%arg13 : memref<40xi32, #tpu.memory_space<vmem>>) semaphore(%arg41 : memref<!tpu.dma_semaphore, #tpu.memory_space<semaphore_mem>>)
    %dma_wait3A_136 = arith.constant 0 : i32
    %dma_wait3A_137 = arith.constant 0 : i32
    %dma_wait3A_138 = tpu.memref_slice %arg8[%dma_wait3A_136, %dma_wait3A_137] : memref<10000x128xf32, #tpu.memory_space<vmem_shared>> -> memref<10000x128xf32, #tpu.memory_space<vmem_shared>>
    tpu.wait_indirect_dma semaphore(%arg41 : memref<!tpu.dma_semaphore, #tpu.memory_space<semaphore_mem>>) src(%arg20 : memref<40x128xf32, #tpu.memory_space<vmem>>) dst(%dma_wait3A_138 : memref<10000x128xf32, #tpu.memory_space<vmem_shared>>)
    %barrier3A_139 = arith.constant 0 : index
    tpu.barrier barrier_id(%barrier3A_139)
    %mul3A_140 = arith.constant 10000 : i32
    %mul3A_141 = arith.muli %arg0, %mul3A_140 : i32
    %mul3A_142 = arith.constant 624 : i32
    %mul3A_143 = arith.muli %arg1, %mul3A_142 : i32
    %add3A_144 = arith.addi %mul3A_141, %mul3A_143 : i32
    "tpu.region"() ({
      %run_scoped3A = tpu.sem_alloc : memref<!tpu.dma_semaphore, #tpu.memory_space<semaphore_mem>>
      %dma_start3A_145 = arith.constant 0 : i32
      %dma_start3A_146 = tpu.memref_slice %arg6[%add3A_144, %dma_start3A_145] : memref<20000x128xf32, #tpu.memory_space<hbm>> -> memref<640x128xf32, #tpu.memory_space<hbm>>
      %dma_start3A_147 = arith.constant 0 : i32
      %dma_start3A_148 = tpu.memref_slice %arg8[%mul3A_4, %dma_start3A_147] : memref<10000x128xf32, #tpu.memory_space<vmem_shared>> -> memref<640x128xf32, #tpu.memory_space<vmem_shared>>
      tpu.enqueue_dma source(%dma_start3A_148 : memref<640x128xf32, #tpu.memory_space<vmem_shared>>) target(%dma_start3A_146 : memref<640x128xf32, #tpu.memory_space<hbm>>) target_semaphore(%run_scoped3A : memref<!tpu.dma_semaphore, #tpu.memory_space<semaphore_mem>>)
      %dma_wait3A_149 = arith.constant 0 : i32
      %dma_wait3A_150 = tpu.memref_slice %arg6[%add3A_144, %dma_wait3A_149] : memref<20000x128xf32, #tpu.memory_space<hbm>> -> memref<640x128xf32, #tpu.memory_space<hbm>>
      %dma_wait3A_151 = arith.constant 0 : i32
      %dma_wait3A_152 = tpu.memref_slice %arg8[%mul3A_4, %dma_wait3A_151] : memref<10000x128xf32, #tpu.memory_space<vmem_shared>> -> memref<640x128xf32, #tpu.memory_space<vmem_shared>>
      tpu.wait_dma2 semaphore(%run_scoped3A : memref<!tpu.dma_semaphore, #tpu.memory_space<semaphore_mem>>) src(%dma_wait3A_152 : memref<640x128xf32, #tpu.memory_space<vmem_shared>>) dst(%dma_wait3A_150 : memref<640x128xf32, #tpu.memory_space<hbm>>)
      tpu.yield
    }) : () -> ()
    return
  }
}

#map = affine_map<(d0, d1) -> (0)>
#map1 = affine_map<(d0, d1) -> (0, 0)>
module attributes {stable_mosaic.version = 14 : i64} {
  func.func @seg(%arg0: i32, %arg1: i32, %arg2: memref<320000xi32, #tpu.memory_space<hbm>>, %arg3: memref<320000xi32, #tpu.memory_space<hbm>>, %arg4: memref<10000x128xf32, #tpu.memory_space<hbm>>, %arg5: memref<10000x128xf32, #tpu.memory_space<hbm>>, %arg6: memref<20000x128xf32, #tpu.memory_space<hbm>>, %arg7: memref<10000xi32, #tpu.memory_space<vmem>>, %arg8: memref<10000x128xf32, #tpu.memory_space<vmem_shared>>, %arg9: memref<40xi32, #tpu.memory_space<vmem>>, %arg10: memref<40xi32, #tpu.memory_space<vmem>>, %arg11: memref<40xi32, #tpu.memory_space<vmem>>, %arg12: memref<40xi32, #tpu.memory_space<vmem>>, %arg13: memref<40xi32, #tpu.memory_space<vmem>>, %arg14: memref<40xi32, #tpu.memory_space<vmem>>, %arg15: memref<40xi32, #tpu.memory_space<vmem>>, %arg16: memref<40x128xf32, #tpu.memory_space<vmem>>, %arg17: memref<40x128xf32, #tpu.memory_space<vmem>>, %arg18: memref<40x128xf32, #tpu.memory_space<vmem>>, %arg19: memref<40x128xf32, #tpu.memory_space<vmem>>, %arg20: memref<40x128xf32, #tpu.memory_space<vmem>>, %arg21: memref<40x128xf32, #tpu.memory_space<vmem>>, %arg22: memref<40x128xf32, #tpu.memory_space<vmem>>, %arg23: memref<!tpu.dma_semaphore, #tpu.memory_space<semaphore_mem>>, %arg24: memref<!tpu.dma_semaphore, #tpu.memory_space<semaphore_mem>>, %arg25: memref<!tpu.dma_semaphore, #tpu.memory_space<semaphore_mem>>, %arg26: memref<!tpu.dma_semaphore, #tpu.memory_space<semaphore_mem>>, %arg27: memref<!tpu.dma_semaphore, #tpu.memory_space<semaphore_mem>>, %arg28: memref<!tpu.dma_semaphore, #tpu.memory_space<semaphore_mem>>, %arg29: memref<!tpu.dma_semaphore, #tpu.memory_space<semaphore_mem>>, %arg30: memref<!tpu.dma_semaphore, #tpu.memory_space<semaphore_mem>>, %arg31: memref<!tpu.dma_semaphore, #tpu.memory_space<semaphore_mem>>, %arg32: memref<!tpu.dma_semaphore, #tpu.memory_space<semaphore_mem>>, %arg33: memref<!tpu.dma_semaphore, #tpu.memory_space<semaphore_mem>>, %arg34: memref<!tpu.dma_semaphore, #tpu.memory_space<semaphore_mem>>, %arg35: memref<!tpu.dma_semaphore, #tpu.memory_space<semaphore_mem>>, %arg36: memref<!tpu.dma_semaphore, #tpu.memory_space<semaphore_mem>>, %arg37: memref<!tpu.dma_semaphore, #tpu.memory_space<semaphore_mem>>, %arg38: memref<!tpu.dma_semaphore, #tpu.memory_space<semaphore_mem>>, %arg39: memref<!tpu.dma_semaphore, #tpu.memory_space<semaphore_mem>>, %arg40: memref<!tpu.dma_semaphore, #tpu.memory_space<semaphore_mem>>, %arg41: memref<!tpu.dma_semaphore, #tpu.memory_space<semaphore_mem>>, %arg42: memref<!tpu.dma_semaphore, #tpu.memory_space<semaphore_mem>>, %arg43: memref<!tpu.dma_semaphore, #tpu.memory_space<semaphore_mem>>, %arg44: memref<!tpu.dma_semaphore, #tpu.memory_space<semaphore_mem>>) attributes {dimension_semantics = [#tpu.dimension_semantics<core_parallel>, #tpu.dimension_semantics<subcore_parallel>], iteration_bounds = array<i64: 2, 16>, scalar_prefetch = 0 : i64, scratch_operands = 38 : i64, tpu.core_type = #tpu.core_type<sc_vector_subcore>, window_params = [{transform_indices = #map}, {transform_indices = #map}, {transform_indices = #map1}, {transform_indices = #map1}, {transform_indices = #map1}]} {
    %mul3A = arith.constant 16 : i32
    %mul3A_0 = arith.muli %arg0, %mul3A : i32
    %add3A = arith.addi %mul3A_0, %arg1 : i32
    %mul3A_1 = arith.constant 10000 : i32
    %mul3A_2 = arith.muli %add3A, %mul3A_1 : i32
    %mul3A_3 = arith.constant 624 : i32
    %mul3A_4 = arith.muli %arg1, %mul3A_3 : i32
    %eq3A = arith.constant 0 : i32
    %eq3A_5 = arith.cmpi eq, %arg0, %eq3A : i32
    %convert_element_type3A = arith.extui %eq3A_5 : i1 to i32
    %cond3A = arith.constant 0 : i32
    %cond3A_6 = arith.cmpi ne, %convert_element_type3A, %cond3A : i32
    scf.if %cond3A_6 {
      %dma_start3A_145 = arith.constant 0 : i32
      %dma_start3A_146 = tpu.memref_slice %arg8[%mul3A_4, %dma_start3A_145] : memref<10000x128xf32, #tpu.memory_space<vmem_shared>> -> memref<640x128xf32, #tpu.memory_space<vmem_shared>>
      %dma_start3A_147 = arith.constant 0 : i32
      %dma_start3A_148 = tpu.memref_slice %arg4[%mul3A_4, %dma_start3A_147] : memref<10000x128xf32, #tpu.memory_space<hbm>> -> memref<640x128xf32, #tpu.memory_space<hbm>>
      tpu.enqueue_dma source(%dma_start3A_148 : memref<640x128xf32, #tpu.memory_space<hbm>>) target(%dma_start3A_146 : memref<640x128xf32, #tpu.memory_space<vmem_shared>>) target_semaphore(%arg44 : memref<!tpu.dma_semaphore, #tpu.memory_space<semaphore_mem>>)
    } else {
    }
    %gt3A = arith.constant 0 : i32
    %gt3A_7 = arith.cmpi sgt, %arg0, %gt3A : i32
    %convert_element_type3A_8 = arith.extui %gt3A_7 : i1 to i32
    %cond3A_9 = arith.constant 0 : i32
    %cond3A_10 = arith.cmpi ne, %convert_element_type3A_8, %cond3A_9 : i32
    scf.if %cond3A_10 {
      %dma_start3A_145 = arith.constant 0 : i32
      %dma_start3A_146 = tpu.memref_slice %arg8[%mul3A_4, %dma_start3A_145] : memref<10000x128xf32, #tpu.memory_space<vmem_shared>> -> memref<640x128xf32, #tpu.memory_space<vmem_shared>>
      %dma_start3A_147 = arith.constant 0 : i32
      %dma_start3A_148 = tpu.memref_slice %arg5[%mul3A_4, %dma_start3A_147] : memref<10000x128xf32, #tpu.memory_space<hbm>> -> memref<640x128xf32, #tpu.memory_space<hbm>>
      tpu.enqueue_dma source(%dma_start3A_148 : memref<640x128xf32, #tpu.memory_space<hbm>>) target(%dma_start3A_146 : memref<640x128xf32, #tpu.memory_space<vmem_shared>>) target_semaphore(%arg44 : memref<!tpu.dma_semaphore, #tpu.memory_space<semaphore_mem>>)
    } else {
    }
    "tpu.region"() ({
      %run_scoped3A = tpu.sem_alloc : memref<!tpu.dma_semaphore, #tpu.memory_space<semaphore_mem>>
      %dma_start3A_145 = tpu.memref_slice %arg2[%mul3A_2] : memref<320000xi32, #tpu.memory_space<hbm>> -> memref<10000xi32, #tpu.memory_space<hbm>>
      %dma_start3A_146 = tpu.memref_slice %arg2[%mul3A_2] : memref<320000xi32, #tpu.memory_space<hbm>> -> memref<10000xi32, #tpu.memory_space<hbm>>
      tpu.enqueue_dma source(%dma_start3A_146 : memref<10000xi32, #tpu.memory_space<hbm>>) target(%arg7 : memref<10000xi32, #tpu.memory_space<vmem>>) target_semaphore(%run_scoped3A : memref<!tpu.dma_semaphore, #tpu.memory_space<semaphore_mem>>)
      %dma_wait3A_147 = tpu.memref_slice %arg2[%mul3A_2] : memref<320000xi32, #tpu.memory_space<hbm>> -> memref<10000xi32, #tpu.memory_space<hbm>>
      %dma_wait3A_148 = tpu.memref_slice %arg2[%mul3A_2] : memref<320000xi32, #tpu.memory_space<hbm>> -> memref<10000xi32, #tpu.memory_space<hbm>>
      tpu.wait_dma2 semaphore(%run_scoped3A : memref<!tpu.dma_semaphore, #tpu.memory_space<semaphore_mem>>) src(%dma_wait3A_148 : memref<10000xi32, #tpu.memory_space<hbm>>) dst(%arg7 : memref<10000xi32, #tpu.memory_space<vmem>>)
      tpu.yield
    }) : () -> ()
    %add3A_11 = arith.constant 0 : i32
    %add3A_12 = arith.addi %mul3A_2, %add3A_11 : i32
    %dma_start3A = tpu.memref_slice %arg3[%add3A_12] : memref<320000xi32, #tpu.memory_space<hbm>> -> memref<40xi32, #tpu.memory_space<hbm>>
    %dma_start3A_13 = tpu.memref_slice %arg3[%add3A_12] : memref<320000xi32, #tpu.memory_space<hbm>> -> memref<40xi32, #tpu.memory_space<hbm>>
    tpu.enqueue_dma source(%dma_start3A_13 : memref<40xi32, #tpu.memory_space<hbm>>) target(%arg9 : memref<40xi32, #tpu.memory_space<vmem>>) target_semaphore(%arg30 : memref<!tpu.dma_semaphore, #tpu.memory_space<semaphore_mem>>)
    %dma_start3A_14 = arith.constant 0 : i32
    %dma_start3A_15 = tpu.memref_slice %arg7[%dma_start3A_14] : memref<10000xi32, #tpu.memory_space<vmem>> -> memref<40xi32, #tpu.memory_space<vmem>>
    %dma_start3A_16 = arith.constant 0 : i32
    %dma_start3A_17 = arith.constant 0 : i32
    %dma_start3A_18 = tpu.memref_slice %arg4[%dma_start3A_16, %dma_start3A_17] : memref<10000x128xf32, #tpu.memory_space<hbm>> -> memref<10000x128xf32, #tpu.memory_space<hbm>>
    tpu.enqueue_indirect_dma source(%dma_start3A_18 : memref<10000x128xf32, #tpu.memory_space<hbm>>) target(%arg16 : memref<40x128xf32, #tpu.memory_space<vmem>>) offsets(%dma_start3A_15 : memref<40xi32, #tpu.memory_space<vmem>>) semaphore(%arg23 : memref<!tpu.dma_semaphore, #tpu.memory_space<semaphore_mem>>)
    %add3A_19 = arith.constant 40 : i32
    %add3A_20 = arith.addi %mul3A_2, %add3A_19 : i32
    %dma_start3A_21 = tpu.memref_slice %arg3[%add3A_20] : memref<320000xi32, #tpu.memory_space<hbm>> -> memref<40xi32, #tpu.memory_space<hbm>>
    %dma_start3A_22 = tpu.memref_slice %arg3[%add3A_20] : memref<320000xi32, #tpu.memory_space<hbm>> -> memref<40xi32, #tpu.memory_space<hbm>>
    tpu.enqueue_dma source(%dma_start3A_22 : memref<40xi32, #tpu.memory_space<hbm>>) target(%arg10 : memref<40xi32, #tpu.memory_space<vmem>>) target_semaphore(%arg31 : memref<!tpu.dma_semaphore, #tpu.memory_space<semaphore_mem>>)
    %dma_start3A_23 = arith.constant 40 : i32
    %dma_start3A_24 = tpu.memref_slice %arg7[%dma_start3A_23] : memref<10000xi32, #tpu.memory_space<vmem>> -> memref<40xi32, #tpu.memory_space<vmem>>
    %dma_start3A_25 = arith.constant 0 : i32
    %dma_start3A_26 = arith.constant 0 : i32
    %dma_start3A_27 = tpu.memref_slice %arg4[%dma_start3A_25, %dma_start3A_26] : memref<10000x128xf32, #tpu.memory_space<hbm>> -> memref<10000x128xf32, #tpu.memory_space<hbm>>
    tpu.enqueue_indirect_dma source(%dma_start3A_27 : memref<10000x128xf32, #tpu.memory_space<hbm>>) target(%arg17 : memref<40x128xf32, #tpu.memory_space<vmem>>) offsets(%dma_start3A_24 : memref<40xi32, #tpu.memory_space<vmem>>) semaphore(%arg24 : memref<!tpu.dma_semaphore, #tpu.memory_space<semaphore_mem>>)
    %add3A_28 = arith.constant 80 : i32
    %add3A_29 = arith.addi %mul3A_2, %add3A_28 : i32
    %dma_start3A_30 = tpu.memref_slice %arg3[%add3A_29] : memref<320000xi32, #tpu.memory_space<hbm>> -> memref<40xi32, #tpu.memory_space<hbm>>
    %dma_start3A_31 = tpu.memref_slice %arg3[%add3A_29] : memref<320000xi32, #tpu.memory_space<hbm>> -> memref<40xi32, #tpu.memory_space<hbm>>
    tpu.enqueue_dma source(%dma_start3A_31 : memref<40xi32, #tpu.memory_space<hbm>>) target(%arg11 : memref<40xi32, #tpu.memory_space<vmem>>) target_semaphore(%arg32 : memref<!tpu.dma_semaphore, #tpu.memory_space<semaphore_mem>>)
    %dma_start3A_32 = arith.constant 80 : i32
    %dma_start3A_33 = tpu.memref_slice %arg7[%dma_start3A_32] : memref<10000xi32, #tpu.memory_space<vmem>> -> memref<40xi32, #tpu.memory_space<vmem>>
    %dma_start3A_34 = arith.constant 0 : i32
    %dma_start3A_35 = arith.constant 0 : i32
    %dma_start3A_36 = tpu.memref_slice %arg4[%dma_start3A_34, %dma_start3A_35] : memref<10000x128xf32, #tpu.memory_space<hbm>> -> memref<10000x128xf32, #tpu.memory_space<hbm>>
    tpu.enqueue_indirect_dma source(%dma_start3A_36 : memref<10000x128xf32, #tpu.memory_space<hbm>>) target(%arg18 : memref<40x128xf32, #tpu.memory_space<vmem>>) offsets(%dma_start3A_33 : memref<40xi32, #tpu.memory_space<vmem>>) semaphore(%arg25 : memref<!tpu.dma_semaphore, #tpu.memory_space<semaphore_mem>>)
    %add3A_37 = arith.constant 120 : i32
    %add3A_38 = arith.addi %mul3A_2, %add3A_37 : i32
    %dma_start3A_39 = tpu.memref_slice %arg3[%add3A_38] : memref<320000xi32, #tpu.memory_space<hbm>> -> memref<40xi32, #tpu.memory_space<hbm>>
    %dma_start3A_40 = tpu.memref_slice %arg3[%add3A_38] : memref<320000xi32, #tpu.memory_space<hbm>> -> memref<40xi32, #tpu.memory_space<hbm>>
    tpu.enqueue_dma source(%dma_start3A_40 : memref<40xi32, #tpu.memory_space<hbm>>) target(%arg12 : memref<40xi32, #tpu.memory_space<vmem>>) target_semaphore(%arg33 : memref<!tpu.dma_semaphore, #tpu.memory_space<semaphore_mem>>)
    %dma_start3A_41 = arith.constant 120 : i32
    %dma_start3A_42 = tpu.memref_slice %arg7[%dma_start3A_41] : memref<10000xi32, #tpu.memory_space<vmem>> -> memref<40xi32, #tpu.memory_space<vmem>>
    %dma_start3A_43 = arith.constant 0 : i32
    %dma_start3A_44 = arith.constant 0 : i32
    %dma_start3A_45 = tpu.memref_slice %arg4[%dma_start3A_43, %dma_start3A_44] : memref<10000x128xf32, #tpu.memory_space<hbm>> -> memref<10000x128xf32, #tpu.memory_space<hbm>>
    tpu.enqueue_indirect_dma source(%dma_start3A_45 : memref<10000x128xf32, #tpu.memory_space<hbm>>) target(%arg19 : memref<40x128xf32, #tpu.memory_space<vmem>>) offsets(%dma_start3A_42 : memref<40xi32, #tpu.memory_space<vmem>>) semaphore(%arg26 : memref<!tpu.dma_semaphore, #tpu.memory_space<semaphore_mem>>)
    %add3A_46 = arith.constant 160 : i32
    %add3A_47 = arith.addi %mul3A_2, %add3A_46 : i32
    %dma_start3A_48 = tpu.memref_slice %arg3[%add3A_47] : memref<320000xi32, #tpu.memory_space<hbm>> -> memref<40xi32, #tpu.memory_space<hbm>>
    %dma_start3A_49 = tpu.memref_slice %arg3[%add3A_47] : memref<320000xi32, #tpu.memory_space<hbm>> -> memref<40xi32, #tpu.memory_space<hbm>>
    tpu.enqueue_dma source(%dma_start3A_49 : memref<40xi32, #tpu.memory_space<hbm>>) target(%arg13 : memref<40xi32, #tpu.memory_space<vmem>>) target_semaphore(%arg34 : memref<!tpu.dma_semaphore, #tpu.memory_space<semaphore_mem>>)
    %dma_start3A_50 = arith.constant 160 : i32
    %dma_start3A_51 = tpu.memref_slice %arg7[%dma_start3A_50] : memref<10000xi32, #tpu.memory_space<vmem>> -> memref<40xi32, #tpu.memory_space<vmem>>
    %dma_start3A_52 = arith.constant 0 : i32
    %dma_start3A_53 = arith.constant 0 : i32
    %dma_start3A_54 = tpu.memref_slice %arg4[%dma_start3A_52, %dma_start3A_53] : memref<10000x128xf32, #tpu.memory_space<hbm>> -> memref<10000x128xf32, #tpu.memory_space<hbm>>
    tpu.enqueue_indirect_dma source(%dma_start3A_54 : memref<10000x128xf32, #tpu.memory_space<hbm>>) target(%arg20 : memref<40x128xf32, #tpu.memory_space<vmem>>) offsets(%dma_start3A_51 : memref<40xi32, #tpu.memory_space<vmem>>) semaphore(%arg27 : memref<!tpu.dma_semaphore, #tpu.memory_space<semaphore_mem>>)
    %add3A_55 = arith.constant 200 : i32
    %add3A_56 = arith.addi %mul3A_2, %add3A_55 : i32
    %dma_start3A_57 = tpu.memref_slice %arg3[%add3A_56] : memref<320000xi32, #tpu.memory_space<hbm>> -> memref<40xi32, #tpu.memory_space<hbm>>
    %dma_start3A_58 = tpu.memref_slice %arg3[%add3A_56] : memref<320000xi32, #tpu.memory_space<hbm>> -> memref<40xi32, #tpu.memory_space<hbm>>
    tpu.enqueue_dma source(%dma_start3A_58 : memref<40xi32, #tpu.memory_space<hbm>>) target(%arg14 : memref<40xi32, #tpu.memory_space<vmem>>) target_semaphore(%arg35 : memref<!tpu.dma_semaphore, #tpu.memory_space<semaphore_mem>>)
    %dma_start3A_59 = arith.constant 200 : i32
    %dma_start3A_60 = tpu.memref_slice %arg7[%dma_start3A_59] : memref<10000xi32, #tpu.memory_space<vmem>> -> memref<40xi32, #tpu.memory_space<vmem>>
    %dma_start3A_61 = arith.constant 0 : i32
    %dma_start3A_62 = arith.constant 0 : i32
    %dma_start3A_63 = tpu.memref_slice %arg4[%dma_start3A_61, %dma_start3A_62] : memref<10000x128xf32, #tpu.memory_space<hbm>> -> memref<10000x128xf32, #tpu.memory_space<hbm>>
    tpu.enqueue_indirect_dma source(%dma_start3A_63 : memref<10000x128xf32, #tpu.memory_space<hbm>>) target(%arg21 : memref<40x128xf32, #tpu.memory_space<vmem>>) offsets(%dma_start3A_60 : memref<40xi32, #tpu.memory_space<vmem>>) semaphore(%arg28 : memref<!tpu.dma_semaphore, #tpu.memory_space<semaphore_mem>>)
    %dma_wait3A = arith.constant 0 : i32
    %dma_wait3A_64 = tpu.memref_slice %arg8[%mul3A_4, %dma_wait3A] : memref<10000x128xf32, #tpu.memory_space<vmem_shared>> -> memref<640x128xf32, #tpu.memory_space<vmem_shared>>
    %dma_wait3A_65 = arith.constant 0 : i32
    %dma_wait3A_66 = tpu.memref_slice %arg5[%mul3A_4, %dma_wait3A_65] : memref<10000x128xf32, #tpu.memory_space<hbm>> -> memref<640x128xf32, #tpu.memory_space<hbm>>
    tpu.wait_dma2 semaphore(%arg44 : memref<!tpu.dma_semaphore, #tpu.memory_space<semaphore_mem>>) src(%dma_wait3A_66 : memref<640x128xf32, #tpu.memory_space<hbm>>) dst(%dma_wait3A_64 : memref<640x128xf32, #tpu.memory_space<vmem_shared>>)
    %barrier3A = arith.constant 0 : index
    tpu.barrier barrier_id(%barrier3A)
    %scan3A = arith.constant 0 : i32
    %scan3A_67 = arith.constant 35 : i32
    %scan3A_68 = arith.addi %scan3A, %scan3A_67 : i32
    %scan3A_69 = arith.constant 1 : i32
    scf.for %scan3A_145 = %scan3A to %scan3A_68 step %scan3A_69  : i32 {
      %mul3A_146 = arith.constant 7 : i32
      %mul3A_147 = arith.muli %scan3A_145, %mul3A_146 : i32
      %add3A_148 = arith.constant 0 : i32
      %add3A_149 = arith.addi %add3A_148, %mul3A_147 : i32
      %add3A_150 = arith.constant 0 : i32
      %add3A_151 = arith.addi %add3A_149, %add3A_150 : i32
      %ge3A = arith.constant 1 : i32
      %ge3A_152 = arith.cmpi sge, %add3A_151, %ge3A : i32
      %convert_element_type3A_153 = arith.extui %ge3A_152 : i1 to i32
      %cond3A_154 = arith.constant 0 : i32
      %cond3A_155 = arith.cmpi ne, %convert_element_type3A_153, %cond3A_154 : i32
      scf.if %cond3A_155 {
        %dma_wait3A_323 = arith.constant 0 : i32
        %dma_wait3A_324 = arith.constant 0 : i32
        %dma_wait3A_325 = tpu.memref_slice %arg8[%dma_wait3A_323, %dma_wait3A_324] : memref<10000x128xf32, #tpu.memory_space<vmem_shared>> -> memref<10000x128xf32, #tpu.memory_space<vmem_shared>>
        tpu.wait_indirect_dma semaphore(%arg43 : memref<!tpu.dma_semaphore, #tpu.memory_space<semaphore_mem>>) src(%arg22 : memref<40x128xf32, #tpu.memory_space<vmem>>) dst(%dma_wait3A_325 : memref<10000x128xf32, #tpu.memory_space<vmem_shared>>)
      } else {
      }
      %add3A_156 = arith.constant 6 : i32
      %add3A_157 = arith.addi %add3A_151, %add3A_156 : i32
      %lt3A = arith.constant 250 : i32
      %lt3A_158 = arith.cmpi slt, %add3A_157, %lt3A : i32
      %convert_element_type3A_159 = arith.extui %lt3A_158 : i1 to i32
      %cond3A_160 = arith.constant 0 : i32
      %cond3A_161 = arith.cmpi ne, %convert_element_type3A_159, %cond3A_160 : i32
      scf.if %cond3A_161 {
        %add3A_323 = arith.constant 6 : i32
        %add3A_324 = arith.addi %add3A_151, %add3A_323 : i32
        %mul3A_325 = arith.constant 40 : i32
        %mul3A_326 = arith.muli %add3A_324, %mul3A_325 : i32
        %add3A_327 = arith.addi %mul3A_2, %mul3A_326 : i32
        %dma_start3A_328 = tpu.memref_slice %arg3[%add3A_327] : memref<320000xi32, #tpu.memory_space<hbm>> -> memref<40xi32, #tpu.memory_space<hbm>>
        %dma_start3A_329 = tpu.memref_slice %arg3[%add3A_327] : memref<320000xi32, #tpu.memory_space<hbm>> -> memref<40xi32, #tpu.memory_space<hbm>>
        tpu.enqueue_dma source(%dma_start3A_329 : memref<40xi32, #tpu.memory_space<hbm>>) target(%arg15 : memref<40xi32, #tpu.memory_space<vmem>>) target_semaphore(%arg36 : memref<!tpu.dma_semaphore, #tpu.memory_space<semaphore_mem>>)
        %mul3A_330 = arith.constant 40 : i32
        %mul3A_331 = arith.muli %add3A_324, %mul3A_330 : i32
        %dma_start3A_332 = tpu.memref_slice %arg7[%mul3A_331] : memref<10000xi32, #tpu.memory_space<vmem>> -> memref<40xi32, #tpu.memory_space<vmem>>
        %dma_start3A_333 = arith.constant 0 : i32
        %dma_start3A_334 = arith.constant 0 : i32
        %dma_start3A_335 = tpu.memref_slice %arg4[%dma_start3A_333, %dma_start3A_334] : memref<10000x128xf32, #tpu.memory_space<hbm>> -> memref<10000x128xf32, #tpu.memory_space<hbm>>
        tpu.enqueue_indirect_dma source(%dma_start3A_335 : memref<10000x128xf32, #tpu.memory_space<hbm>>) target(%arg22 : memref<40x128xf32, #tpu.memory_space<vmem>>) offsets(%dma_start3A_332 : memref<40xi32, #tpu.memory_space<vmem>>) semaphore(%arg29 : memref<!tpu.dma_semaphore, #tpu.memory_space<semaphore_mem>>)
      } else {
      }
      %mul3A_162 = arith.constant 40 : i32
      %mul3A_163 = arith.muli %add3A_151, %mul3A_162 : i32
      %dma_wait3A_164 = tpu.memref_slice %arg7[%mul3A_163] : memref<10000xi32, #tpu.memory_space<vmem>> -> memref<40xi32, #tpu.memory_space<vmem>>
      %dma_wait3A_165 = arith.constant 0 : i32
      %dma_wait3A_166 = arith.constant 0 : i32
      %dma_wait3A_167 = tpu.memref_slice %arg4[%dma_wait3A_165, %dma_wait3A_166] : memref<10000x128xf32, #tpu.memory_space<hbm>> -> memref<10000x128xf32, #tpu.memory_space<hbm>>
      tpu.wait_indirect_dma semaphore(%arg23 : memref<!tpu.dma_semaphore, #tpu.memory_space<semaphore_mem>>) src(%dma_wait3A_167 : memref<10000x128xf32, #tpu.memory_space<hbm>>) dst(%arg16 : memref<40x128xf32, #tpu.memory_space<vmem>>)
      %dma_wait3A_168 = tpu.memref_slice %arg3[%mul3A_2] : memref<320000xi32, #tpu.memory_space<hbm>> -> memref<40xi32, #tpu.memory_space<hbm>>
      %dma_wait3A_169 = tpu.memref_slice %arg3[%mul3A_2] : memref<320000xi32, #tpu.memory_space<hbm>> -> memref<40xi32, #tpu.memory_space<hbm>>
      tpu.wait_dma2 semaphore(%arg30 : memref<!tpu.dma_semaphore, #tpu.memory_space<semaphore_mem>>) src(%dma_wait3A_169 : memref<40xi32, #tpu.memory_space<hbm>>) dst(%arg9 : memref<40xi32, #tpu.memory_space<vmem>>)
      %dma_start3A_170 = arith.constant 0 : i32
      %dma_start3A_171 = arith.constant 0 : i32
      %dma_start3A_172 = tpu.memref_slice %arg8[%dma_start3A_170, %dma_start3A_171] : memref<10000x128xf32, #tpu.memory_space<vmem_shared>> -> memref<10000x128xf32, #tpu.memory_space<vmem_shared>>
      tpu.enqueue_indirect_dma source(%arg16 : memref<40x128xf32, #tpu.memory_space<vmem>>) target(%dma_start3A_172 : memref<10000x128xf32, #tpu.memory_space<vmem_shared>>) offsets(%arg9 : memref<40xi32, #tpu.memory_space<vmem>>) semaphore(%arg37 : memref<!tpu.dma_semaphore, #tpu.memory_space<semaphore_mem>>)
      %add3A_173 = arith.constant 1 : i32
      %add3A_174 = arith.addi %add3A_149, %add3A_173 : i32
      %ge3A_175 = arith.constant 1 : i32
      %ge3A_176 = arith.cmpi sge, %add3A_174, %ge3A_175 : i32
      %convert_element_type3A_177 = arith.extui %ge3A_176 : i1 to i32
      %cond3A_178 = arith.constant 0 : i32
      %cond3A_179 = arith.cmpi ne, %convert_element_type3A_177, %cond3A_178 : i32
      scf.if %cond3A_179 {
        %dma_wait3A_323 = arith.constant 0 : i32
        %dma_wait3A_324 = arith.constant 0 : i32
        %dma_wait3A_325 = tpu.memref_slice %arg8[%dma_wait3A_323, %dma_wait3A_324] : memref<10000x128xf32, #tpu.memory_space<vmem_shared>> -> memref<10000x128xf32, #tpu.memory_space<vmem_shared>>
        tpu.wait_indirect_dma semaphore(%arg37 : memref<!tpu.dma_semaphore, #tpu.memory_space<semaphore_mem>>) src(%arg16 : memref<40x128xf32, #tpu.memory_space<vmem>>) dst(%dma_wait3A_325 : memref<10000x128xf32, #tpu.memory_space<vmem_shared>>)
      } else {
      }
      %add3A_180 = arith.constant 6 : i32
      %add3A_181 = arith.addi %add3A_174, %add3A_180 : i32
      %lt3A_182 = arith.constant 250 : i32
      %lt3A_183 = arith.cmpi slt, %add3A_181, %lt3A_182 : i32
      %convert_element_type3A_184 = arith.extui %lt3A_183 : i1 to i32
      %cond3A_185 = arith.constant 0 : i32
      %cond3A_186 = arith.cmpi ne, %convert_element_type3A_184, %cond3A_185 : i32
      scf.if %cond3A_186 {
        %add3A_323 = arith.constant 6 : i32
        %add3A_324 = arith.addi %add3A_174, %add3A_323 : i32
        %mul3A_325 = arith.constant 40 : i32
        %mul3A_326 = arith.muli %add3A_324, %mul3A_325 : i32
        %add3A_327 = arith.addi %mul3A_2, %mul3A_326 : i32
        %dma_start3A_328 = tpu.memref_slice %arg3[%add3A_327] : memref<320000xi32, #tpu.memory_space<hbm>> -> memref<40xi32, #tpu.memory_space<hbm>>
        %dma_start3A_329 = tpu.memref_slice %arg3[%add3A_327] : memref<320000xi32, #tpu.memory_space<hbm>> -> memref<40xi32, #tpu.memory_space<hbm>>
        tpu.enqueue_dma source(%dma_start3A_329 : memref<40xi32, #tpu.memory_space<hbm>>) target(%arg9 : memref<40xi32, #tpu.memory_space<vmem>>) target_semaphore(%arg30 : memref<!tpu.dma_semaphore, #tpu.memory_space<semaphore_mem>>)
        %mul3A_330 = arith.constant 40 : i32
        %mul3A_331 = arith.muli %add3A_324, %mul3A_330 : i32
        %dma_start3A_332 = tpu.memref_slice %arg7[%mul3A_331] : memref<10000xi32, #tpu.memory_space<vmem>> -> memref<40xi32, #tpu.memory_space<vmem>>
        %dma_start3A_333 = arith.constant 0 : i32
        %dma_start3A_334 = arith.constant 0 : i32
        %dma_start3A_335 = tpu.memref_slice %arg4[%dma_start3A_333, %dma_start3A_334] : memref<10000x128xf32, #tpu.memory_space<hbm>> -> memref<10000x128xf32, #tpu.memory_space<hbm>>
        tpu.enqueue_indirect_dma source(%dma_start3A_335 : memref<10000x128xf32, #tpu.memory_space<hbm>>) target(%arg16 : memref<40x128xf32, #tpu.memory_space<vmem>>) offsets(%dma_start3A_332 : memref<40xi32, #tpu.memory_space<vmem>>) semaphore(%arg23 : memref<!tpu.dma_semaphore, #tpu.memory_space<semaphore_mem>>)
      } else {
      }
      %mul3A_187 = arith.constant 40 : i32
      %mul3A_188 = arith.muli %add3A_174, %mul3A_187 : i32
      %dma_wait3A_189 = tpu.memref_slice %arg7[%mul3A_188] : memref<10000xi32, #tpu.memory_space<vmem>> -> memref<40xi32, #tpu.memory_space<vmem>>
      %dma_wait3A_190 = arith.constant 0 : i32
      %dma_wait3A_191 = arith.constant 0 : i32
      %dma_wait3A_192 = tpu.memref_slice %arg4[%dma_wait3A_190, %dma_wait3A_191] : memref<10000x128xf32, #tpu.memory_space<hbm>> -> memref<10000x128xf32, #tpu.memory_space<hbm>>
      tpu.wait_indirect_dma semaphore(%arg24 : memref<!tpu.dma_semaphore, #tpu.memory_space<semaphore_mem>>) src(%dma_wait3A_192 : memref<10000x128xf32, #tpu.memory_space<hbm>>) dst(%arg17 : memref<40x128xf32, #tpu.memory_space<vmem>>)
      %dma_wait3A_193 = tpu.memref_slice %arg3[%mul3A_2] : memref<320000xi32, #tpu.memory_space<hbm>> -> memref<40xi32, #tpu.memory_space<hbm>>
      %dma_wait3A_194 = tpu.memref_slice %arg3[%mul3A_2] : memref<320000xi32, #tpu.memory_space<hbm>> -> memref<40xi32, #tpu.memory_space<hbm>>
      tpu.wait_dma2 semaphore(%arg31 : memref<!tpu.dma_semaphore, #tpu.memory_space<semaphore_mem>>) src(%dma_wait3A_194 : memref<40xi32, #tpu.memory_space<hbm>>) dst(%arg10 : memref<40xi32, #tpu.memory_space<vmem>>)
      %dma_start3A_195 = arith.constant 0 : i32
      %dma_start3A_196 = arith.constant 0 : i32
      %dma_start3A_197 = tpu.memref_slice %arg8[%dma_start3A_195, %dma_start3A_196] : memref<10000x128xf32, #tpu.memory_space<vmem_shared>> -> memref<10000x128xf32, #tpu.memory_space<vmem_shared>>
      tpu.enqueue_indirect_dma source(%arg17 : memref<40x128xf32, #tpu.memory_space<vmem>>) target(%dma_start3A_197 : memref<10000x128xf32, #tpu.memory_space<vmem_shared>>) offsets(%arg10 : memref<40xi32, #tpu.memory_space<vmem>>) semaphore(%arg38 : memref<!tpu.dma_semaphore, #tpu.memory_space<semaphore_mem>>)
      %add3A_198 = arith.constant 2 : i32
      %add3A_199 = arith.addi %add3A_149, %add3A_198 : i32
      %ge3A_200 = arith.constant 1 : i32
      %ge3A_201 = arith.cmpi sge, %add3A_199, %ge3A_200 : i32
      %convert_element_type3A_202 = arith.extui %ge3A_201 : i1 to i32
      %cond3A_203 = arith.constant 0 : i32
      %cond3A_204 = arith.cmpi ne, %convert_element_type3A_202, %cond3A_203 : i32
      scf.if %cond3A_204 {
        %dma_wait3A_323 = arith.constant 0 : i32
        %dma_wait3A_324 = arith.constant 0 : i32
        %dma_wait3A_325 = tpu.memref_slice %arg8[%dma_wait3A_323, %dma_wait3A_324] : memref<10000x128xf32, #tpu.memory_space<vmem_shared>> -> memref<10000x128xf32, #tpu.memory_space<vmem_shared>>
        tpu.wait_indirect_dma semaphore(%arg38 : memref<!tpu.dma_semaphore, #tpu.memory_space<semaphore_mem>>) src(%arg17 : memref<40x128xf32, #tpu.memory_space<vmem>>) dst(%dma_wait3A_325 : memref<10000x128xf32, #tpu.memory_space<vmem_shared>>)
      } else {
      }
      %add3A_205 = arith.constant 6 : i32
      %add3A_206 = arith.addi %add3A_199, %add3A_205 : i32
      %lt3A_207 = arith.constant 250 : i32
      %lt3A_208 = arith.cmpi slt, %add3A_206, %lt3A_207 : i32
      %convert_element_type3A_209 = arith.extui %lt3A_208 : i1 to i32
      %cond3A_210 = arith.constant 0 : i32
      %cond3A_211 = arith.cmpi ne, %convert_element_type3A_209, %cond3A_210 : i32
      scf.if %cond3A_211 {
        %add3A_323 = arith.constant 6 : i32
        %add3A_324 = arith.addi %add3A_199, %add3A_323 : i32
        %mul3A_325 = arith.constant 40 : i32
        %mul3A_326 = arith.muli %add3A_324, %mul3A_325 : i32
        %add3A_327 = arith.addi %mul3A_2, %mul3A_326 : i32
        %dma_start3A_328 = tpu.memref_slice %arg3[%add3A_327] : memref<320000xi32, #tpu.memory_space<hbm>> -> memref<40xi32, #tpu.memory_space<hbm>>
        %dma_start3A_329 = tpu.memref_slice %arg3[%add3A_327] : memref<320000xi32, #tpu.memory_space<hbm>> -> memref<40xi32, #tpu.memory_space<hbm>>
        tpu.enqueue_dma source(%dma_start3A_329 : memref<40xi32, #tpu.memory_space<hbm>>) target(%arg10 : memref<40xi32, #tpu.memory_space<vmem>>) target_semaphore(%arg31 : memref<!tpu.dma_semaphore, #tpu.memory_space<semaphore_mem>>)
        %mul3A_330 = arith.constant 40 : i32
        %mul3A_331 = arith.muli %add3A_324, %mul3A_330 : i32
        %dma_start3A_332 = tpu.memref_slice %arg7[%mul3A_331] : memref<10000xi32, #tpu.memory_space<vmem>> -> memref<40xi32, #tpu.memory_space<vmem>>
        %dma_start3A_333 = arith.constant 0 : i32
        %dma_start3A_334 = arith.constant 0 : i32
        %dma_start3A_335 = tpu.memref_slice %arg4[%dma_start3A_333, %dma_start3A_334] : memref<10000x128xf32, #tpu.memory_space<hbm>> -> memref<10000x128xf32, #tpu.memory_space<hbm>>
        tpu.enqueue_indirect_dma source(%dma_start3A_335 : memref<10000x128xf32, #tpu.memory_space<hbm>>) target(%arg17 : memref<40x128xf32, #tpu.memory_space<vmem>>) offsets(%dma_start3A_332 : memref<40xi32, #tpu.memory_space<vmem>>) semaphore(%arg24 : memref<!tpu.dma_semaphore, #tpu.memory_space<semaphore_mem>>)
      } else {
      }
      %mul3A_212 = arith.constant 40 : i32
      %mul3A_213 = arith.muli %add3A_199, %mul3A_212 : i32
      %dma_wait3A_214 = tpu.memref_slice %arg7[%mul3A_213] : memref<10000xi32, #tpu.memory_space<vmem>> -> memref<40xi32, #tpu.memory_space<vmem>>
      %dma_wait3A_215 = arith.constant 0 : i32
      %dma_wait3A_216 = arith.constant 0 : i32
      %dma_wait3A_217 = tpu.memref_slice %arg4[%dma_wait3A_215, %dma_wait3A_216] : memref<10000x128xf32, #tpu.memory_space<hbm>> -> memref<10000x128xf32, #tpu.memory_space<hbm>>
      tpu.wait_indirect_dma semaphore(%arg25 : memref<!tpu.dma_semaphore, #tpu.memory_space<semaphore_mem>>) src(%dma_wait3A_217 : memref<10000x128xf32, #tpu.memory_space<hbm>>) dst(%arg18 : memref<40x128xf32, #tpu.memory_space<vmem>>)
      %dma_wait3A_218 = tpu.memref_slice %arg3[%mul3A_2] : memref<320000xi32, #tpu.memory_space<hbm>> -> memref<40xi32, #tpu.memory_space<hbm>>
      %dma_wait3A_219 = tpu.memref_slice %arg3[%mul3A_2] : memref<320000xi32, #tpu.memory_space<hbm>> -> memref<40xi32, #tpu.memory_space<hbm>>
      tpu.wait_dma2 semaphore(%arg32 : memref<!tpu.dma_semaphore, #tpu.memory_space<semaphore_mem>>) src(%dma_wait3A_219 : memref<40xi32, #tpu.memory_space<hbm>>) dst(%arg11 : memref<40xi32, #tpu.memory_space<vmem>>)
      %dma_start3A_220 = arith.constant 0 : i32
      %dma_start3A_221 = arith.constant 0 : i32
      %dma_start3A_222 = tpu.memref_slice %arg8[%dma_start3A_220, %dma_start3A_221] : memref<10000x128xf32, #tpu.memory_space<vmem_shared>> -> memref<10000x128xf32, #tpu.memory_space<vmem_shared>>
      tpu.enqueue_indirect_dma source(%arg18 : memref<40x128xf32, #tpu.memory_space<vmem>>) target(%dma_start3A_222 : memref<10000x128xf32, #tpu.memory_space<vmem_shared>>) offsets(%arg11 : memref<40xi32, #tpu.memory_space<vmem>>) semaphore(%arg39 : memref<!tpu.dma_semaphore, #tpu.memory_space<semaphore_mem>>)
      %add3A_223 = arith.constant 3 : i32
      %add3A_224 = arith.addi %add3A_149, %add3A_223 : i32
      %ge3A_225 = arith.constant 1 : i32
      %ge3A_226 = arith.cmpi sge, %add3A_224, %ge3A_225 : i32
      %convert_element_type3A_227 = arith.extui %ge3A_226 : i1 to i32
      %cond3A_228 = arith.constant 0 : i32
      %cond3A_229 = arith.cmpi ne, %convert_element_type3A_227, %cond3A_228 : i32
      scf.if %cond3A_229 {
        %dma_wait3A_323 = arith.constant 0 : i32
        %dma_wait3A_324 = arith.constant 0 : i32
        %dma_wait3A_325 = tpu.memref_slice %arg8[%dma_wait3A_323, %dma_wait3A_324] : memref<10000x128xf32, #tpu.memory_space<vmem_shared>> -> memref<10000x128xf32, #tpu.memory_space<vmem_shared>>
        tpu.wait_indirect_dma semaphore(%arg39 : memref<!tpu.dma_semaphore, #tpu.memory_space<semaphore_mem>>) src(%arg18 : memref<40x128xf32, #tpu.memory_space<vmem>>) dst(%dma_wait3A_325 : memref<10000x128xf32, #tpu.memory_space<vmem_shared>>)
      } else {
      }
      %add3A_230 = arith.constant 6 : i32
      %add3A_231 = arith.addi %add3A_224, %add3A_230 : i32
      %lt3A_232 = arith.constant 250 : i32
      %lt3A_233 = arith.cmpi slt, %add3A_231, %lt3A_232 : i32
      %convert_element_type3A_234 = arith.extui %lt3A_233 : i1 to i32
      %cond3A_235 = arith.constant 0 : i32
      %cond3A_236 = arith.cmpi ne, %convert_element_type3A_234, %cond3A_235 : i32
      scf.if %cond3A_236 {
        %add3A_323 = arith.constant 6 : i32
        %add3A_324 = arith.addi %add3A_224, %add3A_323 : i32
        %mul3A_325 = arith.constant 40 : i32
        %mul3A_326 = arith.muli %add3A_324, %mul3A_325 : i32
        %add3A_327 = arith.addi %mul3A_2, %mul3A_326 : i32
        %dma_start3A_328 = tpu.memref_slice %arg3[%add3A_327] : memref<320000xi32, #tpu.memory_space<hbm>> -> memref<40xi32, #tpu.memory_space<hbm>>
        %dma_start3A_329 = tpu.memref_slice %arg3[%add3A_327] : memref<320000xi32, #tpu.memory_space<hbm>> -> memref<40xi32, #tpu.memory_space<hbm>>
        tpu.enqueue_dma source(%dma_start3A_329 : memref<40xi32, #tpu.memory_space<hbm>>) target(%arg11 : memref<40xi32, #tpu.memory_space<vmem>>) target_semaphore(%arg32 : memref<!tpu.dma_semaphore, #tpu.memory_space<semaphore_mem>>)
        %mul3A_330 = arith.constant 40 : i32
        %mul3A_331 = arith.muli %add3A_324, %mul3A_330 : i32
        %dma_start3A_332 = tpu.memref_slice %arg7[%mul3A_331] : memref<10000xi32, #tpu.memory_space<vmem>> -> memref<40xi32, #tpu.memory_space<vmem>>
        %dma_start3A_333 = arith.constant 0 : i32
        %dma_start3A_334 = arith.constant 0 : i32
        %dma_start3A_335 = tpu.memref_slice %arg4[%dma_start3A_333, %dma_start3A_334] : memref<10000x128xf32, #tpu.memory_space<hbm>> -> memref<10000x128xf32, #tpu.memory_space<hbm>>
        tpu.enqueue_indirect_dma source(%dma_start3A_335 : memref<10000x128xf32, #tpu.memory_space<hbm>>) target(%arg18 : memref<40x128xf32, #tpu.memory_space<vmem>>) offsets(%dma_start3A_332 : memref<40xi32, #tpu.memory_space<vmem>>) semaphore(%arg25 : memref<!tpu.dma_semaphore, #tpu.memory_space<semaphore_mem>>)
      } else {
      }
      %mul3A_237 = arith.constant 40 : i32
      %mul3A_238 = arith.muli %add3A_224, %mul3A_237 : i32
      %dma_wait3A_239 = tpu.memref_slice %arg7[%mul3A_238] : memref<10000xi32, #tpu.memory_space<vmem>> -> memref<40xi32, #tpu.memory_space<vmem>>
      %dma_wait3A_240 = arith.constant 0 : i32
      %dma_wait3A_241 = arith.constant 0 : i32
      %dma_wait3A_242 = tpu.memref_slice %arg4[%dma_wait3A_240, %dma_wait3A_241] : memref<10000x128xf32, #tpu.memory_space<hbm>> -> memref<10000x128xf32, #tpu.memory_space<hbm>>
      tpu.wait_indirect_dma semaphore(%arg26 : memref<!tpu.dma_semaphore, #tpu.memory_space<semaphore_mem>>) src(%dma_wait3A_242 : memref<10000x128xf32, #tpu.memory_space<hbm>>) dst(%arg19 : memref<40x128xf32, #tpu.memory_space<vmem>>)
      %dma_wait3A_243 = tpu.memref_slice %arg3[%mul3A_2] : memref<320000xi32, #tpu.memory_space<hbm>> -> memref<40xi32, #tpu.memory_space<hbm>>
      %dma_wait3A_244 = tpu.memref_slice %arg3[%mul3A_2] : memref<320000xi32, #tpu.memory_space<hbm>> -> memref<40xi32, #tpu.memory_space<hbm>>
      tpu.wait_dma2 semaphore(%arg33 : memref<!tpu.dma_semaphore, #tpu.memory_space<semaphore_mem>>) src(%dma_wait3A_244 : memref<40xi32, #tpu.memory_space<hbm>>) dst(%arg12 : memref<40xi32, #tpu.memory_space<vmem>>)
      %dma_start3A_245 = arith.constant 0 : i32
      %dma_start3A_246 = arith.constant 0 : i32
      %dma_start3A_247 = tpu.memref_slice %arg8[%dma_start3A_245, %dma_start3A_246] : memref<10000x128xf32, #tpu.memory_space<vmem_shared>> -> memref<10000x128xf32, #tpu.memory_space<vmem_shared>>
      tpu.enqueue_indirect_dma source(%arg19 : memref<40x128xf32, #tpu.memory_space<vmem>>) target(%dma_start3A_247 : memref<10000x128xf32, #tpu.memory_space<vmem_shared>>) offsets(%arg12 : memref<40xi32, #tpu.memory_space<vmem>>) semaphore(%arg40 : memref<!tpu.dma_semaphore, #tpu.memory_space<semaphore_mem>>)
      %add3A_248 = arith.constant 4 : i32
      %add3A_249 = arith.addi %add3A_149, %add3A_248 : i32
      %ge3A_250 = arith.constant 1 : i32
      %ge3A_251 = arith.cmpi sge, %add3A_249, %ge3A_250 : i32
      %convert_element_type3A_252 = arith.extui %ge3A_251 : i1 to i32
      %cond3A_253 = arith.constant 0 : i32
      %cond3A_254 = arith.cmpi ne, %convert_element_type3A_252, %cond3A_253 : i32
      scf.if %cond3A_254 {
        %dma_wait3A_323 = arith.constant 0 : i32
        %dma_wait3A_324 = arith.constant 0 : i32
        %dma_wait3A_325 = tpu.memref_slice %arg8[%dma_wait3A_323, %dma_wait3A_324] : memref<10000x128xf32, #tpu.memory_space<vmem_shared>> -> memref<10000x128xf32, #tpu.memory_space<vmem_shared>>
        tpu.wait_indirect_dma semaphore(%arg40 : memref<!tpu.dma_semaphore, #tpu.memory_space<semaphore_mem>>) src(%arg19 : memref<40x128xf32, #tpu.memory_space<vmem>>) dst(%dma_wait3A_325 : memref<10000x128xf32, #tpu.memory_space<vmem_shared>>)
      } else {
      }
      %add3A_255 = arith.constant 6 : i32
      %add3A_256 = arith.addi %add3A_249, %add3A_255 : i32
      %lt3A_257 = arith.constant 250 : i32
      %lt3A_258 = arith.cmpi slt, %add3A_256, %lt3A_257 : i32
      %convert_element_type3A_259 = arith.extui %lt3A_258 : i1 to i32
      %cond3A_260 = arith.constant 0 : i32
      %cond3A_261 = arith.cmpi ne, %convert_element_type3A_259, %cond3A_260 : i32
      scf.if %cond3A_261 {
        %add3A_323 = arith.constant 6 : i32
        %add3A_324 = arith.addi %add3A_249, %add3A_323 : i32
        %mul3A_325 = arith.constant 40 : i32
        %mul3A_326 = arith.muli %add3A_324, %mul3A_325 : i32
        %add3A_327 = arith.addi %mul3A_2, %mul3A_326 : i32
        %dma_start3A_328 = tpu.memref_slice %arg3[%add3A_327] : memref<320000xi32, #tpu.memory_space<hbm>> -> memref<40xi32, #tpu.memory_space<hbm>>
        %dma_start3A_329 = tpu.memref_slice %arg3[%add3A_327] : memref<320000xi32, #tpu.memory_space<hbm>> -> memref<40xi32, #tpu.memory_space<hbm>>
        tpu.enqueue_dma source(%dma_start3A_329 : memref<40xi32, #tpu.memory_space<hbm>>) target(%arg12 : memref<40xi32, #tpu.memory_space<vmem>>) target_semaphore(%arg33 : memref<!tpu.dma_semaphore, #tpu.memory_space<semaphore_mem>>)
        %mul3A_330 = arith.constant 40 : i32
        %mul3A_331 = arith.muli %add3A_324, %mul3A_330 : i32
        %dma_start3A_332 = tpu.memref_slice %arg7[%mul3A_331] : memref<10000xi32, #tpu.memory_space<vmem>> -> memref<40xi32, #tpu.memory_space<vmem>>
        %dma_start3A_333 = arith.constant 0 : i32
        %dma_start3A_334 = arith.constant 0 : i32
        %dma_start3A_335 = tpu.memref_slice %arg4[%dma_start3A_333, %dma_start3A_334] : memref<10000x128xf32, #tpu.memory_space<hbm>> -> memref<10000x128xf32, #tpu.memory_space<hbm>>
        tpu.enqueue_indirect_dma source(%dma_start3A_335 : memref<10000x128xf32, #tpu.memory_space<hbm>>) target(%arg19 : memref<40x128xf32, #tpu.memory_space<vmem>>) offsets(%dma_start3A_332 : memref<40xi32, #tpu.memory_space<vmem>>) semaphore(%arg26 : memref<!tpu.dma_semaphore, #tpu.memory_space<semaphore_mem>>)
      } else {
      }
      %mul3A_262 = arith.constant 40 : i32
      %mul3A_263 = arith.muli %add3A_249, %mul3A_262 : i32
      %dma_wait3A_264 = tpu.memref_slice %arg7[%mul3A_263] : memref<10000xi32, #tpu.memory_space<vmem>> -> memref<40xi32, #tpu.memory_space<vmem>>
      %dma_wait3A_265 = arith.constant 0 : i32
      %dma_wait3A_266 = arith.constant 0 : i32
      %dma_wait3A_267 = tpu.memref_slice %arg4[%dma_wait3A_265, %dma_wait3A_266] : memref<10000x128xf32, #tpu.memory_space<hbm>> -> memref<10000x128xf32, #tpu.memory_space<hbm>>
      tpu.wait_indirect_dma semaphore(%arg27 : memref<!tpu.dma_semaphore, #tpu.memory_space<semaphore_mem>>) src(%dma_wait3A_267 : memref<10000x128xf32, #tpu.memory_space<hbm>>) dst(%arg20 : memref<40x128xf32, #tpu.memory_space<vmem>>)
      %dma_wait3A_268 = tpu.memref_slice %arg3[%mul3A_2] : memref<320000xi32, #tpu.memory_space<hbm>> -> memref<40xi32, #tpu.memory_space<hbm>>
      %dma_wait3A_269 = tpu.memref_slice %arg3[%mul3A_2] : memref<320000xi32, #tpu.memory_space<hbm>> -> memref<40xi32, #tpu.memory_space<hbm>>
      tpu.wait_dma2 semaphore(%arg34 : memref<!tpu.dma_semaphore, #tpu.memory_space<semaphore_mem>>) src(%dma_wait3A_269 : memref<40xi32, #tpu.memory_space<hbm>>) dst(%arg13 : memref<40xi32, #tpu.memory_space<vmem>>)
      %dma_start3A_270 = arith.constant 0 : i32
      %dma_start3A_271 = arith.constant 0 : i32
      %dma_start3A_272 = tpu.memref_slice %arg8[%dma_start3A_270, %dma_start3A_271] : memref<10000x128xf32, #tpu.memory_space<vmem_shared>> -> memref<10000x128xf32, #tpu.memory_space<vmem_shared>>
      tpu.enqueue_indirect_dma source(%arg20 : memref<40x128xf32, #tpu.memory_space<vmem>>) target(%dma_start3A_272 : memref<10000x128xf32, #tpu.memory_space<vmem_shared>>) offsets(%arg13 : memref<40xi32, #tpu.memory_space<vmem>>) semaphore(%arg41 : memref<!tpu.dma_semaphore, #tpu.memory_space<semaphore_mem>>)
      %add3A_273 = arith.constant 5 : i32
      %add3A_274 = arith.addi %add3A_149, %add3A_273 : i32
      %ge3A_275 = arith.constant 1 : i32
      %ge3A_276 = arith.cmpi sge, %add3A_274, %ge3A_275 : i32
      %convert_element_type3A_277 = arith.extui %ge3A_276 : i1 to i32
      %cond3A_278 = arith.constant 0 : i32
      %cond3A_279 = arith.cmpi ne, %convert_element_type3A_277, %cond3A_278 : i32
      scf.if %cond3A_279 {
        %dma_wait3A_323 = arith.constant 0 : i32
        %dma_wait3A_324 = arith.constant 0 : i32
        %dma_wait3A_325 = tpu.memref_slice %arg8[%dma_wait3A_323, %dma_wait3A_324] : memref<10000x128xf32, #tpu.memory_space<vmem_shared>> -> memref<10000x128xf32, #tpu.memory_space<vmem_shared>>
        tpu.wait_indirect_dma semaphore(%arg41 : memref<!tpu.dma_semaphore, #tpu.memory_space<semaphore_mem>>) src(%arg20 : memref<40x128xf32, #tpu.memory_space<vmem>>) dst(%dma_wait3A_325 : memref<10000x128xf32, #tpu.memory_space<vmem_shared>>)
      } else {
      }
      %add3A_280 = arith.constant 6 : i32
      %add3A_281 = arith.addi %add3A_274, %add3A_280 : i32
      %lt3A_282 = arith.constant 250 : i32
      %lt3A_283 = arith.cmpi slt, %add3A_281, %lt3A_282 : i32
      %convert_element_type3A_284 = arith.extui %lt3A_283 : i1 to i32
      %cond3A_285 = arith.constant 0 : i32
      %cond3A_286 = arith.cmpi ne, %convert_element_type3A_284, %cond3A_285 : i32
      scf.if %cond3A_286 {
        %add3A_323 = arith.constant 6 : i32
        %add3A_324 = arith.addi %add3A_274, %add3A_323 : i32
        %mul3A_325 = arith.constant 40 : i32
        %mul3A_326 = arith.muli %add3A_324, %mul3A_325 : i32
        %add3A_327 = arith.addi %mul3A_2, %mul3A_326 : i32
        %dma_start3A_328 = tpu.memref_slice %arg3[%add3A_327] : memref<320000xi32, #tpu.memory_space<hbm>> -> memref<40xi32, #tpu.memory_space<hbm>>
        %dma_start3A_329 = tpu.memref_slice %arg3[%add3A_327] : memref<320000xi32, #tpu.memory_space<hbm>> -> memref<40xi32, #tpu.memory_space<hbm>>
        tpu.enqueue_dma source(%dma_start3A_329 : memref<40xi32, #tpu.memory_space<hbm>>) target(%arg13 : memref<40xi32, #tpu.memory_space<vmem>>) target_semaphore(%arg34 : memref<!tpu.dma_semaphore, #tpu.memory_space<semaphore_mem>>)
        %mul3A_330 = arith.constant 40 : i32
        %mul3A_331 = arith.muli %add3A_324, %mul3A_330 : i32
        %dma_start3A_332 = tpu.memref_slice %arg7[%mul3A_331] : memref<10000xi32, #tpu.memory_space<vmem>> -> memref<40xi32, #tpu.memory_space<vmem>>
        %dma_start3A_333 = arith.constant 0 : i32
        %dma_start3A_334 = arith.constant 0 : i32
        %dma_start3A_335 = tpu.memref_slice %arg4[%dma_start3A_333, %dma_start3A_334] : memref<10000x128xf32, #tpu.memory_space<hbm>> -> memref<10000x128xf32, #tpu.memory_space<hbm>>
        tpu.enqueue_indirect_dma source(%dma_start3A_335 : memref<10000x128xf32, #tpu.memory_space<hbm>>) target(%arg20 : memref<40x128xf32, #tpu.memory_space<vmem>>) offsets(%dma_start3A_332 : memref<40xi32, #tpu.memory_space<vmem>>) semaphore(%arg27 : memref<!tpu.dma_semaphore, #tpu.memory_space<semaphore_mem>>)
      } else {
      }
      %mul3A_287 = arith.constant 40 : i32
      %mul3A_288 = arith.muli %add3A_274, %mul3A_287 : i32
      %dma_wait3A_289 = tpu.memref_slice %arg7[%mul3A_288] : memref<10000xi32, #tpu.memory_space<vmem>> -> memref<40xi32, #tpu.memory_space<vmem>>
      %dma_wait3A_290 = arith.constant 0 : i32
      %dma_wait3A_291 = arith.constant 0 : i32
      %dma_wait3A_292 = tpu.memref_slice %arg4[%dma_wait3A_290, %dma_wait3A_291] : memref<10000x128xf32, #tpu.memory_space<hbm>> -> memref<10000x128xf32, #tpu.memory_space<hbm>>
      tpu.wait_indirect_dma semaphore(%arg28 : memref<!tpu.dma_semaphore, #tpu.memory_space<semaphore_mem>>) src(%dma_wait3A_292 : memref<10000x128xf32, #tpu.memory_space<hbm>>) dst(%arg21 : memref<40x128xf32, #tpu.memory_space<vmem>>)
      %dma_wait3A_293 = tpu.memref_slice %arg3[%mul3A_2] : memref<320000xi32, #tpu.memory_space<hbm>> -> memref<40xi32, #tpu.memory_space<hbm>>
      %dma_wait3A_294 = tpu.memref_slice %arg3[%mul3A_2] : memref<320000xi32, #tpu.memory_space<hbm>> -> memref<40xi32, #tpu.memory_space<hbm>>
      tpu.wait_dma2 semaphore(%arg35 : memref<!tpu.dma_semaphore, #tpu.memory_space<semaphore_mem>>) src(%dma_wait3A_294 : memref<40xi32, #tpu.memory_space<hbm>>) dst(%arg14 : memref<40xi32, #tpu.memory_space<vmem>>)
      %dma_start3A_295 = arith.constant 0 : i32
      %dma_start3A_296 = arith.constant 0 : i32
      %dma_start3A_297 = tpu.memref_slice %arg8[%dma_start3A_295, %dma_start3A_296] : memref<10000x128xf32, #tpu.memory_space<vmem_shared>> -> memref<10000x128xf32, #tpu.memory_space<vmem_shared>>
      tpu.enqueue_indirect_dma source(%arg21 : memref<40x128xf32, #tpu.memory_space<vmem>>) target(%dma_start3A_297 : memref<10000x128xf32, #tpu.memory_space<vmem_shared>>) offsets(%arg14 : memref<40xi32, #tpu.memory_space<vmem>>) semaphore(%arg42 : memref<!tpu.dma_semaphore, #tpu.memory_space<semaphore_mem>>)
      %add3A_298 = arith.constant 6 : i32
      %add3A_299 = arith.addi %add3A_149, %add3A_298 : i32
      %ge3A_300 = arith.constant 1 : i32
      %ge3A_301 = arith.cmpi sge, %add3A_299, %ge3A_300 : i32
      %convert_element_type3A_302 = arith.extui %ge3A_301 : i1 to i32
      %cond3A_303 = arith.constant 0 : i32
      %cond3A_304 = arith.cmpi ne, %convert_element_type3A_302, %cond3A_303 : i32
      scf.if %cond3A_304 {
        %dma_wait3A_323 = arith.constant 0 : i32
        %dma_wait3A_324 = arith.constant 0 : i32
        %dma_wait3A_325 = tpu.memref_slice %arg8[%dma_wait3A_323, %dma_wait3A_324] : memref<10000x128xf32, #tpu.memory_space<vmem_shared>> -> memref<10000x128xf32, #tpu.memory_space<vmem_shared>>
        tpu.wait_indirect_dma semaphore(%arg42 : memref<!tpu.dma_semaphore, #tpu.memory_space<semaphore_mem>>) src(%arg21 : memref<40x128xf32, #tpu.memory_space<vmem>>) dst(%dma_wait3A_325 : memref<10000x128xf32, #tpu.memory_space<vmem_shared>>)
      } else {
      }
      %add3A_305 = arith.constant 6 : i32
      %add3A_306 = arith.addi %add3A_299, %add3A_305 : i32
      %lt3A_307 = arith.constant 250 : i32
      %lt3A_308 = arith.cmpi slt, %add3A_306, %lt3A_307 : i32
      %convert_element_type3A_309 = arith.extui %lt3A_308 : i1 to i32
      %cond3A_310 = arith.constant 0 : i32
      %cond3A_311 = arith.cmpi ne, %convert_element_type3A_309, %cond3A_310 : i32
      scf.if %cond3A_311 {
        %add3A_323 = arith.constant 6 : i32
        %add3A_324 = arith.addi %add3A_299, %add3A_323 : i32
        %mul3A_325 = arith.constant 40 : i32
        %mul3A_326 = arith.muli %add3A_324, %mul3A_325 : i32
        %add3A_327 = arith.addi %mul3A_2, %mul3A_326 : i32
        %dma_start3A_328 = tpu.memref_slice %arg3[%add3A_327] : memref<320000xi32, #tpu.memory_space<hbm>> -> memref<40xi32, #tpu.memory_space<hbm>>
        %dma_start3A_329 = tpu.memref_slice %arg3[%add3A_327] : memref<320000xi32, #tpu.memory_space<hbm>> -> memref<40xi32, #tpu.memory_space<hbm>>
        tpu.enqueue_dma source(%dma_start3A_329 : memref<40xi32, #tpu.memory_space<hbm>>) target(%arg14 : memref<40xi32, #tpu.memory_space<vmem>>) target_semaphore(%arg35 : memref<!tpu.dma_semaphore, #tpu.memory_space<semaphore_mem>>)
        %mul3A_330 = arith.constant 40 : i32
        %mul3A_331 = arith.muli %add3A_324, %mul3A_330 : i32
        %dma_start3A_332 = tpu.memref_slice %arg7[%mul3A_331] : memref<10000xi32, #tpu.memory_space<vmem>> -> memref<40xi32, #tpu.memory_space<vmem>>
        %dma_start3A_333 = arith.constant 0 : i32
        %dma_start3A_334 = arith.constant 0 : i32
        %dma_start3A_335 = tpu.memref_slice %arg4[%dma_start3A_333, %dma_start3A_334] : memref<10000x128xf32, #tpu.memory_space<hbm>> -> memref<10000x128xf32, #tpu.memory_space<hbm>>
        tpu.enqueue_indirect_dma source(%dma_start3A_335 : memref<10000x128xf32, #tpu.memory_space<hbm>>) target(%arg21 : memref<40x128xf32, #tpu.memory_space<vmem>>) offsets(%dma_start3A_332 : memref<40xi32, #tpu.memory_space<vmem>>) semaphore(%arg28 : memref<!tpu.dma_semaphore, #tpu.memory_space<semaphore_mem>>)
      } else {
      }
      %mul3A_312 = arith.constant 40 : i32
      %mul3A_313 = arith.muli %add3A_299, %mul3A_312 : i32
      %dma_wait3A_314 = tpu.memref_slice %arg7[%mul3A_313] : memref<10000xi32, #tpu.memory_space<vmem>> -> memref<40xi32, #tpu.memory_space<vmem>>
      %dma_wait3A_315 = arith.constant 0 : i32
      %dma_wait3A_316 = arith.constant 0 : i32
      %dma_wait3A_317 = tpu.memref_slice %arg4[%dma_wait3A_315, %dma_wait3A_316] : memref<10000x128xf32, #tpu.memory_space<hbm>> -> memref<10000x128xf32, #tpu.memory_space<hbm>>
      tpu.wait_indirect_dma semaphore(%arg29 : memref<!tpu.dma_semaphore, #tpu.memory_space<semaphore_mem>>) src(%dma_wait3A_317 : memref<10000x128xf32, #tpu.memory_space<hbm>>) dst(%arg22 : memref<40x128xf32, #tpu.memory_space<vmem>>)
      %dma_wait3A_318 = tpu.memref_slice %arg3[%mul3A_2] : memref<320000xi32, #tpu.memory_space<hbm>> -> memref<40xi32, #tpu.memory_space<hbm>>
      %dma_wait3A_319 = tpu.memref_slice %arg3[%mul3A_2] : memref<320000xi32, #tpu.memory_space<hbm>> -> memref<40xi32, #tpu.memory_space<hbm>>
      tpu.wait_dma2 semaphore(%arg36 : memref<!tpu.dma_semaphore, #tpu.memory_space<semaphore_mem>>) src(%dma_wait3A_319 : memref<40xi32, #tpu.memory_space<hbm>>) dst(%arg15 : memref<40xi32, #tpu.memory_space<vmem>>)
      %dma_start3A_320 = arith.constant 0 : i32
      %dma_start3A_321 = arith.constant 0 : i32
      %dma_start3A_322 = tpu.memref_slice %arg8[%dma_start3A_320, %dma_start3A_321] : memref<10000x128xf32, #tpu.memory_space<vmem_shared>> -> memref<10000x128xf32, #tpu.memory_space<vmem_shared>>
      tpu.enqueue_indirect_dma source(%arg22 : memref<40x128xf32, #tpu.memory_space<vmem>>) target(%dma_start3A_322 : memref<10000x128xf32, #tpu.memory_space<vmem_shared>>) offsets(%arg15 : memref<40xi32, #tpu.memory_space<vmem>>) semaphore(%arg43 : memref<!tpu.dma_semaphore, #tpu.memory_space<semaphore_mem>>)
    }
    %scan3A_70 = arith.constant 35 : i32
    %dma_wait3A_71 = arith.constant 0 : i32
    %dma_wait3A_72 = arith.constant 0 : i32
    %dma_wait3A_73 = tpu.memref_slice %arg8[%dma_wait3A_71, %dma_wait3A_72] : memref<10000x128xf32, #tpu.memory_space<vmem_shared>> -> memref<10000x128xf32, #tpu.memory_space<vmem_shared>>
    tpu.wait_indirect_dma semaphore(%arg43 : memref<!tpu.dma_semaphore, #tpu.memory_space<semaphore_mem>>) src(%arg22 : memref<40x128xf32, #tpu.memory_space<vmem>>) dst(%dma_wait3A_73 : memref<10000x128xf32, #tpu.memory_space<vmem_shared>>)
    %dma_wait3A_74 = arith.constant 9800 : i32
    %dma_wait3A_75 = tpu.memref_slice %arg7[%dma_wait3A_74] : memref<10000xi32, #tpu.memory_space<vmem>> -> memref<40xi32, #tpu.memory_space<vmem>>
    %dma_wait3A_76 = arith.constant 0 : i32
    %dma_wait3A_77 = arith.constant 0 : i32
    %dma_wait3A_78 = tpu.memref_slice %arg4[%dma_wait3A_76, %dma_wait3A_77] : memref<10000x128xf32, #tpu.memory_space<hbm>> -> memref<10000x128xf32, #tpu.memory_space<hbm>>
    tpu.wait_indirect_dma semaphore(%arg23 : memref<!tpu.dma_semaphore, #tpu.memory_space<semaphore_mem>>) src(%dma_wait3A_78 : memref<10000x128xf32, #tpu.memory_space<hbm>>) dst(%arg16 : memref<40x128xf32, #tpu.memory_space<vmem>>)
    %dma_wait3A_79 = tpu.memref_slice %arg3[%mul3A_2] : memref<320000xi32, #tpu.memory_space<hbm>> -> memref<40xi32, #tpu.memory_space<hbm>>
    %dma_wait3A_80 = tpu.memref_slice %arg3[%mul3A_2] : memref<320000xi32, #tpu.memory_space<hbm>> -> memref<40xi32, #tpu.memory_space<hbm>>
    tpu.wait_dma2 semaphore(%arg30 : memref<!tpu.dma_semaphore, #tpu.memory_space<semaphore_mem>>) src(%dma_wait3A_80 : memref<40xi32, #tpu.memory_space<hbm>>) dst(%arg9 : memref<40xi32, #tpu.memory_space<vmem>>)
    %dma_start3A_81 = arith.constant 0 : i32
    %dma_start3A_82 = arith.constant 0 : i32
    %dma_start3A_83 = tpu.memref_slice %arg8[%dma_start3A_81, %dma_start3A_82] : memref<10000x128xf32, #tpu.memory_space<vmem_shared>> -> memref<10000x128xf32, #tpu.memory_space<vmem_shared>>
    tpu.enqueue_indirect_dma source(%arg16 : memref<40x128xf32, #tpu.memory_space<vmem>>) target(%dma_start3A_83 : memref<10000x128xf32, #tpu.memory_space<vmem_shared>>) offsets(%arg9 : memref<40xi32, #tpu.memory_space<vmem>>) semaphore(%arg37 : memref<!tpu.dma_semaphore, #tpu.memory_space<semaphore_mem>>)
    %dma_wait3A_84 = arith.constant 0 : i32
    %dma_wait3A_85 = arith.constant 0 : i32
    %dma_wait3A_86 = tpu.memref_slice %arg8[%dma_wait3A_84, %dma_wait3A_85] : memref<10000x128xf32, #tpu.memory_space<vmem_shared>> -> memref<10000x128xf32, #tpu.memory_space<vmem_shared>>
    tpu.wait_indirect_dma semaphore(%arg37 : memref<!tpu.dma_semaphore, #tpu.memory_space<semaphore_mem>>) src(%arg16 : memref<40x128xf32, #tpu.memory_space<vmem>>) dst(%dma_wait3A_86 : memref<10000x128xf32, #tpu.memory_space<vmem_shared>>)
    %dma_wait3A_87 = arith.constant 9840 : i32
    %dma_wait3A_88 = tpu.memref_slice %arg7[%dma_wait3A_87] : memref<10000xi32, #tpu.memory_space<vmem>> -> memref<40xi32, #tpu.memory_space<vmem>>
    %dma_wait3A_89 = arith.constant 0 : i32
    %dma_wait3A_90 = arith.constant 0 : i32
    %dma_wait3A_91 = tpu.memref_slice %arg4[%dma_wait3A_89, %dma_wait3A_90] : memref<10000x128xf32, #tpu.memory_space<hbm>> -> memref<10000x128xf32, #tpu.memory_space<hbm>>
    tpu.wait_indirect_dma semaphore(%arg24 : memref<!tpu.dma_semaphore, #tpu.memory_space<semaphore_mem>>) src(%dma_wait3A_91 : memref<10000x128xf32, #tpu.memory_space<hbm>>) dst(%arg17 : memref<40x128xf32, #tpu.memory_space<vmem>>)
    %dma_wait3A_92 = tpu.memref_slice %arg3[%mul3A_2] : memref<320000xi32, #tpu.memory_space<hbm>> -> memref<40xi32, #tpu.memory_space<hbm>>
    %dma_wait3A_93 = tpu.memref_slice %arg3[%mul3A_2] : memref<320000xi32, #tpu.memory_space<hbm>> -> memref<40xi32, #tpu.memory_space<hbm>>
    tpu.wait_dma2 semaphore(%arg31 : memref<!tpu.dma_semaphore, #tpu.memory_space<semaphore_mem>>) src(%dma_wait3A_93 : memref<40xi32, #tpu.memory_space<hbm>>) dst(%arg10 : memref<40xi32, #tpu.memory_space<vmem>>)
    %dma_start3A_94 = arith.constant 0 : i32
    %dma_start3A_95 = arith.constant 0 : i32
    %dma_start3A_96 = tpu.memref_slice %arg8[%dma_start3A_94, %dma_start3A_95] : memref<10000x128xf32, #tpu.memory_space<vmem_shared>> -> memref<10000x128xf32, #tpu.memory_space<vmem_shared>>
    tpu.enqueue_indirect_dma source(%arg17 : memref<40x128xf32, #tpu.memory_space<vmem>>) target(%dma_start3A_96 : memref<10000x128xf32, #tpu.memory_space<vmem_shared>>) offsets(%arg10 : memref<40xi32, #tpu.memory_space<vmem>>) semaphore(%arg38 : memref<!tpu.dma_semaphore, #tpu.memory_space<semaphore_mem>>)
    %dma_wait3A_97 = arith.constant 0 : i32
    %dma_wait3A_98 = arith.constant 0 : i32
    %dma_wait3A_99 = tpu.memref_slice %arg8[%dma_wait3A_97, %dma_wait3A_98] : memref<10000x128xf32, #tpu.memory_space<vmem_shared>> -> memref<10000x128xf32, #tpu.memory_space<vmem_shared>>
    tpu.wait_indirect_dma semaphore(%arg38 : memref<!tpu.dma_semaphore, #tpu.memory_space<semaphore_mem>>) src(%arg17 : memref<40x128xf32, #tpu.memory_space<vmem>>) dst(%dma_wait3A_99 : memref<10000x128xf32, #tpu.memory_space<vmem_shared>>)
    %dma_wait3A_100 = arith.constant 9880 : i32
    %dma_wait3A_101 = tpu.memref_slice %arg7[%dma_wait3A_100] : memref<10000xi32, #tpu.memory_space<vmem>> -> memref<40xi32, #tpu.memory_space<vmem>>
    %dma_wait3A_102 = arith.constant 0 : i32
    %dma_wait3A_103 = arith.constant 0 : i32
    %dma_wait3A_104 = tpu.memref_slice %arg4[%dma_wait3A_102, %dma_wait3A_103] : memref<10000x128xf32, #tpu.memory_space<hbm>> -> memref<10000x128xf32, #tpu.memory_space<hbm>>
    tpu.wait_indirect_dma semaphore(%arg25 : memref<!tpu.dma_semaphore, #tpu.memory_space<semaphore_mem>>) src(%dma_wait3A_104 : memref<10000x128xf32, #tpu.memory_space<hbm>>) dst(%arg18 : memref<40x128xf32, #tpu.memory_space<vmem>>)
    %dma_wait3A_105 = tpu.memref_slice %arg3[%mul3A_2] : memref<320000xi32, #tpu.memory_space<hbm>> -> memref<40xi32, #tpu.memory_space<hbm>>
    %dma_wait3A_106 = tpu.memref_slice %arg3[%mul3A_2] : memref<320000xi32, #tpu.memory_space<hbm>> -> memref<40xi32, #tpu.memory_space<hbm>>
    tpu.wait_dma2 semaphore(%arg32 : memref<!tpu.dma_semaphore, #tpu.memory_space<semaphore_mem>>) src(%dma_wait3A_106 : memref<40xi32, #tpu.memory_space<hbm>>) dst(%arg11 : memref<40xi32, #tpu.memory_space<vmem>>)
    %dma_start3A_107 = arith.constant 0 : i32
    %dma_start3A_108 = arith.constant 0 : i32
    %dma_start3A_109 = tpu.memref_slice %arg8[%dma_start3A_107, %dma_start3A_108] : memref<10000x128xf32, #tpu.memory_space<vmem_shared>> -> memref<10000x128xf32, #tpu.memory_space<vmem_shared>>
    tpu.enqueue_indirect_dma source(%arg18 : memref<40x128xf32, #tpu.memory_space<vmem>>) target(%dma_start3A_109 : memref<10000x128xf32, #tpu.memory_space<vmem_shared>>) offsets(%arg11 : memref<40xi32, #tpu.memory_space<vmem>>) semaphore(%arg39 : memref<!tpu.dma_semaphore, #tpu.memory_space<semaphore_mem>>)
    %dma_wait3A_110 = arith.constant 0 : i32
    %dma_wait3A_111 = arith.constant 0 : i32
    %dma_wait3A_112 = tpu.memref_slice %arg8[%dma_wait3A_110, %dma_wait3A_111] : memref<10000x128xf32, #tpu.memory_space<vmem_shared>> -> memref<10000x128xf32, #tpu.memory_space<vmem_shared>>
    tpu.wait_indirect_dma semaphore(%arg39 : memref<!tpu.dma_semaphore, #tpu.memory_space<semaphore_mem>>) src(%arg18 : memref<40x128xf32, #tpu.memory_space<vmem>>) dst(%dma_wait3A_112 : memref<10000x128xf32, #tpu.memory_space<vmem_shared>>)
    %dma_wait3A_113 = arith.constant 9920 : i32
    %dma_wait3A_114 = tpu.memref_slice %arg7[%dma_wait3A_113] : memref<10000xi32, #tpu.memory_space<vmem>> -> memref<40xi32, #tpu.memory_space<vmem>>
    %dma_wait3A_115 = arith.constant 0 : i32
    %dma_wait3A_116 = arith.constant 0 : i32
    %dma_wait3A_117 = tpu.memref_slice %arg4[%dma_wait3A_115, %dma_wait3A_116] : memref<10000x128xf32, #tpu.memory_space<hbm>> -> memref<10000x128xf32, #tpu.memory_space<hbm>>
    tpu.wait_indirect_dma semaphore(%arg26 : memref<!tpu.dma_semaphore, #tpu.memory_space<semaphore_mem>>) src(%dma_wait3A_117 : memref<10000x128xf32, #tpu.memory_space<hbm>>) dst(%arg19 : memref<40x128xf32, #tpu.memory_space<vmem>>)
    %dma_wait3A_118 = tpu.memref_slice %arg3[%mul3A_2] : memref<320000xi32, #tpu.memory_space<hbm>> -> memref<40xi32, #tpu.memory_space<hbm>>
    %dma_wait3A_119 = tpu.memref_slice %arg3[%mul3A_2] : memref<320000xi32, #tpu.memory_space<hbm>> -> memref<40xi32, #tpu.memory_space<hbm>>
    tpu.wait_dma2 semaphore(%arg33 : memref<!tpu.dma_semaphore, #tpu.memory_space<semaphore_mem>>) src(%dma_wait3A_119 : memref<40xi32, #tpu.memory_space<hbm>>) dst(%arg12 : memref<40xi32, #tpu.memory_space<vmem>>)
    %dma_start3A_120 = arith.constant 0 : i32
    %dma_start3A_121 = arith.constant 0 : i32
    %dma_start3A_122 = tpu.memref_slice %arg8[%dma_start3A_120, %dma_start3A_121] : memref<10000x128xf32, #tpu.memory_space<vmem_shared>> -> memref<10000x128xf32, #tpu.memory_space<vmem_shared>>
    tpu.enqueue_indirect_dma source(%arg19 : memref<40x128xf32, #tpu.memory_space<vmem>>) target(%dma_start3A_122 : memref<10000x128xf32, #tpu.memory_space<vmem_shared>>) offsets(%arg12 : memref<40xi32, #tpu.memory_space<vmem>>) semaphore(%arg40 : memref<!tpu.dma_semaphore, #tpu.memory_space<semaphore_mem>>)
    %dma_wait3A_123 = arith.constant 0 : i32
    %dma_wait3A_124 = arith.constant 0 : i32
    %dma_wait3A_125 = tpu.memref_slice %arg8[%dma_wait3A_123, %dma_wait3A_124] : memref<10000x128xf32, #tpu.memory_space<vmem_shared>> -> memref<10000x128xf32, #tpu.memory_space<vmem_shared>>
    tpu.wait_indirect_dma semaphore(%arg40 : memref<!tpu.dma_semaphore, #tpu.memory_space<semaphore_mem>>) src(%arg19 : memref<40x128xf32, #tpu.memory_space<vmem>>) dst(%dma_wait3A_125 : memref<10000x128xf32, #tpu.memory_space<vmem_shared>>)
    %dma_wait3A_126 = arith.constant 9960 : i32
    %dma_wait3A_127 = tpu.memref_slice %arg7[%dma_wait3A_126] : memref<10000xi32, #tpu.memory_space<vmem>> -> memref<40xi32, #tpu.memory_space<vmem>>
    %dma_wait3A_128 = arith.constant 0 : i32
    %dma_wait3A_129 = arith.constant 0 : i32
    %dma_wait3A_130 = tpu.memref_slice %arg4[%dma_wait3A_128, %dma_wait3A_129] : memref<10000x128xf32, #tpu.memory_space<hbm>> -> memref<10000x128xf32, #tpu.memory_space<hbm>>
    tpu.wait_indirect_dma semaphore(%arg27 : memref<!tpu.dma_semaphore, #tpu.memory_space<semaphore_mem>>) src(%dma_wait3A_130 : memref<10000x128xf32, #tpu.memory_space<hbm>>) dst(%arg20 : memref<40x128xf32, #tpu.memory_space<vmem>>)
    %dma_wait3A_131 = tpu.memref_slice %arg3[%mul3A_2] : memref<320000xi32, #tpu.memory_space<hbm>> -> memref<40xi32, #tpu.memory_space<hbm>>
    %dma_wait3A_132 = tpu.memref_slice %arg3[%mul3A_2] : memref<320000xi32, #tpu.memory_space<hbm>> -> memref<40xi32, #tpu.memory_space<hbm>>
    tpu.wait_dma2 semaphore(%arg34 : memref<!tpu.dma_semaphore, #tpu.memory_space<semaphore_mem>>) src(%dma_wait3A_132 : memref<40xi32, #tpu.memory_space<hbm>>) dst(%arg13 : memref<40xi32, #tpu.memory_space<vmem>>)
    %dma_start3A_133 = arith.constant 0 : i32
    %dma_start3A_134 = arith.constant 0 : i32
    %dma_start3A_135 = tpu.memref_slice %arg8[%dma_start3A_133, %dma_start3A_134] : memref<10000x128xf32, #tpu.memory_space<vmem_shared>> -> memref<10000x128xf32, #tpu.memory_space<vmem_shared>>
    tpu.enqueue_indirect_dma source(%arg20 : memref<40x128xf32, #tpu.memory_space<vmem>>) target(%dma_start3A_135 : memref<10000x128xf32, #tpu.memory_space<vmem_shared>>) offsets(%arg13 : memref<40xi32, #tpu.memory_space<vmem>>) semaphore(%arg41 : memref<!tpu.dma_semaphore, #tpu.memory_space<semaphore_mem>>)
    %dma_wait3A_136 = arith.constant 0 : i32
    %dma_wait3A_137 = arith.constant 0 : i32
    %dma_wait3A_138 = tpu.memref_slice %arg8[%dma_wait3A_136, %dma_wait3A_137] : memref<10000x128xf32, #tpu.memory_space<vmem_shared>> -> memref<10000x128xf32, #tpu.memory_space<vmem_shared>>
    tpu.wait_indirect_dma semaphore(%arg41 : memref<!tpu.dma_semaphore, #tpu.memory_space<semaphore_mem>>) src(%arg20 : memref<40x128xf32, #tpu.memory_space<vmem>>) dst(%dma_wait3A_138 : memref<10000x128xf32, #tpu.memory_space<vmem_shared>>)
    %barrier3A_139 = arith.constant 0 : index
    tpu.barrier barrier_id(%barrier3A_139)
    %mul3A_140 = arith.constant 10000 : i32
    %mul3A_141 = arith.muli %arg0, %mul3A_140 : i32
    %mul3A_142 = arith.constant 624 : i32
    %mul3A_143 = arith.muli %arg1, %mul3A_142 : i32
    %add3A_144 = arith.addi %mul3A_141, %mul3A_143 : i32
    "tpu.region"() ({
      %run_scoped3A = tpu.sem_alloc : memref<!tpu.dma_semaphore, #tpu.memory_space<semaphore_mem>>
      %dma_start3A_145 = arith.constant 0 : i32
      %dma_start3A_146 = tpu.memref_slice %arg6[%add3A_144, %dma_start3A_145] : memref<20000x128xf32, #tpu.memory_space<hbm>> -> memref<640x128xf32, #tpu.memory_space<hbm>>
      %dma_start3A_147 = arith.constant 0 : i32
      %dma_start3A_148 = tpu.memref_slice %arg8[%mul3A_4, %dma_start3A_147] : memref<10000x128xf32, #tpu.memory_space<vmem_shared>> -> memref<640x128xf32, #tpu.memory_space<vmem_shared>>
      tpu.enqueue_dma source(%dma_start3A_148 : memref<640x128xf32, #tpu.memory_space<vmem_shared>>) target(%dma_start3A_146 : memref<640x128xf32, #tpu.memory_space<hbm>>) target_semaphore(%run_scoped3A : memref<!tpu.dma_semaphore, #tpu.memory_space<semaphore_mem>>)
      %dma_wait3A_149 = arith.constant 0 : i32
      %dma_wait3A_150 = tpu.memref_slice %arg6[%add3A_144, %dma_wait3A_149] : memref<20000x128xf32, #tpu.memory_space<hbm>> -> memref<640x128xf32, #tpu.memory_space<hbm>>
      %dma_wait3A_151 = arith.constant 0 : i32
      %dma_wait3A_152 = tpu.memref_slice %arg8[%mul3A_4, %dma_wait3A_151] : memref<10000x128xf32, #tpu.memory_space<vmem_shared>> -> memref<640x128xf32, #tpu.memory_space<vmem_shared>>
      tpu.wait_dma2 semaphore(%run_scoped3A : memref<!tpu.dma_semaphore, #tpu.memory_space<semaphore_mem>>) src(%dma_wait3A_152 : memref<640x128xf32, #tpu.memory_space<vmem_shared>>) dst(%dma_wait3A_150 : memref<640x128xf32, #tpu.memory_space<hbm>>)
      tpu.yield
    }) : () -> ()
    return
  }
}

module attributes {stable_mosaic.version = 14 : i64} {
  func.func @body(%arg0: memref<20000x128xf32, #tpu.memory_space<vmem>>, %arg1: memref<128x128xf32, #tpu.memory_space<vmem>>, %arg2: memref<1x128xf32, #tpu.memory_space<vmem>>, %arg3: memref<128x128xf32, #tpu.memory_space<vmem>>, %arg4: memref<1x128xf32, #tpu.memory_space<vmem>>, %arg5: memref<1x128xf32, #tpu.memory_space<vmem>>, %arg6: memref<1x128xf32, #tpu.memory_space<vmem>>, %arg7: memref<10000x128xf32, #tpu.memory_space<vmem>>, %arg8: memref<1x128xf32, #tpu.memory_space<vmem>>) attributes {dimension_semantics = [], scalar_prefetch = 0 : i64, scratch_operands = 0 : i64, tpu.core_type = #tpu.core_type<tc>} {
    %get3A = arith.constant 0 : index
    %get3A_0 = arith.constant 0 : index
    %get3A_1 = vector.load %arg0[%get3A, %get3A_0] : memref<20000x128xf32, #tpu.memory_space<vmem>>, vector<10000x128xf32>
    %get3A_2 = arith.constant 10000 : index
    %get3A_3 = arith.constant 0 : index
    %get3A_4 = vector.load %arg0[%get3A_2, %get3A_3] : memref<20000x128xf32, #tpu.memory_space<vmem>>, vector<10000x128xf32>
    %add3A = arith.addf %get3A_1, %get3A_4 : vector<10000x128xf32>
    %get3A_5 = arith.constant 0 : index
    %get3A_6 = arith.constant 0 : index
    %get3A_7 = vector.load %arg1[%get3A_5, %get3A_6] : memref<128x128xf32, #tpu.memory_space<vmem>>, vector<128x128xf32>
    %dot_general3A = arith.constant dense<0.000000e+00> : vector<10000x128xf32>
    %dot_general3A_8 = tpu.matmul %add3A, %get3A_7, %dot_general3A {dimension_numbers = #tpu.dot_dimension_numbers<[1], [1], [0], [0], [0, 0, 1, 0], [], []>, transpose_lhs_hint = false} : vector<10000x128xf32>, vector<128x128xf32>, vector<10000x128xf32> -> vector<10000x128xf32>
    %get3A_9 = arith.constant 0 : index
    %get3A_10 = arith.constant 0 : index
    %get3A_11 = vector.load %arg2[%get3A_9, %get3A_10] : memref<1x128xf32, #tpu.memory_space<vmem>>, vector<1x128xf32>
    %add3A_12 = vector.broadcast %get3A_11 : vector<1x128xf32> to vector<10000x128xf32>
    %add3A_13 = arith.addf %dot_general3A_8, %add3A_12 : vector<10000x128xf32>
    %reduce_sum3A = arith.constant dense<0.000000e+00> : vector<128xf32>
    %reduce_sum3A_14 = vector.multi_reduction <add>, %add3A_13, %reduce_sum3A [0] : vector<10000x128xf32> to vector<128xf32>
    %broadcast_in_dim3A = vector.shape_cast %reduce_sum3A_14 : vector<128xf32> to vector<1x128xf32>
    %div3A = arith.constant 1.000000e+04 : f32
    %div3A_15 = vector.broadcast %div3A : f32 to vector<1x128xf32>
    %div3A_16 = arith.divf %broadcast_in_dim3A, %div3A_15 : vector<1x128xf32>
    %sub3A = vector.broadcast %div3A_16 : vector<1x128xf32> to vector<10000x128xf32>
    %sub3A_17 = arith.subf %add3A_13, %sub3A : vector<10000x128xf32>
    %sub3A_18 = vector.broadcast %div3A_16 : vector<1x128xf32> to vector<10000x128xf32>
    %sub3A_19 = arith.subf %add3A_13, %sub3A_18 : vector<10000x128xf32>
    %mul3A = arith.mulf %sub3A_17, %sub3A_19 : vector<10000x128xf32>
    %reduce_sum3A_20 = arith.constant dense<0.000000e+00> : vector<128xf32>
    %reduce_sum3A_21 = vector.multi_reduction <add>, %mul3A, %reduce_sum3A_20 [0] : vector<10000x128xf32> to vector<128xf32>
    %broadcast_in_dim3A_22 = vector.shape_cast %reduce_sum3A_21 : vector<128xf32> to vector<1x128xf32>
    %div3A_23 = arith.constant 1.000000e+04 : f32
    %div3A_24 = vector.broadcast %div3A_23 : f32 to vector<1x128xf32>
    %div3A_25 = arith.divf %broadcast_in_dim3A_22, %div3A_24 : vector<1x128xf32>
    %sub3A_26 = vector.broadcast %div3A_16 : vector<1x128xf32> to vector<10000x128xf32>
    %sub3A_27 = arith.subf %add3A_13, %sub3A_26 : vector<10000x128xf32>
    %add3A_28 = arith.constant 9.99999974E-6 : f32
    %add3A_29 = vector.broadcast %add3A_28 : f32 to vector<1x128xf32>
    %add3A_30 = arith.addf %div3A_25, %add3A_29 : vector<1x128xf32>
    %rsqrt3A = math.rsqrt %add3A_30 : vector<1x128xf32>
    %mul3A_31 = vector.broadcast %rsqrt3A : vector<1x128xf32> to vector<10000x128xf32>
    %mul3A_32 = arith.mulf %sub3A_27, %mul3A_31 : vector<10000x128xf32>
    %get3A_33 = arith.constant 0 : index
    %get3A_34 = arith.constant 0 : index
    %get3A_35 = vector.load %arg5[%get3A_33, %get3A_34] : memref<1x128xf32, #tpu.memory_space<vmem>>, vector<1x128xf32>
    %mul3A_36 = vector.broadcast %get3A_35 : vector<1x128xf32> to vector<10000x128xf32>
    %mul3A_37 = arith.mulf %mul3A_32, %mul3A_36 : vector<10000x128xf32>
    %get3A_38 = arith.constant 0 : index
    %get3A_39 = arith.constant 0 : index
    %get3A_40 = vector.load %arg6[%get3A_38, %get3A_39] : memref<1x128xf32, #tpu.memory_space<vmem>>, vector<1x128xf32>
    %add3A_41 = vector.broadcast %get3A_40 : vector<1x128xf32> to vector<10000x128xf32>
    %add3A_42 = arith.addf %mul3A_37, %add3A_41 : vector<10000x128xf32>
    %max3A = arith.constant 0.000000e+00 : f32
    %max3A_43 = vector.broadcast %max3A : f32 to vector<10000x128xf32>
    %max3A_44 = arith.maximumf %add3A_42, %max3A_43 : vector<10000x128xf32>
    %get3A_45 = arith.constant 0 : index
    %get3A_46 = arith.constant 0 : index
    %get3A_47 = vector.load %arg3[%get3A_45, %get3A_46] : memref<128x128xf32, #tpu.memory_space<vmem>>, vector<128x128xf32>
    %dot_general3A_48 = arith.constant dense<0.000000e+00> : vector<10000x128xf32>
    %dot_general3A_49 = tpu.matmul %max3A_44, %get3A_47, %dot_general3A_48 {dimension_numbers = #tpu.dot_dimension_numbers<[1], [1], [0], [0], [0, 0, 1, 0], [], []>, transpose_lhs_hint = false} : vector<10000x128xf32>, vector<128x128xf32>, vector<10000x128xf32> -> vector<10000x128xf32>
    %get3A_50 = arith.constant 0 : index
    %get3A_51 = arith.constant 0 : index
    %get3A_52 = vector.load %arg4[%get3A_50, %get3A_51] : memref<1x128xf32, #tpu.memory_space<vmem>>, vector<1x128xf32>
    %add3A_53 = vector.broadcast %get3A_52 : vector<1x128xf32> to vector<10000x128xf32>
    %add3A_54 = arith.addf %dot_general3A_49, %add3A_53 : vector<10000x128xf32>
    %swap3A = arith.constant 0 : index
    %swap3A_55 = arith.constant 0 : index
    %swap3A_56 = vector.load %arg7[%swap3A, %swap3A_55] : memref<10000x128xf32, #tpu.memory_space<vmem>>, vector<10000x128xf32>
    tpu.vector_store %arg7[%swap3A, %swap3A_55], %add3A_54 {strides = array<i32>} : memref<10000x128xf32, #tpu.memory_space<vmem>>, vector<10000x128xf32>,
    %reduce_sum3A_57 = arith.constant dense<0.000000e+00> : vector<128xf32>
    %reduce_sum3A_58 = vector.multi_reduction <add>, %add3A_54, %reduce_sum3A_57 [0] : vector<10000x128xf32> to vector<128xf32>
    %broadcast_in_dim3A_59 = vector.shape_cast %reduce_sum3A_58 : vector<128xf32> to vector<1x128xf32>
    %div3A_60 = arith.constant 1.000000e+04 : f32
    %div3A_61 = vector.broadcast %div3A_60 : f32 to vector<1x128xf32>
    %div3A_62 = arith.divf %broadcast_in_dim3A_59, %div3A_61 : vector<1x128xf32>
    %swap3A_63 = arith.constant 0 : index
    %swap3A_64 = arith.constant 0 : index
    %swap3A_65 = vector.load %arg8[%swap3A_63, %swap3A_64] : memref<1x128xf32, #tpu.memory_space<vmem>>, vector<1x128xf32>
    tpu.vector_store %arg8[%swap3A_63, %swap3A_64], %div3A_62 {strides = array<i32>} : memref<1x128xf32, #tpu.memory_space<vmem>>, vector<1x128xf32>,
    return
  }
}

module attributes {stable_mosaic.version = 14 : i64} {
  func.func @body(%arg0: memref<20000x128xf32, #tpu.memory_space<vmem>>, %arg1: memref<128x128xf32, #tpu.memory_space<vmem>>, %arg2: memref<1x128xf32, #tpu.memory_space<vmem>>, %arg3: memref<128x128xf32, #tpu.memory_space<vmem>>, %arg4: memref<1x128xf32, #tpu.memory_space<vmem>>, %arg5: memref<1x128xf32, #tpu.memory_space<vmem>>, %arg6: memref<1x128xf32, #tpu.memory_space<vmem>>, %arg7: memref<10000x128xf32, #tpu.memory_space<vmem>>, %arg8: memref<1x128xf32, #tpu.memory_space<vmem>>) attributes {dimension_semantics = [], scalar_prefetch = 0 : i64, scratch_operands = 0 : i64, tpu.core_type = #tpu.core_type<tc>} {
    %get3A = arith.constant 0 : index
    %get3A_0 = arith.constant 0 : index
    %get3A_1 = vector.load %arg0[%get3A, %get3A_0] : memref<20000x128xf32, #tpu.memory_space<vmem>>, vector<10000x128xf32>
    %get3A_2 = arith.constant 10000 : index
    %get3A_3 = arith.constant 0 : index
    %get3A_4 = vector.load %arg0[%get3A_2, %get3A_3] : memref<20000x128xf32, #tpu.memory_space<vmem>>, vector<10000x128xf32>
    %add3A = arith.addf %get3A_1, %get3A_4 : vector<10000x128xf32>
    %get3A_5 = arith.constant 0 : index
    %get3A_6 = arith.constant 0 : index
    %get3A_7 = vector.load %arg1[%get3A_5, %get3A_6] : memref<128x128xf32, #tpu.memory_space<vmem>>, vector<128x128xf32>
    %dot_general3A = arith.constant dense<0.000000e+00> : vector<10000x128xf32>
    %dot_general3A_8 = tpu.matmul %add3A, %get3A_7, %dot_general3A {dimension_numbers = #tpu.dot_dimension_numbers<[1], [1], [0], [0], [0, 0, 1, 0], [], []>, transpose_lhs_hint = false} : vector<10000x128xf32>, vector<128x128xf32>, vector<10000x128xf32> -> vector<10000x128xf32>
    %get3A_9 = arith.constant 0 : index
    %get3A_10 = arith.constant 0 : index
    %get3A_11 = vector.load %arg2[%get3A_9, %get3A_10] : memref<1x128xf32, #tpu.memory_space<vmem>>, vector<1x128xf32>
    %add3A_12 = vector.broadcast %get3A_11 : vector<1x128xf32> to vector<10000x128xf32>
    %add3A_13 = arith.addf %dot_general3A_8, %add3A_12 : vector<10000x128xf32>
    %reduce_sum3A = arith.constant dense<0.000000e+00> : vector<128xf32>
    %reduce_sum3A_14 = vector.multi_reduction <add>, %add3A_13, %reduce_sum3A [0] : vector<10000x128xf32> to vector<128xf32>
    %broadcast_in_dim3A = vector.shape_cast %reduce_sum3A_14 : vector<128xf32> to vector<1x128xf32>
    %div3A = arith.constant 1.000000e+04 : f32
    %div3A_15 = vector.broadcast %div3A : f32 to vector<1x128xf32>
    %div3A_16 = arith.divf %broadcast_in_dim3A, %div3A_15 : vector<1x128xf32>
    %sub3A = vector.broadcast %div3A_16 : vector<1x128xf32> to vector<10000x128xf32>
    %sub3A_17 = arith.subf %add3A_13, %sub3A : vector<10000x128xf32>
    %sub3A_18 = vector.broadcast %div3A_16 : vector<1x128xf32> to vector<10000x128xf32>
    %sub3A_19 = arith.subf %add3A_13, %sub3A_18 : vector<10000x128xf32>
    %mul3A = arith.mulf %sub3A_17, %sub3A_19 : vector<10000x128xf32>
    %reduce_sum3A_20 = arith.constant dense<0.000000e+00> : vector<128xf32>
    %reduce_sum3A_21 = vector.multi_reduction <add>, %mul3A, %reduce_sum3A_20 [0] : vector<10000x128xf32> to vector<128xf32>
    %broadcast_in_dim3A_22 = vector.shape_cast %reduce_sum3A_21 : vector<128xf32> to vector<1x128xf32>
    %div3A_23 = arith.constant 1.000000e+04 : f32
    %div3A_24 = vector.broadcast %div3A_23 : f32 to vector<1x128xf32>
    %div3A_25 = arith.divf %broadcast_in_dim3A_22, %div3A_24 : vector<1x128xf32>
    %sub3A_26 = vector.broadcast %div3A_16 : vector<1x128xf32> to vector<10000x128xf32>
    %sub3A_27 = arith.subf %add3A_13, %sub3A_26 : vector<10000x128xf32>
    %add3A_28 = arith.constant 9.99999974E-6 : f32
    %add3A_29 = vector.broadcast %add3A_28 : f32 to vector<1x128xf32>
    %add3A_30 = arith.addf %div3A_25, %add3A_29 : vector<1x128xf32>
    %rsqrt3A = math.rsqrt %add3A_30 : vector<1x128xf32>
    %mul3A_31 = vector.broadcast %rsqrt3A : vector<1x128xf32> to vector<10000x128xf32>
    %mul3A_32 = arith.mulf %sub3A_27, %mul3A_31 : vector<10000x128xf32>
    %get3A_33 = arith.constant 0 : index
    %get3A_34 = arith.constant 0 : index
    %get3A_35 = vector.load %arg5[%get3A_33, %get3A_34] : memref<1x128xf32, #tpu.memory_space<vmem>>, vector<1x128xf32>
    %mul3A_36 = vector.broadcast %get3A_35 : vector<1x128xf32> to vector<10000x128xf32>
    %mul3A_37 = arith.mulf %mul3A_32, %mul3A_36 : vector<10000x128xf32>
    %get3A_38 = arith.constant 0 : index
    %get3A_39 = arith.constant 0 : index
    %get3A_40 = vector.load %arg6[%get3A_38, %get3A_39] : memref<1x128xf32, #tpu.memory_space<vmem>>, vector<1x128xf32>
    %add3A_41 = vector.broadcast %get3A_40 : vector<1x128xf32> to vector<10000x128xf32>
    %add3A_42 = arith.addf %mul3A_37, %add3A_41 : vector<10000x128xf32>
    %max3A = arith.constant 0.000000e+00 : f32
    %max3A_43 = vector.broadcast %max3A : f32 to vector<10000x128xf32>
    %max3A_44 = arith.maximumf %add3A_42, %max3A_43 : vector<10000x128xf32>
    %get3A_45 = arith.constant 0 : index
    %get3A_46 = arith.constant 0 : index
    %get3A_47 = vector.load %arg3[%get3A_45, %get3A_46] : memref<128x128xf32, #tpu.memory_space<vmem>>, vector<128x128xf32>
    %dot_general3A_48 = arith.constant dense<0.000000e+00> : vector<10000x128xf32>
    %dot_general3A_49 = tpu.matmul %max3A_44, %get3A_47, %dot_general3A_48 {dimension_numbers = #tpu.dot_dimension_numbers<[1], [1], [0], [0], [0, 0, 1, 0], [], []>, transpose_lhs_hint = false} : vector<10000x128xf32>, vector<128x128xf32>, vector<10000x128xf32> -> vector<10000x128xf32>
    %get3A_50 = arith.constant 0 : index
    %get3A_51 = arith.constant 0 : index
    %get3A_52 = vector.load %arg4[%get3A_50, %get3A_51] : memref<1x128xf32, #tpu.memory_space<vmem>>, vector<1x128xf32>
    %add3A_53 = vector.broadcast %get3A_52 : vector<1x128xf32> to vector<10000x128xf32>
    %add3A_54 = arith.addf %dot_general3A_49, %add3A_53 : vector<10000x128xf32>
    %swap3A = arith.constant 0 : index
    %swap3A_55 = arith.constant 0 : index
    %swap3A_56 = vector.load %arg7[%swap3A, %swap3A_55] : memref<10000x128xf32, #tpu.memory_space<vmem>>, vector<10000x128xf32>
    tpu.vector_store %arg7[%swap3A, %swap3A_55], %add3A_54 {strides = array<i32>} : memref<10000x128xf32, #tpu.memory_space<vmem>>, vector<10000x128xf32>,
    %reduce_sum3A_57 = arith.constant dense<0.000000e+00> : vector<128xf32>
    %reduce_sum3A_58 = vector.multi_reduction <add>, %add3A_54, %reduce_sum3A_57 [0] : vector<10000x128xf32> to vector<128xf32>
    %broadcast_in_dim3A_59 = vector.shape_cast %reduce_sum3A_58 : vector<128xf32> to vector<1x128xf32>
    %div3A_60 = arith.constant 1.000000e+04 : f32
    %div3A_61 = vector.broadcast %div3A_60 : f32 to vector<1x128xf32>
    %div3A_62 = arith.divf %broadcast_in_dim3A_59, %div3A_61 : vector<1x128xf32>
    %swap3A_63 = arith.constant 0 : index
    %swap3A_64 = arith.constant 0 : index
    %swap3A_65 = vector.load %arg8[%swap3A_63, %swap3A_64] : memref<1x128xf32, #tpu.memory_space<vmem>>, vector<1x128xf32>
    tpu.vector_store %arg8[%swap3A_63, %swap3A_64], %div3A_62 {strides = array<i32>} : memref<1x128xf32, #tpu.memory_space<vmem>>, vector<1x128xf32>,
    return
  }
}

module attributes {stable_mosaic.version = 14 : i64} {
  func.func @body(%arg0: memref<20000x128xf32, #tpu.memory_space<vmem>>, %arg1: memref<128x128xf32, #tpu.memory_space<vmem>>, %arg2: memref<1x128xf32, #tpu.memory_space<vmem>>, %arg3: memref<128x128xf32, #tpu.memory_space<vmem>>, %arg4: memref<1x128xf32, #tpu.memory_space<vmem>>, %arg5: memref<1x128xf32, #tpu.memory_space<vmem>>, %arg6: memref<1x128xf32, #tpu.memory_space<vmem>>, %arg7: memref<10000x128xf32, #tpu.memory_space<vmem>>, %arg8: memref<1x128xf32, #tpu.memory_space<vmem>>) attributes {dimension_semantics = [], scalar_prefetch = 0 : i64, scratch_operands = 0 : i64, tpu.core_type = #tpu.core_type<tc>} {
    %get3A = arith.constant 0 : index
    %get3A_0 = arith.constant 0 : index
    %get3A_1 = vector.load %arg0[%get3A, %get3A_0] : memref<20000x128xf32, #tpu.memory_space<vmem>>, vector<10000x128xf32>
    %get3A_2 = arith.constant 10000 : index
    %get3A_3 = arith.constant 0 : index
    %get3A_4 = vector.load %arg0[%get3A_2, %get3A_3] : memref<20000x128xf32, #tpu.memory_space<vmem>>, vector<10000x128xf32>
    %add3A = arith.addf %get3A_1, %get3A_4 : vector<10000x128xf32>
    %get3A_5 = arith.constant 0 : index
    %get3A_6 = arith.constant 0 : index
    %get3A_7 = vector.load %arg1[%get3A_5, %get3A_6] : memref<128x128xf32, #tpu.memory_space<vmem>>, vector<128x128xf32>
    %dot_general3A = arith.constant dense<0.000000e+00> : vector<10000x128xf32>
    %dot_general3A_8 = tpu.matmul %add3A, %get3A_7, %dot_general3A {dimension_numbers = #tpu.dot_dimension_numbers<[1], [1], [0], [0], [0, 0, 1, 0], [], []>, transpose_lhs_hint = false} : vector<10000x128xf32>, vector<128x128xf32>, vector<10000x128xf32> -> vector<10000x128xf32>
    %get3A_9 = arith.constant 0 : index
    %get3A_10 = arith.constant 0 : index
    %get3A_11 = vector.load %arg2[%get3A_9, %get3A_10] : memref<1x128xf32, #tpu.memory_space<vmem>>, vector<1x128xf32>
    %add3A_12 = vector.broadcast %get3A_11 : vector<1x128xf32> to vector<10000x128xf32>
    %add3A_13 = arith.addf %dot_general3A_8, %add3A_12 : vector<10000x128xf32>
    %reduce_sum3A = arith.constant dense<0.000000e+00> : vector<128xf32>
    %reduce_sum3A_14 = vector.multi_reduction <add>, %add3A_13, %reduce_sum3A [0] : vector<10000x128xf32> to vector<128xf32>
    %broadcast_in_dim3A = vector.shape_cast %reduce_sum3A_14 : vector<128xf32> to vector<1x128xf32>
    %div3A = arith.constant 1.000000e+04 : f32
    %div3A_15 = vector.broadcast %div3A : f32 to vector<1x128xf32>
    %div3A_16 = arith.divf %broadcast_in_dim3A, %div3A_15 : vector<1x128xf32>
    %sub3A = vector.broadcast %div3A_16 : vector<1x128xf32> to vector<10000x128xf32>
    %sub3A_17 = arith.subf %add3A_13, %sub3A : vector<10000x128xf32>
    %sub3A_18 = vector.broadcast %div3A_16 : vector<1x128xf32> to vector<10000x128xf32>
    %sub3A_19 = arith.subf %add3A_13, %sub3A_18 : vector<10000x128xf32>
    %mul3A = arith.mulf %sub3A_17, %sub3A_19 : vector<10000x128xf32>
    %reduce_sum3A_20 = arith.constant dense<0.000000e+00> : vector<128xf32>
    %reduce_sum3A_21 = vector.multi_reduction <add>, %mul3A, %reduce_sum3A_20 [0] : vector<10000x128xf32> to vector<128xf32>
    %broadcast_in_dim3A_22 = vector.shape_cast %reduce_sum3A_21 : vector<128xf32> to vector<1x128xf32>
    %div3A_23 = arith.constant 1.000000e+04 : f32
    %div3A_24 = vector.broadcast %div3A_23 : f32 to vector<1x128xf32>
    %div3A_25 = arith.divf %broadcast_in_dim3A_22, %div3A_24 : vector<1x128xf32>
    %sub3A_26 = vector.broadcast %div3A_16 : vector<1x128xf32> to vector<10000x128xf32>
    %sub3A_27 = arith.subf %add3A_13, %sub3A_26 : vector<10000x128xf32>
    %add3A_28 = arith.constant 9.99999974E-6 : f32
    %add3A_29 = vector.broadcast %add3A_28 : f32 to vector<1x128xf32>
    %add3A_30 = arith.addf %div3A_25, %add3A_29 : vector<1x128xf32>
    %rsqrt3A = math.rsqrt %add3A_30 : vector<1x128xf32>
    %mul3A_31 = vector.broadcast %rsqrt3A : vector<1x128xf32> to vector<10000x128xf32>
    %mul3A_32 = arith.mulf %sub3A_27, %mul3A_31 : vector<10000x128xf32>
    %get3A_33 = arith.constant 0 : index
    %get3A_34 = arith.constant 0 : index
    %get3A_35 = vector.load %arg5[%get3A_33, %get3A_34] : memref<1x128xf32, #tpu.memory_space<vmem>>, vector<1x128xf32>
    %mul3A_36 = vector.broadcast %get3A_35 : vector<1x128xf32> to vector<10000x128xf32>
    %mul3A_37 = arith.mulf %mul3A_32, %mul3A_36 : vector<10000x128xf32>
    %get3A_38 = arith.constant 0 : index
    %get3A_39 = arith.constant 0 : index
    %get3A_40 = vector.load %arg6[%get3A_38, %get3A_39] : memref<1x128xf32, #tpu.memory_space<vmem>>, vector<1x128xf32>
    %add3A_41 = vector.broadcast %get3A_40 : vector<1x128xf32> to vector<10000x128xf32>
    %add3A_42 = arith.addf %mul3A_37, %add3A_41 : vector<10000x128xf32>
    %max3A = arith.constant 0.000000e+00 : f32
    %max3A_43 = vector.broadcast %max3A : f32 to vector<10000x128xf32>
    %max3A_44 = arith.maximumf %add3A_42, %max3A_43 : vector<10000x128xf32>
    %get3A_45 = arith.constant 0 : index
    %get3A_46 = arith.constant 0 : index
    %get3A_47 = vector.load %arg3[%get3A_45, %get3A_46] : memref<128x128xf32, #tpu.memory_space<vmem>>, vector<128x128xf32>
    %dot_general3A_48 = arith.constant dense<0.000000e+00> : vector<10000x128xf32>
    %dot_general3A_49 = tpu.matmul %max3A_44, %get3A_47, %dot_general3A_48 {dimension_numbers = #tpu.dot_dimension_numbers<[1], [1], [0], [0], [0, 0, 1, 0], [], []>, transpose_lhs_hint = false} : vector<10000x128xf32>, vector<128x128xf32>, vector<10000x128xf32> -> vector<10000x128xf32>
    %get3A_50 = arith.constant 0 : index
    %get3A_51 = arith.constant 0 : index
    %get3A_52 = vector.load %arg4[%get3A_50, %get3A_51] : memref<1x128xf32, #tpu.memory_space<vmem>>, vector<1x128xf32>
    %add3A_53 = vector.broadcast %get3A_52 : vector<1x128xf32> to vector<10000x128xf32>
    %add3A_54 = arith.addf %dot_general3A_49, %add3A_53 : vector<10000x128xf32>
    %swap3A = arith.constant 0 : index
    %swap3A_55 = arith.constant 0 : index
    %swap3A_56 = vector.load %arg7[%swap3A, %swap3A_55] : memref<10000x128xf32, #tpu.memory_space<vmem>>, vector<10000x128xf32>
    tpu.vector_store %arg7[%swap3A, %swap3A_55], %add3A_54 {strides = array<i32>} : memref<10000x128xf32, #tpu.memory_space<vmem>>, vector<10000x128xf32>,
    %reduce_sum3A_57 = arith.constant dense<0.000000e+00> : vector<128xf32>
    %reduce_sum3A_58 = vector.multi_reduction <add>, %add3A_54, %reduce_sum3A_57 [0] : vector<10000x128xf32> to vector<128xf32>
    %broadcast_in_dim3A_59 = vector.shape_cast %reduce_sum3A_58 : vector<128xf32> to vector<1x128xf32>
    %div3A_60 = arith.constant 1.000000e+04 : f32
    %div3A_61 = vector.broadcast %div3A_60 : f32 to vector<1x128xf32>
    %div3A_62 = arith.divf %broadcast_in_dim3A_59, %div3A_61 : vector<1x128xf32>
    %swap3A_63 = arith.constant 0 : index
    %swap3A_64 = arith.constant 0 : index
    %swap3A_65 = vector.load %arg8[%swap3A_63, %swap3A_64] : memref<1x128xf32, #tpu.memory_space<vmem>>, vector<1x128xf32>
    tpu.vector_store %arg8[%swap3A_63, %swap3A_64], %div3A_62 {strides = array<i32>} : memref<1x128xf32, #tpu.memory_space<vmem>>, vector<1x128xf32>,
    return
  }
}

</mosaic_0001>

<sc_bundles>
// kernel: kernel.10.cloned.1.call-start
scs
__scs_entry_jumppad:
0x0: {  	(pc) =	sbr.rel $0x88, $3  }
0x1: {  	(tag) =	ssettag $0x0;
	lr =	simm.s32 $0x1  }
0x2: {  	[smem:$0x3F99] =	sst lr;
	_ =	strace $0xD0000000  }
0x3: {  	_ = 	snop  }
0x4: {  	_ = 	snop  }
0x5: {  	_ = 	snop  }
0x6: {  	_ = 	snop  }
0x7: {  	_ = 	snop  }
__scs_overlays_trampoline_lowered:
0x8: {  	[smem:$0x3FA8] =	sst s0  }
0x9: {  	[smem:$0x3FA9] =	sst s1  }
0xa: {  	[smem:$0x3FAA] =	sst s2  }
0xb: {  	[smem:$0x3FAB] =	sst s3  }
0xc: {  	[smem:$0x3FAC] =	sst s4  }
0xd: {  	[smem:$0x3FAD] =	sst s5  }
0xe: {  	[smem:$0x3FAE] =	sst s6  }
0xf: {  	[smem:$0x3FAF] =	sst s7  }
0x10: {  	[smem:$0x3FB0] =	sst s8  }
0x11: {  	[smem:$0x3FB1] =	sst s9;
	s0 =	simm.s32 @!p0 $0x0  }
0x12: {  	s1 =	sld [smem:$0x3F97];
	s0 =	simm.s32 @p0 $0x1  }
0x13: {  	[smem:$0x3FB2] =	sst s0;
	s0 =	simm.s32 @!p1 $0x0  }
0x14: {  	s2 =	sld [smem:$0x3F96];
	s0 =	simm.s32 @p1 $0x1  }
0x15: {  	[smem:$0x3FB3] =	sst s0;
	s0 =	simm.s32 @!p2 $0x0  }
0x16: {  	s3 =	sld [smem:$0x3FDB];
	s0 =	simm.s32 @p2 $0x1  }
0x17: {  	s4 =	simm.s32 $0x1BF5;
	[smem:$0x3FB5] =	sst s0  }
0x18: {  	s0 =	sld [smem:$0x3F98];
	_ =	swait.ge [sflag:s4], $0x0  }
0x19: {  	s7 =	sld [smem:$0x3F99]  }
0x1a: {  	s8 =	sadd.s32 $0xFFFFE003, lr  }
0x1b: {  	s9 =	sadd.s32 $0xFFFFFEF7, lr;
	s5 =	simm.s32 $0xFFFFFFFF;
	p2 =	slt.u32 s8, $0xFFFFF086  }
0x1c: {  	p1 =	slt.u32 s9, $0xF7A;
	s5 =	simm.s32 @!p2 $0x0  }
0x1d: {  	s5 =	simm.s32 @p1 $0x1;
	p0 =	seq.s32 s7, s2  }
0x1e: {  	s7 =	smul.u32 @!p0 $0xF7A, s2;
	p2 =	seq.s32 @!p0 s5, $0x0  }
0x1f: {  	s9 =	smul.u32 $0xF7A, s1;
	s8 =	simm.s32 @!p0 $0x1BF5;
	p2 =	por !p2, p0  }
0x20: {  	[sflag:s8] =	ssyncset.s32 @!p0 $0xFFFFF086;
	s6 =	sadd.s32 @!p0 s3, s7;
	s7 =	simm.s32 @!p0 $0x108  }
0x21: {  	s3 =	sadd.s32 s3, s9;
	s6 =	sadd.s32 @!p0 $0x88, s6;
	s7 =	simm.s32 @p2 $0x1082  }
0x22: {  	[simem:s7], [sflag:s8] =	dma.local @!p0 [hbm:s6], $0xF7A  }
0x23: {  	s9 =	sor.u32 $0xD0000000, s2;
	s6 =	simm.s32 $0x108;
	_ =	swait.ge @!p0 [sflag:s8], $0x0  }
0x24: {  	s3 =	sadd.s32 $0x88, s3;
	s6 =	simm.s32 @!p1 $0x1082;
	[sflag:s4] =	ssyncset.s32 $0xFFFFF086  }
0x25: {  	[simem:s6], [sflag:s4] =	dma.local [hbm:s3], $0xF7A  }
0x26: {  	[smem:$0x3F99] =	sst s1;
	(tag) =	ssettag s2;
	_ =	strace s9  }
0x27: {  	s1 =	sld [smem:$0x3FA9]  }
0x28: {  	s2 =	sld [smem:$0x3FAA]  }
0x29: {  	s4 =	sld [smem:$0x3FAC]  }
0x2a: {  	p0 =	seq.s32 s5, $0x0;
	s5 =	sld [smem:$0x3FAD]  }
0x2b: {  	s6 =	sld [smem:$0x3FAE]  }
0x2c: {  	s7 =	sld [smem:$0x3FAF]  }
0x2d: {  	s3 =	simm.s32 $0x108;
	s8 =	sld [smem:$0x3FB0]  }
0x2e: {  	s3 =	simm.s32 @!p0 $0x1082;
	s9 =	sld [smem:$0x3FB1]  }
0x2f: {  	lr =	sadd.s32 s0, s3;
	s0 =	sld [smem:$0x3FA8]  }
0x30: {  	s3 =	sld [smem:$0x3FAB]  }
0x31: {  	[smem:$0x3FB4] =	sst s10  }
0x32: {  	s10 =	sld [smem:$0x3FB2];
	_ =	sdelay $0x3  }
0x33: {  	p0 =	seq.s32 s10, $0x1;
	s10 =	sld [smem:$0x3FB4];
	_ =	sdelay $0x3  }
0x34: {  	[smem:$0x3FB4] =	sst s10  }
0x35: {  	s10 =	sld [smem:$0x3FB3];
	_ =	sdelay $0x3  }
0x36: {  	p1 =	seq.s32 s10, $0x1;
	s10 =	sld [smem:$0x3FB4];
	_ =	sdelay $0x3  }
0x37: {  	[smem:$0x3FB4] =	sst s10  }
0x38: {  	s10 =	sld [smem:$0x3FB5]  }
0x39: {  	_ = 	snop;
	(pc) =	sbr.ind lr, $3  }
0x3a: {  	_ = 	snop  }
0x3b: {  	_ = 	snop  }
0x3c: {  	p2 =	seq.s32 s10, $0x1;
	s10 =	sld [smem:$0x3FB4]  }
0x3d: {  	_ =	shalt  }
0x3e: {  	_ =	shalt  }
0x3f: {  	_ =	shalt  }
0x40: {  	_ =	shalt  }
0x41: {  	_ =	shalt  }
0x42: {  	_ =	shalt  }
0x43: {  	_ =	shalt  }
0x44: {  	_ =	shalt  }
0x45: {  	_ =	shalt  }
0x46: {  	_ =	shalt  }
0x47: {  	_ =	shalt  }
0x48: {  	_ =	shalt  }
0x49: {  	_ =	shalt  }
0x4a: {  	_ =	shalt  }
0x4b: {  	_ =	shalt  }
0x4c: {  	_ =	shalt  }
0x4d: {  	_ =	shalt  }
0x4e: {  	_ =	shalt  }
0x4f: {  	_ =	shalt  }
0x50: {  	_ =	shalt  }
0x51: {  	_ =	shalt  }
0x52: {  	_ =	shalt  }
0x53: {  	_ =	shalt  }
0x54: {  	_ =	shalt  }
0x55: {  	_ =	shalt  }
0x56: {  	_ =	shalt  }
0x57: {  	_ =	shalt  }
0x58: {  	_ =	shalt  }
0x59: {  	_ =	shalt  }
0x5a: {  	_ =	shalt  }
0x5b: {  	_ =	shalt  }
0x5c: {  	_ =	shalt  }
0x5d: {  	_ =	shalt  }
0x5e: {  	_ =	shalt  }
0x5f: {  	_ =	shalt  }
0x60: {  	_ =	shalt  }
0x61: {  	_ =	shalt  }
0x62: {  	_ =	shalt  }
0x63: {  	_ =	shalt  }
0x64: {  	_ =	shalt  }
0x65: {  	_ =	shalt  }
0x66: {  	_ =	shalt  }
0x67: {  	_ =	shalt  }
0x68: {  	_ =	shalt  }
0x69: {  	_ =	shalt  }
0x6a: {  	_ =	shalt  }
0x6b: {  	_ =	shalt  }
0x6c: {  	_ =	shalt  }
0x6d: {  	_ =	shalt  }
0x6e: {  	_ =	shalt  }
0x6f: {  	_ =	shalt  }
0x70: {  	_ =	shalt  }
0x71: {  	_ =	shalt  }
0x72: {  	_ =	shalt  }
0x73: {  	_ =	shalt  }
0x74: {  	_ =	shalt  }
0x75: {  	_ =	shalt  }
0x76: {  	_ =	shalt  }
0x77: {  	_ =	shalt  }
0x78: {  	_ =	shalt  }
0x79: {  	_ =	shalt  }
0x7a: {  	_ =	shalt  }
0x7b: {  	_ =	shalt  }
0x7c: {  	_ =	shalt  }
0x7d: {  	_ =	shalt  }
0x7e: {  	_ =	shalt  }
0x7f: {  	_ =	shalt  }
0x80: {  	_ =	shalt  }
0x81: {  	_ =	shalt  }
0x82: {  	_ =	shalt  }
0x83: {  	_ =	shalt  }
0x84: {  	_ =	shalt  }
0x85: {  	_ =	shalt  }
0x86: {  	_ =	shalt  }
0x87: {  	_ =	shalt  }
.Lfunc_end0:
.L_simem_size_0:
called_computation_lowered:
.L_overlay_start_0:
0x88: {  	s2 =	sld [smem:$0x3FD9]  }
0x89: {  	s3 =	sld [smem:$0x3FFE];
	_ =	sdelay $0x1  }
0x8a: {  	s1 =	srdreg.scid  }
0x8b: {  	s0 =	sand.u32 $0x1, s1  }
0x8c: {  	s17 =	sshll.u32 s0, $0xA;
	s2 =	sadd.s32 s3, s2  }
0x8d: {  	s2 =	sadd.s32 s2, s17  }
0x8e: {  	[smem:$0x3FC0] =	sst s2  }
0x8f: {  	_ = 	snop  }
0x90: {  	s2 =	sld [smem:$0x3FC9];
	(tm) =	ssettm $0x1  }
0x91: {  	s18 =	sld [smem:$0x3FFB];
	_ =	sdelay $0x3  }
0x92: {  	_ =	strace s18  }
0x93: {  	s3 =	sld [smem:$0x3FFC];
	_ =	sdelay $0x3  }
0x94: {  	_ =	strace s3  }
0x95: {  	s3 =	sld [smem:$0x3FFD];
	_ =	sdelay $0x3  }
0x96: {  	_ =	strace s3  }
0x97: {  	_ =	strace $0x8FFFFFFF  }
0x98: {  	s19 =	sld [smem:$0x3FDB];
	_ =	sdelay $0x1  }
0x99: {  	s4 =	simm.s32 $_scs_section_size  }
0x9a: {  	s5 =	simm.s32 $_size__tile_overlayer_lowered;
	s6 =	simm.s32 $_tile_overlayer_lowered  }
0x9b: {  	s22 =	simm.s32 $0x1BFF;
	s21 =	sshll.u32 s6, $0x1;
	s3 =	sadd.s32 s4, s19  }
0x9c: {  	s7 =	simm.s32 $0x0;
	s20 =	sshll.u32 s5, $0x1;
	s5 =	sadd.s32 s21, s3  }
0x9d: {  	[timem:s7], [sflag:s22] =	dma.local [hbm:s5], s20  }
0x9e: {  	_ =	swait.ge [sflag:s22], s20  }
0x9f: {  	s4 =	ssub.s32 $0x0, s20;
	[sflag:s22] =	ssyncset.done $0x0  }
0xa0: {  	[sflag:s22] =	ssyncadd.s32 s4;
	_ =	sdelay $0x1  }
0xa1: {  	s23 =	simm.s32 $0x1B8B  }
0xa2: {  	_ =	swait.ge [sflag:s23], $0x1  }
0xa3: {  	[sflag:s23] =	ssyncset.done $0x0  }
0xa4: {  	s25 =	simm.s32 $0x1B8E;
	s24 =	sld [smem:$0x3FFE];
	[sflag:s23] =	ssyncadd.s32 $0xFFFFFFFF  }
0xa5: {  	s26 =	simm.s32 $execute0_lowered;
	[smem:$0x3FD2] =	sst s25  }
0xa6: {  	s5 =	sshll.u32 s26, $0x1;
	_ =	strace $0x80000046;
	[dreg:$0x1] =	wrdreg $0xFFFFFFFF  }
0xa7: {  	s28 =	simm.s32 $_size_execute0_lowered;
	s3 =	sadd.s32 s3, s5;
	[dreg:$0x0] =	wrdreg $0x0  }
0xa8: {  	s5 =	sshll.u32 s28, $0x1;
	[dreg:$0x2] =	wrdreg s3  }
0xa9: {  	[dreg:$0x3] =	wrdreg s5  }
0xaa: {  	[dreg:$0x4] =	wrdreg $0xC0  }
0xab: {  	_ =	task [dreg:s7], $0x5FFFF  }
0xac: {  	[dreg:$0x1] =	wrdreg $0xFFFFFFFF  }
0xad: {  	[dreg:$0x0] =	wrdreg $0x60  }
0xae: {  	[dreg:$0x2] =	wrdreg s24  }
0xaf: {  	[dreg:$0x3] =	wrdreg s2  }
0xb0: {  	[dreg:$0x4] =	wrdreg $0x27800  }
0xb1: {  	[dreg:$0x5] =	wrdreg $0x9  }
0xb2: {  	_ =	task.clear_ibuf [dreg:s7], $0x6FFFF;
	_ =	strace $0x90000046  }
0xb3: {  	s29 =	simm.s32 $0x9;
	_ =	strace $0x80000048  }
0xb4: {  	_ =	swait.ge [sflag:s29], $0x1  }
0xb5: {  	[sflag:s29] =	ssyncadd.s32 $0xFFFFFFFF  }
0xb6: {  	_ =	strace $0x90000048  }
0xb7: {  	_ =	sfence  }
0xb8: {  	s30 =	sld [smem:$0x0];
	_ =	sdelay $0x2  }
0xb9: {  	s31 =	sshll.u32 s1, $0xD;
	s1 =	sshrl.u32 s1, $0x2  }
0xba: {  	s3 =	sand.u32 $0x4000, s31;
	s1 =	sadd.s32 s1, s30  }
0xbb: {  	s0 =	sor.u32 s3, s0;
	s1 =	sshll.u32 s1, $0x11  }
0xbc: {  	s0 =	sor.u32 s1, s0  }
0xbd: {  	s0 =	sadd.s32 $0x8F2B, s0  }
0xbe: {  	[sflag:s0] =	ssyncadd.remote.s32 $0x1  }
0xbf: {  	_ =	sfence.sel $0xFFFF  }
0xc0: {  	[dreg:$0x0] =	wrdreg $0xFFFFFFFF;
	(pc) =	sbr.abs _section_cstart, $3  }
0xc1: {  	[dreg:$0x1] =	wrdreg $0xFFFFFFFF  }
0xc2: {  	_ =	task.clear_ibuf [dreg:s7], $0x2FFFF;
	_ =	strace $0x9FFFFFFF  }
0xc3: {  	(tm) =	ssettm $0x7FFFFFFF  }
tec
execute0_lowered:
.L_overlay_start_1:
0x0: {  	(tag) =	ssettag $0x1  }
0x1: {  	s0 =	srdreg.scid  }
0x2: {  	s1 =	rddreg [dreg:$0x0];
	s14 =	stileid.u32  }
0x3: {  	s2 =	rddreg [dreg:$0x1];
	s29 =	simm.s32 $0x28;
	s28 =	simm.s32 $0x6  }
0x4: {  	s0 =	sand.u32 $0x1, s0;
	s6 =	smul.u32 $0x2700, s14;
	s15 =	sadd.s32 $0x3000, s1  }
0x5: {  	s12 =	smul.u32 $0x4E000, s14;
	s13 =	sadd.s32 $0x16C00, s1;
	s3 =	sshll.u32 s0, $0x4  }
0x6: {  	s8 =	smul.u32 $0x27100, s0;
	s11 =	ssub.s32 $0x2, s0;
	p0 =	seq.s32 s0, $0x0  }
0x7: {  	s4 =	sor.u32 s14, s3;
	s3 =	rddreg [dreg:$0x2];
	s19 =	sshrl.u32 s11, $0x1  }
0x8: {  	s20 =	sshrl.u32 s12, $0x2;
	s5 =	smul.u32 $0x2710, s4;
	s4 =	simm.s32 $0x0  }
0x9: {  	s13 =	smov.u32 @p0 s2;
	s0 =	sadd.s32 s20, s3;
	[smem:$0x7FF] =	sst s4  }
0xa: {  	s13 =	sadd.s32 s13, s6;
	_ =	strace $0x80000047;
	[dreg:$0x5] =	wrdreg s0  }
0xb: {  	s10 =	sadd.s32 s6, s8;
	s7 =	sshrl.u32 s5, $0x3;
	[dreg:$0xf] =	wrdreg s13  }
0xc: {  	s22 =	sadd.s32 $0x28, s5;
	[dreg:$0x4] =	wrdreg s15;
	s9 =	sadd.s32 s7, s1  }
0xd: {  	s1 =	sadd.s32 s10, s1;
	s10 =	ssub.s32 s11, s19;
	s23 =	sadd.s32 s15, s7  }
0xe: {  	s11 =	smul.u32 $0x2710, s14;
	s14 =	sshll.u32 s14, $0x6;
	[dreg:$0x7] =	wrdreg s23  }
0xf: {  	s0 =	sshrl.u32 s22, $0x3;
	s21 =	sadd.s32 $0xCE00, s9;
	[dreg:$0x10] =	wrdreg s14  }
0x10: {  	s30 =	simm.s32 $0xD;
	s0 =	sadd.s32 s15, s0;
	[dreg:$0x6] =	wrdreg s21  }
0x11: {  	s31 =	simm.s32 $0x14;
	s26 =	sadd.s32 $0xA, s23;
	[dreg:$0x8] =	wrdreg s0  }
0x12: {  	s24 =	sadd.s32 $0x78, s5;
	s9 =	sadd.s32 $0x14, s23;
	[dreg:$0x9] =	wrdreg s26  }
0x13: {  	s5 =	sadd.s32 $0xC8, s5;
	s1 =	sadd.s32 $0x3DE00, s1;
	[dreg:$0xb] =	wrdreg s9  }
0x14: {  	s25 =	sshrl.u32 s24, $0x3;
	s12 =	smax.u32 s10, $0x1;
	[dreg:$0xd] =	wrdreg s1  }
0x15: {  	s13 =	simm.s32 $0xC;
	s0 =	sadd.s32 s15, s25;
	[dreg:$0xe] =	wrdreg s12  }
0x16: {  	s7 =	sshrl.u32 s5, $0x3;
	s1 =	sor.u32 $0x1C16, s14;
	[dreg:$0xa] =	wrdreg s0  }
0x17: {  	s12 =	simm.s32 $0x5;
	s0 =	sadd.s32 s15, s7;
	[dreg:$0x11] =	wrdreg s1  }
0x18: {  	s7 =	simm.s32 $0x0;
	[dreg:$0xc] =	wrdreg s0;
	s0 =	sadd.s32 s11, s8  }
0x19: {  	s8 =	simm.s32 $0x17;
	s11 =	simm.s32 $0x1DB80;
	s16 =	sadd.s32 $0x1E0, s0  }
0x1a: {  	s17 =	sadd.s32 $0x1B8, s0;
	s18 =	sadd.s32 $0x190, s0;
	s21 =	sadd.s32 $0x168, s0  }
0x1b: {  	s22 =	sadd.s32 $0x140, s0;
	s23 =	sadd.s32 $0xF0, s0;
	s0 =	sadd.s32 $0x118, s0  }
0x1c: {  	s1 =	sshrl.u32 s16, $0x3;
	s5 =	sshrl.u32 s17, $0x3;
	s20 =	sshrl.u32 s18, $0x3  }
0x1d: {  	s25 =	sshrl.u32 s23, $0x3;
	[dreg:$0x17] =	wrdreg s0;
	s23 =	simm.s32 $0x11  }
0x1e: {  	s0 =	simm.s32 $0xE;
	s1 =	sadd.s32 s1, s15;
	s19 =	sadd.s32 s5, s15  }
0x1f: {  	s5 =	sshrl.u32 s22, $0x3;
	s26 =	sadd.s32 s25, s15;
	[dreg:$0x12] =	wrdreg s1  }
0x20: {  	s25 =	simm.s32 $0xB;
	[dreg:$0x13] =	wrdreg s19;
	s1 =	sadd.s32 s20, s15  }
0x21: {  	s24 =	sadd.s32 s5, s15;
	[dreg:$0x18] =	wrdreg s26;
	s20 =	simm.s32 $0x16300  }
0x22: {  	s26 =	simm.s32 $0x12;
	[dreg:$0x14] =	wrdreg s1;
	s1 =	sshrl.u32 s21, $0x3  }
0x23: {  	s5 =	simm.s32 $0x13;
	[dreg:$0x16] =	wrdreg s24;
	s1 =	sadd.s32 s1, s15  }
0x24: {  	s24 =	simm.s32 $0x4;
	[dreg:$0x15] =	wrdreg s1;
	s1 =	simm.s32 $0x7  }
.LBB2_1:
0x25: {  	[dreg:$0x19] =	wrdreg s7  }
0x26: {  	s6 =	rddreg [dreg:$0x5]  }
0x27: {  	s18 =	rddreg [dreg:$0xf]  }
0x28: {  	s19 =	rddreg [dreg:$0x11];
	s9 =	sshrl.u32 s6, $0x3  }
0x29: {  	[dreg:$0x1a] =	wrdreg s9  }
0x2a: {  	[spmem:s9], [sflag:s19] =	dma.local [hbm:s18], $0x2800  }
0x2b: {  	s6 =	rddreg [dreg:$0x6]  }
0x2c: {  	[tilespmem:s4], [sflag:$0x17] =	stream.linear.gather [hbm4b:s6+s4], $0x2710, $0x38;
	[tilespmem:$0x1EF80] =	vst v63  }
0x2d: {  	_ =	swait.ge [sflag:s8], $0x2710  }
0x2e: {  	[sflag:s8] =	ssyncset.done $0x0  }
0x2f: {  	s21 =	rddreg [dreg:$0x7];
	[sflag:s8] =	ssyncadd.s32 $0xFFFFD8F0;
	s8 =	simm.s32 $0x16000  }
0x30: {  	[tilespmem:s8], [sflag:$0x8] =	stream.linear.gather [hbm4b:s21+s4], $0x28, $0x38;
	[tilespmem:$0x1EF80] =	vst v63  }
0x31: {  	s9 =	simm.s32 $0x16380  }
0x32: {  	[tilespmem:s9], [sflag:$0x1] =	stream.indirect.gather [hbm4b:s2+s29], $0x80, s4, s29, $0xb8;
	[tilespmem:$0x1EF80] =	vst v63  }
0x33: {  	s10 =	simm.s32 $0x16080;
	s22 =	rddreg [dreg:$0x8]  }
0x34: {  	[tilespmem:s10], [sflag:$0x9] =	stream.linear.gather [hbm4b:s22+s4], $0x28, $0x38;
	[tilespmem:$0x1EF80] =	vst v63  }
0x35: {  	s14 =	simm.s32 $0x17780  }
0x36: {  	[tilespmem:s14], [sflag:$0x2] =	stream.indirect.gather [hbm4b:s2+s29], $0x80, s29, s29, $0xb8;
	[tilespmem:$0x1EF80] =	vst v63  }
0x37: {  	s17 =	simm.s32 $0x16100;
	s7 =	rddreg [dreg:$0x9]  }
0x38: {  	[tilespmem:s17], [sflag:$0xA] =	stream.linear.gather [hbm4b:s7+s4], $0x28, $0x38;
	[tilespmem:$0x1EF80] =	vst v63  }
0x39: {  	s15 =	simm.s32 $0x50;
	s19 =	simm.s32 $0x18B80  }
0x3a: {  	[tilespmem:s19], [sflag:$0x3] =	stream.indirect.gather [hbm4b:s2+s29], $0x80, s15, s29, $0xb8;
	[tilespmem:$0x1EF80] =	vst v63  }
0x3b: {  	s16 =	rddreg [dreg:$0xa];
	s21 =	simm.s32 $0x16180  }
0x3c: {  	[tilespmem:s21], [sflag:$0xB] =	stream.linear.gather [hbm4b:s16+s4], $0x28, $0x38;
	[tilespmem:$0x1EF80] =	vst v63  }
0x3d: {  	s18 =	simm.s32 $0x78;
	s22 =	simm.s32 $0x19F80  }
0x3e: {  	[tilespmem:s22], [sflag:$0x4] =	stream.indirect.gather [hbm4b:s2+s29], $0x80, s18, s29, $0xb8;
	[tilespmem:$0x1EF80] =	vst v63  }
0x3f: {  	s7 =	rddreg [dreg:$0xb];
	s15 =	simm.s32 $0x16200  }
0x40: {  	[tilespmem:s15], [sflag:$0xC] =	stream.linear.gather [hbm4b:s7+s4], $0x28, $0x38;
	[tilespmem:$0x1EF80] =	vst v63  }
0x41: {  	s16 =	simm.s32 $0xA0;
	s18 =	simm.s32 $0x1B380  }
0x42: {  	[tilespmem:s18], [sflag:$0x5] =	stream.indirect.gather [hbm4b:s2+s29], $0x80, s16, s29, $0xb8;
	[tilespmem:$0x1EF80] =	vst v63  }
0x43: {  	s7 =	rddreg [dreg:$0xc];
	s15 =	simm.s32 $0x16280  }
0x44: {  	[tilespmem:s15], [sflag:$0xD] =	stream.linear.gather [hbm4b:s7+s4], $0x28, $0x38;
	[tilespmem:$0x1EF80] =	vst v63  }
0x45: {  	s16 =	simm.s32 $0xC8;
	s18 =	simm.s32 $0x1C780;
	s7 =	simm.s32 $0x16  }
0x46: {  	[tilespmem:s18], [sflag:$0x6] =	stream.indirect.gather [hbm4b:s2+s29], $0x80, s16, s29, $0xb8;
	[tilespmem:$0x1EF80] =	vst v63  }
0x47: {  	_ =	swait.ge [sflag:s7], $0x2800  }
0x48: {  	p0 =	por $0x1, $0x1;
	[sflag:s7] =	ssyncset.done $0x0  }
0x49: {  	p0 =	por p0, p0;
	[sflag:s7] =	ssyncadd.s32 $0xFFFFD800  }
0x4a: {  	s6 =	simm.s32 @!p0 $0x15;
	[bflag:$0x0] =	sbarrier.arrive $0xFFFF  }
0x4b: {  	_ =	swait.ge @!p0 [sflag:s6], $0x1400  }
0x4c: {  	[sflag:s6] =	ssyncset.done @!p0 $0x0  }
0x4d: {  	s18 =	rddreg [dreg:$0x18];
	[sflag:s6] =	ssyncadd.s32 @!p0 $0xFFFFEC00  }
0x4e: {  	[tilespmem:s20], [sflag:$0xE] =	stream.linear.gather [hbm4b:s18+s4], $0x28, $0x38;
	[tilespmem:$0x1EF80] =	vst v63  }
0x4f: {  	s15 =	simm.s32 $0xF0;
	s16 =	simm.s32 $0x1  }
0x50: {  	[tilespmem:s11], [sflag:$0x7] =	stream.indirect.gather [hbm4b:s2+s29], $0x80, s15, s29, $0xb8;
	[tilespmem:$0x1EF80] =	vst v63  }
0x51: {  	_ =	swait.ge [sflag:s16], $0x1400  }
0x52: {  	[sflag:s16] =	ssyncset.done $0x0  }
0x53: {  	s20 =	simm.s32 $0x8;
	[sflag:s16] =	ssyncadd.s32 $0xFFFFEC00  }
0x54: {  	_ =	swait.ge [sflag:s20], $0x28  }
0x55: {  	[sflag:s20] =	ssyncset.done $0x0  }
0x56: {  	s6 =	simm.s32 $0xF;
	[sflag:s20] =	ssyncadd.s32 $0xFFFFFFD8  }
0x57: {  	[spmem:s3] =	stream.indirect.scatter [tilespmem:s9], [sflag:$0xF], $0x80, s8, s29, $0xb8;
	[tilespmem:$0x1EF80] =	vst v63  }
0x58: {  	_ =	swait.ge [sflag:s6], $0x1400  }
0x59: {  	s16 =	rddreg [dreg:$0x17]  }
0x5a: {  	[sflag:s6] =	ssyncset.done $0x0;
	s15 =	rddreg [dreg:$0x4];
	s11 =	sshrl.u32 s16, $0x3  }
0x5b: {  	[sflag:s6] =	ssyncadd.s32 $0xFFFFEC00;
	s6 =	sadd.s32 s15, s11  }
0x5c: {  	[tilespmem:s8], [sflag:$0x8] =	stream.linear.gather [hbm4b:s6+s4], $0x28, $0x38;
	[tilespmem:$0x1EF80] =	vst v63  }
0x5d: {  	s7 =	simm.s32 $0x2;
	s20 =	simm.s32 $0x118  }
0x5e: {  	[tilespmem:s9], [sflag:$0x1] =	stream.indirect.gather [hbm4b:s2+s29], $0x80, s20, s29, $0xb8;
	[tilespmem:$0x1EF80] =	vst v63  }
0x5f: {  	_ =	swait.ge [sflag:s7], $0x1400  }
0x60: {  	[sflag:s7] =	ssyncset.done $0x0  }
0x61: {  	s8 =	simm.s32 $0x9;
	[sflag:s7] =	ssyncadd.s32 $0xFFFFEC00  }
0x62: {  	_ =	swait.ge [sflag:s8], $0x28  }
0x63: {  	[sflag:s8] =	ssyncset.done $0x0  }
0x64: {  	s9 =	simm.s32 $0x10;
	[sflag:s8] =	ssyncadd.s32 $0xFFFFFFD8  }
0x65: {  	[spmem:s3] =	stream.indirect.scatter [tilespmem:s14], [sflag:$0x10], $0x80, s10, s29, $0xb8;
	[tilespmem:$0x1EF80] =	vst v63  }
0x66: {  	_ =	swait.ge [sflag:s9], $0x1400  }
0x67: {  	[sflag:s9] =	ssyncset.done $0x0  }
0x68: {  	s15 =	rddreg [dreg:$0x16];
	[sflag:s9] =	ssyncadd.s32 $0xFFFFEC00  }
0x69: {  	[tilespmem:s10], [sflag:$0x9] =	stream.linear.gather [hbm4b:s15+s4], $0x28, $0x38;
	[tilespmem:$0x1EF80] =	vst v63  }
0x6a: {  	s11 =	simm.s32 $0x140;
	s20 =	simm.s32 $0x3  }
0x6b: {  	[tilespmem:s14], [sflag:$0x2] =	stream.indirect.gather [hbm4b:s2+s29], $0x80, s11, s29, $0xb8;
	[tilespmem:$0x1EF80] =	vst v63  }
0x6c: {  	_ =	swait.ge [sflag:s20], $0x1400  }
0x6d: {  	[sflag:s20] =	ssyncset.done $0x0  }
0x6e: {  	s7 =	simm.s32 $0xA;
	[sflag:s20] =	ssyncadd.s32 $0xFFFFEC00  }
0x6f: {  	_ =	swait.ge [sflag:s7], $0x28  }
0x70: {  	[sflag:s7] =	ssyncset.done $0x0  }
0x71: {  	[sflag:s7] =	ssyncadd.s32 $0xFFFFFFD8  }
0x72: {  	[spmem:s3] =	stream.indirect.scatter [tilespmem:s19], [sflag:$0x11], $0x80, s17, s29, $0xb8;
	[tilespmem:$0x1EF80] =	vst v63  }
0x73: {  	_ =	swait.ge [sflag:s23], $0x1400  }
0x74: {  	[sflag:s23] =	ssyncset.done $0x0  }
0x75: {  	s11 =	rddreg [dreg:$0x15];
	[sflag:s23] =	ssyncadd.s32 $0xFFFFEC00  }
0x76: {  	[tilespmem:s17], [sflag:$0xA] =	stream.linear.gather [hbm4b:s11+s4], $0x28, $0x38;
	[tilespmem:$0x1EF80] =	vst v63  }
0x77: {  	s8 =	simm.s32 $0x168  }
0x78: {  	[tilespmem:s19], [sflag:$0x3] =	stream.indirect.gather [hbm4b:s2+s29], $0x80, s8, s29, $0xb8;
	[tilespmem:$0x1EF80] =	vst v63  }
0x79: {  	_ =	swait.ge [sflag:s24], $0x1400  }
0x7a: {  	[sflag:s24] =	ssyncset.done $0x0  }
0x7b: {  	[sflag:s24] =	ssyncadd.s32 $0xFFFFEC00  }
0x7c: {  	_ =	swait.ge [sflag:s25], $0x28  }
0x7d: {  	[sflag:s25] =	ssyncset.done $0x0  }
0x7e: {  	[sflag:s25] =	ssyncadd.s32 $0xFFFFFFD8  }
0x7f: {  	[spmem:s3] =	stream.indirect.scatter [tilespmem:s22], [sflag:$0x12], $0x80, s21, s29, $0xb8;
	[tilespmem:$0x1EF80] =	vst v63  }
0x80: {  	_ =	swait.ge [sflag:s26], $0x1400  }
0x81: {  	[sflag:s26] =	ssyncset.done $0x0  }
0x82: {  	s10 =	rddreg [dreg:$0x14];
	[sflag:s26] =	ssyncadd.s32 $0xFFFFEC00  }
0x83: {  	[tilespmem:s21], [sflag:$0xB] =	stream.linear.gather [hbm4b:s10+s4], $0x28, $0x38;
	[tilespmem:$0x1EF80] =	vst v63  }
0x84: {  	s9 =	simm.s32 $0x190  }
0x85: {  	[tilespmem:s22], [sflag:$0x4] =	stream.indirect.gather [hbm4b:s2+s29], $0x80, s9, s29, $0xb8;
	[tilespmem:$0x1EF80] =	vst v63  }
0x86: {  	_ =	swait.ge [sflag:s12], $0x1400  }
0x87: {  	[sflag:s12] =	ssyncset.done $0x0  }
0x88: {  	[sflag:s12] =	ssyncadd.s32 $0xFFFFEC00  }
0x89: {  	_ =	swait.ge [sflag:s13], $0x28  }
0x8a: {  	[sflag:s13] =	ssyncset.done $0x0  }
0x8b: {  	s14 =	simm.s32 $0x1B380;
	s17 =	simm.s32 $0x16200;
	[sflag:s13] =	ssyncadd.s32 $0xFFFFFFD8  }
0x8c: {  	[spmem:s3] =	stream.indirect.scatter [tilespmem:s14], [sflag:$0x13], $0x80, s17, s29, $0xb8;
	[tilespmem:$0x1EF80] =	vst v63  }
0x8d: {  	_ =	swait.ge [sflag:s5], $0x1400  }
0x8e: {  	[sflag:s5] =	ssyncset.done $0x0  }
0x8f: {  	s19 =	rddreg [dreg:$0x13];
	[sflag:s5] =	ssyncadd.s32 $0xFFFFEC00  }
0x90: {  	[tilespmem:s17], [sflag:$0xC] =	stream.linear.gather [hbm4b:s19+s4], $0x28, $0x38;
	[tilespmem:$0x1EF80] =	vst v63  }
0x91: {  	s20 =	simm.s32 $0x1B8  }
0x92: {  	[tilespmem:s14], [sflag:$0x5] =	stream.indirect.gather [hbm4b:s2+s29], $0x80, s20, s29, $0xb8;
	[tilespmem:$0x1EF80] =	vst v63  }
0x93: {  	_ =	swait.ge [sflag:s28], $0x1400  }
0x94: {  	[sflag:s28] =	ssyncset.done $0x0  }
0x95: {  	[sflag:s28] =	ssyncadd.s32 $0xFFFFEC00  }
0x96: {  	_ =	swait.ge [sflag:s30], $0x28  }
0x97: {  	[sflag:s30] =	ssyncset.done $0x0  }
0x98: {  	s21 =	simm.s32 $0x16280;
	s22 =	simm.s32 $0x1C780;
	[sflag:s30] =	ssyncadd.s32 $0xFFFFFFD8  }
0x99: {  	[spmem:s3] =	stream.indirect.scatter [tilespmem:s22], [sflag:$0x14], $0x80, s21, s29, $0xb8;
	[tilespmem:$0x1EF80] =	vst v63  }
0x9a: {  	p0 =	por $0x0, $0x0;
	_ =	swait.ge [sflag:s31], $0x1400  }
0x9b: {  	p6 =	por $0x0, $0x0;
	s7 =	simm.s32 @!p0 $0x0;
	[sflag:s31] =	ssyncset.done $0x0  }
0x9c: {  	s8 =	simm.s32 @!p0 $0x16280;
	s14 =	rddreg [dreg:$0x12];
	[sflag:s31] =	ssyncadd.s32 $0xFFFFEC00  }
0x9d: {  	[tilespmem:s8], [sflag:$0xD] =	stream.linear.gather @!p0 [hbm4b:s14+s7], $0x28, $0x38;
	[tilespmem:$0x1EF80] =	vst v63  }
0x9e: {  	s9 =	simm.s32 @!p0 $0x1E0;
	s7 =	simm.s32 @!p0 $0x28;
	s8 =	simm.s32 @!p0 $0x1C780  }
0x9f: {  	[tilespmem:s8], [sflag:$0x6] =	stream.indirect.gather @!p0 [hbm4b:s2+s7], $0x80, s9, s7, $0xb8;
	[tilespmem:$0x1EF80] =	vst v63  }
0xa0: {  	s18 =	sadd.s32 $0x23, s18;
	s16 =	sadd.s32 $0x118, s16;
	_ =	swait.ge [sflag:s1], $0x1400  }
0xa1: {  	s6 =	simm.s32 $0x460;
	s15 =	sadd.s32 $0x23, s15;
	[sflag:s1] =	ssyncset.done $0x0  }
0xa2: {  	s11 =	sadd.s32 $0x23, s11;
	s10 =	sadd.s32 $0x23, s10;
	[sflag:s1] =	ssyncadd.s32 $0xFFFFEC00  }
0xa3: {  	s17 =	simm.s32 $0x8C0;
	p0 =	por p6, p6;
	_ =	swait.ge [sflag:s0], $0x28  }
0xa4: {  	s7 =	sadd.s32 $0x23, s14;
	s9 =	sadd.s32 $0x23, s19;
	[sflag:s0] =	ssyncset.done $0x0  }
.LBB2_2:
0xa5: {  	s14 =	simm.s32 @!p0 $0x15  }
0xa6: {  	[sflag:s0] =	ssyncadd.s32 $0xFFFFFFD8;
	s19 =	simm.s32 $0x16300;
	s20 =	simm.s32 $0x1DB80  }
0xa7: {  	[spmem:s3] =	stream.indirect.scatter [tilespmem:s20], [sflag:$0x15], $0x80, s19, s29, $0xb8;
	[tilespmem:$0x1EF80] =	vst v63  }
0xa8: {  	_ =	swait.ge @!p0 [sflag:s14], $0x1400  }
0xa9: {  	[sflag:s14] =	ssyncset.done @!p0 $0x0  }
0xaa: {  	[sflag:s14] =	ssyncadd.s32 @!p0 $0xFFFFEC00;
	s14 =	sshra.s32 s6, $0x2  }
0xab: {  	[tilespmem:s19], [sflag:$0xE] =	stream.linear.gather [hbm4b:s18+s4], $0x28, $0x38;
	[tilespmem:$0x1EF80] =	vst v63  }
0xac: {  	s22 =	simm.s32 $0x1;
	s21 =	sadd.s32 $0xF0, s14  }
0xad: {  	[tilespmem:s20], [sflag:$0x7] =	stream.indirect.gather [hbm4b:s2+s29], $0x80, s21, s29, $0xb8;
	[tilespmem:$0x1EF80] =	vst v63  }
0xae: {  	_ =	swait.ge [sflag:s22], $0x1400  }
0xaf: {  	[sflag:s22] =	ssyncset.done $0x0  }
0xb0: {  	s20 =	simm.s32 $0x8;
	[sflag:s22] =	ssyncadd.s32 $0xFFFFEC00  }
0xb1: {  	_ =	swait.ge [sflag:s20], $0x28  }
0xb2: {  	s21 =	simm.s32 $0x16000;
	[sflag:s20] =	ssyncset.done $0x0  }
0xb3: {  	s22 =	simm.s32 $0x16380;
	[sflag:s20] =	ssyncadd.s32 $0xFFFFFFD8;
	s20 =	simm.s32 $0xF  }
0xb4: {  	[spmem:s3] =	stream.indirect.scatter [tilespmem:s22], [sflag:$0xF], $0x80, s21, s29, $0xb8;
	[tilespmem:$0x1EF80] =	vst v63  }
0xb5: {  	_ =	swait.ge [sflag:s20], $0x1400  }
0xb6: {  	[sflag:s20] =	ssyncset.done $0x0  }
0xb7: {  	s19 =	sshrl.u32 s16, $0x3;
	[sflag:s20] =	ssyncadd.s32 $0xFFFFEC00;
	s20 =	rddreg [dreg:$0x4]  }
0xb8: {  	s19 =	sadd.s32 s20, s19  }
0xb9: {  	[tilespmem:s21], [sflag:$0x8] =	stream.linear.gather [hbm4b:s19+s4], $0x28, $0x38;
	[tilespmem:$0x1EF80] =	vst v63  }
0xba: {  	s20 =	simm.s32 $0x2;
	s21 =	sadd.s32 $0x118, s14  }
0xbb: {  	[tilespmem:s22], [sflag:$0x1] =	stream.indirect.gather [hbm4b:s2+s29], $0x80, s21, s29, $0xb8;
	[tilespmem:$0x1EF80] =	vst v63  }
0xbc: {  	_ =	swait.ge [sflag:s20], $0x1400  }
0xbd: {  	[sflag:s20] =	ssyncset.done $0x0  }
0xbe: {  	s21 =	simm.s32 $0x9;
	[sflag:s20] =	ssyncadd.s32 $0xFFFFEC00  }
0xbf: {  	_ =	swait.ge [sflag:s21], $0x28  }
0xc0: {  	s19 =	simm.s32 $0x16080;
	[sflag:s21] =	ssyncset.done $0x0  }
0xc1: {  	s22 =	simm.s32 $0x10;
	s20 =	simm.s32 $0x17780;
	[sflag:s21] =	ssyncadd.s32 $0xFFFFFFD8  }
0xc2: {  	[spmem:s3] =	stream.indirect.scatter [tilespmem:s20], [sflag:$0x10], $0x80, s19, s29, $0xb8;
	[tilespmem:$0x1EF80] =	vst v63  }
0xc3: {  	_ =	swait.ge [sflag:s22], $0x1400  }
0xc4: {  	[sflag:s22] =	ssyncset.done $0x0  }
0xc5: {  	[sflag:s22] =	ssyncadd.s32 $0xFFFFEC00  }
0xc6: {  	[tilespmem:s19], [sflag:$0x9] =	stream.linear.gather [hbm4b:s15+s4], $0x28, $0x38;
	[tilespmem:$0x1EF80] =	vst v63  }
0xc7: {  	s21 =	simm.s32 $0x3;
	s22 =	sadd.s32 $0x140, s14  }
0xc8: {  	[tilespmem:s20], [sflag:$0x2] =	stream.indirect.gather [hbm4b:s2+s29], $0x80, s22, s29, $0xb8;
	[tilespmem:$0x1EF80] =	vst v63  }
0xc9: {  	_ =	swait.ge [sflag:s21], $0x1400  }
0xca: {  	[sflag:s21] =	ssyncset.done $0x0  }
0xcb: {  	s22 =	simm.s32 $0xA;
	[sflag:s21] =	ssyncadd.s32 $0xFFFFEC00  }
0xcc: {  	_ =	swait.ge [sflag:s22], $0x28  }
0xcd: {  	[sflag:s22] =	ssyncset.done $0x0  }
0xce: {  	s20 =	simm.s32 $0x16100;
	s21 =	simm.s32 $0x18B80;
	[sflag:s22] =	ssyncadd.s32 $0xFFFFFFD8  }
0xcf: {  	[spmem:s3] =	stream.indirect.scatter [tilespmem:s21], [sflag:$0x11], $0x80, s20, s29, $0xb8;
	[tilespmem:$0x1EF80] =	vst v63  }
0xd0: {  	_ =	swait.ge [sflag:s23], $0x1400  }
0xd1: {  	[sflag:s23] =	ssyncset.done $0x0  }
0xd2: {  	[sflag:s23] =	ssyncadd.s32 $0xFFFFEC00  }
0xd3: {  	[tilespmem:s20], [sflag:$0xA] =	stream.linear.gather [hbm4b:s11+s4], $0x28, $0x38;
	[tilespmem:$0x1EF80] =	vst v63  }
0xd4: {  	s22 =	sadd.s32 $0x168, s14  }
0xd5: {  	[tilespmem:s21], [sflag:$0x3] =	stream.indirect.gather [hbm4b:s2+s29], $0x80, s22, s29, $0xb8;
	[tilespmem:$0x1EF80] =	vst v63  }
0xd6: {  	_ =	swait.ge [sflag:s24], $0x1400  }
0xd7: {  	[sflag:s24] =	ssyncset.done $0x0  }
0xd8: {  	[sflag:s24] =	ssyncadd.s32 $0xFFFFEC00  }
0xd9: {  	_ =	swait.ge [sflag:s25], $0x28  }
0xda: {  	[sflag:s25] =	ssyncset.done $0x0  }
0xdb: {  	s20 =	simm.s32 $0x16180;
	s21 =	simm.s32 $0x19F80;
	[sflag:s25] =	ssyncadd.s32 $0xFFFFFFD8  }
0xdc: {  	[spmem:s3] =	stream.indirect.scatter [tilespmem:s21], [sflag:$0x12], $0x80, s20, s29, $0xb8;
	[tilespmem:$0x1EF80] =	vst v63  }
0xdd: {  	_ =	swait.ge [sflag:s26], $0x1400  }
0xde: {  	[sflag:s26] =	ssyncset.done $0x0  }
0xdf: {  	[sflag:s26] =	ssyncadd.s32 $0xFFFFEC00  }
0xe0: {  	[tilespmem:s20], [sflag:$0xB] =	stream.linear.gather [hbm4b:s10+s4], $0x28, $0x38;
	[tilespmem:$0x1EF80] =	vst v63  }
0xe1: {  	s22 =	sadd.s32 $0x190, s14  }
0xe2: {  	[tilespmem:s21], [sflag:$0x4] =	stream.indirect.gather [hbm4b:s2+s29], $0x80, s22, s29, $0xb8;
	[tilespmem:$0x1EF80] =	vst v63  }
0xe3: {  	_ =	swait.ge [sflag:s12], $0x1400  }
0xe4: {  	[sflag:s12] =	ssyncset.done $0x0  }
0xe5: {  	[sflag:s12] =	ssyncadd.s32 $0xFFFFEC00  }
0xe6: {  	_ =	swait.ge [sflag:s13], $0x28  }
0xe7: {  	[sflag:s13] =	ssyncset.done $0x0  }
0xe8: {  	s21 =	simm.s32 $0x16200;
	s22 =	simm.s32 $0x1B380;
	[sflag:s13] =	ssyncadd.s32 $0xFFFFFFD8  }
0xe9: {  	[spmem:s3] =	stream.indirect.scatter [tilespmem:s22], [sflag:$0x13], $0x80, s21, s29, $0xb8;
	[tilespmem:$0x1EF80] =	vst v63  }
0xea: {  	_ =	swait.ge [sflag:s5], $0x1400  }
0xeb: {  	[sflag:s5] =	ssyncset.done $0x0  }
0xec: {  	[sflag:s5] =	ssyncadd.s32 $0xFFFFEC00  }
0xed: {  	[tilespmem:s21], [sflag:$0xC] =	stream.linear.gather [hbm4b:s9+s4], $0x28, $0x38;
	[tilespmem:$0x1EF80] =	vst v63  }
0xee: {  	s14 =	sadd.s32 $0x1B8, s14  }
0xef: {  	[tilespmem:s22], [sflag:$0x5] =	stream.indirect.gather [hbm4b:s2+s29], $0x80, s14, s29, $0xb8;
	[tilespmem:$0x1EF80] =	vst v63  }
0xf0: {  	_ =	swait.ge [sflag:s28], $0x1400  }
0xf1: {  	[sflag:s28] =	ssyncset.done $0x0  }
0xf2: {  	[sflag:s28] =	ssyncadd.s32 $0xFFFFEC00  }
0xf3: {  	p2 =	seq.s32 s17, $0x0;
	_ =	swait.ge [sflag:s30], $0x28  }
0xf4: {  	s8 =	smov.u32 s17;
	s17 =	sadd.s32 $0x460, s17;
	[sflag:s30] =	ssyncset.done $0x0  }
0xf5: {  	s21 =	simm.s32 $0x16280;
	s22 =	simm.s32 $0x1C780;
	[sflag:s30] =	ssyncadd.s32 $0xFFFFFFD8  }
0xf6: {  	[spmem:s3] =	stream.indirect.scatter [tilespmem:s22], [sflag:$0x14], $0x80, s21, s29, $0xb8;
	[tilespmem:$0x1EF80] =	vst v63  }
0xf7: {  	p0 =	por p2, p2;
	p2 =	seq.s32 s6, $0x94C0;
	_ =	swait.ge [sflag:s31], $0x1400  }
0xf8: {  	p1 =	sne.s32 s17, $0x9920;
	s6 =	sshra.s32 @!p2 s6, $0x2;
	[sflag:s31] =	ssyncset.done $0x0  }
0xf9: {  	s19 =	simm.s32 @!p2 $0x16280;
	s14 =	simm.s32 @!p2 $0x0;
	[sflag:s31] =	ssyncadd.s32 $0xFFFFEC00  }
0xfa: {  	[tilespmem:s19], [sflag:$0xD] =	stream.linear.gather @!p2 [hbm4b:s7+s14], $0x28, $0x38;
	[tilespmem:$0x1EF80] =	vst v63  }
0xfb: {  	s20 =	sadd.s32 @!p2 $0x1E0, s6;
	s14 =	simm.s32 @!p2 $0x28;
	s19 =	simm.s32 @!p2 $0x1C780  }
0xfc: {  	[tilespmem:s19], [sflag:$0x6] =	stream.indirect.gather @!p2 [hbm4b:s2+s14], $0x80, s20, s14, $0xb8;
	[tilespmem:$0x1EF80] =	vst v63  }
.Ltmp0:
0xfd: {  	_ =	swait.ge [sflag:s1], $0x1400;
	(pc) =	sbr.rel @p1 .LBB2_2-.Ltmp0, $4  }
0xfe: {  	s18 =	sadd.s32 $0x23, s18;
	s16 =	sadd.s32 $0x118, s16;
	[sflag:s1] =	ssyncset.done $0x0  }
0xff: {  	s15 =	sadd.s32 $0x23, s15;
	s11 =	sadd.s32 $0x23, s11;
	[sflag:s1] =	ssyncadd.s32 $0xFFFFEC00  }
0x100: {  	s6 =	smov.u32 s8;
	s10 =	sadd.s32 $0x23, s10;
	_ =	swait.ge [sflag:s0], $0x28  }
0x101: {  	s9 =	sadd.s32 $0x23, s9;
	s7 =	sadd.s32 $0x23, s7;
	[sflag:s0] =	ssyncset.done $0x0  }
0x102: {  	s8 =	simm.s32 @!p0 $0x15  }
0x103: {  	[sflag:s0] =	ssyncadd.s32 $0xFFFFFFD8;
	s14 =	simm.s32 $0x16300;
	s17 =	simm.s32 $0x1DB80  }
0x104: {  	[spmem:s3] =	stream.indirect.scatter [tilespmem:s17], [sflag:$0x15], $0x80, s14, s29, $0xb8;
	[tilespmem:$0x1EF80] =	vst v63  }
0x105: {  	_ =	swait.ge @!p0 [sflag:s8], $0x1400  }
0x106: {  	[sflag:s8] =	ssyncset.done @!p0 $0x0  }
0x107: {  	[sflag:s8] =	ssyncadd.s32 @!p0 $0xFFFFEC00;
	s8 =	sshra.s32 s6, $0x2  }
0x108: {  	[tilespmem:s14], [sflag:$0xE] =	stream.linear.gather [hbm4b:s18+s4], $0x28, $0x38;
	[tilespmem:$0x1EF80] =	vst v63  }
0x109: {  	s22 =	simm.s32 $0x1;
	s21 =	sadd.s32 $0xF0, s8  }
0x10a: {  	[tilespmem:s17], [sflag:$0x7] =	stream.indirect.gather [hbm4b:s2+s29], $0x80, s21, s29, $0xb8;
	[tilespmem:$0x1EF80] =	vst v63  }
0x10b: {  	_ =	swait.ge [sflag:s22], $0x1400  }
0x10c: {  	[sflag:s22] =	ssyncset.done $0x0  }
0x10d: {  	s18 =	simm.s32 $0x8;
	[sflag:s22] =	ssyncadd.s32 $0xFFFFEC00  }
0x10e: {  	_ =	swait.ge [sflag:s18], $0x28  }
0x10f: {  	s20 =	simm.s32 $0x16000;
	[sflag:s18] =	ssyncset.done $0x0  }
0x110: {  	s19 =	simm.s32 $0xF;
	s21 =	simm.s32 $0x16380;
	[sflag:s18] =	ssyncadd.s32 $0xFFFFFFD8  }
0x111: {  	[spmem:s3] =	stream.indirect.scatter [tilespmem:s21], [sflag:$0xF], $0x80, s20, s29, $0xb8;
	[tilespmem:$0x1EF80] =	vst v63  }
0x112: {  	_ =	swait.ge [sflag:s19], $0x1400  }
0x113: {  	s16 =	sshrl.u32 s16, $0x3;
	[sflag:s19] =	ssyncset.done $0x0;
	s17 =	rddreg [dreg:$0x4]  }
0x114: {  	[sflag:s19] =	ssyncadd.s32 $0xFFFFEC00;
	s14 =	sadd.s32 s17, s16  }
0x115: {  	[tilespmem:s20], [sflag:$0x8] =	stream.linear.gather [hbm4b:s14+s4], $0x28, $0x38;
	[tilespmem:$0x1EF80] =	vst v63  }
0x116: {  	s22 =	sadd.s32 $0x118, s8;
	s17 =	simm.s32 $0x2  }
0x117: {  	[tilespmem:s21], [sflag:$0x1] =	stream.indirect.gather [hbm4b:s2+s29], $0x80, s22, s29, $0xb8;
	[tilespmem:$0x1EF80] =	vst v63  }
0x118: {  	_ =	swait.ge [sflag:s17], $0x1400  }
0x119: {  	[sflag:s17] =	ssyncset.done $0x0  }
0x11a: {  	s22 =	simm.s32 $0x9;
	[sflag:s17] =	ssyncadd.s32 $0xFFFFEC00  }
0x11b: {  	_ =	swait.ge [sflag:s22], $0x28  }
0x11c: {  	s16 =	simm.s32 $0x16080;
	[sflag:s22] =	ssyncset.done $0x0  }
0x11d: {  	s20 =	simm.s32 $0x17780;
	s21 =	simm.s32 $0x10;
	[sflag:s22] =	ssyncadd.s32 $0xFFFFFFD8  }
0x11e: {  	[spmem:s3] =	stream.indirect.scatter [tilespmem:s20], [sflag:$0x10], $0x80, s16, s29, $0xb8;
	[tilespmem:$0x1EF80] =	vst v63  }
0x11f: {  	_ =	swait.ge [sflag:s21], $0x1400  }
0x120: {  	[sflag:s21] =	ssyncset.done $0x0  }
0x121: {  	[sflag:s21] =	ssyncadd.s32 $0xFFFFEC00  }
0x122: {  	[tilespmem:s16], [sflag:$0x9] =	stream.linear.gather [hbm4b:s15+s4], $0x28, $0x38;
	[tilespmem:$0x1EF80] =	vst v63  }
0x123: {  	s16 =	sadd.s32 $0x140, s8  }
0x124: {  	[tilespmem:s20], [sflag:$0x2] =	stream.indirect.gather [hbm4b:s2+s29], $0x80, s16, s29, $0xb8;
	[tilespmem:$0x1EF80] =	vst v63  }
0x125: {  	s16 =	simm.s32 $0x3  }
0x126: {  	_ =	swait.ge [sflag:s16], $0x1400  }
0x127: {  	[sflag:s16] =	ssyncset.done $0x0  }
0x128: {  	s15 =	simm.s32 $0xA;
	[sflag:s16] =	ssyncadd.s32 $0xFFFFEC00  }
0x129: {  	_ =	swait.ge [sflag:s15], $0x28  }
0x12a: {  	[sflag:s15] =	ssyncset.done $0x0  }
0x12b: {  	s14 =	simm.s32 $0x18B80;
	s20 =	simm.s32 $0x16100;
	[sflag:s15] =	ssyncadd.s32 $0xFFFFFFD8  }
0x12c: {  	[spmem:s3] =	stream.indirect.scatter [tilespmem:s14], [sflag:$0x11], $0x80, s20, s29, $0xb8;
	[tilespmem:$0x1EF80] =	vst v63  }
0x12d: {  	_ =	swait.ge [sflag:s23], $0x1400  }
0x12e: {  	[sflag:s23] =	ssyncset.done $0x0  }
0x12f: {  	[sflag:s23] =	ssyncadd.s32 $0xFFFFEC00  }
0x130: {  	[tilespmem:s20], [sflag:$0xA] =	stream.linear.gather [hbm4b:s11+s4], $0x28, $0x38;
	[tilespmem:$0x1EF80] =	vst v63  }
0x131: {  	s20 =	sadd.s32 $0x168, s8  }
0x132: {  	[tilespmem:s14], [sflag:$0x3] =	stream.indirect.gather [hbm4b:s2+s29], $0x80, s20, s29, $0xb8;
	[tilespmem:$0x1EF80] =	vst v63  }
0x133: {  	_ =	swait.ge [sflag:s24], $0x1400  }
0x134: {  	[sflag:s24] =	ssyncset.done $0x0  }
0x135: {  	[sflag:s24] =	ssyncadd.s32 $0xFFFFEC00  }
0x136: {  	_ =	swait.ge [sflag:s25], $0x28  }
0x137: {  	[sflag:s25] =	ssyncset.done $0x0  }
0x138: {  	s11 =	simm.s32 $0x19F80;
	s14 =	simm.s32 $0x16180;
	[sflag:s25] =	ssyncadd.s32 $0xFFFFFFD8  }
0x139: {  	[spmem:s3] =	stream.indirect.scatter [tilespmem:s11], [sflag:$0x12], $0x80, s14, s29, $0xb8;
	[tilespmem:$0x1EF80] =	vst v63  }
0x13a: {  	_ =	swait.ge [sflag:s26], $0x1400  }
0x13b: {  	[sflag:s26] =	ssyncset.done $0x0  }
0x13c: {  	[sflag:s26] =	ssyncadd.s32 $0xFFFFEC00  }
0x13d: {  	[tilespmem:s14], [sflag:$0xB] =	stream.linear.gather [hbm4b:s10+s4], $0x28, $0x38;
	[tilespmem:$0x1EF80] =	vst v63  }
0x13e: {  	s20 =	sadd.s32 $0x190, s8  }
0x13f: {  	[tilespmem:s11], [sflag:$0x4] =	stream.indirect.gather [hbm4b:s2+s29], $0x80, s20, s29, $0xb8;
	[tilespmem:$0x1EF80] =	vst v63  }
0x140: {  	_ =	swait.ge [sflag:s12], $0x1400  }
0x141: {  	[sflag:s12] =	ssyncset.done $0x0  }
0x142: {  	[sflag:s12] =	ssyncadd.s32 $0xFFFFEC00  }
0x143: {  	_ =	swait.ge [sflag:s13], $0x28  }
0x144: {  	[sflag:s13] =	ssyncset.done $0x0  }
0x145: {  	s10 =	simm.s32 $0x1B380;
	s20 =	simm.s32 $0x16200;
	[sflag:s13] =	ssyncadd.s32 $0xFFFFFFD8  }
0x146: {  	[spmem:s3] =	stream.indirect.scatter [tilespmem:s10], [sflag:$0x13], $0x80, s20, s29, $0xb8;
	[tilespmem:$0x1EF80] =	vst v63  }
0x147: {  	_ =	swait.ge [sflag:s5], $0x1400  }
0x148: {  	[sflag:s5] =	ssyncset.done $0x0  }
0x149: {  	[sflag:s5] =	ssyncadd.s32 $0xFFFFEC00  }
0x14a: {  	[tilespmem:s20], [sflag:$0xC] =	stream.linear.gather [hbm4b:s9+s4], $0x28, $0x38;
	[tilespmem:$0x1EF80] =	vst v63  }
0x14b: {  	s8 =	sadd.s32 $0x1B8, s8  }
0x14c: {  	[tilespmem:s10], [sflag:$0x5] =	stream.indirect.gather [hbm4b:s2+s29], $0x80, s8, s29, $0xb8;
	[tilespmem:$0x1EF80] =	vst v63  }
0x14d: {  	_ =	swait.ge [sflag:s28], $0x1400  }
0x14e: {  	[sflag:s28] =	ssyncset.done $0x0  }
0x14f: {  	[sflag:s28] =	ssyncadd.s32 $0xFFFFEC00  }
0x150: {  	_ =	swait.ge [sflag:s30], $0x28  }
0x151: {  	[sflag:s30] =	ssyncset.done $0x0  }
0x152: {  	s11 =	simm.s32 $0x16280;
	s20 =	simm.s32 $0x1C780;
	[sflag:s30] =	ssyncadd.s32 $0xFFFFFFD8  }
0x153: {  	[spmem:s3] =	stream.indirect.scatter [tilespmem:s20], [sflag:$0x14], $0x80, s11, s29, $0xb8;
	[tilespmem:$0x1EF80] =	vst v63  }
0x154: {  	p0 =	seq.s32 s6, $0x94C0;
	_ =	swait.ge [sflag:s31], $0x1400  }
0x155: {  	s6 =	sshra.s32 @!p0 s6, $0x2;
	[sflag:s31] =	ssyncset.done $0x0  }
0x156: {  	s9 =	simm.s32 @!p0 $0x16280;
	s8 =	simm.s32 @!p0 $0x0;
	[sflag:s31] =	ssyncadd.s32 $0xFFFFEC00  }
0x157: {  	[tilespmem:s9], [sflag:$0xD] =	stream.linear.gather @!p0 [hbm4b:s7+s8], $0x28, $0x38;
	[tilespmem:$0x1EF80] =	vst v63  }
0x158: {  	s6 =	sadd.s32 @!p0 $0x1E0, s6;
	s7 =	simm.s32 @!p0 $0x28;
	s8 =	simm.s32 @!p0 $0x1C780  }
0x159: {  	[tilespmem:s8], [sflag:$0x6] =	stream.indirect.gather @!p0 [hbm4b:s2+s7], $0x80, s6, s7, $0xb8;
	[tilespmem:$0x1EF80] =	vst v63  }
0x15a: {  	_ =	swait.ge [sflag:s1], $0x1400  }
0x15b: {  	[sflag:s1] =	ssyncset.done $0x0  }
0x15c: {  	[sflag:s1] =	ssyncadd.s32 $0xFFFFEC00  }
0x15d: {  	_ =	swait.ge [sflag:s0], $0x28  }
0x15e: {  	s9 =	simm.s32 $0x1DB80;
	[sflag:s0] =	ssyncset.done $0x0  }
0x15f: {  	s8 =	simm.s32 $0x16300;
	s7 =	simm.s32 $0x15;
	[sflag:s0] =	ssyncadd.s32 $0xFFFFFFD8  }
0x160: {  	[spmem:s3] =	stream.indirect.scatter [tilespmem:s9], [sflag:$0x15], $0x80, s8, s29, $0xb8;
	[tilespmem:$0x1EF80] =	vst v63  }
0x161: {  	_ =	swait.ge [sflag:s7], $0x1400  }
0x162: {  	[sflag:s7] =	ssyncset.done $0x0  }
0x163: {  	s8 =	simm.s32 $0x1;
	[sflag:s7] =	ssyncadd.s32 $0xFFFFEC00  }
0x164: {  	_ =	swait.ge [sflag:s8], $0x1400  }
0x165: {  	[sflag:s8] =	ssyncset.done $0x0  }
0x166: {  	[sflag:s8] =	ssyncadd.s32 $0xFFFFEC00  }
0x167: {  	_ =	swait.ge [sflag:s18], $0x28  }
0x168: {  	[sflag:s18] =	ssyncset.done $0x0  }
0x169: {  	s9 =	simm.s32 $0x16000;
	[sflag:s18] =	ssyncadd.s32 $0xFFFFFFD8;
	s18 =	simm.s32 $0x16380  }
0x16a: {  	[spmem:s3] =	stream.indirect.scatter [tilespmem:s18], [sflag:$0xF], $0x80, s9, s29, $0xb8;
	[tilespmem:$0x1EF80] =	vst v63  }
0x16b: {  	_ =	swait.ge [sflag:s19], $0x1400  }
0x16c: {  	[sflag:s19] =	ssyncset.done $0x0  }
0x16d: {  	[sflag:s19] =	ssyncadd.s32 $0xFFFFEC00  }
0x16e: {  	_ =	swait.ge [sflag:s17], $0x1400  }
0x16f: {  	[sflag:s17] =	ssyncset.done $0x0  }
0x170: {  	[sflag:s17] =	ssyncadd.s32 $0xFFFFEC00  }
0x171: {  	_ =	swait.ge [sflag:s22], $0x28  }
0x172: {  	[sflag:s22] =	ssyncset.done $0x0  }
0x173: {  	s19 =	simm.s32 $0x16080;
	[sflag:s22] =	ssyncadd.s32 $0xFFFFFFD8;
	s22 =	simm.s32 $0x17780  }
0x174: {  	[spmem:s3] =	stream.indirect.scatter [tilespmem:s22], [sflag:$0x10], $0x80, s19, s29, $0xb8;
	[tilespmem:$0x1EF80] =	vst v63  }
0x175: {  	_ =	swait.ge [sflag:s21], $0x1400  }
0x176: {  	[sflag:s21] =	ssyncset.done $0x0  }
0x177: {  	[sflag:s21] =	ssyncadd.s32 $0xFFFFEC00  }
0x178: {  	_ =	swait.ge [sflag:s16], $0x1400  }
0x179: {  	[sflag:s16] =	ssyncset.done $0x0  }
0x17a: {  	[sflag:s16] =	ssyncadd.s32 $0xFFFFEC00  }
0x17b: {  	_ =	swait.ge [sflag:s15], $0x28  }
0x17c: {  	[sflag:s15] =	ssyncset.done $0x0  }
0x17d: {  	s8 =	simm.s32 $0x16100;
	s9 =	simm.s32 $0x18B80;
	[sflag:s15] =	ssyncadd.s32 $0xFFFFFFD8  }
0x17e: {  	[spmem:s3] =	stream.indirect.scatter [tilespmem:s9], [sflag:$0x11], $0x80, s8, s29, $0xb8;
	[tilespmem:$0x1EF80] =	vst v63  }
0x17f: {  	_ =	swait.ge [sflag:s23], $0x1400  }
0x180: {  	[sflag:s23] =	ssyncset.done $0x0  }
0x181: {  	[sflag:s23] =	ssyncadd.s32 $0xFFFFEC00  }
0x182: {  	_ =	swait.ge [sflag:s24], $0x1400  }
0x183: {  	[sflag:s24] =	ssyncset.done $0x0  }
0x184: {  	[sflag:s24] =	ssyncadd.s32 $0xFFFFEC00  }
0x185: {  	_ =	swait.ge [sflag:s25], $0x28  }
0x186: {  	[sflag:s25] =	ssyncset.done $0x0  }
0x187: {  	s15 =	simm.s32 $0x19F80;
	[sflag:s25] =	ssyncadd.s32 $0xFFFFFFD8  }
0x188: {  	[spmem:s3] =	stream.indirect.scatter [tilespmem:s15], [sflag:$0x12], $0x80, s14, s29, $0xb8;
	[tilespmem:$0x1EF80] =	vst v63  }
0x189: {  	_ =	swait.ge [sflag:s26], $0x1400  }
0x18a: {  	[sflag:s26] =	ssyncset.done $0x0  }
0x18b: {  	[sflag:s26] =	ssyncadd.s32 $0xFFFFEC00  }
0x18c: {  	_ =	swait.ge [sflag:s12], $0x1400  }
0x18d: {  	[sflag:s12] =	ssyncset.done $0x0  }
0x18e: {  	[sflag:s12] =	ssyncadd.s32 $0xFFFFEC00  }
0x18f: {  	_ =	swait.ge [sflag:s13], $0x28  }
0x190: {  	[sflag:s13] =	ssyncset.done $0x0  }
0x191: {  	s16 =	simm.s32 $0x16200;
	[sflag:s13] =	ssyncadd.s32 $0xFFFFFFD8  }
0x192: {  	[spmem:s3] =	stream.indirect.scatter [tilespmem:s10], [sflag:$0x13], $0x80, s16, s29, $0xb8;
	[tilespmem:$0x1EF80] =	vst v63  }
0x193: {  	_ =	swait.ge [sflag:s5], $0x1400  }
0x194: {  	[sflag:s5] =	ssyncset.done $0x0  }
0x195: {  	[sflag:s5] =	ssyncadd.s32 $0xFFFFEC00  }
0x196: {  	[bflag:$0x0] =	sbarrier.arrive $0xFFFF  }
0x197: {  	s17 =	rddreg [dreg:$0x10]  }
0x198: {  	s18 =	rddreg [dreg:$0xd]  }
0x199: {  	s8 =	simm.s32 $0x17;
	s19 =	rddreg [dreg:$0x1a];
	s6 =	sor.u32 $0x1C17, s17  }
0x19a: {  	[hbm:s18], [sflag:s6] =	dma.local [spmem:s19], $0x2800  }
0x19b: {  	_ =	swait.ge [sflag:s8], $0x2800  }
0x19c: {  	s21 =	rddreg [dreg:$0x19]  }
0x19d: {  	s22 =	rddreg [dreg:$0xe];
	s7 =	sadd.s32 $0x1, s21  }
0x19e: {  	p0 =	sne.s32 s7, s22  }
.Ltmp1:
0x19f: {  	_ = 	snop;
	(pc) =	sbr.rel @p0 .LBB2_1-.Ltmp1, $3  }
0x1a0: {  	_ =	sdelay $0x1  }
0x1a1: {  	[sflag:s8] =	ssyncset.done $0x0  }
0x1a2: {  	s20 =	simm.s32 $0x16300;
	s11 =	simm.s32 $0x1DB80;
	[sflag:s8] =	ssyncadd.s32 $0xFFFFD800  }
0x1a3: {  	_ =	sfence.sel $0x180000  }
0x1a4: {  	[bflag:$0x0] =	sbarrier.arrive $0xFFFF  }
0x1a5: {  	_ =	strace $0x90000047  }
0x1a6: {  	s0 =	stileid.u32;
	[bflag:$0x2] =	sbarrier.arrive $0xFFFF  }
0x1a7: {  	p0 =	sne.s32 s0, $0x0;
	s0 =	rddreg [dreg:$0x3]  }
0x1a8: {  	s0 =	sadd.s32 @!p0 $0x100000, s0  }
0x1a9: {  	[sflag:s0] =	ssyncadd.tile.s32 @!p0 $0x1;
	_ =	shalt  }
.Lfunc_end2:
_tile_overlayer_lowered:
.L_overlay_start_2:
0x1aa: {  	(tag) =	ssettag $0x2  }
0x1ab: {  	s0 =	rddreg [dreg:$0x0];
	s2 =	stileid.u32  }
0x1ac: {  	s1 =	rddreg [dreg:$0x1];
	p0 =	sne.s32 s2, $0x0  }
0x1ad: {  	s3 =	rddreg [dreg:$0x2];
	[bflag:$0x3] =	sbarrier.arrive $0xFFFF;
	s2 =	simm.s32 @!p0 $0x1C17  }
0x1ae: {  	[timem:s3], [sflag:s2] =	dma.local @!p0 [hbm:s0], s1  }
0x1af: {  	s0 =	simm.s32 @!p0 $0x17  }
0x1b0: {  	_ =	swait.ge @!p0 [sflag:s0], s1  }
0x1b1: {  	s1 =	ssub.s32 @!p0 $0x0, s1;
	[sflag:s0] =	ssyncset.done @!p0 $0x0  }
0x1b2: {  	[sflag:s0] =	ssyncadd.s32 @!p0 s1  }
0x1b3: {  	[bflag:$0x3] =	sbarrier.arrive $0xFFFF  }
0x1b4: {  	_ =	shalt  }

// kernel: kernel.13.cloned.1.call-start
scs
__scs_entry_jumppad:
0x0: {  	(pc) =	sbr.rel $0x88, $3  }
0x1: {  	(tag) =	ssettag $0x0;
	lr =	simm.s32 $0x1  }
0x2: {  	[smem:$0x3F99] =	sst lr;
	_ =	strace $0xD0000000  }
0x3: {  	_ = 	snop  }
0x4: {  	_ = 	snop  }
0x5: {  	_ = 	snop  }
0x6: {  	_ = 	snop  }
0x7: {  	_ = 	snop  }
__scs_overlays_trampoline_lowered:
0x8: {  	[smem:$0x3FA8] =	sst s0  }
0x9: {  	[smem:$0x3FA9] =	sst s1  }
0xa: {  	[smem:$0x3FAA] =	sst s2  }
0xb: {  	[smem:$0x3FAB] =	sst s3  }
0xc: {  	[smem:$0x3FAC] =	sst s4  }
0xd: {  	[smem:$0x3FAD] =	sst s5  }
0xe: {  	[smem:$0x3FAE] =	sst s6  }
0xf: {  	[smem:$0x3FAF] =	sst s7  }
0x10: {  	[smem:$0x3FB0] =	sst s8  }
0x11: {  	[smem:$0x3FB1] =	sst s9;
	s0 =	simm.s32 @!p0 $0x0  }
0x12: {  	s1 =	sld [smem:$0x3F97];
	s0 =	simm.s32 @p0 $0x1  }
0x13: {  	[smem:$0x3FB2] =	sst s0;
	s0 =	simm.s32 @!p1 $0x0  }
0x14: {  	s2 =	sld [smem:$0x3F96];
	s0 =	simm.s32 @p1 $0x1  }
0x15: {  	[smem:$0x3FB3] =	sst s0;
	s0 =	simm.s32 @!p2 $0x0  }
0x16: {  	s3 =	sld [smem:$0x3FDB];
	s0 =	simm.s32 @p2 $0x1  }
0x17: {  	s4 =	simm.s32 $0x1BF5;
	[smem:$0x3FB5] =	sst s0  }
0x18: {  	s0 =	sld [smem:$0x3F98];
	_ =	swait.ge [sflag:s4], $0x0  }
0x19: {  	s7 =	sld [smem:$0x3F99]  }
0x1a: {  	s8 =	sadd.s32 $0xFFFFE003, lr  }
0x1b: {  	s9 =	sadd.s32 $0xFFFFFEF7, lr;
	s5 =	simm.s32 $0xFFFFFFFF;
	p2 =	slt.u32 s8, $0xFFFFF086  }
0x1c: {  	p1 =	slt.u32 s9, $0xF7A;
	s5 =	simm.s32 @!p2 $0x0  }
0x1d: {  	s5 =	simm.s32 @p1 $0x1;
	p0 =	seq.s32 s7, s2  }
0x1e: {  	s7 =	smul.u32 @!p0 $0xF7A, s2;
	p2 =	seq.s32 @!p0 s5, $0x0  }
0x1f: {  	s9 =	smul.u32 $0xF7A, s1;
	s8 =	simm.s32 @!p0 $0x1BF5;
	p2 =	por !p2, p0  }
0x20: {  	[sflag:s8] =	ssyncset.s32 @!p0 $0xFFFFF086;
	s6 =	sadd.s32 @!p0 s3, s7;
	s7 =	simm.s32 @!p0 $0x108  }
0x21: {  	s3 =	sadd.s32 s3, s9;
	s6 =	sadd.s32 @!p0 $0x88, s6;
	s7 =	simm.s32 @p2 $0x1082  }
0x22: {  	[simem:s7], [sflag:s8] =	dma.local @!p0 [hbm:s6], $0xF7A  }
0x23: {  	s9 =	sor.u32 $0xD0000000, s2;
	s6 =	simm.s32 $0x108;
	_ =	swait.ge @!p0 [sflag:s8], $0x0  }
0x24: {  	s3 =	sadd.s32 $0x88, s3;
	s6 =	simm.s32 @!p1 $0x1082;
	[sflag:s4] =	ssyncset.s32 $0xFFFFF086  }
0x25: {  	[simem:s6], [sflag:s4] =	dma.local [hbm:s3], $0xF7A  }
0x26: {  	[smem:$0x3F99] =	sst s1;
	(tag) =	ssettag s2;
	_ =	strace s9  }
0x27: {  	s1 =	sld [smem:$0x3FA9]  }
0x28: {  	s2 =	sld [smem:$0x3FAA]  }
0x29: {  	s4 =	sld [smem:$0x3FAC]  }
0x2a: {  	p0 =	seq.s32 s5, $0x0;
	s5 =	sld [smem:$0x3FAD]  }
0x2b: {  	s6 =	sld [smem:$0x3FAE]  }
0x2c: {  	s7 =	sld [smem:$0x3FAF]  }
0x2d: {  	s3 =	simm.s32 $0x108;
	s8 =	sld [smem:$0x3FB0]  }
0x2e: {  	s3 =	simm.s32 @!p0 $0x1082;
	s9 =	sld [smem:$0x3FB1]  }
0x2f: {  	lr =	sadd.s32 s0, s3;
	s0 =	sld [smem:$0x3FA8]  }
0x30: {  	s3 =	sld [smem:$0x3FAB]  }
0x31: {  	[smem:$0x3FB4] =	sst s10  }
0x32: {  	s10 =	sld [smem:$0x3FB2];
	_ =	sdelay $0x3  }
0x33: {  	p0 =	seq.s32 s10, $0x1;
	s10 =	sld [smem:$0x3FB4];
	_ =	sdelay $0x3  }
0x34: {  	[smem:$0x3FB4] =	sst s10  }
0x35: {  	s10 =	sld [smem:$0x3FB3];
	_ =	sdelay $0x3  }
0x36: {  	p1 =	seq.s32 s10, $0x1;
	s10 =	sld [smem:$0x3FB4];
	_ =	sdelay $0x3  }
0x37: {  	[smem:$0x3FB4] =	sst s10  }
0x38: {  	s10 =	sld [smem:$0x3FB5]  }
0x39: {  	_ = 	snop;
	(pc) =	sbr.ind lr, $3  }
0x3a: {  	_ = 	snop  }
0x3b: {  	_ = 	snop  }
0x3c: {  	p2 =	seq.s32 s10, $0x1;
	s10 =	sld [smem:$0x3FB4]  }
0x3d: {  	_ =	shalt  }
0x3e: {  	_ =	shalt  }
0x3f: {  	_ =	shalt  }
0x40: {  	_ =	shalt  }
0x41: {  	_ =	shalt  }
0x42: {  	_ =	shalt  }
0x43: {  	_ =	shalt  }
0x44: {  	_ =	shalt  }
0x45: {  	_ =	shalt  }
0x46: {  	_ =	shalt  }
0x47: {  	_ =	shalt  }
0x48: {  	_ =	shalt  }
0x49: {  	_ =	shalt  }
0x4a: {  	_ =	shalt  }
0x4b: {  	_ =	shalt  }
0x4c: {  	_ =	shalt  }
0x4d: {  	_ =	shalt  }
0x4e: {  	_ =	shalt  }
0x4f: {  	_ =	shalt  }
0x50: {  	_ =	shalt  }
0x51: {  	_ =	shalt  }
0x52: {  	_ =	shalt  }
0x53: {  	_ =	shalt  }
0x54: {  	_ =	shalt  }
0x55: {  	_ =	shalt  }
0x56: {  	_ =	shalt  }
0x57: {  	_ =	shalt  }
0x58: {  	_ =	shalt  }
0x59: {  	_ =	shalt  }
0x5a: {  	_ =	shalt  }
0x5b: {  	_ =	shalt  }
0x5c: {  	_ =	shalt  }
0x5d: {  	_ =	shalt  }
0x5e: {  	_ =	shalt  }
0x5f: {  	_ =	shalt  }
0x60: {  	_ =	shalt  }
0x61: {  	_ =	shalt  }
0x62: {  	_ =	shalt  }
0x63: {  	_ =	shalt  }
0x64: {  	_ =	shalt  }
0x65: {  	_ =	shalt  }
0x66: {  	_ =	shalt  }
0x67: {  	_ =	shalt  }
0x68: {  	_ =	shalt  }
0x69: {  	_ =	shalt  }
0x6a: {  	_ =	shalt  }
0x6b: {  	_ =	shalt  }
0x6c: {  	_ =	shalt  }
0x6d: {  	_ =	shalt  }
0x6e: {  	_ =	shalt  }
0x6f: {  	_ =	shalt  }
0x70: {  	_ =	shalt  }
0x71: {  	_ =	shalt  }
0x72: {  	_ =	shalt  }
0x73: {  	_ =	shalt  }
0x74: {  	_ =	shalt  }
0x75: {  	_ =	shalt  }
0x76: {  	_ =	shalt  }
0x77: {  	_ =	shalt  }
0x78: {  	_ =	shalt  }
0x79: {  	_ =	shalt  }
0x7a: {  	_ =	shalt  }
0x7b: {  	_ =	shalt  }
0x7c: {  	_ =	shalt  }
0x7d: {  	_ =	shalt  }
0x7e: {  	_ =	shalt  }
0x7f: {  	_ =	shalt  }
0x80: {  	_ =	shalt  }
0x81: {  	_ =	shalt  }
0x82: {  	_ =	shalt  }
0x83: {  	_ =	shalt  }
0x84: {  	_ =	shalt  }
0x85: {  	_ =	shalt  }
0x86: {  	_ =	shalt  }
0x87: {  	_ =	shalt  }
.Lfunc_end0:
.L_simem_size_0:
called_computation.1_lowered:
.L_overlay_start_0:
0x88: {  	s2 =	sld [smem:$0x3FD9]  }
0x89: {  	s3 =	sld [smem:$0x3FFE];
	_ =	sdelay $0x1  }
0x8a: {  	s1 =	srdreg.scid  }
0x8b: {  	s0 =	sand.u32 $0x1, s1  }
0x8c: {  	s16 =	sshll.u32 s0, $0xA;
	s2 =	sadd.s32 s3, s2  }
0x8d: {  	s2 =	sadd.s32 s2, s16  }
0x8e: {  	[smem:$0x3FC0] =	sst s2  }
0x8f: {  	_ = 	snop  }
0x90: {  	(tm) =	ssettm $0x1  }
0x91: {  	s17 =	sld [smem:$0x3FFB];
	_ =	sdelay $0x3  }
0x92: {  	_ =	strace s17  }
0x93: {  	s2 =	sld [smem:$0x3FFC];
	_ =	sdelay $0x3  }
0x94: {  	_ =	strace s2  }
0x95: {  	s2 =	sld [smem:$0x3FFD];
	_ =	sdelay $0x3  }
0x96: {  	_ =	strace s2  }
0x97: {  	_ =	strace $0x8FFFFFFF  }
0x98: {  	s18 =	sld [smem:$0x3FDB];
	_ =	sdelay $0x1  }
0x99: {  	s19 =	simm.s32 $_scs_section_size  }
0x9a: {  	s4 =	simm.s32 $_size__tile_overlayer_lowered;
	s5 =	simm.s32 $_tile_overlayer_lowered  }
0x9b: {  	s22 =	simm.s32 $0x1BFF;
	s21 =	sshll.u32 s5, $0x1;
	s2 =	sadd.s32 s19, s18  }
0x9c: {  	s6 =	simm.s32 $0x0;
	s20 =	sshll.u32 s4, $0x1;
	s4 =	sadd.s32 s21, s2  }
0x9d: {  	[timem:s6], [sflag:s22] =	dma.local [hbm:s4], s20  }
0x9e: {  	_ =	swait.ge [sflag:s22], s20  }
0x9f: {  	s3 =	ssub.s32 $0x0, s20;
	[sflag:s22] =	ssyncset.done $0x0  }
0xa0: {  	[sflag:s22] =	ssyncadd.s32 s3;
	_ =	sdelay $0x1  }
0xa1: {  	s23 =	simm.s32 $0x1B8B  }
0xa2: {  	_ =	swait.ge [sflag:s23], $0x1  }
0xa3: {  	[sflag:s23] =	ssyncset.done $0x0  }
0xa4: {  	s25 =	simm.s32 $0x1B8E;
	s24 =	sld [smem:$0x3FFE];
	[sflag:s23] =	ssyncadd.s32 $0xFFFFFFFF  }
0xa5: {  	s26 =	simm.s32 $execute0_lowered;
	[smem:$0x3FD2] =	sst s25  }
0xa6: {  	s4 =	sshll.u32 s26, $0x1;
	_ =	strace $0x80000049;
	[dreg:$0x1] =	wrdreg $0xFFFFFFFF  }
0xa7: {  	s28 =	simm.s32 $_size_execute0_lowered;
	s2 =	sadd.s32 s2, s4;
	[dreg:$0x0] =	wrdreg $0x0  }
0xa8: {  	s4 =	sshll.u32 s28, $0x1;
	[dreg:$0x2] =	wrdreg s2  }
0xa9: {  	[dreg:$0x3] =	wrdreg s4  }
0xaa: {  	[dreg:$0x4] =	wrdreg $0xC0  }
0xab: {  	_ =	task [dreg:s6], $0x5FFFF  }
0xac: {  	[dreg:$0x1] =	wrdreg $0xFFFFFFFF  }
0xad: {  	[dreg:$0x0] =	wrdreg $0x60  }
0xae: {  	[dreg:$0x2] =	wrdreg s24  }
0xaf: {  	[dreg:$0x3] =	wrdreg $0x27800  }
0xb0: {  	[dreg:$0x4] =	wrdreg $0x9  }
0xb1: {  	_ =	task.clear_ibuf [dreg:s6], $0x5FFFF;
	_ =	strace $0x90000049  }
0xb2: {  	s29 =	simm.s32 $0x9;
	_ =	strace $0x8000004B  }
0xb3: {  	_ =	swait.ge [sflag:s29], $0x1  }
0xb4: {  	[sflag:s29] =	ssyncadd.s32 $0xFFFFFFFF  }
0xb5: {  	_ =	strace $0x9000004B  }
0xb6: {  	_ =	sfence  }
0xb7: {  	s30 =	sld [smem:$0x0];
	_ =	sdelay $0x2  }
0xb8: {  	s31 =	sshll.u32 s1, $0xD;
	s1 =	sshrl.u32 s1, $0x2  }
0xb9: {  	s3 =	sand.u32 $0x4000, s31;
	s1 =	sadd.s32 s1, s30  }
0xba: {  	s0 =	sor.u32 s3, s0;
	s1 =	sshll.u32 s1, $0x11  }
0xbb: {  	s0 =	sor.u32 s1, s0  }
0xbc: {  	s0 =	sadd.s32 $0x8F2B, s0  }
0xbd: {  	[sflag:s0] =	ssyncadd.remote.s32 $0x1  }
0xbe: {  	_ =	sfence.sel $0xFFFF  }
0xbf: {  	[dreg:$0x0] =	wrdreg $0xFFFFFFFF;
	(pc) =	sbr.abs _section_cstart, $3  }
0xc0: {  	[dreg:$0x1] =	wrdreg $0xFFFFFFFF  }
0xc1: {  	_ =	task.clear_ibuf [dreg:s6], $0x2FFFF;
	_ =	strace $0x9FFFFFFF  }
0xc2: {  	(tm) =	ssettm $0x7FFFFFFF  }
0xc3: {  	_ =	shalt  }
tec
execute0_lowered:
.L_overlay_start_1:
0x0: {  	(tag) =	ssettag $0x1  }
0x1: {  	s0 =	srdreg.scid  }
0x2: {  	s1 =	rddreg [dreg:$0x0];
	s14 =	stileid.u32  }
0x3: {  	s2 =	rddreg [dreg:$0x1];
	s29 =	simm.s32 $0x28;
	s28 =	simm.s32 $0x6  }
0x4: {  	s0 =	sand.u32 $0x1, s0;
	s6 =	smul.u32 $0x2700, s14;
	s15 =	sadd.s32 $0x3000, s1  }
0x5: {  	s5 =	sadd.s32 $0x3DE00, s1;
	s12 =	smul.u32 $0x4E000, s14;
	s13 =	sadd.s32 $0x16C00, s1  }
0x6: {  	s3 =	sshll.u32 s0, $0x4;
	s8 =	smul.u32 $0x27100, s0;
	s11 =	ssub.s32 $0x2, s0  }
0x7: {  	p0 =	seq.s32 s0, $0x0;
	s4 =	sor.u32 s14, s3;
	s3 =	simm.s32 $0x0  }
0x8: {  	s19 =	sshrl.u32 s11, $0x1;
	s20 =	sshrl.u32 s12, $0x2;
	s13 =	smov.u32 @p0 s5  }
0x9: {  	s4 =	smul.u32 $0x2710, s4;
	[smem:$0x7FF] =	sst s3;
	s0 =	sadd.s32 s20, s2  }
0xa: {  	s13 =	sadd.s32 s13, s6;
	_ =	strace $0x8000004A;
	[dreg:$0x4] =	wrdreg s0  }
0xb: {  	s10 =	sadd.s32 s6, s8;
	[dreg:$0xe] =	wrdreg s13;
	s7 =	sshrl.u32 s4, $0x3  }
0xc: {  	[dreg:$0x3] =	wrdreg s15;
	s22 =	sadd.s32 $0x28, s4;
	s9 =	sadd.s32 s7, s1  }
0xd: {  	s1 =	sadd.s32 s10, s1;
	s10 =	ssub.s32 s11, s19;
	s23 =	sadd.s32 s15, s7  }
0xe: {  	s11 =	smul.u32 $0x2710, s14;
	s14 =	sshll.u32 s14, $0x6;
	[dreg:$0x6] =	wrdreg s23  }
0xf: {  	s0 =	sshrl.u32 s22, $0x3;
	s21 =	sadd.s32 $0xCE00, s9;
	[dreg:$0xf] =	wrdreg s14  }
0x10: {  	s30 =	simm.s32 $0xD;
	s0 =	sadd.s32 s15, s0;
	[dreg:$0x5] =	wrdreg s21  }
0x11: {  	s31 =	simm.s32 $0x14;
	s26 =	sadd.s32 $0xA, s23;
	[dreg:$0x7] =	wrdreg s0  }
0x12: {  	s13 =	simm.s32 $0xC;
	s9 =	sadd.s32 $0x14, s23;
	[dreg:$0x8] =	wrdreg s26  }
0x13: {  	s24 =	sadd.s32 $0x78, s4;
	s1 =	sadd.s32 $0x65000, s1;
	[dreg:$0xa] =	wrdreg s9  }
0x14: {  	s25 =	sshrl.u32 s24, $0x3;
	s12 =	smax.u32 s10, $0x1;
	[dreg:$0xc] =	wrdreg s1  }
0x15: {  	s4 =	sadd.s32 $0xC8, s4;
	s0 =	sadd.s32 s15, s25;
	[dreg:$0xd] =	wrdreg s12  }
0x16: {  	s7 =	sshrl.u32 s4, $0x3;
	s1 =	sor.u32 $0x1C16, s14;
	[dreg:$0x9] =	wrdreg s0  }
0x17: {  	s12 =	simm.s32 $0x5;
	s0 =	sadd.s32 s15, s7;
	[dreg:$0x10] =	wrdreg s1  }
0x18: {  	s7 =	simm.s32 $0x0;
	[dreg:$0xb] =	wrdreg s0;
	s0 =	sadd.s32 s11, s8  }
0x19: {  	s8 =	simm.s32 $0x17;
	s11 =	simm.s32 $0x1DB80;
	s16 =	sadd.s32 $0x1E0, s0  }
0x1a: {  	s17 =	sadd.s32 $0x1B8, s0;
	s18 =	sadd.s32 $0x190, s0;
	s21 =	sadd.s32 $0x168, s0  }
0x1b: {  	s22 =	sadd.s32 $0x140, s0;
	s23 =	sadd.s32 $0xF0, s0;
	s0 =	sadd.s32 $0x118, s0  }
0x1c: {  	s1 =	sshrl.u32 s16, $0x3;
	s4 =	sshrl.u32 s17, $0x3;
	s20 =	sshrl.u32 s18, $0x3  }
0x1d: {  	s25 =	sshrl.u32 s23, $0x3;
	[dreg:$0x16] =	wrdreg s0;
	s23 =	simm.s32 $0x11  }
0x1e: {  	s0 =	simm.s32 $0xE;
	s1 =	sadd.s32 s1, s15;
	s19 =	sadd.s32 s4, s15  }
0x1f: {  	s4 =	sshrl.u32 s22, $0x3;
	s26 =	sadd.s32 s25, s15;
	[dreg:$0x11] =	wrdreg s1  }
0x20: {  	s25 =	simm.s32 $0xB;
	[dreg:$0x12] =	wrdreg s19;
	s1 =	sadd.s32 s20, s15  }
0x21: {  	s24 =	sadd.s32 s4, s15;
	[dreg:$0x17] =	wrdreg s26;
	s20 =	simm.s32 $0x16300  }
0x22: {  	s26 =	simm.s32 $0x12;
	[dreg:$0x13] =	wrdreg s1;
	s1 =	sshrl.u32 s21, $0x3  }
0x23: {  	s4 =	simm.s32 $0x13;
	[dreg:$0x15] =	wrdreg s24;
	s1 =	sadd.s32 s1, s15  }
0x24: {  	s24 =	simm.s32 $0x4;
	[dreg:$0x14] =	wrdreg s1;
	s1 =	simm.s32 $0x7  }
.LBB2_1:
0x25: {  	[dreg:$0x18] =	wrdreg s7  }
0x26: {  	s6 =	rddreg [dreg:$0x4]  }
0x27: {  	s18 =	rddreg [dreg:$0xe]  }
0x28: {  	s19 =	rddreg [dreg:$0x10];
	s9 =	sshrl.u32 s6, $0x3  }
0x29: {  	[dreg:$0x19] =	wrdreg s9  }
0x2a: {  	[spmem:s9], [sflag:s19] =	dma.local [hbm:s18], $0x2800  }
0x2b: {  	s6 =	rddreg [dreg:$0x5]  }
0x2c: {  	[tilespmem:s3], [sflag:$0x17] =	stream.linear.gather [hbm4b:s6+s3], $0x2710, $0x38;
	[tilespmem:$0x1EF80] =	vst v63  }
0x2d: {  	_ =	swait.ge [sflag:s8], $0x2710  }
0x2e: {  	[sflag:s8] =	ssyncset.done $0x0  }
0x2f: {  	s21 =	rddreg [dreg:$0x6];
	[sflag:s8] =	ssyncadd.s32 $0xFFFFD8F0;
	s8 =	simm.s32 $0x16000  }
0x30: {  	[tilespmem:s8], [sflag:$0x8] =	stream.linear.gather [hbm4b:s21+s3], $0x28, $0x38;
	[tilespmem:$0x1EF80] =	vst v63  }
0x31: {  	s9 =	simm.s32 $0x16380  }
0x32: {  	[tilespmem:s9], [sflag:$0x1] =	stream.indirect.gather [hbm4b:s5+s29], $0x80, s3, s29, $0xb8;
	[tilespmem:$0x1EF80] =	vst v63  }
0x33: {  	s10 =	simm.s32 $0x16080;
	s22 =	rddreg [dreg:$0x7]  }
0x34: {  	[tilespmem:s10], [sflag:$0x9] =	stream.linear.gather [hbm4b:s22+s3], $0x28, $0x38;
	[tilespmem:$0x1EF80] =	vst v63  }
0x35: {  	s14 =	simm.s32 $0x17780  }
0x36: {  	[tilespmem:s14], [sflag:$0x2] =	stream.indirect.gather [hbm4b:s5+s29], $0x80, s29, s29, $0xb8;
	[tilespmem:$0x1EF80] =	vst v63  }
0x37: {  	s17 =	simm.s32 $0x16100;
	s7 =	rddreg [dreg:$0x8]  }
0x38: {  	[tilespmem:s17], [sflag:$0xA] =	stream.linear.gather [hbm4b:s7+s3], $0x28, $0x38;
	[tilespmem:$0x1EF80] =	vst v63  }
0x39: {  	s15 =	simm.s32 $0x50;
	s19 =	simm.s32 $0x18B80  }
0x3a: {  	[tilespmem:s19], [sflag:$0x3] =	stream.indirect.gather [hbm4b:s5+s29], $0x80, s15, s29, $0xb8;
	[tilespmem:$0x1EF80] =	vst v63  }
0x3b: {  	s16 =	rddreg [dreg:$0x9];
	s21 =	simm.s32 $0x16180  }
0x3c: {  	[tilespmem:s21], [sflag:$0xB] =	stream.linear.gather [hbm4b:s16+s3], $0x28, $0x38;
	[tilespmem:$0x1EF80] =	vst v63  }
0x3d: {  	s18 =	simm.s32 $0x78;
	s22 =	simm.s32 $0x19F80  }
0x3e: {  	[tilespmem:s22], [sflag:$0x4] =	stream.indirect.gather [hbm4b:s5+s29], $0x80, s18, s29, $0xb8;
	[tilespmem:$0x1EF80] =	vst v63  }
0x3f: {  	s7 =	rddreg [dreg:$0xa];
	s15 =	simm.s32 $0x16200  }
0x40: {  	[tilespmem:s15], [sflag:$0xC] =	stream.linear.gather [hbm4b:s7+s3], $0x28, $0x38;
	[tilespmem:$0x1EF80] =	vst v63  }
0x41: {  	s16 =	simm.s32 $0xA0;
	s18 =	simm.s32 $0x1B380  }
0x42: {  	[tilespmem:s18], [sflag:$0x5] =	stream.indirect.gather [hbm4b:s5+s29], $0x80, s16, s29, $0xb8;
	[tilespmem:$0x1EF80] =	vst v63  }
0x43: {  	s7 =	rddreg [dreg:$0xb];
	s15 =	simm.s32 $0x16280  }
0x44: {  	[tilespmem:s15], [sflag:$0xD] =	stream.linear.gather [hbm4b:s7+s3], $0x28, $0x38;
	[tilespmem:$0x1EF80] =	vst v63  }
0x45: {  	s16 =	simm.s32 $0xC8;
	s18 =	simm.s32 $0x1C780;
	s7 =	simm.s32 $0x16  }
0x46: {  	[tilespmem:s18], [sflag:$0x6] =	stream.indirect.gather [hbm4b:s5+s29], $0x80, s16, s29, $0xb8;
	[tilespmem:$0x1EF80] =	vst v63  }
0x47: {  	_ =	swait.ge [sflag:s7], $0x2800  }
0x48: {  	p0 =	por $0x1, $0x1;
	[sflag:s7] =	ssyncset.done $0x0  }
0x49: {  	p0 =	por p0, p0;
	[sflag:s7] =	ssyncadd.s32 $0xFFFFD800  }
0x4a: {  	s6 =	simm.s32 @!p0 $0x15;
	[bflag:$0x0] =	sbarrier.arrive $0xFFFF  }
0x4b: {  	_ =	swait.ge @!p0 [sflag:s6], $0x1400  }
0x4c: {  	[sflag:s6] =	ssyncset.done @!p0 $0x0  }
0x4d: {  	s18 =	rddreg [dreg:$0x17];
	[sflag:s6] =	ssyncadd.s32 @!p0 $0xFFFFEC00  }
0x4e: {  	[tilespmem:s20], [sflag:$0xE] =	stream.linear.gather [hbm4b:s18+s3], $0x28, $0x38;
	[tilespmem:$0x1EF80] =	vst v63  }
0x4f: {  	s15 =	simm.s32 $0xF0;
	s16 =	simm.s32 $0x1  }
0x50: {  	[tilespmem:s11], [sflag:$0x7] =	stream.indirect.gather [hbm4b:s5+s29], $0x80, s15, s29, $0xb8;
	[tilespmem:$0x1EF80] =	vst v63  }
0x51: {  	_ =	swait.ge [sflag:s16], $0x1400  }
0x52: {  	[sflag:s16] =	ssyncset.done $0x0  }
0x53: {  	s20 =	simm.s32 $0x8;
	[sflag:s16] =	ssyncadd.s32 $0xFFFFEC00  }
0x54: {  	_ =	swait.ge [sflag:s20], $0x28  }
0x55: {  	[sflag:s20] =	ssyncset.done $0x0  }
0x56: {  	s6 =	simm.s32 $0xF;
	[sflag:s20] =	ssyncadd.s32 $0xFFFFFFD8  }
0x57: {  	[spmem:s2] =	stream.indirect.scatter [tilespmem:s9], [sflag:$0xF], $0x80, s8, s29, $0xb8;
	[tilespmem:$0x1EF80] =	vst v63  }
0x58: {  	_ =	swait.ge [sflag:s6], $0x1400  }
0x59: {  	s16 =	rddreg [dreg:$0x16]  }
0x5a: {  	[sflag:s6] =	ssyncset.done $0x0;
	s15 =	rddreg [dreg:$0x3];
	s11 =	sshrl.u32 s16, $0x3  }
0x5b: {  	[sflag:s6] =	ssyncadd.s32 $0xFFFFEC00;
	s6 =	sadd.s32 s15, s11  }
0x5c: {  	[tilespmem:s8], [sflag:$0x8] =	stream.linear.gather [hbm4b:s6+s3], $0x28, $0x38;
	[tilespmem:$0x1EF80] =	vst v63  }
0x5d: {  	s7 =	simm.s32 $0x2;
	s20 =	simm.s32 $0x118  }
0x5e: {  	[tilespmem:s9], [sflag:$0x1] =	stream.indirect.gather [hbm4b:s5+s29], $0x80, s20, s29, $0xb8;
	[tilespmem:$0x1EF80] =	vst v63  }
0x5f: {  	_ =	swait.ge [sflag:s7], $0x1400  }
0x60: {  	[sflag:s7] =	ssyncset.done $0x0  }
0x61: {  	s8 =	simm.s32 $0x9;
	[sflag:s7] =	ssyncadd.s32 $0xFFFFEC00  }
0x62: {  	_ =	swait.ge [sflag:s8], $0x28  }
0x63: {  	[sflag:s8] =	ssyncset.done $0x0  }
0x64: {  	s9 =	simm.s32 $0x10;
	[sflag:s8] =	ssyncadd.s32 $0xFFFFFFD8  }
0x65: {  	[spmem:s2] =	stream.indirect.scatter [tilespmem:s14], [sflag:$0x10], $0x80, s10, s29, $0xb8;
	[tilespmem:$0x1EF80] =	vst v63  }
0x66: {  	_ =	swait.ge [sflag:s9], $0x1400  }
0x67: {  	[sflag:s9] =	ssyncset.done $0x0  }
0x68: {  	s15 =	rddreg [dreg:$0x15];
	[sflag:s9] =	ssyncadd.s32 $0xFFFFEC00  }
0x69: {  	[tilespmem:s10], [sflag:$0x9] =	stream.linear.gather [hbm4b:s15+s3], $0x28, $0x38;
	[tilespmem:$0x1EF80] =	vst v63  }
0x6a: {  	s11 =	simm.s32 $0x140;
	s20 =	simm.s32 $0x3  }
0x6b: {  	[tilespmem:s14], [sflag:$0x2] =	stream.indirect.gather [hbm4b:s5+s29], $0x80, s11, s29, $0xb8;
	[tilespmem:$0x1EF80] =	vst v63  }
0x6c: {  	_ =	swait.ge [sflag:s20], $0x1400  }
0x6d: {  	[sflag:s20] =	ssyncset.done $0x0  }
0x6e: {  	s7 =	simm.s32 $0xA;
	[sflag:s20] =	ssyncadd.s32 $0xFFFFEC00  }
0x6f: {  	_ =	swait.ge [sflag:s7], $0x28  }
0x70: {  	[sflag:s7] =	ssyncset.done $0x0  }
0x71: {  	[sflag:s7] =	ssyncadd.s32 $0xFFFFFFD8  }
0x72: {  	[spmem:s2] =	stream.indirect.scatter [tilespmem:s19], [sflag:$0x11], $0x80, s17, s29, $0xb8;
	[tilespmem:$0x1EF80] =	vst v63  }
0x73: {  	_ =	swait.ge [sflag:s23], $0x1400  }
0x74: {  	[sflag:s23] =	ssyncset.done $0x0  }
0x75: {  	s11 =	rddreg [dreg:$0x14];
	[sflag:s23] =	ssyncadd.s32 $0xFFFFEC00  }
0x76: {  	[tilespmem:s17], [sflag:$0xA] =	stream.linear.gather [hbm4b:s11+s3], $0x28, $0x38;
	[tilespmem:$0x1EF80] =	vst v63  }
0x77: {  	s8 =	simm.s32 $0x168  }
0x78: {  	[tilespmem:s19], [sflag:$0x3] =	stream.indirect.gather [hbm4b:s5+s29], $0x80, s8, s29, $0xb8;
	[tilespmem:$0x1EF80] =	vst v63  }
0x79: {  	_ =	swait.ge [sflag:s24], $0x1400  }
0x7a: {  	[sflag:s24] =	ssyncset.done $0x0  }
0x7b: {  	[sflag:s24] =	ssyncadd.s32 $0xFFFFEC00  }
0x7c: {  	_ =	swait.ge [sflag:s25], $0x28  }
0x7d: {  	[sflag:s25] =	ssyncset.done $0x0  }
0x7e: {  	[sflag:s25] =	ssyncadd.s32 $0xFFFFFFD8  }
0x7f: {  	[spmem:s2] =	stream.indirect.scatter [tilespmem:s22], [sflag:$0x12], $0x80, s21, s29, $0xb8;
	[tilespmem:$0x1EF80] =	vst v63  }
0x80: {  	_ =	swait.ge [sflag:s26], $0x1400  }
0x81: {  	[sflag:s26] =	ssyncset.done $0x0  }
0x82: {  	s10 =	rddreg [dreg:$0x13];
	[sflag:s26] =	ssyncadd.s32 $0xFFFFEC00  }
0x83: {  	[tilespmem:s21], [sflag:$0xB] =	stream.linear.gather [hbm4b:s10+s3], $0x28, $0x38;
	[tilespmem:$0x1EF80] =	vst v63  }
0x84: {  	s9 =	simm.s32 $0x190  }
0x85: {  	[tilespmem:s22], [sflag:$0x4] =	stream.indirect.gather [hbm4b:s5+s29], $0x80, s9, s29, $0xb8;
	[tilespmem:$0x1EF80] =	vst v63  }
0x86: {  	_ =	swait.ge [sflag:s12], $0x1400  }
0x87: {  	[sflag:s12] =	ssyncset.done $0x0  }
0x88: {  	[sflag:s12] =	ssyncadd.s32 $0xFFFFEC00  }
0x89: {  	_ =	swait.ge [sflag:s13], $0x28  }
0x8a: {  	[sflag:s13] =	ssyncset.done $0x0  }
0x8b: {  	s14 =	simm.s32 $0x1B380;
	s17 =	simm.s32 $0x16200;
	[sflag:s13] =	ssyncadd.s32 $0xFFFFFFD8  }
0x8c: {  	[spmem:s2] =	stream.indirect.scatter [tilespmem:s14], [sflag:$0x13], $0x80, s17, s29, $0xb8;
	[tilespmem:$0x1EF80] =	vst v63  }
0x8d: {  	_ =	swait.ge [sflag:s4], $0x1400  }
0x8e: {  	[sflag:s4] =	ssyncset.done $0x0  }
0x8f: {  	s19 =	rddreg [dreg:$0x12];
	[sflag:s4] =	ssyncadd.s32 $0xFFFFEC00  }
0x90: {  	[tilespmem:s17], [sflag:$0xC] =	stream.linear.gather [hbm4b:s19+s3], $0x28, $0x38;
	[tilespmem:$0x1EF80] =	vst v63  }
0x91: {  	s20 =	simm.s32 $0x1B8  }
0x92: {  	[tilespmem:s14], [sflag:$0x5] =	stream.indirect.gather [hbm4b:s5+s29], $0x80, s20, s29, $0xb8;
	[tilespmem:$0x1EF80] =	vst v63  }
0x93: {  	_ =	swait.ge [sflag:s28], $0x1400  }
0x94: {  	[sflag:s28] =	ssyncset.done $0x0  }
0x95: {  	[sflag:s28] =	ssyncadd.s32 $0xFFFFEC00  }
0x96: {  	_ =	swait.ge [sflag:s30], $0x28  }
0x97: {  	[sflag:s30] =	ssyncset.done $0x0  }
0x98: {  	s21 =	simm.s32 $0x16280;
	s22 =	simm.s32 $0x1C780;
	[sflag:s30] =	ssyncadd.s32 $0xFFFFFFD8  }
0x99: {  	[spmem:s2] =	stream.indirect.scatter [tilespmem:s22], [sflag:$0x14], $0x80, s21, s29, $0xb8;
	[tilespmem:$0x1EF80] =	vst v63  }
0x9a: {  	p0 =	por $0x0, $0x0;
	_ =	swait.ge [sflag:s31], $0x1400  }
0x9b: {  	p6 =	por $0x0, $0x0;
	s7 =	simm.s32 @!p0 $0x0;
	[sflag:s31] =	ssyncset.done $0x0  }
0x9c: {  	s8 =	simm.s32 @!p0 $0x16280;
	s14 =	rddreg [dreg:$0x11];
	[sflag:s31] =	ssyncadd.s32 $0xFFFFEC00  }
0x9d: {  	[tilespmem:s8], [sflag:$0xD] =	stream.linear.gather @!p0 [hbm4b:s14+s7], $0x28, $0x38;
	[tilespmem:$0x1EF80] =	vst v63  }
0x9e: {  	s9 =	simm.s32 @!p0 $0x1E0;
	s7 =	simm.s32 @!p0 $0x28;
	s8 =	simm.s32 @!p0 $0x1C780  }
0x9f: {  	[tilespmem:s8], [sflag:$0x6] =	stream.indirect.gather @!p0 [hbm4b:s5+s7], $0x80, s9, s7, $0xb8;
	[tilespmem:$0x1EF80] =	vst v63  }
0xa0: {  	s18 =	sadd.s32 $0x23, s18;
	s16 =	sadd.s32 $0x118, s16;
	_ =	swait.ge [sflag:s1], $0x1400  }
0xa1: {  	s6 =	simm.s32 $0x460;
	s15 =	sadd.s32 $0x23, s15;
	[sflag:s1] =	ssyncset.done $0x0  }
0xa2: {  	s11 =	sadd.s32 $0x23, s11;
	s10 =	sadd.s32 $0x23, s10;
	[sflag:s1] =	ssyncadd.s32 $0xFFFFEC00  }
0xa3: {  	s17 =	simm.s32 $0x8C0;
	p0 =	por p6, p6;
	_ =	swait.ge [sflag:s0], $0x28  }
0xa4: {  	s7 =	sadd.s32 $0x23, s14;
	s9 =	sadd.s32 $0x23, s19;
	[sflag:s0] =	ssyncset.done $0x0  }
.LBB2_2:
0xa5: {  	s14 =	simm.s32 @!p0 $0x15  }
0xa6: {  	[sflag:s0] =	ssyncadd.s32 $0xFFFFFFD8;
	s19 =	simm.s32 $0x16300;
	s20 =	simm.s32 $0x1DB80  }
0xa7: {  	[spmem:s2] =	stream.indirect.scatter [tilespmem:s20], [sflag:$0x15], $0x80, s19, s29, $0xb8;
	[tilespmem:$0x1EF80] =	vst v63  }
0xa8: {  	_ =	swait.ge @!p0 [sflag:s14], $0x1400  }
0xa9: {  	[sflag:s14] =	ssyncset.done @!p0 $0x0  }
0xaa: {  	[sflag:s14] =	ssyncadd.s32 @!p0 $0xFFFFEC00;
	s14 =	sshra.s32 s6, $0x2  }
0xab: {  	[tilespmem:s19], [sflag:$0xE] =	stream.linear.gather [hbm4b:s18+s3], $0x28, $0x38;
	[tilespmem:$0x1EF80] =	vst v63  }
0xac: {  	s22 =	simm.s32 $0x1;
	s21 =	sadd.s32 $0xF0, s14  }
0xad: {  	[tilespmem:s20], [sflag:$0x7] =	stream.indirect.gather [hbm4b:s5+s29], $0x80, s21, s29, $0xb8;
	[tilespmem:$0x1EF80] =	vst v63  }
0xae: {  	_ =	swait.ge [sflag:s22], $0x1400  }
0xaf: {  	[sflag:s22] =	ssyncset.done $0x0  }
0xb0: {  	s20 =	simm.s32 $0x8;
	[sflag:s22] =	ssyncadd.s32 $0xFFFFEC00  }
0xb1: {  	_ =	swait.ge [sflag:s20], $0x28  }
0xb2: {  	s21 =	simm.s32 $0x16000;
	[sflag:s20] =	ssyncset.done $0x0  }
0xb3: {  	s22 =	simm.s32 $0x16380;
	[sflag:s20] =	ssyncadd.s32 $0xFFFFFFD8;
	s20 =	simm.s32 $0xF  }
0xb4: {  	[spmem:s2] =	stream.indirect.scatter [tilespmem:s22], [sflag:$0xF], $0x80, s21, s29, $0xb8;
	[tilespmem:$0x1EF80] =	vst v63  }
0xb5: {  	_ =	swait.ge [sflag:s20], $0x1400  }
0xb6: {  	[sflag:s20] =	ssyncset.done $0x0  }
0xb7: {  	s19 =	sshrl.u32 s16, $0x3;
	[sflag:s20] =	ssyncadd.s32 $0xFFFFEC00;
	s20 =	rddreg [dreg:$0x3]  }
0xb8: {  	s19 =	sadd.s32 s20, s19  }
0xb9: {  	[tilespmem:s21], [sflag:$0x8] =	stream.linear.gather [hbm4b:s19+s3], $0x28, $0x38;
	[tilespmem:$0x1EF80] =	vst v63  }
0xba: {  	s20 =	simm.s32 $0x2;
	s21 =	sadd.s32 $0x118, s14  }
0xbb: {  	[tilespmem:s22], [sflag:$0x1] =	stream.indirect.gather [hbm4b:s5+s29], $0x80, s21, s29, $0xb8;
	[tilespmem:$0x1EF80] =	vst v63  }
0xbc: {  	_ =	swait.ge [sflag:s20], $0x1400  }
0xbd: {  	[sflag:s20] =	ssyncset.done $0x0  }
0xbe: {  	s21 =	simm.s32 $0x9;
	[sflag:s20] =	ssyncadd.s32 $0xFFFFEC00  }
0xbf: {  	_ =	swait.ge [sflag:s21], $0x28  }
0xc0: {  	s19 =	simm.s32 $0x16080;
	[sflag:s21] =	ssyncset.done $0x0  }
0xc1: {  	s22 =	simm.s32 $0x10;
	s20 =	simm.s32 $0x17780;
	[sflag:s21] =	ssyncadd.s32 $0xFFFFFFD8  }
0xc2: {  	[spmem:s2] =	stream.indirect.scatter [tilespmem:s20], [sflag:$0x10], $0x80, s19, s29, $0xb8;
	[tilespmem:$0x1EF80] =	vst v63  }
0xc3: {  	_ =	swait.ge [sflag:s22], $0x1400  }
0xc4: {  	[sflag:s22] =	ssyncset.done $0x0  }
0xc5: {  	[sflag:s22] =	ssyncadd.s32 $0xFFFFEC00  }
0xc6: {  	[tilespmem:s19], [sflag:$0x9] =	stream.linear.gather [hbm4b:s15+s3], $0x28, $0x38;
	[tilespmem:$0x1EF80] =	vst v63  }
0xc7: {  	s21 =	simm.s32 $0x3;
	s22 =	sadd.s32 $0x140, s14  }
0xc8: {  	[tilespmem:s20], [sflag:$0x2] =	stream.indirect.gather [hbm4b:s5+s29], $0x80, s22, s29, $0xb8;
	[tilespmem:$0x1EF80] =	vst v63  }
0xc9: {  	_ =	swait.ge [sflag:s21], $0x1400  }
0xca: {  	[sflag:s21] =	ssyncset.done $0x0  }
0xcb: {  	s22 =	simm.s32 $0xA;
	[sflag:s21] =	ssyncadd.s32 $0xFFFFEC00  }
0xcc: {  	_ =	swait.ge [sflag:s22], $0x28  }
0xcd: {  	[sflag:s22] =	ssyncset.done $0x0  }
0xce: {  	s20 =	simm.s32 $0x16100;
	s21 =	simm.s32 $0x18B80;
	[sflag:s22] =	ssyncadd.s32 $0xFFFFFFD8  }
0xcf: {  	[spmem:s2] =	stream.indirect.scatter [tilespmem:s21], [sflag:$0x11], $0x80, s20, s29, $0xb8;
	[tilespmem:$0x1EF80] =	vst v63  }
0xd0: {  	_ =	swait.ge [sflag:s23], $0x1400  }
0xd1: {  	[sflag:s23] =	ssyncset.done $0x0  }
0xd2: {  	[sflag:s23] =	ssyncadd.s32 $0xFFFFEC00  }
0xd3: {  	[tilespmem:s20], [sflag:$0xA] =	stream.linear.gather [hbm4b:s11+s3], $0x28, $0x38;
	[tilespmem:$0x1EF80] =	vst v63  }
0xd4: {  	s22 =	sadd.s32 $0x168, s14  }
0xd5: {  	[tilespmem:s21], [sflag:$0x3] =	stream.indirect.gather [hbm4b:s5+s29], $0x80, s22, s29, $0xb8;
	[tilespmem:$0x1EF80] =	vst v63  }
0xd6: {  	_ =	swait.ge [sflag:s24], $0x1400  }
0xd7: {  	[sflag:s24] =	ssyncset.done $0x0  }
0xd8: {  	[sflag:s24] =	ssyncadd.s32 $0xFFFFEC00  }
0xd9: {  	_ =	swait.ge [sflag:s25], $0x28  }
0xda: {  	[sflag:s25] =	ssyncset.done $0x0  }
0xdb: {  	s20 =	simm.s32 $0x16180;
	s21 =	simm.s32 $0x19F80;
	[sflag:s25] =	ssyncadd.s32 $0xFFFFFFD8  }
0xdc: {  	[spmem:s2] =	stream.indirect.scatter [tilespmem:s21], [sflag:$0x12], $0x80, s20, s29, $0xb8;
	[tilespmem:$0x1EF80] =	vst v63  }
0xdd: {  	_ =	swait.ge [sflag:s26], $0x1400  }
0xde: {  	[sflag:s26] =	ssyncset.done $0x0  }
0xdf: {  	[sflag:s26] =	ssyncadd.s32 $0xFFFFEC00  }
0xe0: {  	[tilespmem:s20], [sflag:$0xB] =	stream.linear.gather [hbm4b:s10+s3], $0x28, $0x38;
	[tilespmem:$0x1EF80] =	vst v63  }
0xe1: {  	s22 =	sadd.s32 $0x190, s14  }
0xe2: {  	[tilespmem:s21], [sflag:$0x4] =	stream.indirect.gather [hbm4b:s5+s29], $0x80, s22, s29, $0xb8;
	[tilespmem:$0x1EF80] =	vst v63  }
0xe3: {  	_ =	swait.ge [sflag:s12], $0x1400  }
0xe4: {  	[sflag:s12] =	ssyncset.done $0x0  }
0xe5: {  	[sflag:s12] =	ssyncadd.s32 $0xFFFFEC00  }
0xe6: {  	_ =	swait.ge [sflag:s13], $0x28  }
0xe7: {  	[sflag:s13] =	ssyncset.done $0x0  }
0xe8: {  	s21 =	simm.s32 $0x16200;
	s22 =	simm.s32 $0x1B380;
	[sflag:s13] =	ssyncadd.s32 $0xFFFFFFD8  }
0xe9: {  	[spmem:s2] =	stream.indirect.scatter [tilespmem:s22], [sflag:$0x13], $0x80, s21, s29, $0xb8;
	[tilespmem:$0x1EF80] =	vst v63  }
0xea: {  	_ =	swait.ge [sflag:s4], $0x1400  }
0xeb: {  	[sflag:s4] =	ssyncset.done $0x0  }
0xec: {  	[sflag:s4] =	ssyncadd.s32 $0xFFFFEC00  }
0xed: {  	[tilespmem:s21], [sflag:$0xC] =	stream.linear.gather [hbm4b:s9+s3], $0x28, $0x38;
	[tilespmem:$0x1EF80] =	vst v63  }
0xee: {  	s14 =	sadd.s32 $0x1B8, s14  }
0xef: {  	[tilespmem:s22], [sflag:$0x5] =	stream.indirect.gather [hbm4b:s5+s29], $0x80, s14, s29, $0xb8;
	[tilespmem:$0x1EF80] =	vst v63  }
0xf0: {  	_ =	swait.ge [sflag:s28], $0x1400  }
0xf1: {  	[sflag:s28] =	ssyncset.done $0x0  }
0xf2: {  	[sflag:s28] =	ssyncadd.s32 $0xFFFFEC00  }
0xf3: {  	p2 =	seq.s32 s17, $0x0;
	_ =	swait.ge [sflag:s30], $0x28  }
0xf4: {  	s8 =	smov.u32 s17;
	s17 =	sadd.s32 $0x460, s17;
	[sflag:s30] =	ssyncset.done $0x0  }
0xf5: {  	s21 =	simm.s32 $0x16280;
	s22 =	simm.s32 $0x1C780;
	[sflag:s30] =	ssyncadd.s32 $0xFFFFFFD8  }
0xf6: {  	[spmem:s2] =	stream.indirect.scatter [tilespmem:s22], [sflag:$0x14], $0x80, s21, s29, $0xb8;
	[tilespmem:$0x1EF80] =	vst v63  }
0xf7: {  	p0 =	por p2, p2;
	p2 =	seq.s32 s6, $0x94C0;
	_ =	swait.ge [sflag:s31], $0x1400  }
0xf8: {  	p1 =	sne.s32 s17, $0x9920;
	s6 =	sshra.s32 @!p2 s6, $0x2;
	[sflag:s31] =	ssyncset.done $0x0  }
0xf9: {  	s19 =	simm.s32 @!p2 $0x16280;
	s14 =	simm.s32 @!p2 $0x0;
	[sflag:s31] =	ssyncadd.s32 $0xFFFFEC00  }
0xfa: {  	[tilespmem:s19], [sflag:$0xD] =	stream.linear.gather @!p2 [hbm4b:s7+s14], $0x28, $0x38;
	[tilespmem:$0x1EF80] =	vst v63  }
0xfb: {  	s20 =	sadd.s32 @!p2 $0x1E0, s6;
	s14 =	simm.s32 @!p2 $0x28;
	s19 =	simm.s32 @!p2 $0x1C780  }
0xfc: {  	[tilespmem:s19], [sflag:$0x6] =	stream.indirect.gather @!p2 [hbm4b:s5+s14], $0x80, s20, s14, $0xb8;
	[tilespmem:$0x1EF80] =	vst v63  }
.Ltmp0:
0xfd: {  	_ =	swait.ge [sflag:s1], $0x1400;
	(pc) =	sbr.rel @p1 .LBB2_2-.Ltmp0, $4  }
0xfe: {  	s18 =	sadd.s32 $0x23, s18;
	s16 =	sadd.s32 $0x118, s16;
	[sflag:s1] =	ssyncset.done $0x0  }
0xff: {  	s15 =	sadd.s32 $0x23, s15;
	s11 =	sadd.s32 $0x23, s11;
	[sflag:s1] =	ssyncadd.s32 $0xFFFFEC00  }
0x100: {  	s6 =	smov.u32 s8;
	s10 =	sadd.s32 $0x23, s10;
	_ =	swait.ge [sflag:s0], $0x28  }
0x101: {  	s9 =	sadd.s32 $0x23, s9;
	s7 =	sadd.s32 $0x23, s7;
	[sflag:s0] =	ssyncset.done $0x0  }
0x102: {  	s8 =	simm.s32 @!p0 $0x15  }
0x103: {  	[sflag:s0] =	ssyncadd.s32 $0xFFFFFFD8;
	s14 =	simm.s32 $0x16300;
	s17 =	simm.s32 $0x1DB80  }
0x104: {  	[spmem:s2] =	stream.indirect.scatter [tilespmem:s17], [sflag:$0x15], $0x80, s14, s29, $0xb8;
	[tilespmem:$0x1EF80] =	vst v63  }
0x105: {  	_ =	swait.ge @!p0 [sflag:s8], $0x1400  }
0x106: {  	[sflag:s8] =	ssyncset.done @!p0 $0x0  }
0x107: {  	[sflag:s8] =	ssyncadd.s32 @!p0 $0xFFFFEC00;
	s8 =	sshra.s32 s6, $0x2  }
0x108: {  	[tilespmem:s14], [sflag:$0xE] =	stream.linear.gather [hbm4b:s18+s3], $0x28, $0x38;
	[tilespmem:$0x1EF80] =	vst v63  }
0x109: {  	s22 =	simm.s32 $0x1;
	s21 =	sadd.s32 $0xF0, s8  }
0x10a: {  	[tilespmem:s17], [sflag:$0x7] =	stream.indirect.gather [hbm4b:s5+s29], $0x80, s21, s29, $0xb8;
	[tilespmem:$0x1EF80] =	vst v63  }
0x10b: {  	_ =	swait.ge [sflag:s22], $0x1400  }
0x10c: {  	[sflag:s22] =	ssyncset.done $0x0  }
0x10d: {  	s18 =	simm.s32 $0x8;
	[sflag:s22] =	ssyncadd.s32 $0xFFFFEC00  }
0x10e: {  	_ =	swait.ge [sflag:s18], $0x28  }
0x10f: {  	s20 =	simm.s32 $0x16000;
	[sflag:s18] =	ssyncset.done $0x0  }
0x110: {  	s19 =	simm.s32 $0xF;
	s21 =	simm.s32 $0x16380;
	[sflag:s18] =	ssyncadd.s32 $0xFFFFFFD8  }
0x111: {  	[spmem:s2] =	stream.indirect.scatter [tilespmem:s21], [sflag:$0xF], $0x80, s20, s29, $0xb8;
	[tilespmem:$0x1EF80] =	vst v63  }
0x112: {  	_ =	swait.ge [sflag:s19], $0x1400  }
0x113: {  	s16 =	sshrl.u32 s16, $0x3;
	[sflag:s19] =	ssyncset.done $0x0;
	s17 =	rddreg [dreg:$0x3]  }
0x114: {  	[sflag:s19] =	ssyncadd.s32 $0xFFFFEC00;
	s14 =	sadd.s32 s17, s16  }
0x115: {  	[tilespmem:s20], [sflag:$0x8] =	stream.linear.gather [hbm4b:s14+s3], $0x28, $0x38;
	[tilespmem:$0x1EF80] =	vst v63  }
0x116: {  	s22 =	sadd.s32 $0x118, s8;
	s17 =	simm.s32 $0x2  }
0x117: {  	[tilespmem:s21], [sflag:$0x1] =	stream.indirect.gather [hbm4b:s5+s29], $0x80, s22, s29, $0xb8;
	[tilespmem:$0x1EF80] =	vst v63  }
0x118: {  	_ =	swait.ge [sflag:s17], $0x1400  }
0x119: {  	[sflag:s17] =	ssyncset.done $0x0  }
0x11a: {  	s22 =	simm.s32 $0x9;
	[sflag:s17] =	ssyncadd.s32 $0xFFFFEC00  }
0x11b: {  	_ =	swait.ge [sflag:s22], $0x28  }
0x11c: {  	s16 =	simm.s32 $0x16080;
	[sflag:s22] =	ssyncset.done $0x0  }
0x11d: {  	s20 =	simm.s32 $0x17780;
	s21 =	simm.s32 $0x10;
	[sflag:s22] =	ssyncadd.s32 $0xFFFFFFD8  }
0x11e: {  	[spmem:s2] =	stream.indirect.scatter [tilespmem:s20], [sflag:$0x10], $0x80, s16, s29, $0xb8;
	[tilespmem:$0x1EF80] =	vst v63  }
0x11f: {  	_ =	swait.ge [sflag:s21], $0x1400  }
0x120: {  	[sflag:s21] =	ssyncset.done $0x0  }
0x121: {  	[sflag:s21] =	ssyncadd.s32 $0xFFFFEC00  }
0x122: {  	[tilespmem:s16], [sflag:$0x9] =	stream.linear.gather [hbm4b:s15+s3], $0x28, $0x38;
	[tilespmem:$0x1EF80] =	vst v63  }
0x123: {  	s16 =	sadd.s32 $0x140, s8  }
0x124: {  	[tilespmem:s20], [sflag:$0x2] =	stream.indirect.gather [hbm4b:s5+s29], $0x80, s16, s29, $0xb8;
	[tilespmem:$0x1EF80] =	vst v63  }
0x125: {  	s16 =	simm.s32 $0x3  }
0x126: {  	_ =	swait.ge [sflag:s16], $0x1400  }
0x127: {  	[sflag:s16] =	ssyncset.done $0x0  }
0x128: {  	s15 =	simm.s32 $0xA;
	[sflag:s16] =	ssyncadd.s32 $0xFFFFEC00  }
0x129: {  	_ =	swait.ge [sflag:s15], $0x28  }
0x12a: {  	[sflag:s15] =	ssyncset.done $0x0  }
0x12b: {  	s14 =	simm.s32 $0x18B80;
	s20 =	simm.s32 $0x16100;
	[sflag:s15] =	ssyncadd.s32 $0xFFFFFFD8  }
0x12c: {  	[spmem:s2] =	stream.indirect.scatter [tilespmem:s14], [sflag:$0x11], $0x80, s20, s29, $0xb8;
	[tilespmem:$0x1EF80] =	vst v63  }
0x12d: {  	_ =	swait.ge [sflag:s23], $0x1400  }
0x12e: {  	[sflag:s23] =	ssyncset.done $0x0  }
0x12f: {  	[sflag:s23] =	ssyncadd.s32 $0xFFFFEC00  }
0x130: {  	[tilespmem:s20], [sflag:$0xA] =	stream.linear.gather [hbm4b:s11+s3], $0x28, $0x38;
	[tilespmem:$0x1EF80] =	vst v63  }
0x131: {  	s20 =	sadd.s32 $0x168, s8  }
0x132: {  	[tilespmem:s14], [sflag:$0x3] =	stream.indirect.gather [hbm4b:s5+s29], $0x80, s20, s29, $0xb8;
	[tilespmem:$0x1EF80] =	vst v63  }
0x133: {  	_ =	swait.ge [sflag:s24], $0x1400  }
0x134: {  	[sflag:s24] =	ssyncset.done $0x0  }
0x135: {  	[sflag:s24] =	ssyncadd.s32 $0xFFFFEC00  }
0x136: {  	_ =	swait.ge [sflag:s25], $0x28  }
0x137: {  	[sflag:s25] =	ssyncset.done $0x0  }
0x138: {  	s11 =	simm.s32 $0x19F80;
	s14 =	simm.s32 $0x16180;
	[sflag:s25] =	ssyncadd.s32 $0xFFFFFFD8  }
0x139: {  	[spmem:s2] =	stream.indirect.scatter [tilespmem:s11], [sflag:$0x12], $0x80, s14, s29, $0xb8;
	[tilespmem:$0x1EF80] =	vst v63  }
0x13a: {  	_ =	swait.ge [sflag:s26], $0x1400  }
0x13b: {  	[sflag:s26] =	ssyncset.done $0x0  }
0x13c: {  	[sflag:s26] =	ssyncadd.s32 $0xFFFFEC00  }
0x13d: {  	[tilespmem:s14], [sflag:$0xB] =	stream.linear.gather [hbm4b:s10+s3], $0x28, $0x38;
	[tilespmem:$0x1EF80] =	vst v63  }
0x13e: {  	s20 =	sadd.s32 $0x190, s8  }
0x13f: {  	[tilespmem:s11], [sflag:$0x4] =	stream.indirect.gather [hbm4b:s5+s29], $0x80, s20, s29, $0xb8;
	[tilespmem:$0x1EF80] =	vst v63  }
0x140: {  	_ =	swait.ge [sflag:s12], $0x1400  }
0x141: {  	[sflag:s12] =	ssyncset.done $0x0  }
0x142: {  	[sflag:s12] =	ssyncadd.s32 $0xFFFFEC00  }
0x143: {  	_ =	swait.ge [sflag:s13], $0x28  }
0x144: {  	[sflag:s13] =	ssyncset.done $0x0  }
0x145: {  	s10 =	simm.s32 $0x1B380;
	s20 =	simm.s32 $0x16200;
	[sflag:s13] =	ssyncadd.s32 $0xFFFFFFD8  }
0x146: {  	[spmem:s2] =	stream.indirect.scatter [tilespmem:s10], [sflag:$0x13], $0x80, s20, s29, $0xb8;
	[tilespmem:$0x1EF80] =	vst v63  }
0x147: {  	_ =	swait.ge [sflag:s4], $0x1400  }
0x148: {  	[sflag:s4] =	ssyncset.done $0x0  }
0x149: {  	[sflag:s4] =	ssyncadd.s32 $0xFFFFEC00  }
0x14a: {  	[tilespmem:s20], [sflag:$0xC] =	stream.linear.gather [hbm4b:s9+s3], $0x28, $0x38;
	[tilespmem:$0x1EF80] =	vst v63  }
0x14b: {  	s8 =	sadd.s32 $0x1B8, s8  }
0x14c: {  	[tilespmem:s10], [sflag:$0x5] =	stream.indirect.gather [hbm4b:s5+s29], $0x80, s8, s29, $0xb8;
	[tilespmem:$0x1EF80] =	vst v63  }
0x14d: {  	_ =	swait.ge [sflag:s28], $0x1400  }
0x14e: {  	[sflag:s28] =	ssyncset.done $0x0  }
0x14f: {  	[sflag:s28] =	ssyncadd.s32 $0xFFFFEC00  }
0x150: {  	_ =	swait.ge [sflag:s30], $0x28  }
0x151: {  	[sflag:s30] =	ssyncset.done $0x0  }
0x152: {  	s11 =	simm.s32 $0x16280;
	s20 =	simm.s32 $0x1C780;
	[sflag:s30] =	ssyncadd.s32 $0xFFFFFFD8  }
0x153: {  	[spmem:s2] =	stream.indirect.scatter [tilespmem:s20], [sflag:$0x14], $0x80, s11, s29, $0xb8;
	[tilespmem:$0x1EF80] =	vst v63  }
0x154: {  	p0 =	seq.s32 s6, $0x94C0;
	_ =	swait.ge [sflag:s31], $0x1400  }
0x155: {  	s6 =	sshra.s32 @!p0 s6, $0x2;
	[sflag:s31] =	ssyncset.done $0x0  }
0x156: {  	s9 =	simm.s32 @!p0 $0x16280;
	s8 =	simm.s32 @!p0 $0x0;
	[sflag:s31] =	ssyncadd.s32 $0xFFFFEC00  }
0x157: {  	[tilespmem:s9], [sflag:$0xD] =	stream.linear.gather @!p0 [hbm4b:s7+s8], $0x28, $0x38;
	[tilespmem:$0x1EF80] =	vst v63  }
0x158: {  	s6 =	sadd.s32 @!p0 $0x1E0, s6;
	s7 =	simm.s32 @!p0 $0x28;
	s8 =	simm.s32 @!p0 $0x1C780  }
0x159: {  	[tilespmem:s8], [sflag:$0x6] =	stream.indirect.gather @!p0 [hbm4b:s5+s7], $0x80, s6, s7, $0xb8;
	[tilespmem:$0x1EF80] =	vst v63  }
0x15a: {  	_ =	swait.ge [sflag:s1], $0x1400  }
0x15b: {  	[sflag:s1] =	ssyncset.done $0x0  }
0x15c: {  	[sflag:s1] =	ssyncadd.s32 $0xFFFFEC00  }
0x15d: {  	_ =	swait.ge [sflag:s0], $0x28  }
0x15e: {  	s9 =	simm.s32 $0x1DB80;
	[sflag:s0] =	ssyncset.done $0x0  }
0x15f: {  	s8 =	simm.s32 $0x16300;
	s7 =	simm.s32 $0x15;
	[sflag:s0] =	ssyncadd.s32 $0xFFFFFFD8  }
0x160: {  	[spmem:s2] =	stream.indirect.scatter [tilespmem:s9], [sflag:$0x15], $0x80, s8, s29, $0xb8;
	[tilespmem:$0x1EF80] =	vst v63  }
0x161: {  	_ =	swait.ge [sflag:s7], $0x1400  }
0x162: {  	[sflag:s7] =	ssyncset.done $0x0  }
0x163: {  	s8 =	simm.s32 $0x1;
	[sflag:s7] =	ssyncadd.s32 $0xFFFFEC00  }
0x164: {  	_ =	swait.ge [sflag:s8], $0x1400  }
0x165: {  	[sflag:s8] =	ssyncset.done $0x0  }
0x166: {  	[sflag:s8] =	ssyncadd.s32 $0xFFFFEC00  }
0x167: {  	_ =	swait.ge [sflag:s18], $0x28  }
0x168: {  	[sflag:s18] =	ssyncset.done $0x0  }
0x169: {  	s9 =	simm.s32 $0x16000;
	[sflag:s18] =	ssyncadd.s32 $0xFFFFFFD8;
	s18 =	simm.s32 $0x16380  }
0x16a: {  	[spmem:s2] =	stream.indirect.scatter [tilespmem:s18], [sflag:$0xF], $0x80, s9, s29, $0xb8;
	[tilespmem:$0x1EF80] =	vst v63  }
0x16b: {  	_ =	swait.ge [sflag:s19], $0x1400  }
0x16c: {  	[sflag:s19] =	ssyncset.done $0x0  }
0x16d: {  	[sflag:s19] =	ssyncadd.s32 $0xFFFFEC00  }
0x16e: {  	_ =	swait.ge [sflag:s17], $0x1400  }
0x16f: {  	[sflag:s17] =	ssyncset.done $0x0  }
0x170: {  	[sflag:s17] =	ssyncadd.s32 $0xFFFFEC00  }
0x171: {  	_ =	swait.ge [sflag:s22], $0x28  }
0x172: {  	[sflag:s22] =	ssyncset.done $0x0  }
0x173: {  	s19 =	simm.s32 $0x16080;
	[sflag:s22] =	ssyncadd.s32 $0xFFFFFFD8;
	s22 =	simm.s32 $0x17780  }
0x174: {  	[spmem:s2] =	stream.indirect.scatter [tilespmem:s22], [sflag:$0x10], $0x80, s19, s29, $0xb8;
	[tilespmem:$0x1EF80] =	vst v63  }
0x175: {  	_ =	swait.ge [sflag:s21], $0x1400  }
0x176: {  	[sflag:s21] =	ssyncset.done $0x0  }
0x177: {  	[sflag:s21] =	ssyncadd.s32 $0xFFFFEC00  }
0x178: {  	_ =	swait.ge [sflag:s16], $0x1400  }
0x179: {  	[sflag:s16] =	ssyncset.done $0x0  }
0x17a: {  	[sflag:s16] =	ssyncadd.s32 $0xFFFFEC00  }
0x17b: {  	_ =	swait.ge [sflag:s15], $0x28  }
0x17c: {  	[sflag:s15] =	ssyncset.done $0x0  }
0x17d: {  	s8 =	simm.s32 $0x16100;
	s9 =	simm.s32 $0x18B80;
	[sflag:s15] =	ssyncadd.s32 $0xFFFFFFD8  }
0x17e: {  	[spmem:s2] =	stream.indirect.scatter [tilespmem:s9], [sflag:$0x11], $0x80, s8, s29, $0xb8;
	[tilespmem:$0x1EF80] =	vst v63  }
0x17f: {  	_ =	swait.ge [sflag:s23], $0x1400  }
0x180: {  	[sflag:s23] =	ssyncset.done $0x0  }
0x181: {  	[sflag:s23] =	ssyncadd.s32 $0xFFFFEC00  }
0x182: {  	_ =	swait.ge [sflag:s24], $0x1400  }
0x183: {  	[sflag:s24] =	ssyncset.done $0x0  }
0x184: {  	[sflag:s24] =	ssyncadd.s32 $0xFFFFEC00  }
0x185: {  	_ =	swait.ge [sflag:s25], $0x28  }
0x186: {  	[sflag:s25] =	ssyncset.done $0x0  }
0x187: {  	s15 =	simm.s32 $0x19F80;
	[sflag:s25] =	ssyncadd.s32 $0xFFFFFFD8  }
0x188: {  	[spmem:s2] =	stream.indirect.scatter [tilespmem:s15], [sflag:$0x12], $0x80, s14, s29, $0xb8;
	[tilespmem:$0x1EF80] =	vst v63  }
0x189: {  	_ =	swait.ge [sflag:s26], $0x1400  }
0x18a: {  	[sflag:s26] =	ssyncset.done $0x0  }
0x18b: {  	[sflag:s26] =	ssyncadd.s32 $0xFFFFEC00  }
0x18c: {  	_ =	swait.ge [sflag:s12], $0x1400  }
0x18d: {  	[sflag:s12] =	ssyncset.done $0x0  }
0x18e: {  	[sflag:s12] =	ssyncadd.s32 $0xFFFFEC00  }
0x18f: {  	_ =	swait.ge [sflag:s13], $0x28  }
0x190: {  	[sflag:s13] =	ssyncset.done $0x0  }
0x191: {  	s16 =	simm.s32 $0x16200;
	[sflag:s13] =	ssyncadd.s32 $0xFFFFFFD8  }
0x192: {  	[spmem:s2] =	stream.indirect.scatter [tilespmem:s10], [sflag:$0x13], $0x80, s16, s29, $0xb8;
	[tilespmem:$0x1EF80] =	vst v63  }
0x193: {  	_ =	swait.ge [sflag:s4], $0x1400  }
0x194: {  	[sflag:s4] =	ssyncset.done $0x0  }
0x195: {  	[sflag:s4] =	ssyncadd.s32 $0xFFFFEC00  }
0x196: {  	[bflag:$0x0] =	sbarrier.arrive $0xFFFF  }
0x197: {  	s17 =	rddreg [dreg:$0xf]  }
0x198: {  	s18 =	rddreg [dreg:$0xc]  }
0x199: {  	s8 =	simm.s32 $0x17;
	s19 =	rddreg [dreg:$0x19];
	s6 =	sor.u32 $0x1C17, s17  }
0x19a: {  	[hbm:s18], [sflag:s6] =	dma.local [spmem:s19], $0x2800  }
0x19b: {  	_ =	swait.ge [sflag:s8], $0x2800  }
0x19c: {  	s21 =	rddreg [dreg:$0x18]  }
0x19d: {  	s22 =	rddreg [dreg:$0xd];
	s7 =	sadd.s32 $0x1, s21  }
0x19e: {  	p0 =	sne.s32 s7, s22  }
.Ltmp1:
0x19f: {  	_ = 	snop;
	(pc) =	sbr.rel @p0 .LBB2_1-.Ltmp1, $3  }
0x1a0: {  	_ =	sdelay $0x1  }
0x1a1: {  	[sflag:s8] =	ssyncset.done $0x0  }
0x1a2: {  	s20 =	simm.s32 $0x16300;
	s11 =	simm.s32 $0x1DB80;
	[sflag:s8] =	ssyncadd.s32 $0xFFFFD800  }
0x1a3: {  	_ =	sfence.sel $0x180000  }
0x1a4: {  	[bflag:$0x0] =	sbarrier.arrive $0xFFFF  }
0x1a5: {  	_ =	strace $0x9000004A  }
0x1a6: {  	s0 =	stileid.u32;
	[bflag:$0x2] =	sbarrier.arrive $0xFFFF  }
0x1a7: {  	p0 =	sne.s32 s0, $0x0;
	s0 =	rddreg [dreg:$0x2]  }
0x1a8: {  	s0 =	sadd.s32 @!p0 $0x100000, s0  }
0x1a9: {  	[sflag:s0] =	ssyncadd.tile.s32 @!p0 $0x1;
	_ =	shalt  }
.Lfunc_end2:
_tile_overlayer_lowered:
.L_overlay_start_2:
0x1aa: {  	(tag) =	ssettag $0x2  }
0x1ab: {  	s0 =	rddreg [dreg:$0x0];
	s2 =	stileid.u32  }
0x1ac: {  	s1 =	rddreg [dreg:$0x1];
	p0 =	sne.s32 s2, $0x0  }
0x1ad: {  	s3 =	rddreg [dreg:$0x2];
	[bflag:$0x3] =	sbarrier.arrive $0xFFFF;
	s2 =	simm.s32 @!p0 $0x1C17  }
0x1ae: {  	[timem:s3], [sflag:s2] =	dma.local @!p0 [hbm:s0], s1  }
0x1af: {  	s0 =	simm.s32 @!p0 $0x17  }
0x1b0: {  	_ =	swait.ge @!p0 [sflag:s0], s1  }
0x1b1: {  	s1 =	ssub.s32 @!p0 $0x0, s1;
	[sflag:s0] =	ssyncset.done @!p0 $0x0  }
0x1b2: {  	[sflag:s0] =	ssyncadd.s32 @!p0 s1  }
0x1b3: {  	[bflag:$0x3] =	sbarrier.arrive $0xFFFF  }
0x1b4: {  	_ =	shalt  }

// kernel: kernel.16.cloned.1.call-start
scs
__scs_entry_jumppad:
0x0: {  	(pc) =	sbr.rel $0x88, $3  }
0x1: {  	(tag) =	ssettag $0x0;
	lr =	simm.s32 $0x1  }
0x2: {  	[smem:$0x3F99] =	sst lr;
	_ =	strace $0xD0000000  }
0x3: {  	_ = 	snop  }
0x4: {  	_ = 	snop  }
0x5: {  	_ = 	snop  }
0x6: {  	_ = 	snop  }
0x7: {  	_ = 	snop  }
__scs_overlays_trampoline_lowered:
0x8: {  	[smem:$0x3FA8] =	sst s0  }
0x9: {  	[smem:$0x3FA9] =	sst s1  }
0xa: {  	[smem:$0x3FAA] =	sst s2  }
0xb: {  	[smem:$0x3FAB] =	sst s3  }
0xc: {  	[smem:$0x3FAC] =	sst s4  }
0xd: {  	[smem:$0x3FAD] =	sst s5  }
0xe: {  	[smem:$0x3FAE] =	sst s6  }
0xf: {  	[smem:$0x3FAF] =	sst s7  }
0x10: {  	[smem:$0x3FB0] =	sst s8  }
0x11: {  	[smem:$0x3FB1] =	sst s9;
	s0 =	simm.s32 @!p0 $0x0  }
0x12: {  	s1 =	sld [smem:$0x3F97];
	s0 =	simm.s32 @p0 $0x1  }
0x13: {  	[smem:$0x3FB2] =	sst s0;
	s0 =	simm.s32 @!p1 $0x0  }
0x14: {  	s2 =	sld [smem:$0x3F96];
	s0 =	simm.s32 @p1 $0x1  }
0x15: {  	[smem:$0x3FB3] =	sst s0;
	s0 =	simm.s32 @!p2 $0x0  }
0x16: {  	s3 =	sld [smem:$0x3FDB];
	s0 =	simm.s32 @p2 $0x1  }
0x17: {  	s4 =	simm.s32 $0x1BF5;
	[smem:$0x3FB5] =	sst s0  }
0x18: {  	s0 =	sld [smem:$0x3F98];
	_ =	swait.ge [sflag:s4], $0x0  }
0x19: {  	s7 =	sld [smem:$0x3F99]  }
0x1a: {  	s8 =	sadd.s32 $0xFFFFE003, lr  }
0x1b: {  	s9 =	sadd.s32 $0xFFFFFEF7, lr;
	s5 =	simm.s32 $0xFFFFFFFF;
	p2 =	slt.u32 s8, $0xFFFFF086  }
0x1c: {  	p1 =	slt.u32 s9, $0xF7A;
	s5 =	simm.s32 @!p2 $0x0  }
0x1d: {  	s5 =	simm.s32 @p1 $0x1;
	p0 =	seq.s32 s7, s2  }
0x1e: {  	s7 =	smul.u32 @!p0 $0xF7A, s2;
	p2 =	seq.s32 @!p0 s5, $0x0  }
0x1f: {  	s9 =	smul.u32 $0xF7A, s1;
	s8 =	simm.s32 @!p0 $0x1BF5;
	p2 =	por !p2, p0  }
0x20: {  	[sflag:s8] =	ssyncset.s32 @!p0 $0xFFFFF086;
	s6 =	sadd.s32 @!p0 s3, s7;
	s7 =	simm.s32 @!p0 $0x108  }
0x21: {  	s3 =	sadd.s32 s3, s9;
	s6 =	sadd.s32 @!p0 $0x88, s6;
	s7 =	simm.s32 @p2 $0x1082  }
0x22: {  	[simem:s7], [sflag:s8] =	dma.local @!p0 [hbm:s6], $0xF7A  }
0x23: {  	s9 =	sor.u32 $0xD0000000, s2;
	s6 =	simm.s32 $0x108;
	_ =	swait.ge @!p0 [sflag:s8], $0x0  }
0x24: {  	s3 =	sadd.s32 $0x88, s3;
	s6 =	simm.s32 @!p1 $0x1082;
	[sflag:s4] =	ssyncset.s32 $0xFFFFF086  }
0x25: {  	[simem:s6], [sflag:s4] =	dma.local [hbm:s3], $0xF7A  }
0x26: {  	[smem:$0x3F99] =	sst s1;
	(tag) =	ssettag s2;
	_ =	strace s9  }
0x27: {  	s1 =	sld [smem:$0x3FA9]  }
0x28: {  	s2 =	sld [smem:$0x3FAA]  }
0x29: {  	s4 =	sld [smem:$0x3FAC]  }
0x2a: {  	p0 =	seq.s32 s5, $0x0;
	s5 =	sld [smem:$0x3FAD]  }
0x2b: {  	s6 =	sld [smem:$0x3FAE]  }
0x2c: {  	s7 =	sld [smem:$0x3FAF]  }
0x2d: {  	s3 =	simm.s32 $0x108;
	s8 =	sld [smem:$0x3FB0]  }
0x2e: {  	s3 =	simm.s32 @!p0 $0x1082;
	s9 =	sld [smem:$0x3FB1]  }
0x2f: {  	lr =	sadd.s32 s0, s3;
	s0 =	sld [smem:$0x3FA8]  }
0x30: {  	s3 =	sld [smem:$0x3FAB]  }
0x31: {  	[smem:$0x3FB4] =	sst s10  }
0x32: {  	s10 =	sld [smem:$0x3FB2];
	_ =	sdelay $0x3  }
0x33: {  	p0 =	seq.s32 s10, $0x1;
	s10 =	sld [smem:$0x3FB4];
	_ =	sdelay $0x3  }
0x34: {  	[smem:$0x3FB4] =	sst s10  }
0x35: {  	s10 =	sld [smem:$0x3FB3];
	_ =	sdelay $0x3  }
0x36: {  	p1 =	seq.s32 s10, $0x1;
	s10 =	sld [smem:$0x3FB4];
	_ =	sdelay $0x3  }
0x37: {  	[smem:$0x3FB4] =	sst s10  }
0x38: {  	s10 =	sld [smem:$0x3FB5]  }
0x39: {  	_ = 	snop;
	(pc) =	sbr.ind lr, $3  }
0x3a: {  	_ = 	snop  }
0x3b: {  	_ = 	snop  }
0x3c: {  	p2 =	seq.s32 s10, $0x1;
	s10 =	sld [smem:$0x3FB4]  }
0x3d: {  	_ =	shalt  }
0x3e: {  	_ =	shalt  }
0x3f: {  	_ =	shalt  }
0x40: {  	_ =	shalt  }
0x41: {  	_ =	shalt  }
0x42: {  	_ =	shalt  }
0x43: {  	_ =	shalt  }
0x44: {  	_ =	shalt  }
0x45: {  	_ =	shalt  }
0x46: {  	_ =	shalt  }
0x47: {  	_ =	shalt  }
0x48: {  	_ =	shalt  }
0x49: {  	_ =	shalt  }
0x4a: {  	_ =	shalt  }
0x4b: {  	_ =	shalt  }
0x4c: {  	_ =	shalt  }
0x4d: {  	_ =	shalt  }
0x4e: {  	_ =	shalt  }
0x4f: {  	_ =	shalt  }
0x50: {  	_ =	shalt  }
0x51: {  	_ =	shalt  }
0x52: {  	_ =	shalt  }
0x53: {  	_ =	shalt  }
0x54: {  	_ =	shalt  }
0x55: {  	_ =	shalt  }
0x56: {  	_ =	shalt  }
0x57: {  	_ =	shalt  }
0x58: {  	_ =	shalt  }
0x59: {  	_ =	shalt  }
0x5a: {  	_ =	shalt  }
0x5b: {  	_ =	shalt  }
0x5c: {  	_ =	shalt  }
0x5d: {  	_ =	shalt  }
0x5e: {  	_ =	shalt  }
0x5f: {  	_ =	shalt  }
0x60: {  	_ =	shalt  }
0x61: {  	_ =	shalt  }
0x62: {  	_ =	shalt  }
0x63: {  	_ =	shalt  }
0x64: {  	_ =	shalt  }
0x65: {  	_ =	shalt  }
0x66: {  	_ =	shalt  }
0x67: {  	_ =	shalt  }
0x68: {  	_ =	shalt  }
0x69: {  	_ =	shalt  }
0x6a: {  	_ =	shalt  }
0x6b: {  	_ =	shalt  }
0x6c: {  	_ =	shalt  }
0x6d: {  	_ =	shalt  }
0x6e: {  	_ =	shalt  }
0x6f: {  	_ =	shalt  }
0x70: {  	_ =	shalt  }
0x71: {  	_ =	shalt  }
0x72: {  	_ =	shalt  }
0x73: {  	_ =	shalt  }
0x74: {  	_ =	shalt  }
0x75: {  	_ =	shalt  }
0x76: {  	_ =	shalt  }
0x77: {  	_ =	shalt  }
0x78: {  	_ =	shalt  }
0x79: {  	_ =	shalt  }
0x7a: {  	_ =	shalt  }
0x7b: {  	_ =	shalt  }
0x7c: {  	_ =	shalt  }
0x7d: {  	_ =	shalt  }
0x7e: {  	_ =	shalt  }
0x7f: {  	_ =	shalt  }
0x80: {  	_ =	shalt  }
0x81: {  	_ =	shalt  }
0x82: {  	_ =	shalt  }
0x83: {  	_ =	shalt  }
0x84: {  	_ =	shalt  }
0x85: {  	_ =	shalt  }
0x86: {  	_ =	shalt  }
0x87: {  	_ =	shalt  }
.Lfunc_end0:
.L_simem_size_0:
called_computation.2_lowered:
.L_overlay_start_0:
0x88: {  	s2 =	sld [smem:$0x3FD9]  }
0x89: {  	s3 =	sld [smem:$0x3FFE];
	_ =	sdelay $0x1  }
0x8a: {  	s1 =	srdreg.scid  }
0x8b: {  	s0 =	sand.u32 $0x1, s1  }
0x8c: {  	s16 =	sshll.u32 s0, $0xA;
	s2 =	sadd.s32 s3, s2  }
0x8d: {  	s2 =	sadd.s32 s2, s16  }
0x8e: {  	[smem:$0x3FC0] =	sst s2  }
0x8f: {  	_ = 	snop  }
0x90: {  	(tm) =	ssettm $0x1  }
0x91: {  	s17 =	sld [smem:$0x3FFB];
	_ =	sdelay $0x3  }
0x92: {  	_ =	strace s17  }
0x93: {  	s2 =	sld [smem:$0x3FFC];
	_ =	sdelay $0x3  }
0x94: {  	_ =	strace s2  }
0x95: {  	s2 =	sld [smem:$0x3FFD];
	_ =	sdelay $0x3  }
0x96: {  	_ =	strace s2  }
0x97: {  	_ =	strace $0x8FFFFFFF  }
0x98: {  	s18 =	sld [smem:$0x3FDB];
	_ =	sdelay $0x1  }
0x99: {  	s19 =	simm.s32 $_scs_section_size  }
0x9a: {  	s4 =	simm.s32 $_size__tile_overlayer_lowered;
	s5 =	simm.s32 $_tile_overlayer_lowered  }
0x9b: {  	s22 =	simm.s32 $0x1BFF;
	s21 =	sshll.u32 s5, $0x1;
	s2 =	sadd.s32 s19, s18  }
0x9c: {  	s6 =	simm.s32 $0x0;
	s20 =	sshll.u32 s4, $0x1;
	s4 =	sadd.s32 s21, s2  }
0x9d: {  	[timem:s6], [sflag:s22] =	dma.local [hbm:s4], s20  }
0x9e: {  	_ =	swait.ge [sflag:s22], s20  }
0x9f: {  	s3 =	ssub.s32 $0x0, s20;
	[sflag:s22] =	ssyncset.done $0x0  }
0xa0: {  	[sflag:s22] =	ssyncadd.s32 s3;
	_ =	sdelay $0x1  }
0xa1: {  	s23 =	simm.s32 $0x1B8B  }
0xa2: {  	_ =	swait.ge [sflag:s23], $0x1  }
0xa3: {  	[sflag:s23] =	ssyncset.done $0x0  }
0xa4: {  	s25 =	simm.s32 $0x1B8E;
	s24 =	sld [smem:$0x3FFE];
	[sflag:s23] =	ssyncadd.s32 $0xFFFFFFFF  }
0xa5: {  	s26 =	simm.s32 $execute0_lowered;
	[smem:$0x3FD2] =	sst s25  }
0xa6: {  	s4 =	sshll.u32 s26, $0x1;
	_ =	strace $0x8000004C;
	[dreg:$0x1] =	wrdreg $0xFFFFFFFF  }
0xa7: {  	s28 =	simm.s32 $_size_execute0_lowered;
	s2 =	sadd.s32 s2, s4;
	[dreg:$0x0] =	wrdreg $0x0  }
0xa8: {  	s4 =	sshll.u32 s28, $0x1;
	[dreg:$0x2] =	wrdreg s2  }
0xa9: {  	[dreg:$0x3] =	wrdreg s4  }
0xaa: {  	[dreg:$0x4] =	wrdreg $0xC0  }
0xab: {  	_ =	task [dreg:s6], $0x5FFFF  }
0xac: {  	[dreg:$0x1] =	wrdreg $0xFFFFFFFF  }
0xad: {  	[dreg:$0x0] =	wrdreg $0x60  }
0xae: {  	[dreg:$0x2] =	wrdreg s24  }
0xaf: {  	[dreg:$0x3] =	wrdreg $0x27800  }
0xb0: {  	[dreg:$0x4] =	wrdreg $0x9  }
0xb1: {  	_ =	task.clear_ibuf [dreg:s6], $0x5FFFF;
	_ =	strace $0x9000004C  }
0xb2: {  	s29 =	simm.s32 $0x9;
	_ =	strace $0x8000004E  }
0xb3: {  	_ =	swait.ge [sflag:s29], $0x1  }
0xb4: {  	[sflag:s29] =	ssyncadd.s32 $0xFFFFFFFF  }
0xb5: {  	_ =	strace $0x9000004E  }
0xb6: {  	_ =	sfence  }
0xb7: {  	s30 =	sld [smem:$0x0];
	_ =	sdelay $0x2  }
0xb8: {  	s31 =	sshll.u32 s1, $0xD;
	s1 =	sshrl.u32 s1, $0x2  }
0xb9: {  	s3 =	sand.u32 $0x4000, s31;
	s1 =	sadd.s32 s1, s30  }
0xba: {  	s0 =	sor.u32 s3, s0;
	s1 =	sshll.u32 s1, $0x11  }
0xbb: {  	s0 =	sor.u32 s1, s0  }
0xbc: {  	s0 =	sadd.s32 $0x8F2B, s0  }
0xbd: {  	[sflag:s0] =	ssyncadd.remote.s32 $0x1  }
0xbe: {  	_ =	sfence.sel $0xFFFF  }
0xbf: {  	[dreg:$0x0] =	wrdreg $0xFFFFFFFF;
	(pc) =	sbr.abs _section_cstart, $3  }
0xc0: {  	[dreg:$0x1] =	wrdreg $0xFFFFFFFF  }
0xc1: {  	_ =	task.clear_ibuf [dreg:s6], $0x2FFFF;
	_ =	strace $0x9FFFFFFF  }
0xc2: {  	(tm) =	ssettm $0x7FFFFFFF  }
0xc3: {  	_ =	shalt  }
tec
execute0_lowered:
.L_overlay_start_1:
0x0: {  	(tag) =	ssettag $0x1  }
0x1: {  	s0 =	srdreg.scid  }
0x2: {  	s1 =	rddreg [dreg:$0x0];
	s14 =	stileid.u32  }
0x3: {  	s2 =	rddreg [dreg:$0x1];
	s29 =	simm.s32 $0x28;
	s28 =	simm.s32 $0x6  }
0x4: {  	s0 =	sand.u32 $0x1, s0;
	s6 =	smul.u32 $0x2700, s14;
	s15 =	sadd.s32 $0x3000, s1  }
0x5: {  	s5 =	sadd.s32 $0x3DE00, s1;
	s12 =	smul.u32 $0x4E000, s14;
	s13 =	sadd.s32 $0x16C00, s1  }
0x6: {  	s3 =	sshll.u32 s0, $0x4;
	s8 =	smul.u32 $0x27100, s0;
	s11 =	ssub.s32 $0x2, s0  }
0x7: {  	p0 =	seq.s32 s0, $0x0;
	s4 =	sor.u32 s14, s3;
	s3 =	simm.s32 $0x0  }
0x8: {  	s19 =	sshrl.u32 s11, $0x1;
	s20 =	sshrl.u32 s12, $0x2;
	s13 =	smov.u32 @p0 s5  }
0x9: {  	s4 =	smul.u32 $0x2710, s4;
	[smem:$0x7FF] =	sst s3;
	s0 =	sadd.s32 s20, s2  }
0xa: {  	s13 =	sadd.s32 s13, s6;
	_ =	strace $0x8000004D;
	[dreg:$0x4] =	wrdreg s0  }
0xb: {  	s10 =	sadd.s32 s6, s8;
	[dreg:$0xe] =	wrdreg s13;
	s7 =	sshrl.u32 s4, $0x3  }
0xc: {  	[dreg:$0x3] =	wrdreg s15;
	s22 =	sadd.s32 $0x28, s4;
	s9 =	sadd.s32 s7, s1  }
0xd: {  	s1 =	sadd.s32 s10, s1;
	s10 =	ssub.s32 s11, s19;
	s23 =	sadd.s32 s15, s7  }
0xe: {  	s11 =	smul.u32 $0x2710, s14;
	s14 =	sshll.u32 s14, $0x6;
	[dreg:$0x6] =	wrdreg s23  }
0xf: {  	s0 =	sshrl.u32 s22, $0x3;
	s21 =	sadd.s32 $0xCE00, s9;
	[dreg:$0xf] =	wrdreg s14  }
0x10: {  	s30 =	simm.s32 $0xD;
	s0 =	sadd.s32 s15, s0;
	[dreg:$0x5] =	wrdreg s21  }
0x11: {  	s31 =	simm.s32 $0x14;
	s26 =	sadd.s32 $0xA, s23;
	[dreg:$0x7] =	wrdreg s0  }
0x12: {  	s13 =	simm.s32 $0xC;
	s9 =	sadd.s32 $0x14, s23;
	[dreg:$0x8] =	wrdreg s26  }
0x13: {  	s24 =	sadd.s32 $0x78, s4;
	s1 =	sadd.s32 $0x65000, s1;
	[dreg:$0xa] =	wrdreg s9  }
0x14: {  	s25 =	sshrl.u32 s24, $0x3;
	s12 =	smax.u32 s10, $0x1;
	[dreg:$0xc] =	wrdreg s1  }
0x15: {  	s4 =	sadd.s32 $0xC8, s4;
	s0 =	sadd.s32 s15, s25;
	[dreg:$0xd] =	wrdreg s12  }
0x16: {  	s7 =	sshrl.u32 s4, $0x3;
	s1 =	sor.u32 $0x1C16, s14;
	[dreg:$0x9] =	wrdreg s0  }
0x17: {  	s12 =	simm.s32 $0x5;
	s0 =	sadd.s32 s15, s7;
	[dreg:$0x10] =	wrdreg s1  }
0x18: {  	s7 =	simm.s32 $0x0;
	[dreg:$0xb] =	wrdreg s0;
	s0 =	sadd.s32 s11, s8  }
0x19: {  	s8 =	simm.s32 $0x17;
	s11 =	simm.s32 $0x1DB80;
	s16 =	sadd.s32 $0x1E0, s0  }
0x1a: {  	s17 =	sadd.s32 $0x1B8, s0;
	s18 =	sadd.s32 $0x190, s0;
	s21 =	sadd.s32 $0x168, s0  }
0x1b: {  	s22 =	sadd.s32 $0x140, s0;
	s23 =	sadd.s32 $0xF0, s0;
	s0 =	sadd.s32 $0x118, s0  }
0x1c: {  	s1 =	sshrl.u32 s16, $0x3;
	s4 =	sshrl.u32 s17, $0x3;
	s20 =	sshrl.u32 s18, $0x3  }
0x1d: {  	s25 =	sshrl.u32 s23, $0x3;
	[dreg:$0x16] =	wrdreg s0;
	s23 =	simm.s32 $0x11  }
0x1e: {  	s0 =	simm.s32 $0xE;
	s1 =	sadd.s32 s1, s15;
	s19 =	sadd.s32 s4, s15  }
0x1f: {  	s4 =	sshrl.u32 s22, $0x3;
	s26 =	sadd.s32 s25, s15;
	[dreg:$0x11] =	wrdreg s1  }
0x20: {  	s25 =	simm.s32 $0xB;
	[dreg:$0x12] =	wrdreg s19;
	s1 =	sadd.s32 s20, s15  }
0x21: {  	s24 =	sadd.s32 s4, s15;
	[dreg:$0x17] =	wrdreg s26;
	s20 =	simm.s32 $0x16300  }
0x22: {  	s26 =	simm.s32 $0x12;
	[dreg:$0x13] =	wrdreg s1;
	s1 =	sshrl.u32 s21, $0x3  }
0x23: {  	s4 =	simm.s32 $0x13;
	[dreg:$0x15] =	wrdreg s24;
	s1 =	sadd.s32 s1, s15  }
0x24: {  	s24 =	simm.s32 $0x4;
	[dreg:$0x14] =	wrdreg s1;
	s1 =	simm.s32 $0x7  }
.LBB2_1:
0x25: {  	[dreg:$0x18] =	wrdreg s7  }
0x26: {  	s6 =	rddreg [dreg:$0x4]  }
0x27: {  	s18 =	rddreg [dreg:$0xe]  }
0x28: {  	s19 =	rddreg [dreg:$0x10];
	s9 =	sshrl.u32 s6, $0x3  }
0x29: {  	[dreg:$0x19] =	wrdreg s9  }
0x2a: {  	[spmem:s9], [sflag:s19] =	dma.local [hbm:s18], $0x2800  }
0x2b: {  	s6 =	rddreg [dreg:$0x5]  }
0x2c: {  	[tilespmem:s3], [sflag:$0x17] =	stream.linear.gather [hbm4b:s6+s3], $0x2710, $0x38;
	[tilespmem:$0x1EF80] =	vst v63  }
0x2d: {  	_ =	swait.ge [sflag:s8], $0x2710  }
0x2e: {  	[sflag:s8] =	ssyncset.done $0x0  }
0x2f: {  	s21 =	rddreg [dreg:$0x6];
	[sflag:s8] =	ssyncadd.s32 $0xFFFFD8F0;
	s8 =	simm.s32 $0x16000  }
0x30: {  	[tilespmem:s8], [sflag:$0x8] =	stream.linear.gather [hbm4b:s21+s3], $0x28, $0x38;
	[tilespmem:$0x1EF80] =	vst v63  }
0x31: {  	s9 =	simm.s32 $0x16380  }
0x32: {  	[tilespmem:s9], [sflag:$0x1] =	stream.indirect.gather [hbm4b:s5+s29], $0x80, s3, s29, $0xb8;
	[tilespmem:$0x1EF80] =	vst v63  }
0x33: {  	s10 =	simm.s32 $0x16080;
	s22 =	rddreg [dreg:$0x7]  }
0x34: {  	[tilespmem:s10], [sflag:$0x9] =	stream.linear.gather [hbm4b:s22+s3], $0x28, $0x38;
	[tilespmem:$0x1EF80] =	vst v63  }
0x35: {  	s14 =	simm.s32 $0x17780  }
0x36: {  	[tilespmem:s14], [sflag:$0x2] =	stream.indirect.gather [hbm4b:s5+s29], $0x80, s29, s29, $0xb8;
	[tilespmem:$0x1EF80] =	vst v63  }
0x37: {  	s17 =	simm.s32 $0x16100;
	s7 =	rddreg [dreg:$0x8]  }
0x38: {  	[tilespmem:s17], [sflag:$0xA] =	stream.linear.gather [hbm4b:s7+s3], $0x28, $0x38;
	[tilespmem:$0x1EF80] =	vst v63  }
0x39: {  	s15 =	simm.s32 $0x50;
	s19 =	simm.s32 $0x18B80  }
0x3a: {  	[tilespmem:s19], [sflag:$0x3] =	stream.indirect.gather [hbm4b:s5+s29], $0x80, s15, s29, $0xb8;
	[tilespmem:$0x1EF80] =	vst v63  }
0x3b: {  	s16 =	rddreg [dreg:$0x9];
	s21 =	simm.s32 $0x16180  }
0x3c: {  	[tilespmem:s21], [sflag:$0xB] =	stream.linear.gather [hbm4b:s16+s3], $0x28, $0x38;
	[tilespmem:$0x1EF80] =	vst v63  }
0x3d: {  	s18 =	simm.s32 $0x78;
	s22 =	simm.s32 $0x19F80  }
0x3e: {  	[tilespmem:s22], [sflag:$0x4] =	stream.indirect.gather [hbm4b:s5+s29], $0x80, s18, s29, $0xb8;
	[tilespmem:$0x1EF80] =	vst v63  }
0x3f: {  	s7 =	rddreg [dreg:$0xa];
	s15 =	simm.s32 $0x16200  }
0x40: {  	[tilespmem:s15], [sflag:$0xC] =	stream.linear.gather [hbm4b:s7+s3], $0x28, $0x38;
	[tilespmem:$0x1EF80] =	vst v63  }
0x41: {  	s16 =	simm.s32 $0xA0;
	s18 =	simm.s32 $0x1B380  }
0x42: {  	[tilespmem:s18], [sflag:$0x5] =	stream.indirect.gather [hbm4b:s5+s29], $0x80, s16, s29, $0xb8;
	[tilespmem:$0x1EF80] =	vst v63  }
0x43: {  	s7 =	rddreg [dreg:$0xb];
	s15 =	simm.s32 $0x16280  }
0x44: {  	[tilespmem:s15], [sflag:$0xD] =	stream.linear.gather [hbm4b:s7+s3], $0x28, $0x38;
	[tilespmem:$0x1EF80] =	vst v63  }
0x45: {  	s16 =	simm.s32 $0xC8;
	s18 =	simm.s32 $0x1C780;
	s7 =	simm.s32 $0x16  }
0x46: {  	[tilespmem:s18], [sflag:$0x6] =	stream.indirect.gather [hbm4b:s5+s29], $0x80, s16, s29, $0xb8;
	[tilespmem:$0x1EF80] =	vst v63  }
0x47: {  	_ =	swait.ge [sflag:s7], $0x2800  }
0x48: {  	p0 =	por $0x1, $0x1;
	[sflag:s7] =	ssyncset.done $0x0  }
0x49: {  	p0 =	por p0, p0;
	[sflag:s7] =	ssyncadd.s32 $0xFFFFD800  }
0x4a: {  	s6 =	simm.s32 @!p0 $0x15;
	[bflag:$0x0] =	sbarrier.arrive $0xFFFF  }
0x4b: {  	_ =	swait.ge @!p0 [sflag:s6], $0x1400  }
0x4c: {  	[sflag:s6] =	ssyncset.done @!p0 $0x0  }
0x4d: {  	s18 =	rddreg [dreg:$0x17];
	[sflag:s6] =	ssyncadd.s32 @!p0 $0xFFFFEC00  }
0x4e: {  	[tilespmem:s20], [sflag:$0xE] =	stream.linear.gather [hbm4b:s18+s3], $0x28, $0x38;
	[tilespmem:$0x1EF80] =	vst v63  }
0x4f: {  	s15 =	simm.s32 $0xF0;
	s16 =	simm.s32 $0x1  }
0x50: {  	[tilespmem:s11], [sflag:$0x7] =	stream.indirect.gather [hbm4b:s5+s29], $0x80, s15, s29, $0xb8;
	[tilespmem:$0x1EF80] =	vst v63  }
0x51: {  	_ =	swait.ge [sflag:s16], $0x1400  }
0x52: {  	[sflag:s16] =	ssyncset.done $0x0  }
0x53: {  	s20 =	simm.s32 $0x8;
	[sflag:s16] =	ssyncadd.s32 $0xFFFFEC00  }
0x54: {  	_ =	swait.ge [sflag:s20], $0x28  }
0x55: {  	[sflag:s20] =	ssyncset.done $0x0  }
0x56: {  	s6 =	simm.s32 $0xF;
	[sflag:s20] =	ssyncadd.s32 $0xFFFFFFD8  }
0x57: {  	[spmem:s2] =	stream.indirect.scatter [tilespmem:s9], [sflag:$0xF], $0x80, s8, s29, $0xb8;
	[tilespmem:$0x1EF80] =	vst v63  }
0x58: {  	_ =	swait.ge [sflag:s6], $0x1400  }
0x59: {  	s16 =	rddreg [dreg:$0x16]  }
0x5a: {  	[sflag:s6] =	ssyncset.done $0x0;
	s15 =	rddreg [dreg:$0x3];
	s11 =	sshrl.u32 s16, $0x3  }
0x5b: {  	[sflag:s6] =	ssyncadd.s32 $0xFFFFEC00;
	s6 =	sadd.s32 s15, s11  }
0x5c: {  	[tilespmem:s8], [sflag:$0x8] =	stream.linear.gather [hbm4b:s6+s3], $0x28, $0x38;
	[tilespmem:$0x1EF80] =	vst v63  }
0x5d: {  	s7 =	simm.s32 $0x2;
	s20 =	simm.s32 $0x118  }
0x5e: {  	[tilespmem:s9], [sflag:$0x1] =	stream.indirect.gather [hbm4b:s5+s29], $0x80, s20, s29, $0xb8;
	[tilespmem:$0x1EF80] =	vst v63  }
0x5f: {  	_ =	swait.ge [sflag:s7], $0x1400  }
0x60: {  	[sflag:s7] =	ssyncset.done $0x0  }
0x61: {  	s8 =	simm.s32 $0x9;
	[sflag:s7] =	ssyncadd.s32 $0xFFFFEC00  }
0x62: {  	_ =	swait.ge [sflag:s8], $0x28  }
0x63: {  	[sflag:s8] =	ssyncset.done $0x0  }
0x64: {  	s9 =	simm.s32 $0x10;
	[sflag:s8] =	ssyncadd.s32 $0xFFFFFFD8  }
0x65: {  	[spmem:s2] =	stream.indirect.scatter [tilespmem:s14], [sflag:$0x10], $0x80, s10, s29, $0xb8;
	[tilespmem:$0x1EF80] =	vst v63  }
0x66: {  	_ =	swait.ge [sflag:s9], $0x1400  }
0x67: {  	[sflag:s9] =	ssyncset.done $0x0  }
0x68: {  	s15 =	rddreg [dreg:$0x15];
	[sflag:s9] =	ssyncadd.s32 $0xFFFFEC00  }
0x69: {  	[tilespmem:s10], [sflag:$0x9] =	stream.linear.gather [hbm4b:s15+s3], $0x28, $0x38;
	[tilespmem:$0x1EF80] =	vst v63  }
0x6a: {  	s11 =	simm.s32 $0x140;
	s20 =	simm.s32 $0x3  }
0x6b: {  	[tilespmem:s14], [sflag:$0x2] =	stream.indirect.gather [hbm4b:s5+s29], $0x80, s11, s29, $0xb8;
	[tilespmem:$0x1EF80] =	vst v63  }
0x6c: {  	_ =	swait.ge [sflag:s20], $0x1400  }
0x6d: {  	[sflag:s20] =	ssyncset.done $0x0  }
0x6e: {  	s7 =	simm.s32 $0xA;
	[sflag:s20] =	ssyncadd.s32 $0xFFFFEC00  }
0x6f: {  	_ =	swait.ge [sflag:s7], $0x28  }
0x70: {  	[sflag:s7] =	ssyncset.done $0x0  }
0x71: {  	[sflag:s7] =	ssyncadd.s32 $0xFFFFFFD8  }
0x72: {  	[spmem:s2] =	stream.indirect.scatter [tilespmem:s19], [sflag:$0x11], $0x80, s17, s29, $0xb8;
	[tilespmem:$0x1EF80] =	vst v63  }
0x73: {  	_ =	swait.ge [sflag:s23], $0x1400  }
0x74: {  	[sflag:s23] =	ssyncset.done $0x0  }
0x75: {  	s11 =	rddreg [dreg:$0x14];
	[sflag:s23] =	ssyncadd.s32 $0xFFFFEC00  }
0x76: {  	[tilespmem:s17], [sflag:$0xA] =	stream.linear.gather [hbm4b:s11+s3], $0x28, $0x38;
	[tilespmem:$0x1EF80] =	vst v63  }
0x77: {  	s8 =	simm.s32 $0x168  }
0x78: {  	[tilespmem:s19], [sflag:$0x3] =	stream.indirect.gather [hbm4b:s5+s29], $0x80, s8, s29, $0xb8;
	[tilespmem:$0x1EF80] =	vst v63  }
0x79: {  	_ =	swait.ge [sflag:s24], $0x1400  }
0x7a: {  	[sflag:s24] =	ssyncset.done $0x0  }
0x7b: {  	[sflag:s24] =	ssyncadd.s32 $0xFFFFEC00  }
0x7c: {  	_ =	swait.ge [sflag:s25], $0x28  }
0x7d: {  	[sflag:s25] =	ssyncset.done $0x0  }
0x7e: {  	[sflag:s25] =	ssyncadd.s32 $0xFFFFFFD8  }
0x7f: {  	[spmem:s2] =	stream.indirect.scatter [tilespmem:s22], [sflag:$0x12], $0x80, s21, s29, $0xb8;
	[tilespmem:$0x1EF80] =	vst v63  }
0x80: {  	_ =	swait.ge [sflag:s26], $0x1400  }
0x81: {  	[sflag:s26] =	ssyncset.done $0x0  }
0x82: {  	s10 =	rddreg [dreg:$0x13];
	[sflag:s26] =	ssyncadd.s32 $0xFFFFEC00  }
0x83: {  	[tilespmem:s21], [sflag:$0xB] =	stream.linear.gather [hbm4b:s10+s3], $0x28, $0x38;
	[tilespmem:$0x1EF80] =	vst v63  }
0x84: {  	s9 =	simm.s32 $0x190  }
0x85: {  	[tilespmem:s22], [sflag:$0x4] =	stream.indirect.gather [hbm4b:s5+s29], $0x80, s9, s29, $0xb8;
	[tilespmem:$0x1EF80] =	vst v63  }
0x86: {  	_ =	swait.ge [sflag:s12], $0x1400  }
0x87: {  	[sflag:s12] =	ssyncset.done $0x0  }
0x88: {  	[sflag:s12] =	ssyncadd.s32 $0xFFFFEC00  }
0x89: {  	_ =	swait.ge [sflag:s13], $0x28  }
0x8a: {  	[sflag:s13] =	ssyncset.done $0x0  }
0x8b: {  	s14 =	simm.s32 $0x1B380;
	s17 =	simm.s32 $0x16200;
	[sflag:s13] =	ssyncadd.s32 $0xFFFFFFD8  }
0x8c: {  	[spmem:s2] =	stream.indirect.scatter [tilespmem:s14], [sflag:$0x13], $0x80, s17, s29, $0xb8;
	[tilespmem:$0x1EF80] =	vst v63  }
0x8d: {  	_ =	swait.ge [sflag:s4], $0x1400  }
0x8e: {  	[sflag:s4] =	ssyncset.done $0x0  }
0x8f: {  	s19 =	rddreg [dreg:$0x12];
	[sflag:s4] =	ssyncadd.s32 $0xFFFFEC00  }
0x90: {  	[tilespmem:s17], [sflag:$0xC] =	stream.linear.gather [hbm4b:s19+s3], $0x28, $0x38;
	[tilespmem:$0x1EF80] =	vst v63  }
0x91: {  	s20 =	simm.s32 $0x1B8  }
0x92: {  	[tilespmem:s14], [sflag:$0x5] =	stream.indirect.gather [hbm4b:s5+s29], $0x80, s20, s29, $0xb8;
	[tilespmem:$0x1EF80] =	vst v63  }
0x93: {  	_ =	swait.ge [sflag:s28], $0x1400  }
0x94: {  	[sflag:s28] =	ssyncset.done $0x0  }
0x95: {  	[sflag:s28] =	ssyncadd.s32 $0xFFFFEC00  }
0x96: {  	_ =	swait.ge [sflag:s30], $0x28  }
0x97: {  	[sflag:s30] =	ssyncset.done $0x0  }
0x98: {  	s21 =	simm.s32 $0x16280;
	s22 =	simm.s32 $0x1C780;
	[sflag:s30] =	ssyncadd.s32 $0xFFFFFFD8  }
0x99: {  	[spmem:s2] =	stream.indirect.scatter [tilespmem:s22], [sflag:$0x14], $0x80, s21, s29, $0xb8;
	[tilespmem:$0x1EF80] =	vst v63  }
0x9a: {  	p0 =	por $0x0, $0x0;
	_ =	swait.ge [sflag:s31], $0x1400  }
0x9b: {  	p6 =	por $0x0, $0x0;
	s7 =	simm.s32 @!p0 $0x0;
	[sflag:s31] =	ssyncset.done $0x0  }
0x9c: {  	s8 =	simm.s32 @!p0 $0x16280;
	s14 =	rddreg [dreg:$0x11];
	[sflag:s31] =	ssyncadd.s32 $0xFFFFEC00  }
0x9d: {  	[tilespmem:s8], [sflag:$0xD] =	stream.linear.gather @!p0 [hbm4b:s14+s7], $0x28, $0x38;
	[tilespmem:$0x1EF80] =	vst v63  }
0x9e: {  	s9 =	simm.s32 @!p0 $0x1E0;
	s7 =	simm.s32 @!p0 $0x28;
	s8 =	simm.s32 @!p0 $0x1C780  }
0x9f: {  	[tilespmem:s8], [sflag:$0x6] =	stream.indirect.gather @!p0 [hbm4b:s5+s7], $0x80, s9, s7, $0xb8;
	[tilespmem:$0x1EF80] =	vst v63  }
0xa0: {  	s18 =	sadd.s32 $0x23, s18;
	s16 =	sadd.s32 $0x118, s16;
	_ =	swait.ge [sflag:s1], $0x1400  }
0xa1: {  	s6 =	simm.s32 $0x460;
	s15 =	sadd.s32 $0x23, s15;
	[sflag:s1] =	ssyncset.done $0x0  }
0xa2: {  	s11 =	sadd.s32 $0x23, s11;
	s10 =	sadd.s32 $0x23, s10;
	[sflag:s1] =	ssyncadd.s32 $0xFFFFEC00  }
0xa3: {  	s17 =	simm.s32 $0x8C0;
	p0 =	por p6, p6;
	_ =	swait.ge [sflag:s0], $0x28  }
0xa4: {  	s7 =	sadd.s32 $0x23, s14;
	s9 =	sadd.s32 $0x23, s19;
	[sflag:s0] =	ssyncset.done $0x0  }
.LBB2_2:
0xa5: {  	s14 =	simm.s32 @!p0 $0x15  }
0xa6: {  	[sflag:s0] =	ssyncadd.s32 $0xFFFFFFD8;
	s19 =	simm.s32 $0x16300;
	s20 =	simm.s32 $0x1DB80  }
0xa7: {  	[spmem:s2] =	stream.indirect.scatter [tilespmem:s20], [sflag:$0x15], $0x80, s19, s29, $0xb8;
	[tilespmem:$0x1EF80] =	vst v63  }
0xa8: {  	_ =	swait.ge @!p0 [sflag:s14], $0x1400  }
0xa9: {  	[sflag:s14] =	ssyncset.done @!p0 $0x0  }
0xaa: {  	[sflag:s14] =	ssyncadd.s32 @!p0 $0xFFFFEC00;
	s14 =	sshra.s32 s6, $0x2  }
0xab: {  	[tilespmem:s19], [sflag:$0xE] =	stream.linear.gather [hbm4b:s18+s3], $0x28, $0x38;
	[tilespmem:$0x1EF80] =	vst v63  }
0xac: {  	s22 =	simm.s32 $0x1;
	s21 =	sadd.s32 $0xF0, s14  }
0xad: {  	[tilespmem:s20], [sflag:$0x7] =	stream.indirect.gather [hbm4b:s5+s29], $0x80, s21, s29, $0xb8;
	[tilespmem:$0x1EF80] =	vst v63  }
0xae: {  	_ =	swait.ge [sflag:s22], $0x1400  }
0xaf: {  	[sflag:s22] =	ssyncset.done $0x0  }
0xb0: {  	s20 =	simm.s32 $0x8;
	[sflag:s22] =	ssyncadd.s32 $0xFFFFEC00  }
0xb1: {  	_ =	swait.ge [sflag:s20], $0x28  }
0xb2: {  	s21 =	simm.s32 $0x16000;
	[sflag:s20] =	ssyncset.done $0x0  }
0xb3: {  	s22 =	simm.s32 $0x16380;
	[sflag:s20] =	ssyncadd.s32 $0xFFFFFFD8;
	s20 =	simm.s32 $0xF  }
0xb4: {  	[spmem:s2] =	stream.indirect.scatter [tilespmem:s22], [sflag:$0xF], $0x80, s21, s29, $0xb8;
	[tilespmem:$0x1EF80] =	vst v63  }
0xb5: {  	_ =	swait.ge [sflag:s20], $0x1400  }
0xb6: {  	[sflag:s20] =	ssyncset.done $0x0  }
0xb7: {  	s19 =	sshrl.u32 s16, $0x3;
	[sflag:s20] =	ssyncadd.s32 $0xFFFFEC00;
	s20 =	rddreg [dreg:$0x3]  }
0xb8: {  	s19 =	sadd.s32 s20, s19  }
0xb9: {  	[tilespmem:s21], [sflag:$0x8] =	stream.linear.gather [hbm4b:s19+s3], $0x28, $0x38;
	[tilespmem:$0x1EF80] =	vst v63  }
0xba: {  	s20 =	simm.s32 $0x2;
	s21 =	sadd.s32 $0x118, s14  }
0xbb: {  	[tilespmem:s22], [sflag:$0x1] =	stream.indirect.gather [hbm4b:s5+s29], $0x80, s21, s29, $0xb8;
	[tilespmem:$0x1EF80] =	vst v63  }
0xbc: {  	_ =	swait.ge [sflag:s20], $0x1400  }
0xbd: {  	[sflag:s20] =	ssyncset.done $0x0  }
0xbe: {  	s21 =	simm.s32 $0x9;
	[sflag:s20] =	ssyncadd.s32 $0xFFFFEC00  }
0xbf: {  	_ =	swait.ge [sflag:s21], $0x28  }
0xc0: {  	s19 =	simm.s32 $0x16080;
	[sflag:s21] =	ssyncset.done $0x0  }
0xc1: {  	s22 =	simm.s32 $0x10;
	s20 =	simm.s32 $0x17780;
	[sflag:s21] =	ssyncadd.s32 $0xFFFFFFD8  }
0xc2: {  	[spmem:s2] =	stream.indirect.scatter [tilespmem:s20], [sflag:$0x10], $0x80, s19, s29, $0xb8;
	[tilespmem:$0x1EF80] =	vst v63  }
0xc3: {  	_ =	swait.ge [sflag:s22], $0x1400  }
0xc4: {  	[sflag:s22] =	ssyncset.done $0x0  }
0xc5: {  	[sflag:s22] =	ssyncadd.s32 $0xFFFFEC00  }
0xc6: {  	[tilespmem:s19], [sflag:$0x9] =	stream.linear.gather [hbm4b:s15+s3], $0x28, $0x38;
	[tilespmem:$0x1EF80] =	vst v63  }
0xc7: {  	s21 =	simm.s32 $0x3;
	s22 =	sadd.s32 $0x140, s14  }
0xc8: {  	[tilespmem:s20], [sflag:$0x2] =	stream.indirect.gather [hbm4b:s5+s29], $0x80, s22, s29, $0xb8;
	[tilespmem:$0x1EF80] =	vst v63  }
0xc9: {  	_ =	swait.ge [sflag:s21], $0x1400  }
0xca: {  	[sflag:s21] =	ssyncset.done $0x0  }
0xcb: {  	s22 =	simm.s32 $0xA;
	[sflag:s21] =	ssyncadd.s32 $0xFFFFEC00  }
0xcc: {  	_ =	swait.ge [sflag:s22], $0x28  }
0xcd: {  	[sflag:s22] =	ssyncset.done $0x0  }
0xce: {  	s20 =	simm.s32 $0x16100;
	s21 =	simm.s32 $0x18B80;
	[sflag:s22] =	ssyncadd.s32 $0xFFFFFFD8  }
0xcf: {  	[spmem:s2] =	stream.indirect.scatter [tilespmem:s21], [sflag:$0x11], $0x80, s20, s29, $0xb8;
	[tilespmem:$0x1EF80] =	vst v63  }
0xd0: {  	_ =	swait.ge [sflag:s23], $0x1400  }
0xd1: {  	[sflag:s23] =	ssyncset.done $0x0  }
0xd2: {  	[sflag:s23] =	ssyncadd.s32 $0xFFFFEC00  }
0xd3: {  	[tilespmem:s20], [sflag:$0xA] =	stream.linear.gather [hbm4b:s11+s3], $0x28, $0x38;
	[tilespmem:$0x1EF80] =	vst v63  }
0xd4: {  	s22 =	sadd.s32 $0x168, s14  }
0xd5: {  	[tilespmem:s21], [sflag:$0x3] =	stream.indirect.gather [hbm4b:s5+s29], $0x80, s22, s29, $0xb8;
	[tilespmem:$0x1EF80] =	vst v63  }
0xd6: {  	_ =	swait.ge [sflag:s24], $0x1400  }
0xd7: {  	[sflag:s24] =	ssyncset.done $0x0  }
0xd8: {  	[sflag:s24] =	ssyncadd.s32 $0xFFFFEC00  }
0xd9: {  	_ =	swait.ge [sflag:s25], $0x28  }
0xda: {  	[sflag:s25] =	ssyncset.done $0x0  }
0xdb: {  	s20 =	simm.s32 $0x16180;
	s21 =	simm.s32 $0x19F80;
	[sflag:s25] =	ssyncadd.s32 $0xFFFFFFD8  }
0xdc: {  	[spmem:s2] =	stream.indirect.scatter [tilespmem:s21], [sflag:$0x12], $0x80, s20, s29, $0xb8;
	[tilespmem:$0x1EF80] =	vst v63  }
0xdd: {  	_ =	swait.ge [sflag:s26], $0x1400  }
0xde: {  	[sflag:s26] =	ssyncset.done $0x0  }
0xdf: {  	[sflag:s26] =	ssyncadd.s32 $0xFFFFEC00  }
0xe0: {  	[tilespmem:s20], [sflag:$0xB] =	stream.linear.gather [hbm4b:s10+s3], $0x28, $0x38;
	[tilespmem:$0x1EF80] =	vst v63  }
0xe1: {  	s22 =	sadd.s32 $0x190, s14  }
0xe2: {  	[tilespmem:s21], [sflag:$0x4] =	stream.indirect.gather [hbm4b:s5+s29], $0x80, s22, s29, $0xb8;
	[tilespmem:$0x1EF80] =	vst v63  }
0xe3: {  	_ =	swait.ge [sflag:s12], $0x1400  }
0xe4: {  	[sflag:s12] =	ssyncset.done $0x0  }
0xe5: {  	[sflag:s12] =	ssyncadd.s32 $0xFFFFEC00  }
0xe6: {  	_ =	swait.ge [sflag:s13], $0x28  }
0xe7: {  	[sflag:s13] =	ssyncset.done $0x0  }
0xe8: {  	s21 =	simm.s32 $0x16200;
	s22 =	simm.s32 $0x1B380;
	[sflag:s13] =	ssyncadd.s32 $0xFFFFFFD8  }
0xe9: {  	[spmem:s2] =	stream.indirect.scatter [tilespmem:s22], [sflag:$0x13], $0x80, s21, s29, $0xb8;
	[tilespmem:$0x1EF80] =	vst v63  }
0xea: {  	_ =	swait.ge [sflag:s4], $0x1400  }
0xeb: {  	[sflag:s4] =	ssyncset.done $0x0  }
0xec: {  	[sflag:s4] =	ssyncadd.s32 $0xFFFFEC00  }
0xed: {  	[tilespmem:s21], [sflag:$0xC] =	stream.linear.gather [hbm4b:s9+s3], $0x28, $0x38;
	[tilespmem:$0x1EF80] =	vst v63  }
0xee: {  	s14 =	sadd.s32 $0x1B8, s14  }
0xef: {  	[tilespmem:s22], [sflag:$0x5] =	stream.indirect.gather [hbm4b:s5+s29], $0x80, s14, s29, $0xb8;
	[tilespmem:$0x1EF80] =	vst v63  }
0xf0: {  	_ =	swait.ge [sflag:s28], $0x1400  }
0xf1: {  	[sflag:s28] =	ssyncset.done $0x0  }
0xf2: {  	[sflag:s28] =	ssyncadd.s32 $0xFFFFEC00  }
0xf3: {  	p2 =	seq.s32 s17, $0x0;
	_ =	swait.ge [sflag:s30], $0x28  }
0xf4: {  	s8 =	smov.u32 s17;
	s17 =	sadd.s32 $0x460, s17;
	[sflag:s30] =	ssyncset.done $0x0  }
0xf5: {  	s21 =	simm.s32 $0x16280;
	s22 =	simm.s32 $0x1C780;
	[sflag:s30] =	ssyncadd.s32 $0xFFFFFFD8  }
0xf6: {  	[spmem:s2] =	stream.indirect.scatter [tilespmem:s22], [sflag:$0x14], $0x80, s21, s29, $0xb8;
	[tilespmem:$0x1EF80] =	vst v63  }
0xf7: {  	p0 =	por p2, p2;
	p2 =	seq.s32 s6, $0x94C0;
	_ =	swait.ge [sflag:s31], $0x1400  }
0xf8: {  	p1 =	sne.s32 s17, $0x9920;
	s6 =	sshra.s32 @!p2 s6, $0x2;
	[sflag:s31] =	ssyncset.done $0x0  }
0xf9: {  	s19 =	simm.s32 @!p2 $0x16280;
	s14 =	simm.s32 @!p2 $0x0;
	[sflag:s31] =	ssyncadd.s32 $0xFFFFEC00  }
0xfa: {  	[tilespmem:s19], [sflag:$0xD] =	stream.linear.gather @!p2 [hbm4b:s7+s14], $0x28, $0x38;
	[tilespmem:$0x1EF80] =	vst v63  }
0xfb: {  	s20 =	sadd.s32 @!p2 $0x1E0, s6;
	s14 =	simm.s32 @!p2 $0x28;
	s19 =	simm.s32 @!p2 $0x1C780  }
0xfc: {  	[tilespmem:s19], [sflag:$0x6] =	stream.indirect.gather @!p2 [hbm4b:s5+s14], $0x80, s20, s14, $0xb8;
	[tilespmem:$0x1EF80] =	vst v63  }
.Ltmp0:
0xfd: {  	_ =	swait.ge [sflag:s1], $0x1400;
	(pc) =	sbr.rel @p1 .LBB2_2-.Ltmp0, $4  }
0xfe: {  	s18 =	sadd.s32 $0x23, s18;
	s16 =	sadd.s32 $0x118, s16;
	[sflag:s1] =	ssyncset.done $0x0  }
0xff: {  	s15 =	sadd.s32 $0x23, s15;
	s11 =	sadd.s32 $0x23, s11;
	[sflag:s1] =	ssyncadd.s32 $0xFFFFEC00  }
0x100: {  	s6 =	smov.u32 s8;
	s10 =	sadd.s32 $0x23, s10;
	_ =	swait.ge [sflag:s0], $0x28  }
0x101: {  	s9 =	sadd.s32 $0x23, s9;
	s7 =	sadd.s32 $0x23, s7;
	[sflag:s0] =	ssyncset.done $0x0  }
0x102: {  	s8 =	simm.s32 @!p0 $0x15  }
0x103: {  	[sflag:s0] =	ssyncadd.s32 $0xFFFFFFD8;
	s14 =	simm.s32 $0x16300;
	s17 =	simm.s32 $0x1DB80  }
0x104: {  	[spmem:s2] =	stream.indirect.scatter [tilespmem:s17], [sflag:$0x15], $0x80, s14, s29, $0xb8;
	[tilespmem:$0x1EF80] =	vst v63  }
0x105: {  	_ =	swait.ge @!p0 [sflag:s8], $0x1400  }
0x106: {  	[sflag:s8] =	ssyncset.done @!p0 $0x0  }
0x107: {  	[sflag:s8] =	ssyncadd.s32 @!p0 $0xFFFFEC00;
	s8 =	sshra.s32 s6, $0x2  }
0x108: {  	[tilespmem:s14], [sflag:$0xE] =	stream.linear.gather [hbm4b:s18+s3], $0x28, $0x38;
	[tilespmem:$0x1EF80] =	vst v63  }
0x109: {  	s22 =	simm.s32 $0x1;
	s21 =	sadd.s32 $0xF0, s8  }
0x10a: {  	[tilespmem:s17], [sflag:$0x7] =	stream.indirect.gather [hbm4b:s5+s29], $0x80, s21, s29, $0xb8;
	[tilespmem:$0x1EF80] =	vst v63  }
0x10b: {  	_ =	swait.ge [sflag:s22], $0x1400  }
0x10c: {  	[sflag:s22] =	ssyncset.done $0x0  }
0x10d: {  	s18 =	simm.s32 $0x8;
	[sflag:s22] =	ssyncadd.s32 $0xFFFFEC00  }
0x10e: {  	_ =	swait.ge [sflag:s18], $0x28  }
0x10f: {  	s20 =	simm.s32 $0x16000;
	[sflag:s18] =	ssyncset.done $0x0  }
0x110: {  	s19 =	simm.s32 $0xF;
	s21 =	simm.s32 $0x16380;
	[sflag:s18] =	ssyncadd.s32 $0xFFFFFFD8  }
0x111: {  	[spmem:s2] =	stream.indirect.scatter [tilespmem:s21], [sflag:$0xF], $0x80, s20, s29, $0xb8;
	[tilespmem:$0x1EF80] =	vst v63  }
0x112: {  	_ =	swait.ge [sflag:s19], $0x1400  }
0x113: {  	s16 =	sshrl.u32 s16, $0x3;
	[sflag:s19] =	ssyncset.done $0x0;
	s17 =	rddreg [dreg:$0x3]  }
0x114: {  	[sflag:s19] =	ssyncadd.s32 $0xFFFFEC00;
	s14 =	sadd.s32 s17, s16  }
0x115: {  	[tilespmem:s20], [sflag:$0x8] =	stream.linear.gather [hbm4b:s14+s3], $0x28, $0x38;
	[tilespmem:$0x1EF80] =	vst v63  }
0x116: {  	s22 =	sadd.s32 $0x118, s8;
	s17 =	simm.s32 $0x2  }
0x117: {  	[tilespmem:s21], [sflag:$0x1] =	stream.indirect.gather [hbm4b:s5+s29], $0x80, s22, s29, $0xb8;
	[tilespmem:$0x1EF80] =	vst v63  }
0x118: {  	_ =	swait.ge [sflag:s17], $0x1400  }
0x119: {  	[sflag:s17] =	ssyncset.done $0x0  }
0x11a: {  	s22 =	simm.s32 $0x9;
	[sflag:s17] =	ssyncadd.s32 $0xFFFFEC00  }
0x11b: {  	_ =	swait.ge [sflag:s22], $0x28  }
0x11c: {  	s16 =	simm.s32 $0x16080;
	[sflag:s22] =	ssyncset.done $0x0  }
0x11d: {  	s20 =	simm.s32 $0x17780;
	s21 =	simm.s32 $0x10;
	[sflag:s22] =	ssyncadd.s32 $0xFFFFFFD8  }
0x11e: {  	[spmem:s2] =	stream.indirect.scatter [tilespmem:s20], [sflag:$0x10], $0x80, s16, s29, $0xb8;
	[tilespmem:$0x1EF80] =	vst v63  }
0x11f: {  	_ =	swait.ge [sflag:s21], $0x1400  }
0x120: {  	[sflag:s21] =	ssyncset.done $0x0  }
0x121: {  	[sflag:s21] =	ssyncadd.s32 $0xFFFFEC00  }
0x122: {  	[tilespmem:s16], [sflag:$0x9] =	stream.linear.gather [hbm4b:s15+s3], $0x28, $0x38;
	[tilespmem:$0x1EF80] =	vst v63  }
0x123: {  	s16 =	sadd.s32 $0x140, s8  }
0x124: {  	[tilespmem:s20], [sflag:$0x2] =	stream.indirect.gather [hbm4b:s5+s29], $0x80, s16, s29, $0xb8;
	[tilespmem:$0x1EF80] =	vst v63  }
0x125: {  	s16 =	simm.s32 $0x3  }
0x126: {  	_ =	swait.ge [sflag:s16], $0x1400  }
0x127: {  	[sflag:s16] =	ssyncset.done $0x0  }
0x128: {  	s15 =	simm.s32 $0xA;
	[sflag:s16] =	ssyncadd.s32 $0xFFFFEC00  }
0x129: {  	_ =	swait.ge [sflag:s15], $0x28  }
0x12a: {  	[sflag:s15] =	ssyncset.done $0x0  }
0x12b: {  	s14 =	simm.s32 $0x18B80;
	s20 =	simm.s32 $0x16100;
	[sflag:s15] =	ssyncadd.s32 $0xFFFFFFD8  }
0x12c: {  	[spmem:s2] =	stream.indirect.scatter [tilespmem:s14], [sflag:$0x11], $0x80, s20, s29, $0xb8;
	[tilespmem:$0x1EF80] =	vst v63  }
0x12d: {  	_ =	swait.ge [sflag:s23], $0x1400  }
0x12e: {  	[sflag:s23] =	ssyncset.done $0x0  }
0x12f: {  	[sflag:s23] =	ssyncadd.s32 $0xFFFFEC00  }
0x130: {  	[tilespmem:s20], [sflag:$0xA] =	stream.linear.gather [hbm4b:s11+s3], $0x28, $0x38;
	[tilespmem:$0x1EF80] =	vst v63  }
0x131: {  	s20 =	sadd.s32 $0x168, s8  }
0x132: {  	[tilespmem:s14], [sflag:$0x3] =	stream.indirect.gather [hbm4b:s5+s29], $0x80, s20, s29, $0xb8;
	[tilespmem:$0x1EF80] =	vst v63  }
0x133: {  	_ =	swait.ge [sflag:s24], $0x1400  }
0x134: {  	[sflag:s24] =	ssyncset.done $0x0  }
0x135: {  	[sflag:s24] =	ssyncadd.s32 $0xFFFFEC00  }
0x136: {  	_ =	swait.ge [sflag:s25], $0x28  }
0x137: {  	[sflag:s25] =	ssyncset.done $0x0  }
0x138: {  	s11 =	simm.s32 $0x19F80;
	s14 =	simm.s32 $0x16180;
	[sflag:s25] =	ssyncadd.s32 $0xFFFFFFD8  }
0x139: {  	[spmem:s2] =	stream.indirect.scatter [tilespmem:s11], [sflag:$0x12], $0x80, s14, s29, $0xb8;
	[tilespmem:$0x1EF80] =	vst v63  }
0x13a: {  	_ =	swait.ge [sflag:s26], $0x1400  }
0x13b: {  	[sflag:s26] =	ssyncset.done $0x0  }
0x13c: {  	[sflag:s26] =	ssyncadd.s32 $0xFFFFEC00  }
0x13d: {  	[tilespmem:s14], [sflag:$0xB] =	stream.linear.gather [hbm4b:s10+s3], $0x28, $0x38;
	[tilespmem:$0x1EF80] =	vst v63  }
0x13e: {  	s20 =	sadd.s32 $0x190, s8  }
0x13f: {  	[tilespmem:s11], [sflag:$0x4] =	stream.indirect.gather [hbm4b:s5+s29], $0x80, s20, s29, $0xb8;
	[tilespmem:$0x1EF80] =	vst v63  }
0x140: {  	_ =	swait.ge [sflag:s12], $0x1400  }
0x141: {  	[sflag:s12] =	ssyncset.done $0x0  }
0x142: {  	[sflag:s12] =	ssyncadd.s32 $0xFFFFEC00  }
0x143: {  	_ =	swait.ge [sflag:s13], $0x28  }
0x144: {  	[sflag:s13] =	ssyncset.done $0x0  }
0x145: {  	s10 =	simm.s32 $0x1B380;
	s20 =	simm.s32 $0x16200;
	[sflag:s13] =	ssyncadd.s32 $0xFFFFFFD8  }
0x146: {  	[spmem:s2] =	stream.indirect.scatter [tilespmem:s10], [sflag:$0x13], $0x80, s20, s29, $0xb8;
	[tilespmem:$0x1EF80] =	vst v63  }
0x147: {  	_ =	swait.ge [sflag:s4], $0x1400  }
0x148: {  	[sflag:s4] =	ssyncset.done $0x0  }
0x149: {  	[sflag:s4] =	ssyncadd.s32 $0xFFFFEC00  }
0x14a: {  	[tilespmem:s20], [sflag:$0xC] =	stream.linear.gather [hbm4b:s9+s3], $0x28, $0x38;
	[tilespmem:$0x1EF80] =	vst v63  }
0x14b: {  	s8 =	sadd.s32 $0x1B8, s8  }
0x14c: {  	[tilespmem:s10], [sflag:$0x5] =	stream.indirect.gather [hbm4b:s5+s29], $0x80, s8, s29, $0xb8;
	[tilespmem:$0x1EF80] =	vst v63  }
0x14d: {  	_ =	swait.ge [sflag:s28], $0x1400  }
0x14e: {  	[sflag:s28] =	ssyncset.done $0x0  }
0x14f: {  	[sflag:s28] =	ssyncadd.s32 $0xFFFFEC00  }
0x150: {  	_ =	swait.ge [sflag:s30], $0x28  }
0x151: {  	[sflag:s30] =	ssyncset.done $0x0  }
0x152: {  	s11 =	simm.s32 $0x16280;
	s20 =	simm.s32 $0x1C780;
	[sflag:s30] =	ssyncadd.s32 $0xFFFFFFD8  }
0x153: {  	[spmem:s2] =	stream.indirect.scatter [tilespmem:s20], [sflag:$0x14], $0x80, s11, s29, $0xb8;
	[tilespmem:$0x1EF80] =	vst v63  }
0x154: {  	p0 =	seq.s32 s6, $0x94C0;
	_ =	swait.ge [sflag:s31], $0x1400  }
0x155: {  	s6 =	sshra.s32 @!p0 s6, $0x2;
	[sflag:s31] =	ssyncset.done $0x0  }
0x156: {  	s9 =	simm.s32 @!p0 $0x16280;
	s8 =	simm.s32 @!p0 $0x0;
	[sflag:s31] =	ssyncadd.s32 $0xFFFFEC00  }
0x157: {  	[tilespmem:s9], [sflag:$0xD] =	stream.linear.gather @!p0 [hbm4b:s7+s8], $0x28, $0x38;
	[tilespmem:$0x1EF80] =	vst v63  }
0x158: {  	s6 =	sadd.s32 @!p0 $0x1E0, s6;
	s7 =	simm.s32 @!p0 $0x28;
	s8 =	simm.s32 @!p0 $0x1C780  }
0x159: {  	[tilespmem:s8], [sflag:$0x6] =	stream.indirect.gather @!p0 [hbm4b:s5+s7], $0x80, s6, s7, $0xb8;
	[tilespmem:$0x1EF80] =	vst v63  }
0x15a: {  	_ =	swait.ge [sflag:s1], $0x1400  }
0x15b: {  	[sflag:s1] =	ssyncset.done $0x0  }
0x15c: {  	[sflag:s1] =	ssyncadd.s32 $0xFFFFEC00  }
0x15d: {  	_ =	swait.ge [sflag:s0], $0x28  }
0x15e: {  	s9 =	simm.s32 $0x1DB80;
	[sflag:s0] =	ssyncset.done $0x0  }
0x15f: {  	s8 =	simm.s32 $0x16300;
	s7 =	simm.s32 $0x15;
	[sflag:s0] =	ssyncadd.s32 $0xFFFFFFD8  }
0x160: {  	[spmem:s2] =	stream.indirect.scatter [tilespmem:s9], [sflag:$0x15], $0x80, s8, s29, $0xb8;
	[tilespmem:$0x1EF80] =	vst v63  }
0x161: {  	_ =	swait.ge [sflag:s7], $0x1400  }
0x162: {  	[sflag:s7] =	ssyncset.done $0x0  }
0x163: {  	s8 =	simm.s32 $0x1;
	[sflag:s7] =	ssyncadd.s32 $0xFFFFEC00  }
0x164: {  	_ =	swait.ge [sflag:s8], $0x1400  }
0x165: {  	[sflag:s8] =	ssyncset.done $0x0  }
0x166: {  	[sflag:s8] =	ssyncadd.s32 $0xFFFFEC00  }
0x167: {  	_ =	swait.ge [sflag:s18], $0x28  }
0x168: {  	[sflag:s18] =	ssyncset.done $0x0  }
0x169: {  	s9 =	simm.s32 $0x16000;
	[sflag:s18] =	ssyncadd.s32 $0xFFFFFFD8;
	s18 =	simm.s32 $0x16380  }
0x16a: {  	[spmem:s2] =	stream.indirect.scatter [tilespmem:s18], [sflag:$0xF], $0x80, s9, s29, $0xb8;
	[tilespmem:$0x1EF80] =	vst v63  }
0x16b: {  	_ =	swait.ge [sflag:s19], $0x1400  }
0x16c: {  	[sflag:s19] =	ssyncset.done $0x0  }
0x16d: {  	[sflag:s19] =	ssyncadd.s32 $0xFFFFEC00  }
0x16e: {  	_ =	swait.ge [sflag:s17], $0x1400  }
0x16f: {  	[sflag:s17] =	ssyncset.done $0x0  }
0x170: {  	[sflag:s17] =	ssyncadd.s32 $0xFFFFEC00  }
0x171: {  	_ =	swait.ge [sflag:s22], $0x28  }
0x172: {  	[sflag:s22] =	ssyncset.done $0x0  }
0x173: {  	s19 =	simm.s32 $0x16080;
	[sflag:s22] =	ssyncadd.s32 $0xFFFFFFD8;
	s22 =	simm.s32 $0x17780  }
0x174: {  	[spmem:s2] =	stream.indirect.scatter [tilespmem:s22], [sflag:$0x10], $0x80, s19, s29, $0xb8;
	[tilespmem:$0x1EF80] =	vst v63  }
0x175: {  	_ =	swait.ge [sflag:s21], $0x1400  }
0x176: {  	[sflag:s21] =	ssyncset.done $0x0  }
0x177: {  	[sflag:s21] =	ssyncadd.s32 $0xFFFFEC00  }
0x178: {  	_ =	swait.ge [sflag:s16], $0x1400  }
0x179: {  	[sflag:s16] =	ssyncset.done $0x0  }
0x17a: {  	[sflag:s16] =	ssyncadd.s32 $0xFFFFEC00  }
0x17b: {  	_ =	swait.ge [sflag:s15], $0x28  }
0x17c: {  	[sflag:s15] =	ssyncset.done $0x0  }
0x17d: {  	s8 =	simm.s32 $0x16100;
	s9 =	simm.s32 $0x18B80;
	[sflag:s15] =	ssyncadd.s32 $0xFFFFFFD8  }
0x17e: {  	[spmem:s2] =	stream.indirect.scatter [tilespmem:s9], [sflag:$0x11], $0x80, s8, s29, $0xb8;
	[tilespmem:$0x1EF80] =	vst v63  }
0x17f: {  	_ =	swait.ge [sflag:s23], $0x1400  }
0x180: {  	[sflag:s23] =	ssyncset.done $0x0  }
0x181: {  	[sflag:s23] =	ssyncadd.s32 $0xFFFFEC00  }
0x182: {  	_ =	swait.ge [sflag:s24], $0x1400  }
0x183: {  	[sflag:s24] =	ssyncset.done $0x0  }
0x184: {  	[sflag:s24] =	ssyncadd.s32 $0xFFFFEC00  }
0x185: {  	_ =	swait.ge [sflag:s25], $0x28  }
0x186: {  	[sflag:s25] =	ssyncset.done $0x0  }
0x187: {  	s15 =	simm.s32 $0x19F80;
	[sflag:s25] =	ssyncadd.s32 $0xFFFFFFD8  }
0x188: {  	[spmem:s2] =	stream.indirect.scatter [tilespmem:s15], [sflag:$0x12], $0x80, s14, s29, $0xb8;
	[tilespmem:$0x1EF80] =	vst v63  }
0x189: {  	_ =	swait.ge [sflag:s26], $0x1400  }
0x18a: {  	[sflag:s26] =	ssyncset.done $0x0  }
0x18b: {  	[sflag:s26] =	ssyncadd.s32 $0xFFFFEC00  }
0x18c: {  	_ =	swait.ge [sflag:s12], $0x1400  }
0x18d: {  	[sflag:s12] =	ssyncset.done $0x0  }
0x18e: {  	[sflag:s12] =	ssyncadd.s32 $0xFFFFEC00  }
0x18f: {  	_ =	swait.ge [sflag:s13], $0x28  }
0x190: {  	[sflag:s13] =	ssyncset.done $0x0  }
0x191: {  	s16 =	simm.s32 $0x16200;
	[sflag:s13] =	ssyncadd.s32 $0xFFFFFFD8  }
0x192: {  	[spmem:s2] =	stream.indirect.scatter [tilespmem:s10], [sflag:$0x13], $0x80, s16, s29, $0xb8;
	[tilespmem:$0x1EF80] =	vst v63  }
0x193: {  	_ =	swait.ge [sflag:s4], $0x1400  }
0x194: {  	[sflag:s4] =	ssyncset.done $0x0  }
0x195: {  	[sflag:s4] =	ssyncadd.s32 $0xFFFFEC00  }
0x196: {  	[bflag:$0x0] =	sbarrier.arrive $0xFFFF  }
0x197: {  	s17 =	rddreg [dreg:$0xf]  }
0x198: {  	s18 =	rddreg [dreg:$0xc]  }
0x199: {  	s8 =	simm.s32 $0x17;
	s19 =	rddreg [dreg:$0x19];
	s6 =	sor.u32 $0x1C17, s17  }
0x19a: {  	[hbm:s18], [sflag:s6] =	dma.local [spmem:s19], $0x2800  }
0x19b: {  	_ =	swait.ge [sflag:s8], $0x2800  }
0x19c: {  	s21 =	rddreg [dreg:$0x18]  }
0x19d: {  	s22 =	rddreg [dreg:$0xd];
	s7 =	sadd.s32 $0x1, s21  }
0x19e: {  	p0 =	sne.s32 s7, s22  }
.Ltmp1:
0x19f: {  	_ = 	snop;
	(pc) =	sbr.rel @p0 .LBB2_1-.Ltmp1, $3  }
0x1a0: {  	_ =	sdelay $0x1  }
0x1a1: {  	[sflag:s8] =	ssyncset.done $0x0  }
0x1a2: {  	s20 =	simm.s32 $0x16300;
	s11 =	simm.s32 $0x1DB80;
	[sflag:s8] =	ssyncadd.s32 $0xFFFFD800  }
0x1a3: {  	_ =	sfence.sel $0x180000  }
0x1a4: {  	[bflag:$0x0] =	sbarrier.arrive $0xFFFF  }
0x1a5: {  	_ =	strace $0x9000004D  }
0x1a6: {  	s0 =	stileid.u32;
	[bflag:$0x2] =	sbarrier.arrive $0xFFFF  }
0x1a7: {  	p0 =	sne.s32 s0, $0x0;
	s0 =	rddreg [dreg:$0x2]  }
0x1a8: {  	s0 =	sadd.s32 @!p0 $0x100000, s0  }
0x1a9: {  	[sflag:s0] =	ssyncadd.tile.s32 @!p0 $0x1;
	_ =	shalt  }
.Lfunc_end2:
_tile_overlayer_lowered:
.L_overlay_start_2:
0x1aa: {  	(tag) =	ssettag $0x2  }
0x1ab: {  	s0 =	rddreg [dreg:$0x0];
	s2 =	stileid.u32  }
0x1ac: {  	s1 =	rddreg [dreg:$0x1];
	p0 =	sne.s32 s2, $0x0  }
0x1ad: {  	s3 =	rddreg [dreg:$0x2];
	[bflag:$0x3] =	sbarrier.arrive $0xFFFF;
	s2 =	simm.s32 @!p0 $0x1C17  }
0x1ae: {  	[timem:s3], [sflag:s2] =	dma.local @!p0 [hbm:s0], s1  }
0x1af: {  	s0 =	simm.s32 @!p0 $0x17  }
0x1b0: {  	_ =	swait.ge @!p0 [sflag:s0], s1  }
0x1b1: {  	s1 =	ssub.s32 @!p0 $0x0, s1;
	[sflag:s0] =	ssyncset.done @!p0 $0x0  }
0x1b2: {  	[sflag:s0] =	ssyncadd.s32 @!p0 s1  }
0x1b3: {  	[bflag:$0x3] =	sbarrier.arrive $0xFFFF  }
0x1b4: {  	_ =	shalt  }

// kernel: kernel.19.cloned.1.call-start
scs
__scs_entry_jumppad:
0x0: {  	(pc) =	sbr.rel $0x88, $3  }
0x1: {  	(tag) =	ssettag $0x0;
	lr =	simm.s32 $0x1  }
0x2: {  	[smem:$0x3F99] =	sst lr;
	_ =	strace $0xD0000000  }
0x3: {  	_ = 	snop  }
0x4: {  	_ = 	snop  }
0x5: {  	_ = 	snop  }
0x6: {  	_ = 	snop  }
0x7: {  	_ = 	snop  }
__scs_overlays_trampoline_lowered:
0x8: {  	[smem:$0x3FA8] =	sst s0  }
0x9: {  	[smem:$0x3FA9] =	sst s1  }
0xa: {  	[smem:$0x3FAA] =	sst s2  }
0xb: {  	[smem:$0x3FAB] =	sst s3  }
0xc: {  	[smem:$0x3FAC] =	sst s4  }
0xd: {  	[smem:$0x3FAD] =	sst s5  }
0xe: {  	[smem:$0x3FAE] =	sst s6  }
0xf: {  	[smem:$0x3FAF] =	sst s7  }
0x10: {  	[smem:$0x3FB0] =	sst s8  }
0x11: {  	[smem:$0x3FB1] =	sst s9;
	s0 =	simm.s32 @!p0 $0x0  }
0x12: {  	s1 =	sld [smem:$0x3F97];
	s0 =	simm.s32 @p0 $0x1  }
0x13: {  	[smem:$0x3FB2] =	sst s0;
	s0 =	simm.s32 @!p1 $0x0  }
0x14: {  	s2 =	sld [smem:$0x3F96];
	s0 =	simm.s32 @p1 $0x1  }
0x15: {  	[smem:$0x3FB3] =	sst s0;
	s0 =	simm.s32 @!p2 $0x0  }
0x16: {  	s3 =	sld [smem:$0x3FDB];
	s0 =	simm.s32 @p2 $0x1  }
0x17: {  	s4 =	simm.s32 $0x1BF5;
	[smem:$0x3FB5] =	sst s0  }
0x18: {  	s0 =	sld [smem:$0x3F98];
	_ =	swait.ge [sflag:s4], $0x0  }
0x19: {  	s7 =	sld [smem:$0x3F99]  }
0x1a: {  	s8 =	sadd.s32 $0xFFFFE003, lr  }
0x1b: {  	s9 =	sadd.s32 $0xFFFFFEF7, lr;
	s5 =	simm.s32 $0xFFFFFFFF;
	p2 =	slt.u32 s8, $0xFFFFF086  }
0x1c: {  	p1 =	slt.u32 s9, $0xF7A;
	s5 =	simm.s32 @!p2 $0x0  }
0x1d: {  	s5 =	simm.s32 @p1 $0x1;
	p0 =	seq.s32 s7, s2  }
0x1e: {  	s7 =	smul.u32 @!p0 $0xF7A, s2;
	p2 =	seq.s32 @!p0 s5, $0x0  }
0x1f: {  	s9 =	smul.u32 $0xF7A, s1;
	s8 =	simm.s32 @!p0 $0x1BF5;
	p2 =	por !p2, p0  }
0x20: {  	[sflag:s8] =	ssyncset.s32 @!p0 $0xFFFFF086;
	s6 =	sadd.s32 @!p0 s3, s7;
	s7 =	simm.s32 @!p0 $0x108  }
0x21: {  	s3 =	sadd.s32 s3, s9;
	s6 =	sadd.s32 @!p0 $0x88, s6;
	s7 =	simm.s32 @p2 $0x1082  }
0x22: {  	[simem:s7], [sflag:s8] =	dma.local @!p0 [hbm:s6], $0xF7A  }
0x23: {  	s9 =	sor.u32 $0xD0000000, s2;
	s6 =	simm.s32 $0x108;
	_ =	swait.ge @!p0 [sflag:s8], $0x0  }
0x24: {  	s3 =	sadd.s32 $0x88, s3;
	s6 =	simm.s32 @!p1 $0x1082;
	[sflag:s4] =	ssyncset.s32 $0xFFFFF086  }
0x25: {  	[simem:s6], [sflag:s4] =	dma.local [hbm:s3], $0xF7A  }
0x26: {  	[smem:$0x3F99] =	sst s1;
	(tag) =	ssettag s2;
	_ =	strace s9  }
0x27: {  	s1 =	sld [smem:$0x3FA9]  }
0x28: {  	s2 =	sld [smem:$0x3FAA]  }
0x29: {  	s4 =	sld [smem:$0x3FAC]  }
0x2a: {  	p0 =	seq.s32 s5, $0x0;
	s5 =	sld [smem:$0x3FAD]  }
0x2b: {  	s6 =	sld [smem:$0x3FAE]  }
0x2c: {  	s7 =	sld [smem:$0x3FAF]  }
0x2d: {  	s3 =	simm.s32 $0x108;
	s8 =	sld [smem:$0x3FB0]  }
0x2e: {  	s3 =	simm.s32 @!p0 $0x1082;
	s9 =	sld [smem:$0x3FB1]  }
0x2f: {  	lr =	sadd.s32 s0, s3;
	s0 =	sld [smem:$0x3FA8]  }
0x30: {  	s3 =	sld [smem:$0x3FAB]  }
0x31: {  	[smem:$0x3FB4] =	sst s10  }
0x32: {  	s10 =	sld [smem:$0x3FB2];
	_ =	sdelay $0x3  }
0x33: {  	p0 =	seq.s32 s10, $0x1;
	s10 =	sld [smem:$0x3FB4];
	_ =	sdelay $0x3  }
0x34: {  	[smem:$0x3FB4] =	sst s10  }
0x35: {  	s10 =	sld [smem:$0x3FB3];
	_ =	sdelay $0x3  }
0x36: {  	p1 =	seq.s32 s10, $0x1;
	s10 =	sld [smem:$0x3FB4];
	_ =	sdelay $0x3  }
0x37: {  	[smem:$0x3FB4] =	sst s10  }
0x38: {  	s10 =	sld [smem:$0x3FB5]  }
0x39: {  	_ = 	snop;
	(pc) =	sbr.ind lr, $3  }
0x3a: {  	_ = 	snop  }
0x3b: {  	_ = 	snop  }
0x3c: {  	p2 =	seq.s32 s10, $0x1;
	s10 =	sld [smem:$0x3FB4]  }
0x3d: {  	_ =	shalt  }
0x3e: {  	_ =	shalt  }
0x3f: {  	_ =	shalt  }
0x40: {  	_ =	shalt  }
0x41: {  	_ =	shalt  }
0x42: {  	_ =	shalt  }
0x43: {  	_ =	shalt  }
0x44: {  	_ =	shalt  }
0x45: {  	_ =	shalt  }
0x46: {  	_ =	shalt  }
0x47: {  	_ =	shalt  }
0x48: {  	_ =	shalt  }
0x49: {  	_ =	shalt  }
0x4a: {  	_ =	shalt  }
0x4b: {  	_ =	shalt  }
0x4c: {  	_ =	shalt  }
0x4d: {  	_ =	shalt  }
0x4e: {  	_ =	shalt  }
0x4f: {  	_ =	shalt  }
0x50: {  	_ =	shalt  }
0x51: {  	_ =	shalt  }
0x52: {  	_ =	shalt  }
0x53: {  	_ =	shalt  }
0x54: {  	_ =	shalt  }
0x55: {  	_ =	shalt  }
0x56: {  	_ =	shalt  }
0x57: {  	_ =	shalt  }
0x58: {  	_ =	shalt  }
0x59: {  	_ =	shalt  }
0x5a: {  	_ =	shalt  }
0x5b: {  	_ =	shalt  }
0x5c: {  	_ =	shalt  }
0x5d: {  	_ =	shalt  }
0x5e: {  	_ =	shalt  }
0x5f: {  	_ =	shalt  }
0x60: {  	_ =	shalt  }
0x61: {  	_ =	shalt  }
0x62: {  	_ =	shalt  }
0x63: {  	_ =	shalt  }
0x64: {  	_ =	shalt  }
0x65: {  	_ =	shalt  }
0x66: {  	_ =	shalt  }
0x67: {  	_ =	shalt  }
0x68: {  	_ =	shalt  }
0x69: {  	_ =	shalt  }
0x6a: {  	_ =	shalt  }
0x6b: {  	_ =	shalt  }
0x6c: {  	_ =	shalt  }
0x6d: {  	_ =	shalt  }
0x6e: {  	_ =	shalt  }
0x6f: {  	_ =	shalt  }
0x70: {  	_ =	shalt  }
0x71: {  	_ =	shalt  }
0x72: {  	_ =	shalt  }
0x73: {  	_ =	shalt  }
0x74: {  	_ =	shalt  }
0x75: {  	_ =	shalt  }
0x76: {  	_ =	shalt  }
0x77: {  	_ =	shalt  }
0x78: {  	_ =	shalt  }
0x79: {  	_ =	shalt  }
0x7a: {  	_ =	shalt  }
0x7b: {  	_ =	shalt  }
0x7c: {  	_ =	shalt  }
0x7d: {  	_ =	shalt  }
0x7e: {  	_ =	shalt  }
0x7f: {  	_ =	shalt  }
0x80: {  	_ =	shalt  }
0x81: {  	_ =	shalt  }
0x82: {  	_ =	shalt  }
0x83: {  	_ =	shalt  }
0x84: {  	_ =	shalt  }
0x85: {  	_ =	shalt  }
0x86: {  	_ =	shalt  }
0x87: {  	_ =	shalt  }
.Lfunc_end0:
.L_simem_size_0:
called_computation.3_lowered:
.L_overlay_start_0:
0x88: {  	s2 =	sld [smem:$0x3FD9]  }
0x89: {  	s3 =	sld [smem:$0x3FFE];
	_ =	sdelay $0x1  }
0x8a: {  	s1 =	srdreg.scid  }
0x8b: {  	s0 =	sand.u32 $0x1, s1  }
0x8c: {  	s16 =	sshll.u32 s0, $0xA;
	s2 =	sadd.s32 s3, s2  }
0x8d: {  	s2 =	sadd.s32 s2, s16  }
0x8e: {  	[smem:$0x3FC0] =	sst s2  }
0x8f: {  	_ = 	snop  }
0x90: {  	(tm) =	ssettm $0x1  }
0x91: {  	s17 =	sld [smem:$0x3FFB];
	_ =	sdelay $0x3  }
0x92: {  	_ =	strace s17  }
0x93: {  	s2 =	sld [smem:$0x3FFC];
	_ =	sdelay $0x3  }
0x94: {  	_ =	strace s2  }
0x95: {  	s2 =	sld [smem:$0x3FFD];
	_ =	sdelay $0x3  }
0x96: {  	_ =	strace s2  }
0x97: {  	_ =	strace $0x8FFFFFFF  }
0x98: {  	s18 =	sld [smem:$0x3FDB];
	_ =	sdelay $0x1  }
0x99: {  	s19 =	simm.s32 $_scs_section_size  }
0x9a: {  	s4 =	simm.s32 $_size__tile_overlayer_lowered;
	s5 =	simm.s32 $_tile_overlayer_lowered  }
0x9b: {  	s22 =	simm.s32 $0x1BFF;
	s21 =	sshll.u32 s5, $0x1;
	s2 =	sadd.s32 s19, s18  }
0x9c: {  	s6 =	simm.s32 $0x0;
	s20 =	sshll.u32 s4, $0x1;
	s4 =	sadd.s32 s21, s2  }
0x9d: {  	[timem:s6], [sflag:s22] =	dma.local [hbm:s4], s20  }
0x9e: {  	_ =	swait.ge [sflag:s22], s20  }
0x9f: {  	s3 =	ssub.s32 $0x0, s20;
	[sflag:s22] =	ssyncset.done $0x0  }
0xa0: {  	[sflag:s22] =	ssyncadd.s32 s3;
	_ =	sdelay $0x1  }
0xa1: {  	s23 =	simm.s32 $0x1B8B  }
0xa2: {  	_ =	swait.ge [sflag:s23], $0x1  }
0xa3: {  	[sflag:s23] =	ssyncset.done $0x0  }
0xa4: {  	s25 =	simm.s32 $0x1B8E;
	s24 =	sld [smem:$0x3FFE];
	[sflag:s23] =	ssyncadd.s32 $0xFFFFFFFF  }
0xa5: {  	s26 =	simm.s32 $execute0_lowered;
	[smem:$0x3FD2] =	sst s25  }
0xa6: {  	s4 =	sshll.u32 s26, $0x1;
	_ =	strace $0x8000004F;
	[dreg:$0x1] =	wrdreg $0xFFFFFFFF  }
0xa7: {  	s28 =	simm.s32 $_size_execute0_lowered;
	s2 =	sadd.s32 s2, s4;
	[dreg:$0x0] =	wrdreg $0x0  }
0xa8: {  	s4 =	sshll.u32 s28, $0x1;
	[dreg:$0x2] =	wrdreg s2  }
0xa9: {  	[dreg:$0x3] =	wrdreg s4  }
0xaa: {  	[dreg:$0x4] =	wrdreg $0xC0  }
0xab: {  	_ =	task [dreg:s6], $0x5FFFF  }
0xac: {  	[dreg:$0x1] =	wrdreg $0xFFFFFFFF  }
0xad: {  	[dreg:$0x0] =	wrdreg $0x60  }
0xae: {  	[dreg:$0x2] =	wrdreg s24  }
0xaf: {  	[dreg:$0x3] =	wrdreg $0x27800  }
0xb0: {  	[dreg:$0x4] =	wrdreg $0x9  }
0xb1: {  	_ =	task.clear_ibuf [dreg:s6], $0x5FFFF;
	_ =	strace $0x9000004F  }
0xb2: {  	s29 =	simm.s32 $0x9;
	_ =	strace $0x80000051  }
0xb3: {  	_ =	swait.ge [sflag:s29], $0x1  }
0xb4: {  	[sflag:s29] =	ssyncadd.s32 $0xFFFFFFFF  }
0xb5: {  	_ =	strace $0x90000051  }
0xb6: {  	_ =	sfence  }
0xb7: {  	s30 =	sld [smem:$0x0];
	_ =	sdelay $0x2  }
0xb8: {  	s31 =	sshll.u32 s1, $0xD;
	s1 =	sshrl.u32 s1, $0x2  }
0xb9: {  	s3 =	sand.u32 $0x4000, s31;
	s1 =	sadd.s32 s1, s30  }
0xba: {  	s0 =	sor.u32 s3, s0;
	s1 =	sshll.u32 s1, $0x11  }
0xbb: {  	s0 =	sor.u32 s1, s0  }
0xbc: {  	s0 =	sadd.s32 $0x8F2B, s0  }
0xbd: {  	[sflag:s0] =	ssyncadd.remote.s32 $0x1  }
0xbe: {  	_ =	sfence.sel $0xFFFF  }
0xbf: {  	[dreg:$0x0] =	wrdreg $0xFFFFFFFF;
	(pc) =	sbr.abs _section_cstart, $3  }
0xc0: {  	[dreg:$0x1] =	wrdreg $0xFFFFFFFF  }
0xc1: {  	_ =	task.clear_ibuf [dreg:s6], $0x2FFFF;
	_ =	strace $0x9FFFFFFF  }
0xc2: {  	(tm) =	ssettm $0x7FFFFFFF  }
0xc3: {  	_ =	shalt  }
tec
execute0_lowered:
.L_overlay_start_1:
0x0: {  	(tag) =	ssettag $0x1  }
0x1: {  	s0 =	srdreg.scid  }
0x2: {  	s1 =	rddreg [dreg:$0x0];
	s14 =	stileid.u32  }
0x3: {  	s2 =	rddreg [dreg:$0x1];
	s29 =	simm.s32 $0x28;
	s28 =	simm.s32 $0x6  }
0x4: {  	s0 =	sand.u32 $0x1, s0;
	s6 =	smul.u32 $0x2700, s14;
	s15 =	sadd.s32 $0x3000, s1  }
0x5: {  	s5 =	sadd.s32 $0x3DE00, s1;
	s12 =	smul.u32 $0x4E000, s14;
	s13 =	sadd.s32 $0x16C00, s1  }
0x6: {  	s3 =	sshll.u32 s0, $0x4;
	s8 =	smul.u32 $0x27100, s0;
	s11 =	ssub.s32 $0x2, s0  }
0x7: {  	p0 =	seq.s32 s0, $0x0;
	s4 =	sor.u32 s14, s3;
	s3 =	simm.s32 $0x0  }
0x8: {  	s19 =	sshrl.u32 s11, $0x1;
	s20 =	sshrl.u32 s12, $0x2;
	s13 =	smov.u32 @p0 s5  }
0x9: {  	s4 =	smul.u32 $0x2710, s4;
	[smem:$0x7FF] =	sst s3;
	s0 =	sadd.s32 s20, s2  }
0xa: {  	s13 =	sadd.s32 s13, s6;
	_ =	strace $0x80000050;
	[dreg:$0x4] =	wrdreg s0  }
0xb: {  	s10 =	sadd.s32 s6, s8;
	[dreg:$0xe] =	wrdreg s13;
	s7 =	sshrl.u32 s4, $0x3  }
0xc: {  	[dreg:$0x3] =	wrdreg s15;
	s22 =	sadd.s32 $0x28, s4;
	s9 =	sadd.s32 s7, s1  }
0xd: {  	s1 =	sadd.s32 s10, s1;
	s10 =	ssub.s32 s11, s19;
	s23 =	sadd.s32 s15, s7  }
0xe: {  	s11 =	smul.u32 $0x2710, s14;
	s14 =	sshll.u32 s14, $0x6;
	[dreg:$0x6] =	wrdreg s23  }
0xf: {  	s0 =	sshrl.u32 s22, $0x3;
	s21 =	sadd.s32 $0xCE00, s9;
	[dreg:$0xf] =	wrdreg s14  }
0x10: {  	s30 =	simm.s32 $0xD;
	s0 =	sadd.s32 s15, s0;
	[dreg:$0x5] =	wrdreg s21  }
0x11: {  	s31 =	simm.s32 $0x14;
	s26 =	sadd.s32 $0xA, s23;
	[dreg:$0x7] =	wrdreg s0  }
0x12: {  	s13 =	simm.s32 $0xC;
	s9 =	sadd.s32 $0x14, s23;
	[dreg:$0x8] =	wrdreg s26  }
0x13: {  	s24 =	sadd.s32 $0x78, s4;
	s1 =	sadd.s32 $0x65000, s1;
	[dreg:$0xa] =	wrdreg s9  }
0x14: {  	s25 =	sshrl.u32 s24, $0x3;
	s12 =	smax.u32 s10, $0x1;
	[dreg:$0xc] =	wrdreg s1  }
0x15: {  	s4 =	sadd.s32 $0xC8, s4;
	s0 =	sadd.s32 s15, s25;
	[dreg:$0xd] =	wrdreg s12  }
0x16: {  	s7 =	sshrl.u32 s4, $0x3;
	s1 =	sor.u32 $0x1C16, s14;
	[dreg:$0x9] =	wrdreg s0  }
0x17: {  	s12 =	simm.s32 $0x5;
	s0 =	sadd.s32 s15, s7;
	[dreg:$0x10] =	wrdreg s1  }
0x18: {  	s7 =	simm.s32 $0x0;
	[dreg:$0xb] =	wrdreg s0;
	s0 =	sadd.s32 s11, s8  }
0x19: {  	s8 =	simm.s32 $0x17;
	s11 =	simm.s32 $0x1DB80;
	s16 =	sadd.s32 $0x1E0, s0  }
0x1a: {  	s17 =	sadd.s32 $0x1B8, s0;
	s18 =	sadd.s32 $0x190, s0;
	s21 =	sadd.s32 $0x168, s0  }
0x1b: {  	s22 =	sadd.s32 $0x140, s0;
	s23 =	sadd.s32 $0xF0, s0;
	s0 =	sadd.s32 $0x118, s0  }
0x1c: {  	s1 =	sshrl.u32 s16, $0x3;
	s4 =	sshrl.u32 s17, $0x3;
	s20 =	sshrl.u32 s18, $0x3  }
0x1d: {  	s25 =	sshrl.u32 s23, $0x3;
	[dreg:$0x16] =	wrdreg s0;
	s23 =	simm.s32 $0x11  }
0x1e: {  	s0 =	simm.s32 $0xE;
	s1 =	sadd.s32 s1, s15;
	s19 =	sadd.s32 s4, s15  }
0x1f: {  	s4 =	sshrl.u32 s22, $0x3;
	s26 =	sadd.s32 s25, s15;
	[dreg:$0x11] =	wrdreg s1  }
0x20: {  	s25 =	simm.s32 $0xB;
	[dreg:$0x12] =	wrdreg s19;
	s1 =	sadd.s32 s20, s15  }
0x21: {  	s24 =	sadd.s32 s4, s15;
	[dreg:$0x17] =	wrdreg s26;
	s20 =	simm.s32 $0x16300  }
0x22: {  	s26 =	simm.s32 $0x12;
	[dreg:$0x13] =	wrdreg s1;
	s1 =	sshrl.u32 s21, $0x3  }
0x23: {  	s4 =	simm.s32 $0x13;
	[dreg:$0x15] =	wrdreg s24;
	s1 =	sadd.s32 s1, s15  }
0x24: {  	s24 =	simm.s32 $0x4;
	[dreg:$0x14] =	wrdreg s1;
	s1 =	simm.s32 $0x7  }
.LBB2_1:
0x25: {  	[dreg:$0x18] =	wrdreg s7  }
0x26: {  	s6 =	rddreg [dreg:$0x4]  }
0x27: {  	s18 =	rddreg [dreg:$0xe]  }
0x28: {  	s19 =	rddreg [dreg:$0x10];
	s9 =	sshrl.u32 s6, $0x3  }
0x29: {  	[dreg:$0x19] =	wrdreg s9  }
0x2a: {  	[spmem:s9], [sflag:s19] =	dma.local [hbm:s18], $0x2800  }
0x2b: {  	s6 =	rddreg [dreg:$0x5]  }
0x2c: {  	[tilespmem:s3], [sflag:$0x17] =	stream.linear.gather [hbm4b:s6+s3], $0x2710, $0x38;
	[tilespmem:$0x1EF80] =	vst v63  }
0x2d: {  	_ =	swait.ge [sflag:s8], $0x2710  }
0x2e: {  	[sflag:s8] =	ssyncset.done $0x0  }
0x2f: {  	s21 =	rddreg [dreg:$0x6];
	[sflag:s8] =	ssyncadd.s32 $0xFFFFD8F0;
	s8 =	simm.s32 $0x16000  }
0x30: {  	[tilespmem:s8], [sflag:$0x8] =	stream.linear.gather [hbm4b:s21+s3], $0x28, $0x38;
	[tilespmem:$0x1EF80] =	vst v63  }
0x31: {  	s9 =	simm.s32 $0x16380  }
0x32: {  	[tilespmem:s9], [sflag:$0x1] =	stream.indirect.gather [hbm4b:s5+s29], $0x80, s3, s29, $0xb8;
	[tilespmem:$0x1EF80] =	vst v63  }
0x33: {  	s10 =	simm.s32 $0x16080;
	s22 =	rddreg [dreg:$0x7]  }
0x34: {  	[tilespmem:s10], [sflag:$0x9] =	stream.linear.gather [hbm4b:s22+s3], $0x28, $0x38;
	[tilespmem:$0x1EF80] =	vst v63  }
0x35: {  	s14 =	simm.s32 $0x17780  }
0x36: {  	[tilespmem:s14], [sflag:$0x2] =	stream.indirect.gather [hbm4b:s5+s29], $0x80, s29, s29, $0xb8;
	[tilespmem:$0x1EF80] =	vst v63  }
0x37: {  	s17 =	simm.s32 $0x16100;
	s7 =	rddreg [dreg:$0x8]  }
0x38: {  	[tilespmem:s17], [sflag:$0xA] =	stream.linear.gather [hbm4b:s7+s3], $0x28, $0x38;
	[tilespmem:$0x1EF80] =	vst v63  }
0x39: {  	s15 =	simm.s32 $0x50;
	s19 =	simm.s32 $0x18B80  }
0x3a: {  	[tilespmem:s19], [sflag:$0x3] =	stream.indirect.gather [hbm4b:s5+s29], $0x80, s15, s29, $0xb8;
	[tilespmem:$0x1EF80] =	vst v63  }
0x3b: {  	s16 =	rddreg [dreg:$0x9];
	s21 =	simm.s32 $0x16180  }
0x3c: {  	[tilespmem:s21], [sflag:$0xB] =	stream.linear.gather [hbm4b:s16+s3], $0x28, $0x38;
	[tilespmem:$0x1EF80] =	vst v63  }
0x3d: {  	s18 =	simm.s32 $0x78;
	s22 =	simm.s32 $0x19F80  }
0x3e: {  	[tilespmem:s22], [sflag:$0x4] =	stream.indirect.gather [hbm4b:s5+s29], $0x80, s18, s29, $0xb8;
	[tilespmem:$0x1EF80] =	vst v63  }
0x3f: {  	s7 =	rddreg [dreg:$0xa];
	s15 =	simm.s32 $0x16200  }
0x40: {  	[tilespmem:s15], [sflag:$0xC] =	stream.linear.gather [hbm4b:s7+s3], $0x28, $0x38;
	[tilespmem:$0x1EF80] =	vst v63  }
0x41: {  	s16 =	simm.s32 $0xA0;
	s18 =	simm.s32 $0x1B380  }
0x42: {  	[tilespmem:s18], [sflag:$0x5] =	stream.indirect.gather [hbm4b:s5+s29], $0x80, s16, s29, $0xb8;
	[tilespmem:$0x1EF80] =	vst v63  }
0x43: {  	s7 =	rddreg [dreg:$0xb];
	s15 =	simm.s32 $0x16280  }
0x44: {  	[tilespmem:s15], [sflag:$0xD] =	stream.linear.gather [hbm4b:s7+s3], $0x28, $0x38;
	[tilespmem:$0x1EF80] =	vst v63  }
0x45: {  	s16 =	simm.s32 $0xC8;
	s18 =	simm.s32 $0x1C780;
	s7 =	simm.s32 $0x16  }
0x46: {  	[tilespmem:s18], [sflag:$0x6] =	stream.indirect.gather [hbm4b:s5+s29], $0x80, s16, s29, $0xb8;
	[tilespmem:$0x1EF80] =	vst v63  }
0x47: {  	_ =	swait.ge [sflag:s7], $0x2800  }
0x48: {  	p0 =	por $0x1, $0x1;
	[sflag:s7] =	ssyncset.done $0x0  }
0x49: {  	p0 =	por p0, p0;
	[sflag:s7] =	ssyncadd.s32 $0xFFFFD800  }
0x4a: {  	s6 =	simm.s32 @!p0 $0x15;
	[bflag:$0x0] =	sbarrier.arrive $0xFFFF  }
0x4b: {  	_ =	swait.ge @!p0 [sflag:s6], $0x1400  }
0x4c: {  	[sflag:s6] =	ssyncset.done @!p0 $0x0  }
0x4d: {  	s18 =	rddreg [dreg:$0x17];
	[sflag:s6] =	ssyncadd.s32 @!p0 $0xFFFFEC00  }
0x4e: {  	[tilespmem:s20], [sflag:$0xE] =	stream.linear.gather [hbm4b:s18+s3], $0x28, $0x38;
	[tilespmem:$0x1EF80] =	vst v63  }
0x4f: {  	s15 =	simm.s32 $0xF0;
	s16 =	simm.s32 $0x1  }
0x50: {  	[tilespmem:s11], [sflag:$0x7] =	stream.indirect.gather [hbm4b:s5+s29], $0x80, s15, s29, $0xb8;
	[tilespmem:$0x1EF80] =	vst v63  }
0x51: {  	_ =	swait.ge [sflag:s16], $0x1400  }
0x52: {  	[sflag:s16] =	ssyncset.done $0x0  }
0x53: {  	s20 =	simm.s32 $0x8;
	[sflag:s16] =	ssyncadd.s32 $0xFFFFEC00  }
0x54: {  	_ =	swait.ge [sflag:s20], $0x28  }
0x55: {  	[sflag:s20] =	ssyncset.done $0x0  }
0x56: {  	s6 =	simm.s32 $0xF;
	[sflag:s20] =	ssyncadd.s32 $0xFFFFFFD8  }
0x57: {  	[spmem:s2] =	stream.indirect.scatter [tilespmem:s9], [sflag:$0xF], $0x80, s8, s29, $0xb8;
	[tilespmem:$0x1EF80] =	vst v63  }
0x58: {  	_ =	swait.ge [sflag:s6], $0x1400  }
0x59: {  	s16 =	rddreg [dreg:$0x16]  }
0x5a: {  	[sflag:s6] =	ssyncset.done $0x0;
	s15 =	rddreg [dreg:$0x3];
	s11 =	sshrl.u32 s16, $0x3  }
0x5b: {  	[sflag:s6] =	ssyncadd.s32 $0xFFFFEC00;
	s6 =	sadd.s32 s15, s11  }
0x5c: {  	[tilespmem:s8], [sflag:$0x8] =	stream.linear.gather [hbm4b:s6+s3], $0x28, $0x38;
	[tilespmem:$0x1EF80] =	vst v63  }
0x5d: {  	s7 =	simm.s32 $0x2;
	s20 =	simm.s32 $0x118  }
0x5e: {  	[tilespmem:s9], [sflag:$0x1] =	stream.indirect.gather [hbm4b:s5+s29], $0x80, s20, s29, $0xb8;
	[tilespmem:$0x1EF80] =	vst v63  }
0x5f: {  	_ =	swait.ge [sflag:s7], $0x1400  }
0x60: {  	[sflag:s7] =	ssyncset.done $0x0  }
0x61: {  	s8 =	simm.s32 $0x9;
	[sflag:s7] =	ssyncadd.s32 $0xFFFFEC00  }
0x62: {  	_ =	swait.ge [sflag:s8], $0x28  }
0x63: {  	[sflag:s8] =	ssyncset.done $0x0  }
0x64: {  	s9 =	simm.s32 $0x10;
	[sflag:s8] =	ssyncadd.s32 $0xFFFFFFD8  }
0x65: {  	[spmem:s2] =	stream.indirect.scatter [tilespmem:s14], [sflag:$0x10], $0x80, s10, s29, $0xb8;
	[tilespmem:$0x1EF80] =	vst v63  }
0x66: {  	_ =	swait.ge [sflag:s9], $0x1400  }
0x67: {  	[sflag:s9] =	ssyncset.done $0x0  }
0x68: {  	s15 =	rddreg [dreg:$0x15];
	[sflag:s9] =	ssyncadd.s32 $0xFFFFEC00  }
0x69: {  	[tilespmem:s10], [sflag:$0x9] =	stream.linear.gather [hbm4b:s15+s3], $0x28, $0x38;
	[tilespmem:$0x1EF80] =	vst v63  }
0x6a: {  	s11 =	simm.s32 $0x140;
	s20 =	simm.s32 $0x3  }
0x6b: {  	[tilespmem:s14], [sflag:$0x2] =	stream.indirect.gather [hbm4b:s5+s29], $0x80, s11, s29, $0xb8;
	[tilespmem:$0x1EF80] =	vst v63  }
0x6c: {  	_ =	swait.ge [sflag:s20], $0x1400  }
0x6d: {  	[sflag:s20] =	ssyncset.done $0x0  }
0x6e: {  	s7 =	simm.s32 $0xA;
	[sflag:s20] =	ssyncadd.s32 $0xFFFFEC00  }
0x6f: {  	_ =	swait.ge [sflag:s7], $0x28  }
0x70: {  	[sflag:s7] =	ssyncset.done $0x0  }
0x71: {  	[sflag:s7] =	ssyncadd.s32 $0xFFFFFFD8  }
0x72: {  	[spmem:s2] =	stream.indirect.scatter [tilespmem:s19], [sflag:$0x11], $0x80, s17, s29, $0xb8;
	[tilespmem:$0x1EF80] =	vst v63  }
0x73: {  	_ =	swait.ge [sflag:s23], $0x1400  }
0x74: {  	[sflag:s23] =	ssyncset.done $0x0  }
0x75: {  	s11 =	rddreg [dreg:$0x14];
	[sflag:s23] =	ssyncadd.s32 $0xFFFFEC00  }
0x76: {  	[tilespmem:s17], [sflag:$0xA] =	stream.linear.gather [hbm4b:s11+s3], $0x28, $0x38;
	[tilespmem:$0x1EF80] =	vst v63  }
0x77: {  	s8 =	simm.s32 $0x168  }
0x78: {  	[tilespmem:s19], [sflag:$0x3] =	stream.indirect.gather [hbm4b:s5+s29], $0x80, s8, s29, $0xb8;
	[tilespmem:$0x1EF80] =	vst v63  }
0x79: {  	_ =	swait.ge [sflag:s24], $0x1400  }
0x7a: {  	[sflag:s24] =	ssyncset.done $0x0  }
0x7b: {  	[sflag:s24] =	ssyncadd.s32 $0xFFFFEC00  }
0x7c: {  	_ =	swait.ge [sflag:s25], $0x28  }
0x7d: {  	[sflag:s25] =	ssyncset.done $0x0  }
0x7e: {  	[sflag:s25] =	ssyncadd.s32 $0xFFFFFFD8  }
0x7f: {  	[spmem:s2] =	stream.indirect.scatter [tilespmem:s22], [sflag:$0x12], $0x80, s21, s29, $0xb8;
	[tilespmem:$0x1EF80] =	vst v63  }
0x80: {  	_ =	swait.ge [sflag:s26], $0x1400  }
0x81: {  	[sflag:s26] =	ssyncset.done $0x0  }
0x82: {  	s10 =	rddreg [dreg:$0x13];
	[sflag:s26] =	ssyncadd.s32 $0xFFFFEC00  }
0x83: {  	[tilespmem:s21], [sflag:$0xB] =	stream.linear.gather [hbm4b:s10+s3], $0x28, $0x38;
	[tilespmem:$0x1EF80] =	vst v63  }
0x84: {  	s9 =	simm.s32 $0x190  }
0x85: {  	[tilespmem:s22], [sflag:$0x4] =	stream.indirect.gather [hbm4b:s5+s29], $0x80, s9, s29, $0xb8;
	[tilespmem:$0x1EF80] =	vst v63  }
0x86: {  	_ =	swait.ge [sflag:s12], $0x1400  }
0x87: {  	[sflag:s12] =	ssyncset.done $0x0  }
0x88: {  	[sflag:s12] =	ssyncadd.s32 $0xFFFFEC00  }
0x89: {  	_ =	swait.ge [sflag:s13], $0x28  }
0x8a: {  	[sflag:s13] =	ssyncset.done $0x0  }
0x8b: {  	s14 =	simm.s32 $0x1B380;
	s17 =	simm.s32 $0x16200;
	[sflag:s13] =	ssyncadd.s32 $0xFFFFFFD8  }
0x8c: {  	[spmem:s2] =	stream.indirect.scatter [tilespmem:s14], [sflag:$0x13], $0x80, s17, s29, $0xb8;
	[tilespmem:$0x1EF80] =	vst v63  }
0x8d: {  	_ =	swait.ge [sflag:s4], $0x1400  }
0x8e: {  	[sflag:s4] =	ssyncset.done $0x0  }
0x8f: {  	s19 =	rddreg [dreg:$0x12];
	[sflag:s4] =	ssyncadd.s32 $0xFFFFEC00  }
0x90: {  	[tilespmem:s17], [sflag:$0xC] =	stream.linear.gather [hbm4b:s19+s3], $0x28, $0x38;
	[tilespmem:$0x1EF80] =	vst v63  }
0x91: {  	s20 =	simm.s32 $0x1B8  }
0x92: {  	[tilespmem:s14], [sflag:$0x5] =	stream.indirect.gather [hbm4b:s5+s29], $0x80, s20, s29, $0xb8;
	[tilespmem:$0x1EF80] =	vst v63  }
0x93: {  	_ =	swait.ge [sflag:s28], $0x1400  }
0x94: {  	[sflag:s28] =	ssyncset.done $0x0  }
0x95: {  	[sflag:s28] =	ssyncadd.s32 $0xFFFFEC00  }
0x96: {  	_ =	swait.ge [sflag:s30], $0x28  }
0x97: {  	[sflag:s30] =	ssyncset.done $0x0  }
0x98: {  	s21 =	simm.s32 $0x16280;
	s22 =	simm.s32 $0x1C780;
	[sflag:s30] =	ssyncadd.s32 $0xFFFFFFD8  }
0x99: {  	[spmem:s2] =	stream.indirect.scatter [tilespmem:s22], [sflag:$0x14], $0x80, s21, s29, $0xb8;
	[tilespmem:$0x1EF80] =	vst v63  }
0x9a: {  	p0 =	por $0x0, $0x0;
	_ =	swait.ge [sflag:s31], $0x1400  }
0x9b: {  	p6 =	por $0x0, $0x0;
	s7 =	simm.s32 @!p0 $0x0;
	[sflag:s31] =	ssyncset.done $0x0  }
0x9c: {  	s8 =	simm.s32 @!p0 $0x16280;
	s14 =	rddreg [dreg:$0x11];
	[sflag:s31] =	ssyncadd.s32 $0xFFFFEC00  }
0x9d: {  	[tilespmem:s8], [sflag:$0xD] =	stream.linear.gather @!p0 [hbm4b:s14+s7], $0x28, $0x38;
	[tilespmem:$0x1EF80] =	vst v63  }
0x9e: {  	s9 =	simm.s32 @!p0 $0x1E0;
	s7 =	simm.s32 @!p0 $0x28;
	s8 =	simm.s32 @!p0 $0x1C780  }
0x9f: {  	[tilespmem:s8], [sflag:$0x6] =	stream.indirect.gather @!p0 [hbm4b:s5+s7], $0x80, s9, s7, $0xb8;
	[tilespmem:$0x1EF80] =	vst v63  }
0xa0: {  	s18 =	sadd.s32 $0x23, s18;
	s16 =	sadd.s32 $0x118, s16;
	_ =	swait.ge [sflag:s1], $0x1400  }
0xa1: {  	s6 =	simm.s32 $0x460;
	s15 =	sadd.s32 $0x23, s15;
	[sflag:s1] =	ssyncset.done $0x0  }
0xa2: {  	s11 =	sadd.s32 $0x23, s11;
	s10 =	sadd.s32 $0x23, s10;
	[sflag:s1] =	ssyncadd.s32 $0xFFFFEC00  }
0xa3: {  	s17 =	simm.s32 $0x8C0;
	p0 =	por p6, p6;
	_ =	swait.ge [sflag:s0], $0x28  }
0xa4: {  	s7 =	sadd.s32 $0x23, s14;
	s9 =	sadd.s32 $0x23, s19;
	[sflag:s0] =	ssyncset.done $0x0  }
.LBB2_2:
0xa5: {  	s14 =	simm.s32 @!p0 $0x15  }
0xa6: {  	[sflag:s0] =	ssyncadd.s32 $0xFFFFFFD8;
	s19 =	simm.s32 $0x16300;
	s20 =	simm.s32 $0x1DB80  }
0xa7: {  	[spmem:s2] =	stream.indirect.scatter [tilespmem:s20], [sflag:$0x15], $0x80, s19, s29, $0xb8;
	[tilespmem:$0x1EF80] =	vst v63  }
0xa8: {  	_ =	swait.ge @!p0 [sflag:s14], $0x1400  }
0xa9: {  	[sflag:s14] =	ssyncset.done @!p0 $0x0  }
0xaa: {  	[sflag:s14] =	ssyncadd.s32 @!p0 $0xFFFFEC00;
	s14 =	sshra.s32 s6, $0x2  }
0xab: {  	[tilespmem:s19], [sflag:$0xE] =	stream.linear.gather [hbm4b:s18+s3], $0x28, $0x38;
	[tilespmem:$0x1EF80] =	vst v63  }
0xac: {  	s22 =	simm.s32 $0x1;
	s21 =	sadd.s32 $0xF0, s14  }
0xad: {  	[tilespmem:s20], [sflag:$0x7] =	stream.indirect.gather [hbm4b:s5+s29], $0x80, s21, s29, $0xb8;
	[tilespmem:$0x1EF80] =	vst v63  }
0xae: {  	_ =	swait.ge [sflag:s22], $0x1400  }
0xaf: {  	[sflag:s22] =	ssyncset.done $0x0  }
0xb0: {  	s20 =	simm.s32 $0x8;
	[sflag:s22] =	ssyncadd.s32 $0xFFFFEC00  }
0xb1: {  	_ =	swait.ge [sflag:s20], $0x28  }
0xb2: {  	s21 =	simm.s32 $0x16000;
	[sflag:s20] =	ssyncset.done $0x0  }
0xb3: {  	s22 =	simm.s32 $0x16380;
	[sflag:s20] =	ssyncadd.s32 $0xFFFFFFD8;
	s20 =	simm.s32 $0xF  }
0xb4: {  	[spmem:s2] =	stream.indirect.scatter [tilespmem:s22], [sflag:$0xF], $0x80, s21, s29, $0xb8;
	[tilespmem:$0x1EF80] =	vst v63  }
0xb5: {  	_ =	swait.ge [sflag:s20], $0x1400  }
0xb6: {  	[sflag:s20] =	ssyncset.done $0x0  }
0xb7: {  	s19 =	sshrl.u32 s16, $0x3;
	[sflag:s20] =	ssyncadd.s32 $0xFFFFEC00;
	s20 =	rddreg [dreg:$0x3]  }
0xb8: {  	s19 =	sadd.s32 s20, s19  }
0xb9: {  	[tilespmem:s21], [sflag:$0x8] =	stream.linear.gather [hbm4b:s19+s3], $0x28, $0x38;
	[tilespmem:$0x1EF80] =	vst v63  }
0xba: {  	s20 =	simm.s32 $0x2;
	s21 =	sadd.s32 $0x118, s14  }
0xbb: {  	[tilespmem:s22], [sflag:$0x1] =	stream.indirect.gather [hbm4b:s5+s29], $0x80, s21, s29, $0xb8;
	[tilespmem:$0x1EF80] =	vst v63  }
0xbc: {  	_ =	swait.ge [sflag:s20], $0x1400  }
0xbd: {  	[sflag:s20] =	ssyncset.done $0x0  }
0xbe: {  	s21 =	simm.s32 $0x9;
	[sflag:s20] =	ssyncadd.s32 $0xFFFFEC00  }
0xbf: {  	_ =	swait.ge [sflag:s21], $0x28  }
0xc0: {  	s19 =	simm.s32 $0x16080;
	[sflag:s21] =	ssyncset.done $0x0  }
0xc1: {  	s22 =	simm.s32 $0x10;
	s20 =	simm.s32 $0x17780;
	[sflag:s21] =	ssyncadd.s32 $0xFFFFFFD8  }
0xc2: {  	[spmem:s2] =	stream.indirect.scatter [tilespmem:s20], [sflag:$0x10], $0x80, s19, s29, $0xb8;
	[tilespmem:$0x1EF80] =	vst v63  }
0xc3: {  	_ =	swait.ge [sflag:s22], $0x1400  }
0xc4: {  	[sflag:s22] =	ssyncset.done $0x0  }
0xc5: {  	[sflag:s22] =	ssyncadd.s32 $0xFFFFEC00  }
0xc6: {  	[tilespmem:s19], [sflag:$0x9] =	stream.linear.gather [hbm4b:s15+s3], $0x28, $0x38;
	[tilespmem:$0x1EF80] =	vst v63  }
0xc7: {  	s21 =	simm.s32 $0x3;
	s22 =	sadd.s32 $0x140, s14  }
0xc8: {  	[tilespmem:s20], [sflag:$0x2] =	stream.indirect.gather [hbm4b:s5+s29], $0x80, s22, s29, $0xb8;
	[tilespmem:$0x1EF80] =	vst v63  }
0xc9: {  	_ =	swait.ge [sflag:s21], $0x1400  }
0xca: {  	[sflag:s21] =	ssyncset.done $0x0  }
0xcb: {  	s22 =	simm.s32 $0xA;
	[sflag:s21] =	ssyncadd.s32 $0xFFFFEC00  }
0xcc: {  	_ =	swait.ge [sflag:s22], $0x28  }
0xcd: {  	[sflag:s22] =	ssyncset.done $0x0  }
0xce: {  	s20 =	simm.s32 $0x16100;
	s21 =	simm.s32 $0x18B80;
	[sflag:s22] =	ssyncadd.s32 $0xFFFFFFD8  }
0xcf: {  	[spmem:s2] =	stream.indirect.scatter [tilespmem:s21], [sflag:$0x11], $0x80, s20, s29, $0xb8;
	[tilespmem:$0x1EF80] =	vst v63  }
0xd0: {  	_ =	swait.ge [sflag:s23], $0x1400  }
0xd1: {  	[sflag:s23] =	ssyncset.done $0x0  }
0xd2: {  	[sflag:s23] =	ssyncadd.s32 $0xFFFFEC00  }
0xd3: {  	[tilespmem:s20], [sflag:$0xA] =	stream.linear.gather [hbm4b:s11+s3], $0x28, $0x38;
	[tilespmem:$0x1EF80] =	vst v63  }
0xd4: {  	s22 =	sadd.s32 $0x168, s14  }
0xd5: {  	[tilespmem:s21], [sflag:$0x3] =	stream.indirect.gather [hbm4b:s5+s29], $0x80, s22, s29, $0xb8;
	[tilespmem:$0x1EF80] =	vst v63  }
0xd6: {  	_ =	swait.ge [sflag:s24], $0x1400  }
0xd7: {  	[sflag:s24] =	ssyncset.done $0x0  }
0xd8: {  	[sflag:s24] =	ssyncadd.s32 $0xFFFFEC00  }
0xd9: {  	_ =	swait.ge [sflag:s25], $0x28  }
0xda: {  	[sflag:s25] =	ssyncset.done $0x0  }
0xdb: {  	s20 =	simm.s32 $0x16180;
	s21 =	simm.s32 $0x19F80;
	[sflag:s25] =	ssyncadd.s32 $0xFFFFFFD8  }
0xdc: {  	[spmem:s2] =	stream.indirect.scatter [tilespmem:s21], [sflag:$0x12], $0x80, s20, s29, $0xb8;
	[tilespmem:$0x1EF80] =	vst v63  }
0xdd: {  	_ =	swait.ge [sflag:s26], $0x1400  }
0xde: {  	[sflag:s26] =	ssyncset.done $0x0  }
0xdf: {  	[sflag:s26] =	ssyncadd.s32 $0xFFFFEC00  }
0xe0: {  	[tilespmem:s20], [sflag:$0xB] =	stream.linear.gather [hbm4b:s10+s3], $0x28, $0x38;
	[tilespmem:$0x1EF80] =	vst v63  }
0xe1: {  	s22 =	sadd.s32 $0x190, s14  }
0xe2: {  	[tilespmem:s21], [sflag:$0x4] =	stream.indirect.gather [hbm4b:s5+s29], $0x80, s22, s29, $0xb8;
	[tilespmem:$0x1EF80] =	vst v63  }
0xe3: {  	_ =	swait.ge [sflag:s12], $0x1400  }
0xe4: {  	[sflag:s12] =	ssyncset.done $0x0  }
0xe5: {  	[sflag:s12] =	ssyncadd.s32 $0xFFFFEC00  }
0xe6: {  	_ =	swait.ge [sflag:s13], $0x28  }
0xe7: {  	[sflag:s13] =	ssyncset.done $0x0  }
0xe8: {  	s21 =	simm.s32 $0x16200;
	s22 =	simm.s32 $0x1B380;
	[sflag:s13] =	ssyncadd.s32 $0xFFFFFFD8  }
0xe9: {  	[spmem:s2] =	stream.indirect.scatter [tilespmem:s22], [sflag:$0x13], $0x80, s21, s29, $0xb8;
	[tilespmem:$0x1EF80] =	vst v63  }
0xea: {  	_ =	swait.ge [sflag:s4], $0x1400  }
0xeb: {  	[sflag:s4] =	ssyncset.done $0x0  }
0xec: {  	[sflag:s4] =	ssyncadd.s32 $0xFFFFEC00  }
0xed: {  	[tilespmem:s21], [sflag:$0xC] =	stream.linear.gather [hbm4b:s9+s3], $0x28, $0x38;
	[tilespmem:$0x1EF80] =	vst v63  }
0xee: {  	s14 =	sadd.s32 $0x1B8, s14  }
0xef: {  	[tilespmem:s22], [sflag:$0x5] =	stream.indirect.gather [hbm4b:s5+s29], $0x80, s14, s29, $0xb8;
	[tilespmem:$0x1EF80] =	vst v63  }
0xf0: {  	_ =	swait.ge [sflag:s28], $0x1400  }
0xf1: {  	[sflag:s28] =	ssyncset.done $0x0  }
0xf2: {  	[sflag:s28] =	ssyncadd.s32 $0xFFFFEC00  }
0xf3: {  	p2 =	seq.s32 s17, $0x0;
	_ =	swait.ge [sflag:s30], $0x28  }
0xf4: {  	s8 =	smov.u32 s17;
	s17 =	sadd.s32 $0x460, s17;
	[sflag:s30] =	ssyncset.done $0x0  }
0xf5: {  	s21 =	simm.s32 $0x16280;
	s22 =	simm.s32 $0x1C780;
	[sflag:s30] =	ssyncadd.s32 $0xFFFFFFD8  }
0xf6: {  	[spmem:s2] =	stream.indirect.scatter [tilespmem:s22], [sflag:$0x14], $0x80, s21, s29, $0xb8;
	[tilespmem:$0x1EF80] =	vst v63  }
0xf7: {  	p0 =	por p2, p2;
	p2 =	seq.s32 s6, $0x94C0;
	_ =	swait.ge [sflag:s31], $0x1400  }
0xf8: {  	p1 =	sne.s32 s17, $0x9920;
	s6 =	sshra.s32 @!p2 s6, $0x2;
	[sflag:s31] =	ssyncset.done $0x0  }
0xf9: {  	s19 =	simm.s32 @!p2 $0x16280;
	s14 =	simm.s32 @!p2 $0x0;
	[sflag:s31] =	ssyncadd.s32 $0xFFFFEC00  }
0xfa: {  	[tilespmem:s19], [sflag:$0xD] =	stream.linear.gather @!p2 [hbm4b:s7+s14], $0x28, $0x38;
	[tilespmem:$0x1EF80] =	vst v63  }
0xfb: {  	s20 =	sadd.s32 @!p2 $0x1E0, s6;
	s14 =	simm.s32 @!p2 $0x28;
	s19 =	simm.s32 @!p2 $0x1C780  }
0xfc: {  	[tilespmem:s19], [sflag:$0x6] =	stream.indirect.gather @!p2 [hbm4b:s5+s14], $0x80, s20, s14, $0xb8;
	[tilespmem:$0x1EF80] =	vst v63  }
.Ltmp0:
0xfd: {  	_ =	swait.ge [sflag:s1], $0x1400;
	(pc) =	sbr.rel @p1 .LBB2_2-.Ltmp0, $4  }
0xfe: {  	s18 =	sadd.s32 $0x23, s18;
	s16 =	sadd.s32 $0x118, s16;
	[sflag:s1] =	ssyncset.done $0x0  }
0xff: {  	s15 =	sadd.s32 $0x23, s15;
	s11 =	sadd.s32 $0x23, s11;
	[sflag:s1] =	ssyncadd.s32 $0xFFFFEC00  }
0x100: {  	s6 =	smov.u32 s8;
	s10 =	sadd.s32 $0x23, s10;
	_ =	swait.ge [sflag:s0], $0x28  }
0x101: {  	s9 =	sadd.s32 $0x23, s9;
	s7 =	sadd.s32 $0x23, s7;
	[sflag:s0] =	ssyncset.done $0x0  }
0x102: {  	s8 =	simm.s32 @!p0 $0x15  }
0x103: {  	[sflag:s0] =	ssyncadd.s32 $0xFFFFFFD8;
	s14 =	simm.s32 $0x16300;
	s17 =	simm.s32 $0x1DB80  }
0x104: {  	[spmem:s2] =	stream.indirect.scatter [tilespmem:s17], [sflag:$0x15], $0x80, s14, s29, $0xb8;
	[tilespmem:$0x1EF80] =	vst v63  }
0x105: {  	_ =	swait.ge @!p0 [sflag:s8], $0x1400  }
0x106: {  	[sflag:s8] =	ssyncset.done @!p0 $0x0  }
0x107: {  	[sflag:s8] =	ssyncadd.s32 @!p0 $0xFFFFEC00;
	s8 =	sshra.s32 s6, $0x2  }
0x108: {  	[tilespmem:s14], [sflag:$0xE] =	stream.linear.gather [hbm4b:s18+s3], $0x28, $0x38;
	[tilespmem:$0x1EF80] =	vst v63  }
0x109: {  	s22 =	simm.s32 $0x1;
	s21 =	sadd.s32 $0xF0, s8  }
0x10a: {  	[tilespmem:s17], [sflag:$0x7] =	stream.indirect.gather [hbm4b:s5+s29], $0x80, s21, s29, $0xb8;
	[tilespmem:$0x1EF80] =	vst v63  }
0x10b: {  	_ =	swait.ge [sflag:s22], $0x1400  }
0x10c: {  	[sflag:s22] =	ssyncset.done $0x0  }
0x10d: {  	s18 =	simm.s32 $0x8;
	[sflag:s22] =	ssyncadd.s32 $0xFFFFEC00  }
0x10e: {  	_ =	swait.ge [sflag:s18], $0x28  }
0x10f: {  	s20 =	simm.s32 $0x16000;
	[sflag:s18] =	ssyncset.done $0x0  }
0x110: {  	s19 =	simm.s32 $0xF;
	s21 =	simm.s32 $0x16380;
	[sflag:s18] =	ssyncadd.s32 $0xFFFFFFD8  }
0x111: {  	[spmem:s2] =	stream.indirect.scatter [tilespmem:s21], [sflag:$0xF], $0x80, s20, s29, $0xb8;
	[tilespmem:$0x1EF80] =	vst v63  }
0x112: {  	_ =	swait.ge [sflag:s19], $0x1400  }
0x113: {  	s16 =	sshrl.u32 s16, $0x3;
	[sflag:s19] =	ssyncset.done $0x0;
	s17 =	rddreg [dreg:$0x3]  }
0x114: {  	[sflag:s19] =	ssyncadd.s32 $0xFFFFEC00;
	s14 =	sadd.s32 s17, s16  }
0x115: {  	[tilespmem:s20], [sflag:$0x8] =	stream.linear.gather [hbm4b:s14+s3], $0x28, $0x38;
	[tilespmem:$0x1EF80] =	vst v63  }
0x116: {  	s22 =	sadd.s32 $0x118, s8;
	s17 =	simm.s32 $0x2  }
0x117: {  	[tilespmem:s21], [sflag:$0x1] =	stream.indirect.gather [hbm4b:s5+s29], $0x80, s22, s29, $0xb8;
	[tilespmem:$0x1EF80] =	vst v63  }
0x118: {  	_ =	swait.ge [sflag:s17], $0x1400  }
0x119: {  	[sflag:s17] =	ssyncset.done $0x0  }
0x11a: {  	s22 =	simm.s32 $0x9;
	[sflag:s17] =	ssyncadd.s32 $0xFFFFEC00  }
0x11b: {  	_ =	swait.ge [sflag:s22], $0x28  }
0x11c: {  	s16 =	simm.s32 $0x16080;
	[sflag:s22] =	ssyncset.done $0x0  }
0x11d: {  	s20 =	simm.s32 $0x17780;
	s21 =	simm.s32 $0x10;
	[sflag:s22] =	ssyncadd.s32 $0xFFFFFFD8  }
0x11e: {  	[spmem:s2] =	stream.indirect.scatter [tilespmem:s20], [sflag:$0x10], $0x80, s16, s29, $0xb8;
	[tilespmem:$0x1EF80] =	vst v63  }
0x11f: {  	_ =	swait.ge [sflag:s21], $0x1400  }
0x120: {  	[sflag:s21] =	ssyncset.done $0x0  }
0x121: {  	[sflag:s21] =	ssyncadd.s32 $0xFFFFEC00  }
0x122: {  	[tilespmem:s16], [sflag:$0x9] =	stream.linear.gather [hbm4b:s15+s3], $0x28, $0x38;
	[tilespmem:$0x1EF80] =	vst v63  }
0x123: {  	s16 =	sadd.s32 $0x140, s8  }
0x124: {  	[tilespmem:s20], [sflag:$0x2] =	stream.indirect.gather [hbm4b:s5+s29], $0x80, s16, s29, $0xb8;
	[tilespmem:$0x1EF80] =	vst v63  }
0x125: {  	s16 =	simm.s32 $0x3  }
0x126: {  	_ =	swait.ge [sflag:s16], $0x1400  }
0x127: {  	[sflag:s16] =	ssyncset.done $0x0  }
0x128: {  	s15 =	simm.s32 $0xA;
	[sflag:s16] =	ssyncadd.s32 $0xFFFFEC00  }
0x129: {  	_ =	swait.ge [sflag:s15], $0x28  }
0x12a: {  	[sflag:s15] =	ssyncset.done $0x0  }
0x12b: {  	s14 =	simm.s32 $0x18B80;
	s20 =	simm.s32 $0x16100;
	[sflag:s15] =	ssyncadd.s32 $0xFFFFFFD8  }
0x12c: {  	[spmem:s2] =	stream.indirect.scatter [tilespmem:s14], [sflag:$0x11], $0x80, s20, s29, $0xb8;
	[tilespmem:$0x1EF80] =	vst v63  }
0x12d: {  	_ =	swait.ge [sflag:s23], $0x1400  }
0x12e: {  	[sflag:s23] =	ssyncset.done $0x0  }
0x12f: {  	[sflag:s23] =	ssyncadd.s32 $0xFFFFEC00  }
0x130: {  	[tilespmem:s20], [sflag:$0xA] =	stream.linear.gather [hbm4b:s11+s3], $0x28, $0x38;
	[tilespmem:$0x1EF80] =	vst v63  }
0x131: {  	s20 =	sadd.s32 $0x168, s8  }
0x132: {  	[tilespmem:s14], [sflag:$0x3] =	stream.indirect.gather [hbm4b:s5+s29], $0x80, s20, s29, $0xb8;
	[tilespmem:$0x1EF80] =	vst v63  }
0x133: {  	_ =	swait.ge [sflag:s24], $0x1400  }
0x134: {  	[sflag:s24] =	ssyncset.done $0x0  }
0x135: {  	[sflag:s24] =	ssyncadd.s32 $0xFFFFEC00  }
0x136: {  	_ =	swait.ge [sflag:s25], $0x28  }
0x137: {  	[sflag:s25] =	ssyncset.done $0x0  }
0x138: {  	s11 =	simm.s32 $0x19F80;
	s14 =	simm.s32 $0x16180;
	[sflag:s25] =	ssyncadd.s32 $0xFFFFFFD8  }
0x139: {  	[spmem:s2] =	stream.indirect.scatter [tilespmem:s11], [sflag:$0x12], $0x80, s14, s29, $0xb8;
	[tilespmem:$0x1EF80] =	vst v63  }
0x13a: {  	_ =	swait.ge [sflag:s26], $0x1400  }
0x13b: {  	[sflag:s26] =	ssyncset.done $0x0  }
0x13c: {  	[sflag:s26] =	ssyncadd.s32 $0xFFFFEC00  }
0x13d: {  	[tilespmem:s14], [sflag:$0xB] =	stream.linear.gather [hbm4b:s10+s3], $0x28, $0x38;
	[tilespmem:$0x1EF80] =	vst v63  }
0x13e: {  	s20 =	sadd.s32 $0x190, s8  }
0x13f: {  	[tilespmem:s11], [sflag:$0x4] =	stream.indirect.gather [hbm4b:s5+s29], $0x80, s20, s29, $0xb8;
	[tilespmem:$0x1EF80] =	vst v63  }
0x140: {  	_ =	swait.ge [sflag:s12], $0x1400  }
0x141: {  	[sflag:s12] =	ssyncset.done $0x0  }
0x142: {  	[sflag:s12] =	ssyncadd.s32 $0xFFFFEC00  }
0x143: {  	_ =	swait.ge [sflag:s13], $0x28  }
0x144: {  	[sflag:s13] =	ssyncset.done $0x0  }
0x145: {  	s10 =	simm.s32 $0x1B380;
	s20 =	simm.s32 $0x16200;
	[sflag:s13] =	ssyncadd.s32 $0xFFFFFFD8  }
0x146: {  	[spmem:s2] =	stream.indirect.scatter [tilespmem:s10], [sflag:$0x13], $0x80, s20, s29, $0xb8;
	[tilespmem:$0x1EF80] =	vst v63  }
0x147: {  	_ =	swait.ge [sflag:s4], $0x1400  }
0x148: {  	[sflag:s4] =	ssyncset.done $0x0  }
0x149: {  	[sflag:s4] =	ssyncadd.s32 $0xFFFFEC00  }
0x14a: {  	[tilespmem:s20], [sflag:$0xC] =	stream.linear.gather [hbm4b:s9+s3], $0x28, $0x38;
	[tilespmem:$0x1EF80] =	vst v63  }
0x14b: {  	s8 =	sadd.s32 $0x1B8, s8  }
0x14c: {  	[tilespmem:s10], [sflag:$0x5] =	stream.indirect.gather [hbm4b:s5+s29], $0x80, s8, s29, $0xb8;
	[tilespmem:$0x1EF80] =	vst v63  }
0x14d: {  	_ =	swait.ge [sflag:s28], $0x1400  }
0x14e: {  	[sflag:s28] =	ssyncset.done $0x0  }
0x14f: {  	[sflag:s28] =	ssyncadd.s32 $0xFFFFEC00  }
0x150: {  	_ =	swait.ge [sflag:s30], $0x28  }
0x151: {  	[sflag:s30] =	ssyncset.done $0x0  }
0x152: {  	s11 =	simm.s32 $0x16280;
	s20 =	simm.s32 $0x1C780;
	[sflag:s30] =	ssyncadd.s32 $0xFFFFFFD8  }
0x153: {  	[spmem:s2] =	stream.indirect.scatter [tilespmem:s20], [sflag:$0x14], $0x80, s11, s29, $0xb8;
	[tilespmem:$0x1EF80] =	vst v63  }
0x154: {  	p0 =	seq.s32 s6, $0x94C0;
	_ =	swait.ge [sflag:s31], $0x1400  }
0x155: {  	s6 =	sshra.s32 @!p0 s6, $0x2;
	[sflag:s31] =	ssyncset.done $0x0  }
0x156: {  	s9 =	simm.s32 @!p0 $0x16280;
	s8 =	simm.s32 @!p0 $0x0;
	[sflag:s31] =	ssyncadd.s32 $0xFFFFEC00  }
0x157: {  	[tilespmem:s9], [sflag:$0xD] =	stream.linear.gather @!p0 [hbm4b:s7+s8], $0x28, $0x38;
	[tilespmem:$0x1EF80] =	vst v63  }
0x158: {  	s6 =	sadd.s32 @!p0 $0x1E0, s6;
	s7 =	simm.s32 @!p0 $0x28;
	s8 =	simm.s32 @!p0 $0x1C780  }
0x159: {  	[tilespmem:s8], [sflag:$0x6] =	stream.indirect.gather @!p0 [hbm4b:s5+s7], $0x80, s6, s7, $0xb8;
	[tilespmem:$0x1EF80] =	vst v63  }
0x15a: {  	_ =	swait.ge [sflag:s1], $0x1400  }
0x15b: {  	[sflag:s1] =	ssyncset.done $0x0  }
0x15c: {  	[sflag:s1] =	ssyncadd.s32 $0xFFFFEC00  }
0x15d: {  	_ =	swait.ge [sflag:s0], $0x28  }
0x15e: {  	s9 =	simm.s32 $0x1DB80;
	[sflag:s0] =	ssyncset.done $0x0  }
0x15f: {  	s8 =	simm.s32 $0x16300;
	s7 =	simm.s32 $0x15;
	[sflag:s0] =	ssyncadd.s32 $0xFFFFFFD8  }
0x160: {  	[spmem:s2] =	stream.indirect.scatter [tilespmem:s9], [sflag:$0x15], $0x80, s8, s29, $0xb8;
	[tilespmem:$0x1EF80] =	vst v63  }
0x161: {  	_ =	swait.ge [sflag:s7], $0x1400  }
0x162: {  	[sflag:s7] =	ssyncset.done $0x0  }
0x163: {  	s8 =	simm.s32 $0x1;
	[sflag:s7] =	ssyncadd.s32 $0xFFFFEC00  }
0x164: {  	_ =	swait.ge [sflag:s8], $0x1400  }
0x165: {  	[sflag:s8] =	ssyncset.done $0x0  }
0x166: {  	[sflag:s8] =	ssyncadd.s32 $0xFFFFEC00  }
0x167: {  	_ =	swait.ge [sflag:s18], $0x28  }
0x168: {  	[sflag:s18] =	ssyncset.done $0x0  }
0x169: {  	s9 =	simm.s32 $0x16000;
	[sflag:s18] =	ssyncadd.s32 $0xFFFFFFD8;
	s18 =	simm.s32 $0x16380  }
0x16a: {  	[spmem:s2] =	stream.indirect.scatter [tilespmem:s18], [sflag:$0xF], $0x80, s9, s29, $0xb8;
	[tilespmem:$0x1EF80] =	vst v63  }
0x16b: {  	_ =	swait.ge [sflag:s19], $0x1400  }
0x16c: {  	[sflag:s19] =	ssyncset.done $0x0  }
0x16d: {  	[sflag:s19] =	ssyncadd.s32 $0xFFFFEC00  }
0x16e: {  	_ =	swait.ge [sflag:s17], $0x1400  }
0x16f: {  	[sflag:s17] =	ssyncset.done $0x0  }
0x170: {  	[sflag:s17] =	ssyncadd.s32 $0xFFFFEC00  }
0x171: {  	_ =	swait.ge [sflag:s22], $0x28  }
0x172: {  	[sflag:s22] =	ssyncset.done $0x0  }
0x173: {  	s19 =	simm.s32 $0x16080;
	[sflag:s22] =	ssyncadd.s32 $0xFFFFFFD8;
	s22 =	simm.s32 $0x17780  }
0x174: {  	[spmem:s2] =	stream.indirect.scatter [tilespmem:s22], [sflag:$0x10], $0x80, s19, s29, $0xb8;
	[tilespmem:$0x1EF80] =	vst v63  }
0x175: {  	_ =	swait.ge [sflag:s21], $0x1400  }
0x176: {  	[sflag:s21] =	ssyncset.done $0x0  }
0x177: {  	[sflag:s21] =	ssyncadd.s32 $0xFFFFEC00  }
0x178: {  	_ =	swait.ge [sflag:s16], $0x1400  }
0x179: {  	[sflag:s16] =	ssyncset.done $0x0  }
0x17a: {  	[sflag:s16] =	ssyncadd.s32 $0xFFFFEC00  }
0x17b: {  	_ =	swait.ge [sflag:s15], $0x28  }
0x17c: {  	[sflag:s15] =	ssyncset.done $0x0  }
0x17d: {  	s8 =	simm.s32 $0x16100;
	s9 =	simm.s32 $0x18B80;
	[sflag:s15] =	ssyncadd.s32 $0xFFFFFFD8  }
0x17e: {  	[spmem:s2] =	stream.indirect.scatter [tilespmem:s9], [sflag:$0x11], $0x80, s8, s29, $0xb8;
	[tilespmem:$0x1EF80] =	vst v63  }
0x17f: {  	_ =	swait.ge [sflag:s23], $0x1400  }
0x180: {  	[sflag:s23] =	ssyncset.done $0x0  }
0x181: {  	[sflag:s23] =	ssyncadd.s32 $0xFFFFEC00  }
0x182: {  	_ =	swait.ge [sflag:s24], $0x1400  }
0x183: {  	[sflag:s24] =	ssyncset.done $0x0  }
0x184: {  	[sflag:s24] =	ssyncadd.s32 $0xFFFFEC00  }
0x185: {  	_ =	swait.ge [sflag:s25], $0x28  }
0x186: {  	[sflag:s25] =	ssyncset.done $0x0  }
0x187: {  	s15 =	simm.s32 $0x19F80;
	[sflag:s25] =	ssyncadd.s32 $0xFFFFFFD8  }
0x188: {  	[spmem:s2] =	stream.indirect.scatter [tilespmem:s15], [sflag:$0x12], $0x80, s14, s29, $0xb8;
	[tilespmem:$0x1EF80] =	vst v63  }
0x189: {  	_ =	swait.ge [sflag:s26], $0x1400  }
0x18a: {  	[sflag:s26] =	ssyncset.done $0x0  }
0x18b: {  	[sflag:s26] =	ssyncadd.s32 $0xFFFFEC00  }
0x18c: {  	_ =	swait.ge [sflag:s12], $0x1400  }
0x18d: {  	[sflag:s12] =	ssyncset.done $0x0  }
0x18e: {  	[sflag:s12] =	ssyncadd.s32 $0xFFFFEC00  }
0x18f: {  	_ =	swait.ge [sflag:s13], $0x28  }
0x190: {  	[sflag:s13] =	ssyncset.done $0x0  }
0x191: {  	s16 =	simm.s32 $0x16200;
	[sflag:s13] =	ssyncadd.s32 $0xFFFFFFD8  }
0x192: {  	[spmem:s2] =	stream.indirect.scatter [tilespmem:s10], [sflag:$0x13], $0x80, s16, s29, $0xb8;
	[tilespmem:$0x1EF80] =	vst v63  }
0x193: {  	_ =	swait.ge [sflag:s4], $0x1400  }
0x194: {  	[sflag:s4] =	ssyncset.done $0x0  }
0x195: {  	[sflag:s4] =	ssyncadd.s32 $0xFFFFEC00  }
0x196: {  	[bflag:$0x0] =	sbarrier.arrive $0xFFFF  }
0x197: {  	s17 =	rddreg [dreg:$0xf]  }
0x198: {  	s18 =	rddreg [dreg:$0xc]  }
0x199: {  	s8 =	simm.s32 $0x17;
	s19 =	rddreg [dreg:$0x19];
	s6 =	sor.u32 $0x1C17, s17  }
0x19a: {  	[hbm:s18], [sflag:s6] =	dma.local [spmem:s19], $0x2800  }
0x19b: {  	_ =	swait.ge [sflag:s8], $0x2800  }
0x19c: {  	s21 =	rddreg [dreg:$0x18]  }
0x19d: {  	s22 =	rddreg [dreg:$0xd];
	s7 =	sadd.s32 $0x1, s21  }
0x19e: {  	p0 =	sne.s32 s7, s22  }
.Ltmp1:
0x19f: {  	_ = 	snop;
	(pc) =	sbr.rel @p0 .LBB2_1-.Ltmp1, $3  }
0x1a0: {  	_ =	sdelay $0x1  }
0x1a1: {  	[sflag:s8] =	ssyncset.done $0x0  }
0x1a2: {  	s20 =	simm.s32 $0x16300;
	s11 =	simm.s32 $0x1DB80;
	[sflag:s8] =	ssyncadd.s32 $0xFFFFD800  }
0x1a3: {  	_ =	sfence.sel $0x180000  }
0x1a4: {  	[bflag:$0x0] =	sbarrier.arrive $0xFFFF  }
0x1a5: {  	_ =	strace $0x90000050  }
0x1a6: {  	s0 =	stileid.u32;
	[bflag:$0x2] =	sbarrier.arrive $0xFFFF  }
0x1a7: {  	p0 =	sne.s32 s0, $0x0;
	s0 =	rddreg [dreg:$0x2]  }
0x1a8: {  	s0 =	sadd.s32 @!p0 $0x100000, s0  }
0x1a9: {  	[sflag:s0] =	ssyncadd.tile.s32 @!p0 $0x1;
	_ =	shalt  }
.Lfunc_end2:
_tile_overlayer_lowered:
.L_overlay_start_2:
0x1aa: {  	(tag) =	ssettag $0x2  }
0x1ab: {  	s0 =	rddreg [dreg:$0x0];
	s2 =	stileid.u32  }
0x1ac: {  	s1 =	rddreg [dreg:$0x1];
	p0 =	sne.s32 s2, $0x0  }
0x1ad: {  	s3 =	rddreg [dreg:$0x2];
	[bflag:$0x3] =	sbarrier.arrive $0xFFFF;
	s2 =	simm.s32 @!p0 $0x1C17  }
0x1ae: {  	[timem:s3], [sflag:s2] =	dma.local @!p0 [hbm:s0], s1  }
0x1af: {  	s0 =	simm.s32 @!p0 $0x17  }
0x1b0: {  	_ =	swait.ge @!p0 [sflag:s0], s1  }
0x1b1: {  	s1 =	ssub.s32 @!p0 $0x0, s1;
	[sflag:s0] =	ssyncset.done @!p0 $0x0  }
0x1b2: {  	[sflag:s0] =	ssyncadd.s32 @!p0 s1  }
0x1b3: {  	[bflag:$0x3] =	sbarrier.arrive $0xFFFF  }
0x1b4: {  	_ =	shalt  }

</sc_bundles>
